<compile_context>
chip_gen: v7x
topology: tpu7x:2x2x1
jax: 0.10.2.dev20260603
libtpu: 0.0.44.dev20260713+nightly
codegen_flags: <defaults>
</compile_context>

<pallas_src>
import dataclasses
import functools

import jax
import jax.numpy as jnp
from jax import lax
from jax.experimental import pallas as pl
from jax.experimental.pallas import tpu as pltpu
from jax.experimental.pallas import tpu_sc as plsc

N = 4096
NC = 2
NS = 16
L = 16
NW = NC * NS
QPW = N // NW
NB = 64
NCH = N // L
BPW = QPW // L
BIG = 1e18


def _knn_sc(pts_t):
    mesh = plsc.VectorSubcoreMesh(core_axis_name="c", subcore_axis_name="s")
    cp = pltpu.CompilerParams()
    if "needs_layout_passes" in pltpu.CompilerParams.__dataclass_fields__:
        cp = dataclasses.replace(cp, needs_layout_passes=False)

    @functools.partial(
        pl.kernel,
        mesh=mesh,
        compiler_params=cp,
        out_type=jax.ShapeDtypeStruct((N, 128), jnp.float32),
        scratch_types=[
            pltpu.VMEM((3, N), jnp.float32),
            pltpu.VMEM((N,), jnp.float32),
            pltpu.VMEM((N,), jnp.float32),
            pltpu.VMEM((N,), jnp.float32),
            pltpu.VMEM((N,), jnp.float32),
            pltpu.VMEM((N,), jnp.int32),
            pltpu.VMEM((N,), jnp.int32),
            pltpu.VMEM((NB * L,), jnp.int32),
            pltpu.VMEM((NB + L,), jnp.int32),
            pltpu.VMEM((QPW, 128), jnp.float32),
            pltpu.VMEM((QPW,), jnp.int32),
        ],
    )
    def knn(pts_hbm, out_hbm, pts_v, sx_v, sy_v, sz_v, spp_v, soi_v, bidx_v,
            cnt_v, s_v, rows_v, oi_v):
        wid = lax.axis_index("s") * NC + lax.axis_index("c")
        pltpu.sync_copy(pts_hbm, pts_v)
        lane = lax.iota(jnp.int32, L)
        inf = jnp.full((L,), jnp.inf, jnp.float32)
        ones_i = jnp.full((L,), 1, jnp.int32)

        def minmax_body(c, carry):
            mn, mx = carry
            v = pts_v[0, pl.ds(c * L, L)]
            return jnp.minimum(mn, v), jnp.maximum(mx, v)

        mn, mx = lax.fori_loop(0, NCH, minmax_body, (inf, -inf))
        xmin = jnp.full((L,), jnp.min(mn), jnp.float32)
        xmax = jnp.full((L,), jnp.max(mx), jnp.float32)
        denom = jnp.maximum(xmax - xmin, 1e-30)
        invw = jnp.float32(NB) / denom
        w = denom / jnp.float32(NB)
        margin = w * jnp.float32(1e-3)

        def zero_body(c, _):
            cnt_v[pl.ds(c * L, L)] = jnp.zeros((L,), jnp.int32)
            return 0

        lax.fori_loop(0, NB, zero_body, 0)

        def hist_body(c, _):
            xv = pts_v[0, pl.ds(c * L, L)]
            bi = ((xv - xmin) * invw).astype(jnp.int32)
            bi = jnp.minimum(jnp.maximum(bi, 0), NB - 1)
            bidx_v[pl.ds(c * L, L)] = bi
            plsc.addupdate_scatter(cnt_v, [bi * L + lane], ones_i)
            return 0

        lax.fori_loop(0, NCH, hist_body, 0)

        def pfx_body(c, run):
            v = cnt_v[pl.ds(c * L, L)]
            cs = plsc.cumsum(v)
            cnt_v[pl.ds(c * L, L)] = cs - v + run
            return run + cs[L - 1]

        lax.fori_loop(0, NB, pfx_body, jnp.int32(0))

        def sgather_body(g, _):
            idx = (g * L + lane) * L
            s_v[pl.ds(g * L, L)] = plsc.load_gather(cnt_v, [idx])
            return 0

        lax.fori_loop(0, NB // L, sgather_body, 0)
        s_v[pl.ds(NB, L)] = jnp.full((L,), N, jnp.int32)

        def place_body(c, _):
            bi = bidx_v[pl.ds(c * L, L)]
            cidx = bi * L + lane
            pos = plsc.load_gather(cnt_v, [cidx])
            px = pts_v[0, pl.ds(c * L, L)]
            py = pts_v[1, pl.ds(c * L, L)]
            pz = pts_v[2, pl.ds(c * L, L)]
            plsc.store_scatter(sx_v, [pos], px)
            plsc.store_scatter(sy_v, [pos], py)
            plsc.store_scatter(sz_v, [pos], pz)
            plsc.store_scatter(spp_v, [pos], px * px + py * py + pz * pz)
            plsc.store_scatter(soi_v, [pos], c * L + lane)
            plsc.store_scatter(cnt_v, [cidx], pos + 1)
            return 0

        lax.fori_loop(0, NCH, place_body, 0)

        def read_s(b):
            return plsc.load_gather(s_v, [jnp.full((L,), b, jnp.int32)])[0]

        def block_body(i, _):
            base = (i * NW + wid) * L
            qx = sx_v[pl.ds(base, L)]
            qy = sy_v[pl.ds(base, L)]
            qz = sz_v[pl.ds(base, L)]
            qlo = jnp.full((L,), jnp.min(qx), jnp.float32)
            qhi = jnp.full((L,), jnp.max(qx), jnp.float32)
            qx2 = qx * (-2.0)
            qy2 = qy * (-2.0)
            qz2 = qz * (-2.0)
            qq = qx * qx + qy * qy + qz * qz

            def insert3(t, d2):
                t1, t2, t3 = t
                b1 = jnp.maximum(t1, d2)
                t1 = jnp.minimum(t1, d2)
                b2 = jnp.maximum(t2, b1)
                t2 = jnp.minimum(t2, b1)
                t3 = jnp.minimum(t3, b2)
                return t1, t2, t3

            def scan(c0, c1, t):
                def chunk_body(c, t):
                    px = sx_v[pl.ds(c * L, L)]
                    py = sy_v[pl.ds(c * L, L)]
                    pz = sz_v[pl.ds(c * L, L)]
                    pp = spp_v[pl.ds(c * L, L)]
                    for k in range(L):
                        d2 = qx2 * px[k] + qy2 * py[k] + qz2 * pz[k] + pp[k]
                        t = insert3(t, d2)
                    return t

                return lax.fori_loop(c0, c1, chunk_body, t)

            def self_chunk(t):
                for k in range(L):
                    d2 = qx2 * qx[k] + qy2 * qy[k] + qz2 * qz[k] + qq[k]
                    d2 = jnp.where(lane == k, BIG, d2)
                    t = insert3(t, d2)
                return t

            def lane_bound(lo, hi):
                lov = jnp.broadcast_to(lo, (L,))
                hiv = jnp.broadcast_to(hi, (L,))
                edge_l = xmin + lov.astype(jnp.float32) * w
                edge_r = xmin + hiv.astype(jnp.float32) * w
                gap_l = jnp.where(lov == 0, BIG, qx - edge_l - margin)
                gap_r = jnp.where(hiv == NB, BIG, edge_r - qx - margin)
                g = jnp.maximum(jnp.minimum(gap_l, gap_r), 0.0)
                return g * g - qq

            lo0 = jnp.maximum(
                jnp.minimum(((qlo - xmin) * invw).astype(jnp.int32)[0],
                            NB - 1) - 1, 0)
            hi0 = jnp.minimum(
                jnp.minimum(((qhi - xmin) * invw).astype(jnp.int32)[0],
                            NB - 1) + 2, NB)
            lc0 = lax.shift_right_logical(read_s(lo0), 4)
            rc0 = jnp.minimum(
                lax.shift_right_logical(read_s(hi0) + (L - 1), 4), NCH)
            blk = i * NW + wid
            t = scan(lc0, blk, (inf, inf, inf))
            t = self_chunk(t)
            t = scan(blk + 1, rc0, t)

            def w_cond(carry):
                t1, t2, t3, lo, hi, lc, rc = carry
                return jnp.any(t3 > lane_bound(lo, hi))

            def w_body(carry):
                t1, t2, t3, lo, hi, lc, rc = carry
                nlo = jnp.maximum(lo - 1, 0)
                nhi = jnp.minimum(hi + 1, NB)
                nlc = lax.shift_right_logical(read_s(nlo), 4)
                nrc = jnp.minimum(
                    lax.shift_right_logical(read_s(nhi) + (L - 1), 4), NCH)
                t = scan(nlc, lc, (t1, t2, t3))
                t = scan(rc, nrc, t)
                return t + (nlo, nhi, nlc, nrc)

            t1, t2, t3, _, _, _, _ = lax.while_loop(
                w_cond, w_body, t + (lo0, hi0, lc0, rc0))

            row = i * L + lane
            plsc.store_scatter(rows_v, [row, jnp.zeros((L,), jnp.int32)],
                               t1 + qq)
            plsc.store_scatter(rows_v, [row, jnp.full((L,), 1, jnp.int32)],
                               t2 + qq)
            plsc.store_scatter(rows_v, [row, jnp.full((L,), 2, jnp.int32)],
                               t3 + qq)
            oi_v[pl.ds(i * L, L)] = soi_v[pl.ds(base, L)]
            return 0

        lax.fori_loop(0, BPW, block_body, 0)
        pltpu.sync_copy(rows_v, out_hbm.at[oi_v])

    return knn(pts_t)


def _cov_body(d_ref, s_ref, q_ref, o_ref):
    d1 = jnp.sqrt(d_ref[0:1, :])
    d2 = jnp.sqrt(d_ref[1:2, :])
    d3 = jnp.sqrt(d_ref[2:3, :])
    asc = jnp.maximum((d1 + d2 + d3) / 3.0, 1e-5)
    r = q_ref[0:1, :]
    x = q_ref[1:2, :]
    y = q_ref[2:3, :]
    z = q_ref[3:4, :]
    inv = 1.0 / jnp.sqrt(r * r + x * x + y * y + z * z)
    r = r * inv
    x = x * inv
    y = y * inv
    z = z * inv
    rot = (
        (1.0 - 2.0 * (y * y + z * z), 2.0 * (x * y - r * z), 2.0 * (x * z + r * y)),
        (2.0 * (x * y + r * z), 1.0 - 2.0 * (x * x + z * z), 2.0 * (y * z - r * x)),
        (2.0 * (x * z - r * y), 2.0 * (y * z + r * x), 1.0 - 2.0 * (x * x + y * y)),
    )
    p = tuple((s_ref[k : k + 1, :] * asc) ** 2 for k in range(3))
    for a in range(3):
        for b in range(a, 3):
            cov = p[0] * rot[a][0] * rot[b][0] + p[1] * rot[a][1] * rot[b][1] + p[2] * rot[a][2] * rot[b][2]
            o_ref[3 * a + b : 3 * a + b + 1, :] = cov
            if a != b:
                o_ref[3 * b + a : 3 * b + a + 1, :] = cov


def _cov_tc(d2top, scales_t, quats_t):
    return pl.pallas_call(
        _cov_body,
        out_shape=jax.ShapeDtypeStruct((9, N), jnp.float32),
    )(d2top, scales_t, quats_t)


def kernel(points, colors, scales, quaternions):
    del colors
    pts_t = points.T
    d2rows = _knn_sc(pts_t)
    d2top = d2rows[:, :3].T
    covt = _cov_tc(d2top, scales.T, quaternions.T)
    return covt.T.reshape(N, 3, 3)

# --- scband reference (transcript-rebuilt; emitter-appended) ---
"""Pipeline reference for scband-gaussians-46600395161904 (READ-ONLY COPY).

The authoritative reference and input builder live on the scoring server;
editing this copy changes nothing except your own understanding.
"""

import jax, jax.numpy as jnp
import numpy as np

N = 4096


def build_rotation(q):
    r = q[:, 0]; x = q[:, 1]; y = q[:, 2]; z = q[:, 3]
    row0 = jnp.stack([1.0 - 2.0 * (y * y + z * z), 2.0 * (x * y - r * z), 2.0 * (x * z + r * y)], axis=-1)
    row1 = jnp.stack([2.0 * (x * y + r * z), 1.0 - 2.0 * (x * x + z * z), 2.0 * (y * z - r * x)], axis=-1)
    row2 = jnp.stack([2.0 * (x * z - r * y), 2.0 * (y * z + r * x), 1.0 - 2.0 * (x * x + y * y)], axis=-1)
    return jnp.stack([row0, row1, row2], axis=1)


def setup_inputs(seed: int = 0) -> dict:
    key = jax.random.key(seed)
    k1, k2 = jax.random.split(key)
    points = jax.random.normal(k1, (N, 3), dtype=jnp.float32)
    colors = jax.random.uniform(k2, (N, 3), dtype=jnp.float32) * 255.0
    scales = jnp.ones((N, 3), dtype=jnp.float32) * 0.001
    quaternions = jnp.zeros((N, 4), dtype=jnp.float32).at[:, 0].set(1.0)
    return {"points": points, "colors": colors, "scales": scales, "quaternions": quaternions}


def reference(points, colors, scales, quaternions):
    n = points.shape[0]
    # initialize_scale: 3-NN mean distance per point
    point_diffs = points[None, :, :] - points[:, None, :]
    d2 = jnp.sum(point_diffs * point_diffs, axis=2)
    idx = jnp.arange(n)
    d2 = d2.at[idx, idx].set(jnp.inf)  # fill_diagonal_(inf)
    distances = jnp.sqrt(d2)
    closest_distances = jnp.sort(distances, axis=1)[:, :3]
    all_scale = jnp.mean(closest_distances, axis=1)
    all_scale = jnp.maximum(all_scale, 1e-05)
    scales_scaled = scales * all_scale[:, None]
    # get_3d_covariance_matrix
    q = quaternions / jnp.linalg.norm(quaternions, ord=2, axis=1, keepdims=True)
    rotation_matrices = build_rotation(q)
    scale_matrices = jax.vmap(jnp.diag)(scales_scaled)
    scale_rotation_matrix = rotation_matrices @ scale_matrices
    covariance = scale_rotation_matrix @ jnp.transpose(scale_rotation_matrix, (0, 2, 1))
    return covariance

if __name__ == "__main__":
    import jax
    _d = setup_inputs()
    print(jax.jit(kernel)(*tuple(_d.values())))

</pallas_src>

<mosaic_0001>
#map = affine_map<(d0, d1) -> (0, 0)>
module attributes {stable_mosaic.version = 14 : i64} {
  func.func @knn(%arg0: i32, %arg1: i32, %arg2: memref<3x4096xf32, #tpu.memory_space<hbm>>, %arg3: memref<4096x128xf32, #tpu.memory_space<hbm>>, %arg4: memref<3x4096xf32, #tpu.memory_space<vmem>>, %arg5: memref<4096xf32, #tpu.memory_space<vmem>>, %arg6: memref<4096xf32, #tpu.memory_space<vmem>>, %arg7: memref<4096xf32, #tpu.memory_space<vmem>>, %arg8: memref<4096xf32, #tpu.memory_space<vmem>>, %arg9: memref<4096xi32, #tpu.memory_space<vmem>>, %arg10: memref<4096xi32, #tpu.memory_space<vmem>>, %arg11: memref<1024xi32, #tpu.memory_space<vmem>>, %arg12: memref<80xi32, #tpu.memory_space<vmem>>, %arg13: memref<128x128xf32, #tpu.memory_space<vmem>>, %arg14: memref<128xi32, #tpu.memory_space<vmem>>) attributes {dimension_semantics = [#tpu.dimension_semantics<core_parallel>, #tpu.dimension_semantics<subcore_parallel>], iteration_bounds = array<i64: 2, 16>, scalar_prefetch = 0 : i64, scratch_operands = 11 : i64, tpu.core_type = #tpu.core_type<sc_vector_subcore>, window_params = [{transform_indices = #map}, {transform_indices = #map}]} {
    %mul3A = arith.constant 2 : i32
    %mul3A_0 = arith.muli %arg1, %mul3A : i32
    %add3A = arith.addi %mul3A_0, %arg0 : i32
    "tpu.region"() ({
      %run_scoped3A = tpu.sem_alloc : memref<!tpu.dma_semaphore, #tpu.memory_space<semaphore_mem>>
      tpu.enqueue_dma source(%arg2 : memref<3x4096xf32, #tpu.memory_space<hbm>>) target(%arg4 : memref<3x4096xf32, #tpu.memory_space<vmem>>) target_semaphore(%run_scoped3A : memref<!tpu.dma_semaphore, #tpu.memory_space<semaphore_mem>>)
      tpu.wait_dma2 semaphore(%run_scoped3A : memref<!tpu.dma_semaphore, #tpu.memory_space<semaphore_mem>>) src(%arg2 : memref<3x4096xf32, #tpu.memory_space<hbm>>) dst(%arg4 : memref<3x4096xf32, #tpu.memory_space<vmem>>)
      tpu.yield
    }) : () -> ()
    %iota3A = tpu.iota {dimensions = array<i32: 0>} : vector<16xi32>
    %broadcast_in_dim3A = arith.constant 0x7F800000 : f32
    %broadcast_in_dim3A_1 = vector.broadcast %broadcast_in_dim3A : f32 to vector<16xf32>
    %broadcast_in_dim3A_2 = arith.constant 1 : i32
    %broadcast_in_dim3A_3 = vector.broadcast %broadcast_in_dim3A_2 : i32 to vector<16xi32>
    %neg3A = arith.constant 0.000000e+00 : f32
    %neg3A_4 = vector.broadcast %neg3A : f32 to vector<16xf32>
    %neg3A_5 = arith.subf %neg3A_4, %broadcast_in_dim3A_1 : vector<16xf32>
    %scan3A = arith.constant 0 : i32
    %scan3A_6 = arith.constant 256 : i32
    %scan3A_7 = arith.addi %scan3A, %scan3A_6 : i32
    %scan3A_8 = arith.constant 1 : i32
    %scan3A_9:2 = scf.for %scan3A_74 = %scan3A to %scan3A_7 step %scan3A_8 iter_args(%scan3A_75 = %broadcast_in_dim3A_1, %scan3A_76 = %neg3A_5) -> (vector<16xf32>, vector<16xf32>)  : i32 {
      %mul3A_77 = arith.constant 16 : i32
      %mul3A_78 = arith.muli %scan3A_74, %mul3A_77 : i32
      %get3A = arith.constant 0 : i32
      %get3A_79 = arith.index_cast %get3A : i32 to index
      %get3A_80 = arith.index_cast %mul3A_78 : i32 to index
      %get3A_81 = tpu.vector_load %arg4[%get3A_79, %get3A_80] {strides = array<i32>} : memref<3x4096xf32, #tpu.memory_space<vmem>>, vector<16xf32>,
      %min3A = arith.minimumf %scan3A_75, %get3A_81 : vector<16xf32>
      %max3A_82 = arith.maximumf %scan3A_76, %get3A_81 : vector<16xf32>
      scf.yield %min3A, %max3A_82 : vector<16xf32>, vector<16xf32>
    }
    %scan3A_10 = arith.constant 256 : i32
    %reduce_min3A = arith.constant true
    %reduce_min3A_11 = vector.broadcast %reduce_min3A : i1 to vector<16xi1>
    %reduce_min3A_12 = tpu.scan <min>, %scan3A_9#0 masked %reduce_min3A_11 : vector<16xf32>, vector<16xi1> -> vector<16xf32>
    %reduce_min3A_13 = vector.extract %reduce_min3A_12[15] : f32 from vector<16xf32>
    %broadcast_in_dim3A_14 = vector.broadcast %reduce_min3A_13 : f32 to vector<16xf32>
    %reduce_max3A = arith.constant true
    %reduce_max3A_15 = vector.broadcast %reduce_max3A : i1 to vector<16xi1>
    %reduce_max3A_16 = tpu.scan <max>, %scan3A_9#1 masked %reduce_max3A_15 : vector<16xf32>, vector<16xi1> -> vector<16xf32>
    %reduce_max3A_17 = vector.extract %reduce_max3A_16[15] : f32 from vector<16xf32>
    %broadcast_in_dim3A_18 = vector.broadcast %reduce_max3A_17 : f32 to vector<16xf32>
    %sub3A = arith.subf %broadcast_in_dim3A_18, %broadcast_in_dim3A_14 : vector<16xf32>
    %max3A = arith.constant 1.000000e-30 : f32
    %max3A_19 = vector.broadcast %max3A : f32 to vector<16xf32>
    %max3A_20 = arith.maximumf %sub3A, %max3A_19 : vector<16xf32>
    %div3A = arith.constant 6.400000e+01 : f32
    %div3A_21 = vector.broadcast %div3A : f32 to vector<16xf32>
    %div3A_22 = arith.divf %div3A_21, %max3A_20 : vector<16xf32>
    %div3A_23 = arith.constant 6.400000e+01 : f32
    %div3A_24 = vector.broadcast %div3A_23 : f32 to vector<16xf32>
    %div3A_25 = arith.divf %max3A_20, %div3A_24 : vector<16xf32>
    %mul3A_26 = arith.constant 1.000000e-03 : f32
    %mul3A_27 = vector.broadcast %mul3A_26 : f32 to vector<16xf32>
    %mul3A_28 = arith.mulf %div3A_25, %mul3A_27 : vector<16xf32>
    %scan3A_29 = arith.constant 0 : i32
    %scan3A_30 = arith.constant 0 : i32
    %scan3A_31 = arith.constant 64 : i32
    %scan3A_32 = arith.addi %scan3A_30, %scan3A_31 : i32
    %scan3A_33 = arith.constant 1 : i32
    %scan3A_34 = scf.for %scan3A_74 = %scan3A_30 to %scan3A_32 step %scan3A_33 iter_args(%scan3A_75 = %scan3A_29) -> (i32)  : i32 {
      %broadcast_in_dim3A_76 = arith.constant 0 : i32
      %broadcast_in_dim3A_77 = vector.broadcast %broadcast_in_dim3A_76 : i32 to vector<16xi32>
      %mul3A_78 = arith.constant 16 : i32
      %mul3A_79 = arith.muli %scan3A_74, %mul3A_78 : i32
      %swap3A_80 = arith.index_cast %mul3A_79 : i32 to index
      %swap3A_81 = tpu.vector_load %arg11[%swap3A_80] {strides = array<i32>} : memref<1024xi32, #tpu.memory_space<vmem>>, vector<16xi32>,
      tpu.vector_store %arg11[%swap3A_80], %broadcast_in_dim3A_77 {strides = array<i32>} : memref<1024xi32, #tpu.memory_space<vmem>>, vector<16xi32>,
      %scan3A_82 = arith.constant 0 : i32
      scf.yield %scan3A_82 : i32
    }
    %scan3A_35 = arith.constant 64 : i32
    %scan3A_36 = arith.constant 0 : i32
    %scan3A_37 = arith.constant 0 : i32
    %scan3A_38 = arith.constant 256 : i32
    %scan3A_39 = arith.addi %scan3A_37, %scan3A_38 : i32
    %scan3A_40 = arith.constant 1 : i32
    %scan3A_41 = scf.for %scan3A_74 = %scan3A_37 to %scan3A_39 step %scan3A_40 iter_args(%scan3A_75 = %scan3A_36) -> (i32)  : i32 {
      %mul3A_76 = arith.constant 16 : i32
      %mul3A_77 = arith.muli %scan3A_74, %mul3A_76 : i32
      %get3A = arith.constant 0 : i32
      %get3A_78 = arith.index_cast %get3A : i32 to index
      %get3A_79 = arith.index_cast %mul3A_77 : i32 to index
      %get3A_80 = tpu.vector_load %arg4[%get3A_78, %get3A_79] {strides = array<i32>} : memref<3x4096xf32, #tpu.memory_space<vmem>>, vector<16xf32>,
      %sub3A_81 = arith.subf %get3A_80, %broadcast_in_dim3A_14 : vector<16xf32>
      %mul3A_82 = arith.mulf %sub3A_81, %div3A_22 : vector<16xf32>
      %convert_element_type3A = arith.fptosi %mul3A_82 : vector<16xf32> to vector<16xi32>
      %max3A_83 = arith.constant 0 : i32
      %max3A_84 = vector.broadcast %max3A_83 : i32 to vector<16xi32>
      %max3A_85 = arith.maxsi %convert_element_type3A, %max3A_84 : vector<16xi32>
      %min3A = arith.constant 63 : i32
      %min3A_86 = vector.broadcast %min3A : i32 to vector<16xi32>
      %min3A_87 = arith.minsi %max3A_85, %min3A_86 : vector<16xi32>
      %mul3A_88 = arith.constant 16 : i32
      %mul3A_89 = arith.muli %scan3A_74, %mul3A_88 : i32
      %swap3A_90 = arith.index_cast %mul3A_89 : i32 to index
      %swap3A_91 = tpu.vector_load %arg10[%swap3A_90] {strides = array<i32>} : memref<4096xi32, #tpu.memory_space<vmem>>, vector<16xi32>,
      tpu.vector_store %arg10[%swap3A_90], %min3A_87 {strides = array<i32>} : memref<4096xi32, #tpu.memory_space<vmem>>, vector<16xi32>,
      %mul3A_92 = arith.constant 16 : i32
      %mul3A_93 = vector.broadcast %mul3A_92 : i32 to vector<16xi32>
      %mul3A_94 = arith.muli %min3A_87, %mul3A_93 : vector<16xi32>
      %add3A_95 = arith.addi %mul3A_94, %iota3A : vector<16xi32>
      tpu.vector_store_idx %arg11[%add3A_95], %broadcast_in_dim3A_3 {add = true} : memref<1024xi32, #tpu.memory_space<vmem>>[vector<16xi32>], vector<16xi32>,
      %scan3A_96 = arith.constant 0 : i32
      scf.yield %scan3A_96 : i32
    }
    %scan3A_42 = arith.constant 256 : i32
    %scan3A_43 = arith.constant 0 : i32
    %scan3A_44 = arith.constant 0 : i32
    %scan3A_45 = arith.constant 64 : i32
    %scan3A_46 = arith.addi %scan3A_44, %scan3A_45 : i32
    %scan3A_47 = arith.constant 1 : i32
    %scan3A_48 = scf.for %scan3A_74 = %scan3A_44 to %scan3A_46 step %scan3A_47 iter_args(%scan3A_75 = %scan3A_43) -> (i32)  : i32 {
      %mul3A_76 = arith.constant 16 : i32
      %mul3A_77 = arith.muli %scan3A_74, %mul3A_76 : i32
      %get3A = arith.index_cast %mul3A_77 : i32 to index
      %get3A_78 = tpu.vector_load %arg11[%get3A] {strides = array<i32>} : memref<1024xi32, #tpu.memory_space<vmem>>, vector<16xi32>,
      %broadcast_in_dim3A_79 = arith.constant true
      %broadcast_in_dim3A_80 = vector.broadcast %broadcast_in_dim3A_79 : i1 to vector<16xi1>
      %masked_cumsum3A = tpu.scan <sum>, %get3A_78 masked %broadcast_in_dim3A_80 : vector<16xi32>, vector<16xi1> -> vector<16xi32>
      %sub3A_81 = arith.subi %masked_cumsum3A, %get3A_78 : vector<16xi32>
      %add3A_82 = vector.broadcast %scan3A_75 : i32 to vector<16xi32>
      %add3A_83 = arith.addi %sub3A_81, %add3A_82 : vector<16xi32>
      %mul3A_84 = arith.constant 16 : i32
      %mul3A_85 = arith.muli %scan3A_74, %mul3A_84 : i32
      %swap3A_86 = arith.index_cast %mul3A_85 : i32 to index
      %swap3A_87 = tpu.vector_load %arg11[%swap3A_86] {strides = array<i32>} : memref<1024xi32, #tpu.memory_space<vmem>>, vector<16xi32>,
      tpu.vector_store %arg11[%swap3A_86], %add3A_83 {strides = array<i32>} : memref<1024xi32, #tpu.memory_space<vmem>>, vector<16xi32>,
      %slice3A = vector.extract_strided_slice %masked_cumsum3A {offsets = [15], sizes = [1], strides = [1]} : vector<16xi32> to vector<1xi32>
      %squeeze3A = vector.extract %slice3A[0] : i32 from vector<1xi32>
      %add3A_88 = arith.addi %scan3A_75, %squeeze3A : i32
      scf.yield %add3A_88 : i32
    }
    %scan3A_49 = arith.constant 64 : i32
    %scan3A_50 = arith.constant 0 : i32
    %scan3A_51 = arith.constant 0 : i32
    %scan3A_52 = arith.constant 4 : i32
    %scan3A_53 = arith.addi %scan3A_51, %scan3A_52 : i32
    %scan3A_54 = arith.constant 1 : i32
    %scan3A_55 = scf.for %scan3A_74 = %scan3A_51 to %scan3A_53 step %scan3A_54 iter_args(%scan3A_75 = %scan3A_50) -> (i32)  : i32 {
      %mul3A_76 = arith.constant 16 : i32
      %mul3A_77 = arith.muli %scan3A_74, %mul3A_76 : i32
      %add3A_78 = vector.broadcast %mul3A_77 : i32 to vector<16xi32>
      %add3A_79 = arith.addi %add3A_78, %iota3A : vector<16xi32>
      %mul3A_80 = arith.constant 16 : i32
      %mul3A_81 = vector.broadcast %mul3A_80 : i32 to vector<16xi32>
      %mul3A_82 = arith.muli %add3A_79, %mul3A_81 : vector<16xi32>
      %gather3A = tpu.vector_load_idx %arg11[%mul3A_82] : memref<1024xi32, #tpu.memory_space<vmem>>[vector<16xi32>], vector<16xi32>,
      %mul3A_83 = arith.constant 16 : i32
      %mul3A_84 = arith.muli %scan3A_74, %mul3A_83 : i32
      %swap3A_85 = arith.index_cast %mul3A_84 : i32 to index
      %swap3A_86 = tpu.vector_load %arg12[%swap3A_85] {strides = array<i32>} : memref<80xi32, #tpu.memory_space<vmem>>, vector<16xi32>,
      tpu.vector_store %arg12[%swap3A_85], %gather3A {strides = array<i32>} : memref<80xi32, #tpu.memory_space<vmem>>, vector<16xi32>,
      %scan3A_87 = arith.constant 0 : i32
      scf.yield %scan3A_87 : i32
    }
    %scan3A_56 = arith.constant 4 : i32
    %broadcast_in_dim3A_57 = arith.constant 4096 : i32
    %broadcast_in_dim3A_58 = vector.broadcast %broadcast_in_dim3A_57 : i32 to vector<16xi32>
    %swap3A = arith.constant 64 : index
    %swap3A_59 = tpu.vector_load %arg12[%swap3A] {strides = array<i32>} : memref<80xi32, #tpu.memory_space<vmem>>, vector<16xi32>,
    tpu.vector_store %arg12[%swap3A], %broadcast_in_dim3A_58 {strides = array<i32>} : memref<80xi32, #tpu.memory_space<vmem>>, vector<16xi32>,
    %scan3A_60 = arith.constant 0 : i32
    %scan3A_61 = arith.constant 0 : i32
    %scan3A_62 = arith.constant 256 : i32
    %scan3A_63 = arith.addi %scan3A_61, %scan3A_62 : i32
    %scan3A_64 = arith.constant 1 : i32
    %scan3A_65 = scf.for %scan3A_74 = %scan3A_61 to %scan3A_63 step %scan3A_64 iter_args(%scan3A_75 = %scan3A_60) -> (i32)  : i32 {
      %mul3A_76 = arith.constant 16 : i32
      %mul3A_77 = arith.muli %scan3A_74, %mul3A_76 : i32
      %get3A = arith.index_cast %mul3A_77 : i32 to index
      %get3A_78 = tpu.vector_load %arg10[%get3A] {strides = array<i32>} : memref<4096xi32, #tpu.memory_space<vmem>>, vector<16xi32>,
      %mul3A_79 = arith.constant 16 : i32
      %mul3A_80 = vector.broadcast %mul3A_79 : i32 to vector<16xi32>
      %mul3A_81 = arith.muli %get3A_78, %mul3A_80 : vector<16xi32>
      %add3A_82 = arith.addi %mul3A_81, %iota3A : vector<16xi32>
      %gather3A = tpu.vector_load_idx %arg11[%add3A_82] : memref<1024xi32, #tpu.memory_space<vmem>>[vector<16xi32>], vector<16xi32>,
      %mul3A_83 = arith.constant 16 : i32
      %mul3A_84 = arith.muli %scan3A_74, %mul3A_83 : i32
      %get3A_85 = arith.constant 0 : i32
      %get3A_86 = arith.index_cast %get3A_85 : i32 to index
      %get3A_87 = arith.index_cast %mul3A_84 : i32 to index
      %get3A_88 = tpu.vector_load %arg4[%get3A_86, %get3A_87] {strides = array<i32>} : memref<3x4096xf32, #tpu.memory_space<vmem>>, vector<16xf32>,
      %mul3A_89 = arith.constant 16 : i32
      %mul3A_90 = arith.muli %scan3A_74, %mul3A_89 : i32
      %get3A_91 = arith.constant 1 : i32
      %get3A_92 = arith.index_cast %get3A_91 : i32 to index
      %get3A_93 = arith.index_cast %mul3A_90 : i32 to index
      %get3A_94 = tpu.vector_load %arg4[%get3A_92, %get3A_93] {strides = array<i32>} : memref<3x4096xf32, #tpu.memory_space<vmem>>, vector<16xf32>,
      %mul3A_95 = arith.constant 16 : i32
      %mul3A_96 = arith.muli %scan3A_74, %mul3A_95 : i32
      %get3A_97 = arith.constant 2 : i32
      %get3A_98 = arith.index_cast %get3A_97 : i32 to index
      %get3A_99 = arith.index_cast %mul3A_96 : i32 to index
      %get3A_100 = tpu.vector_load %arg4[%get3A_98, %get3A_99] {strides = array<i32>} : memref<3x4096xf32, #tpu.memory_space<vmem>>, vector<16xf32>,
      tpu.vector_store_idx %arg5[%gather3A], %get3A_88 : memref<4096xf32, #tpu.memory_space<vmem>>[vector<16xi32>], vector<16xf32>,
      tpu.vector_store_idx %arg6[%gather3A], %get3A_94 : memref<4096xf32, #tpu.memory_space<vmem>>[vector<16xi32>], vector<16xf32>,
      tpu.vector_store_idx %arg7[%gather3A], %get3A_100 : memref<4096xf32, #tpu.memory_space<vmem>>[vector<16xi32>], vector<16xf32>,
      %mul3A_101 = arith.mulf %get3A_88, %get3A_88 : vector<16xf32>
      %mul3A_102 = arith.mulf %get3A_94, %get3A_94 : vector<16xf32>
      %add3A_103 = arith.addf %mul3A_101, %mul3A_102 : vector<16xf32>
      %mul3A_104 = arith.mulf %get3A_100, %get3A_100 : vector<16xf32>
      %add3A_105 = arith.addf %add3A_103, %mul3A_104 : vector<16xf32>
      tpu.vector_store_idx %arg8[%gather3A], %add3A_105 : memref<4096xf32, #tpu.memory_space<vmem>>[vector<16xi32>], vector<16xf32>,
      %mul3A_106 = arith.constant 16 : i32
      %mul3A_107 = arith.muli %scan3A_74, %mul3A_106 : i32
      %add3A_108 = vector.broadcast %mul3A_107 : i32 to vector<16xi32>
      %add3A_109 = arith.addi %add3A_108, %iota3A : vector<16xi32>
      tpu.vector_store_idx %arg9[%gather3A], %add3A_109 : memref<4096xi32, #tpu.memory_space<vmem>>[vector<16xi32>], vector<16xi32>,
      %add3A_110 = arith.constant 1 : i32
      %add3A_111 = vector.broadcast %add3A_110 : i32 to vector<16xi32>
      %add3A_112 = arith.addi %gather3A, %add3A_111 : vector<16xi32>
      tpu.vector_store_idx %arg11[%add3A_82], %add3A_112 : memref<1024xi32, #tpu.memory_space<vmem>>[vector<16xi32>], vector<16xi32>,
      %scan3A_113 = arith.constant 0 : i32
      scf.yield %scan3A_113 : i32
    }
    %scan3A_66 = arith.constant 256 : i32
    %scan3A_67 = arith.constant 0 : i32
    %scan3A_68 = arith.constant 0 : i32
    %scan3A_69 = arith.constant 8 : i32
    %scan3A_70 = arith.addi %scan3A_68, %scan3A_69 : i32
    %scan3A_71 = arith.constant 1 : i32
    %scan3A_72 = scf.for %scan3A_74 = %scan3A_68 to %scan3A_70 step %scan3A_71 iter_args(%scan3A_75 = %scan3A_67) -> (i32)  : i32 {
      %mul3A_76 = arith.constant 32 : i32
      %mul3A_77 = arith.muli %scan3A_74, %mul3A_76 : i32
      %add3A_78 = arith.addi %mul3A_77, %add3A : i32
      %mul3A_79 = arith.constant 16 : i32
      %mul3A_80 = arith.muli %add3A_78, %mul3A_79 : i32
      %get3A = arith.index_cast %mul3A_80 : i32 to index
      %get3A_81 = tpu.vector_load %arg5[%get3A] {strides = array<i32>} : memref<4096xf32, #tpu.memory_space<vmem>>, vector<16xf32>,
      %get3A_82 = arith.index_cast %mul3A_80 : i32 to index
      %get3A_83 = tpu.vector_load %arg6[%get3A_82] {strides = array<i32>} : memref<4096xf32, #tpu.memory_space<vmem>>, vector<16xf32>,
      %get3A_84 = arith.index_cast %mul3A_80 : i32 to index
      %get3A_85 = tpu.vector_load %arg7[%get3A_84] {strides = array<i32>} : memref<4096xf32, #tpu.memory_space<vmem>>, vector<16xf32>,
      %reduce_min3A_86 = arith.constant true
      %reduce_min3A_87 = vector.broadcast %reduce_min3A_86 : i1 to vector<16xi1>
      %reduce_min3A_88 = tpu.scan <min>, %get3A_81 masked %reduce_min3A_87 : vector<16xf32>, vector<16xi1> -> vector<16xf32>
      %reduce_min3A_89 = vector.extract %reduce_min3A_88[15] : f32 from vector<16xf32>
      %broadcast_in_dim3A_90 = vector.broadcast %reduce_min3A_89 : f32 to vector<16xf32>
      %reduce_max3A_91 = arith.constant true
      %reduce_max3A_92 = vector.broadcast %reduce_max3A_91 : i1 to vector<16xi1>
      %reduce_max3A_93 = tpu.scan <max>, %get3A_81 masked %reduce_max3A_92 : vector<16xf32>, vector<16xi1> -> vector<16xf32>
      %reduce_max3A_94 = vector.extract %reduce_max3A_93[15] : f32 from vector<16xf32>
      %broadcast_in_dim3A_95 = vector.broadcast %reduce_max3A_94 : f32 to vector<16xf32>
      %mul3A_96 = arith.constant -2.000000e+00 : f32
      %mul3A_97 = vector.broadcast %mul3A_96 : f32 to vector<16xf32>
      %mul3A_98 = arith.mulf %get3A_81, %mul3A_97 : vector<16xf32>
      %mul3A_99 = arith.constant -2.000000e+00 : f32
      %mul3A_100 = vector.broadcast %mul3A_99 : f32 to vector<16xf32>
      %mul3A_101 = arith.mulf %get3A_83, %mul3A_100 : vector<16xf32>
      %mul3A_102 = arith.constant -2.000000e+00 : f32
      %mul3A_103 = vector.broadcast %mul3A_102 : f32 to vector<16xf32>
      %mul3A_104 = arith.mulf %get3A_85, %mul3A_103 : vector<16xf32>
      %mul3A_105 = arith.mulf %get3A_81, %get3A_81 : vector<16xf32>
      %mul3A_106 = arith.mulf %get3A_83, %get3A_83 : vector<16xf32>
      %add3A_107 = arith.addf %mul3A_105, %mul3A_106 : vector<16xf32>
      %mul3A_108 = arith.mulf %get3A_85, %get3A_85 : vector<16xf32>
      %add3A_109 = arith.addf %add3A_107, %mul3A_108 : vector<16xf32>
      %sub3A_110 = arith.subf %broadcast_in_dim3A_90, %broadcast_in_dim3A_14 : vector<16xf32>
      %mul3A_111 = arith.mulf %sub3A_110, %div3A_22 : vector<16xf32>
      %convert_element_type3A = arith.fptosi %mul3A_111 : vector<16xf32> to vector<16xi32>
      %slice3A = vector.extract_strided_slice %convert_element_type3A {offsets = [0], sizes = [1], strides = [1]} : vector<16xi32> to vector<1xi32>
      %squeeze3A = vector.extract %slice3A[0] : i32 from vector<1xi32>
      %min3A = arith.constant 63 : i32
      %min3A_112 = arith.minsi %squeeze3A, %min3A : i32
      %sub3A_113 = arith.constant 1 : i32
      %sub3A_114 = arith.subi %min3A_112, %sub3A_113 : i32
      %max3A_115 = arith.constant 0 : i32
      %max3A_116 = arith.maxsi %sub3A_114, %max3A_115 : i32
      %sub3A_117 = arith.subf %broadcast_in_dim3A_95, %broadcast_in_dim3A_14 : vector<16xf32>
      %mul3A_118 = arith.mulf %sub3A_117, %div3A_22 : vector<16xf32>
      %convert_element_type3A_119 = arith.fptosi %mul3A_118 : vector<16xf32> to vector<16xi32>
      %slice3A_120 = vector.extract_strided_slice %convert_element_type3A_119 {offsets = [0], sizes = [1], strides = [1]} : vector<16xi32> to vector<1xi32>
      %squeeze3A_121 = vector.extract %slice3A_120[0] : i32 from vector<1xi32>
      %min3A_122 = arith.constant 63 : i32
      %min3A_123 = arith.minsi %squeeze3A_121, %min3A_122 : i32
      %add3A_124 = arith.constant 2 : i32
      %add3A_125 = arith.addi %min3A_123, %add3A_124 : i32
      %min3A_126 = arith.constant 64 : i32
      %min3A_127 = arith.minsi %add3A_125, %min3A_126 : i32
      %broadcast_in_dim3A_128 = vector.broadcast %max3A_116 : i32 to vector<16xi32>
      %gather3A = tpu.vector_load_idx %arg12[%broadcast_in_dim3A_128] : memref<80xi32, #tpu.memory_space<vmem>>[vector<16xi32>], vector<16xi32>,
      %slice3A_129 = vector.extract_strided_slice %gather3A {offsets = [0], sizes = [1], strides = [1]} : vector<16xi32> to vector<1xi32>
      %squeeze3A_130 = vector.extract %slice3A_129[0] : i32 from vector<1xi32>
      %shift_right_logical3A = arith.constant 4 : i32
      %shift_right_logical3A_131 = arith.shrui %squeeze3A_130, %shift_right_logical3A : i32
      %broadcast_in_dim3A_132 = vector.broadcast %min3A_127 : i32 to vector<16xi32>
      %gather3A_133 = tpu.vector_load_idx %arg12[%broadcast_in_dim3A_132] : memref<80xi32, #tpu.memory_space<vmem>>[vector<16xi32>], vector<16xi32>,
      %slice3A_134 = vector.extract_strided_slice %gather3A_133 {offsets = [0], sizes = [1], strides = [1]} : vector<16xi32> to vector<1xi32>
      %squeeze3A_135 = vector.extract %slice3A_134[0] : i32 from vector<1xi32>
      %add3A_136 = arith.constant 15 : i32
      %add3A_137 = arith.addi %squeeze3A_135, %add3A_136 : i32
      %shift_right_logical3A_138 = arith.constant 4 : i32
      %shift_right_logical3A_139 = arith.shrui %add3A_137, %shift_right_logical3A_138 : i32
      %min3A_140 = arith.constant 256 : i32
      %min3A_141 = arith.minsi %shift_right_logical3A_139, %min3A_140 : i32
      %mul3A_142 = arith.constant 32 : i32
      %mul3A_143 = arith.muli %scan3A_74, %mul3A_142 : i32
      %add3A_144 = arith.addi %mul3A_143, %add3A : i32
      %while3A = arith.subi %add3A_144, %shift_right_logical3A_131 : i32
      %while3A_145 = arith.addi %shift_right_logical3A_131, %while3A : i32
      %while3A_146 = arith.constant 1 : i32
      %while3A_147 = arith.divsi %while3A, %while3A_146 : i32
      %while3A_148 = arith.muli %while3A_147, %while3A_146 : i32
      %while3A_149 = arith.addi %shift_right_logical3A_131, %while3A_148 : i32
      %while3A_150 = arith.constant 1 : i32
      %while3A_151:3 = scf.for %while3A_648 = %shift_right_logical3A_131 to %while3A_149 step %while3A_150 iter_args(%while3A_649 = %broadcast_in_dim3A_1, %while3A_650 = %broadcast_in_dim3A_1, %while3A_651 = %broadcast_in_dim3A_1) -> (vector<16xf32>, vector<16xf32>, vector<16xf32>)  : i32 {
        %mul3A_652 = arith.constant 16 : i32
        %mul3A_653 = arith.muli %while3A_648, %mul3A_652 : i32
        %get3A_654 = arith.index_cast %mul3A_653 : i32 to index
        %get3A_655 = tpu.vector_load %arg5[%get3A_654] {strides = array<i32>} : memref<4096xf32, #tpu.memory_space<vmem>>, vector<16xf32>,
        %mul3A_656 = arith.constant 16 : i32
        %mul3A_657 = arith.muli %while3A_648, %mul3A_656 : i32
        %get3A_658 = arith.index_cast %mul3A_657 : i32 to index
        %get3A_659 = tpu.vector_load %arg6[%get3A_658] {strides = array<i32>} : memref<4096xf32, #tpu.memory_space<vmem>>, vector<16xf32>,
        %mul3A_660 = arith.constant 16 : i32
        %mul3A_661 = arith.muli %while3A_648, %mul3A_660 : i32
        %get3A_662 = arith.index_cast %mul3A_661 : i32 to index
        %get3A_663 = tpu.vector_load %arg7[%get3A_662] {strides = array<i32>} : memref<4096xf32, #tpu.memory_space<vmem>>, vector<16xf32>,
        %mul3A_664 = arith.constant 16 : i32
        %mul3A_665 = arith.muli %while3A_648, %mul3A_664 : i32
        %get3A_666 = arith.index_cast %mul3A_665 : i32 to index
        %get3A_667 = tpu.vector_load %arg8[%get3A_666] {strides = array<i32>} : memref<4096xf32, #tpu.memory_space<vmem>>, vector<16xf32>,
        %slice3A_668 = vector.extract_strided_slice %get3A_655 {offsets = [0], sizes = [1], strides = [1]} : vector<16xf32> to vector<1xf32>
        %squeeze3A_669 = vector.extract %slice3A_668[0] : f32 from vector<1xf32>
        %mul3A_670 = vector.broadcast %squeeze3A_669 : f32 to vector<16xf32>
        %mul3A_671 = arith.mulf %mul3A_98, %mul3A_670 : vector<16xf32>
        %slice3A_672 = vector.extract_strided_slice %get3A_659 {offsets = [0], sizes = [1], strides = [1]} : vector<16xf32> to vector<1xf32>
        %squeeze3A_673 = vector.extract %slice3A_672[0] : f32 from vector<1xf32>
        %mul3A_674 = vector.broadcast %squeeze3A_673 : f32 to vector<16xf32>
        %mul3A_675 = arith.mulf %mul3A_101, %mul3A_674 : vector<16xf32>
        %add3A_676 = arith.addf %mul3A_671, %mul3A_675 : vector<16xf32>
        %slice3A_677 = vector.extract_strided_slice %get3A_663 {offsets = [0], sizes = [1], strides = [1]} : vector<16xf32> to vector<1xf32>
        %squeeze3A_678 = vector.extract %slice3A_677[0] : f32 from vector<1xf32>
        %mul3A_679 = vector.broadcast %squeeze3A_678 : f32 to vector<16xf32>
        %mul3A_680 = arith.mulf %mul3A_104, %mul3A_679 : vector<16xf32>
        %add3A_681 = arith.addf %add3A_676, %mul3A_680 : vector<16xf32>
        %slice3A_682 = vector.extract_strided_slice %get3A_667 {offsets = [0], sizes = [1], strides = [1]} : vector<16xf32> to vector<1xf32>
        %squeeze3A_683 = vector.extract %slice3A_682[0] : f32 from vector<1xf32>
        %add3A_684 = vector.broadcast %squeeze3A_683 : f32 to vector<16xf32>
        %add3A_685 = arith.addf %add3A_681, %add3A_684 : vector<16xf32>
        %max3A_686 = arith.maximumf %while3A_649, %add3A_685 : vector<16xf32>
        %min3A_687 = arith.minimumf %while3A_649, %add3A_685 : vector<16xf32>
        %max3A_688 = arith.maximumf %while3A_650, %max3A_686 : vector<16xf32>
        %min3A_689 = arith.minimumf %while3A_650, %max3A_686 : vector<16xf32>
        %min3A_690 = arith.minimumf %while3A_651, %max3A_688 : vector<16xf32>
        %slice3A_691 = vector.extract_strided_slice %get3A_655 {offsets = [1], sizes = [1], strides = [1]} : vector<16xf32> to vector<1xf32>
        %squeeze3A_692 = vector.extract %slice3A_691[0] : f32 from vector<1xf32>
        %mul3A_693 = vector.broadcast %squeeze3A_692 : f32 to vector<16xf32>
        %mul3A_694 = arith.mulf %mul3A_98, %mul3A_693 : vector<16xf32>
        %slice3A_695 = vector.extract_strided_slice %get3A_659 {offsets = [1], sizes = [1], strides = [1]} : vector<16xf32> to vector<1xf32>
        %squeeze3A_696 = vector.extract %slice3A_695[0] : f32 from vector<1xf32>
        %mul3A_697 = vector.broadcast %squeeze3A_696 : f32 to vector<16xf32>
        %mul3A_698 = arith.mulf %mul3A_101, %mul3A_697 : vector<16xf32>
        %add3A_699 = arith.addf %mul3A_694, %mul3A_698 : vector<16xf32>
        %slice3A_700 = vector.extract_strided_slice %get3A_663 {offsets = [1], sizes = [1], strides = [1]} : vector<16xf32> to vector<1xf32>
        %squeeze3A_701 = vector.extract %slice3A_700[0] : f32 from vector<1xf32>
        %mul3A_702 = vector.broadcast %squeeze3A_701 : f32 to vector<16xf32>
        %mul3A_703 = arith.mulf %mul3A_104, %mul3A_702 : vector<16xf32>
        %add3A_704 = arith.addf %add3A_699, %mul3A_703 : vector<16xf32>
        %slice3A_705 = vector.extract_strided_slice %get3A_667 {offsets = [1], sizes = [1], strides = [1]} : vector<16xf32> to vector<1xf32>
        %squeeze3A_706 = vector.extract %slice3A_705[0] : f32 from vector<1xf32>
        %add3A_707 = vector.broadcast %squeeze3A_706 : f32 to vector<16xf32>
        %add3A_708 = arith.addf %add3A_704, %add3A_707 : vector<16xf32>
        %max3A_709 = arith.maximumf %min3A_687, %add3A_708 : vector<16xf32>
        %min3A_710 = arith.minimumf %min3A_687, %add3A_708 : vector<16xf32>
        %max3A_711 = arith.maximumf %min3A_689, %max3A_709 : vector<16xf32>
        %min3A_712 = arith.minimumf %min3A_689, %max3A_709 : vector<16xf32>
        %min3A_713 = arith.minimumf %min3A_690, %max3A_711 : vector<16xf32>
        %slice3A_714 = vector.extract_strided_slice %get3A_655 {offsets = [2], sizes = [1], strides = [1]} : vector<16xf32> to vector<1xf32>
        %squeeze3A_715 = vector.extract %slice3A_714[0] : f32 from vector<1xf32>
        %mul3A_716 = vector.broadcast %squeeze3A_715 : f32 to vector<16xf32>
        %mul3A_717 = arith.mulf %mul3A_98, %mul3A_716 : vector<16xf32>
        %slice3A_718 = vector.extract_strided_slice %get3A_659 {offsets = [2], sizes = [1], strides = [1]} : vector<16xf32> to vector<1xf32>
        %squeeze3A_719 = vector.extract %slice3A_718[0] : f32 from vector<1xf32>
        %mul3A_720 = vector.broadcast %squeeze3A_719 : f32 to vector<16xf32>
        %mul3A_721 = arith.mulf %mul3A_101, %mul3A_720 : vector<16xf32>
        %add3A_722 = arith.addf %mul3A_717, %mul3A_721 : vector<16xf32>
        %slice3A_723 = vector.extract_strided_slice %get3A_663 {offsets = [2], sizes = [1], strides = [1]} : vector<16xf32> to vector<1xf32>
        %squeeze3A_724 = vector.extract %slice3A_723[0] : f32 from vector<1xf32>
        %mul3A_725 = vector.broadcast %squeeze3A_724 : f32 to vector<16xf32>
        %mul3A_726 = arith.mulf %mul3A_104, %mul3A_725 : vector<16xf32>
        %add3A_727 = arith.addf %add3A_722, %mul3A_726 : vector<16xf32>
        %slice3A_728 = vector.extract_strided_slice %get3A_667 {offsets = [2], sizes = [1], strides = [1]} : vector<16xf32> to vector<1xf32>
        %squeeze3A_729 = vector.extract %slice3A_728[0] : f32 from vector<1xf32>
        %add3A_730 = vector.broadcast %squeeze3A_729 : f32 to vector<16xf32>
        %add3A_731 = arith.addf %add3A_727, %add3A_730 : vector<16xf32>
        %max3A_732 = arith.maximumf %min3A_710, %add3A_731 : vector<16xf32>
        %min3A_733 = arith.minimumf %min3A_710, %add3A_731 : vector<16xf32>
        %max3A_734 = arith.maximumf %min3A_712, %max3A_732 : vector<16xf32>
        %min3A_735 = arith.minimumf %min3A_712, %max3A_732 : vector<16xf32>
        %min3A_736 = arith.minimumf %min3A_713, %max3A_734 : vector<16xf32>
        %slice3A_737 = vector.extract_strided_slice %get3A_655 {offsets = [3], sizes = [1], strides = [1]} : vector<16xf32> to vector<1xf32>
        %squeeze3A_738 = vector.extract %slice3A_737[0] : f32 from vector<1xf32>
        %mul3A_739 = vector.broadcast %squeeze3A_738 : f32 to vector<16xf32>
        %mul3A_740 = arith.mulf %mul3A_98, %mul3A_739 : vector<16xf32>
        %slice3A_741 = vector.extract_strided_slice %get3A_659 {offsets = [3], sizes = [1], strides = [1]} : vector<16xf32> to vector<1xf32>
        %squeeze3A_742 = vector.extract %slice3A_741[0] : f32 from vector<1xf32>
        %mul3A_743 = vector.broadcast %squeeze3A_742 : f32 to vector<16xf32>
        %mul3A_744 = arith.mulf %mul3A_101, %mul3A_743 : vector<16xf32>
        %add3A_745 = arith.addf %mul3A_740, %mul3A_744 : vector<16xf32>
        %slice3A_746 = vector.extract_strided_slice %get3A_663 {offsets = [3], sizes = [1], strides = [1]} : vector<16xf32> to vector<1xf32>
        %squeeze3A_747 = vector.extract %slice3A_746[0] : f32 from vector<1xf32>
        %mul3A_748 = vector.broadcast %squeeze3A_747 : f32 to vector<16xf32>
        %mul3A_749 = arith.mulf %mul3A_104, %mul3A_748 : vector<16xf32>
        %add3A_750 = arith.addf %add3A_745, %mul3A_749 : vector<16xf32>
        %slice3A_751 = vector.extract_strided_slice %get3A_667 {offsets = [3], sizes = [1], strides = [1]} : vector<16xf32> to vector<1xf32>
        %squeeze3A_752 = vector.extract %slice3A_751[0] : f32 from vector<1xf32>
        %add3A_753 = vector.broadcast %squeeze3A_752 : f32 to vector<16xf32>
        %add3A_754 = arith.addf %add3A_750, %add3A_753 : vector<16xf32>
        %max3A_755 = arith.maximumf %min3A_733, %add3A_754 : vector<16xf32>
        %min3A_756 = arith.minimumf %min3A_733, %add3A_754 : vector<16xf32>
        %max3A_757 = arith.maximumf %min3A_735, %max3A_755 : vector<16xf32>
        %min3A_758 = arith.minimumf %min3A_735, %max3A_755 : vector<16xf32>
        %min3A_759 = arith.minimumf %min3A_736, %max3A_757 : vector<16xf32>
        %slice3A_760 = vector.extract_strided_slice %get3A_655 {offsets = [4], sizes = [1], strides = [1]} : vector<16xf32> to vector<1xf32>
        %squeeze3A_761 = vector.extract %slice3A_760[0] : f32 from vector<1xf32>
        %mul3A_762 = vector.broadcast %squeeze3A_761 : f32 to vector<16xf32>
        %mul3A_763 = arith.mulf %mul3A_98, %mul3A_762 : vector<16xf32>
        %slice3A_764 = vector.extract_strided_slice %get3A_659 {offsets = [4], sizes = [1], strides = [1]} : vector<16xf32> to vector<1xf32>
        %squeeze3A_765 = vector.extract %slice3A_764[0] : f32 from vector<1xf32>
        %mul3A_766 = vector.broadcast %squeeze3A_765 : f32 to vector<16xf32>
        %mul3A_767 = arith.mulf %mul3A_101, %mul3A_766 : vector<16xf32>
        %add3A_768 = arith.addf %mul3A_763, %mul3A_767 : vector<16xf32>
        %slice3A_769 = vector.extract_strided_slice %get3A_663 {offsets = [4], sizes = [1], strides = [1]} : vector<16xf32> to vector<1xf32>
        %squeeze3A_770 = vector.extract %slice3A_769[0] : f32 from vector<1xf32>
        %mul3A_771 = vector.broadcast %squeeze3A_770 : f32 to vector<16xf32>
        %mul3A_772 = arith.mulf %mul3A_104, %mul3A_771 : vector<16xf32>
        %add3A_773 = arith.addf %add3A_768, %mul3A_772 : vector<16xf32>
        %slice3A_774 = vector.extract_strided_slice %get3A_667 {offsets = [4], sizes = [1], strides = [1]} : vector<16xf32> to vector<1xf32>
        %squeeze3A_775 = vector.extract %slice3A_774[0] : f32 from vector<1xf32>
        %add3A_776 = vector.broadcast %squeeze3A_775 : f32 to vector<16xf32>
        %add3A_777 = arith.addf %add3A_773, %add3A_776 : vector<16xf32>
        %max3A_778 = arith.maximumf %min3A_756, %add3A_777 : vector<16xf32>
        %min3A_779 = arith.minimumf %min3A_756, %add3A_777 : vector<16xf32>
        %max3A_780 = arith.maximumf %min3A_758, %max3A_778 : vector<16xf32>
        %min3A_781 = arith.minimumf %min3A_758, %max3A_778 : vector<16xf32>
        %min3A_782 = arith.minimumf %min3A_759, %max3A_780 : vector<16xf32>
        %slice3A_783 = vector.extract_strided_slice %get3A_655 {offsets = [5], sizes = [1], strides = [1]} : vector<16xf32> to vector<1xf32>
        %squeeze3A_784 = vector.extract %slice3A_783[0] : f32 from vector<1xf32>
        %mul3A_785 = vector.broadcast %squeeze3A_784 : f32 to vector<16xf32>
        %mul3A_786 = arith.mulf %mul3A_98, %mul3A_785 : vector<16xf32>
        %slice3A_787 = vector.extract_strided_slice %get3A_659 {offsets = [5], sizes = [1], strides = [1]} : vector<16xf32> to vector<1xf32>
        %squeeze3A_788 = vector.extract %slice3A_787[0] : f32 from vector<1xf32>
        %mul3A_789 = vector.broadcast %squeeze3A_788 : f32 to vector<16xf32>
        %mul3A_790 = arith.mulf %mul3A_101, %mul3A_789 : vector<16xf32>
        %add3A_791 = arith.addf %mul3A_786, %mul3A_790 : vector<16xf32>
        %slice3A_792 = vector.extract_strided_slice %get3A_663 {offsets = [5], sizes = [1], strides = [1]} : vector<16xf32> to vector<1xf32>
        %squeeze3A_793 = vector.extract %slice3A_792[0] : f32 from vector<1xf32>
        %mul3A_794 = vector.broadcast %squeeze3A_793 : f32 to vector<16xf32>
        %mul3A_795 = arith.mulf %mul3A_104, %mul3A_794 : vector<16xf32>
        %add3A_796 = arith.addf %add3A_791, %mul3A_795 : vector<16xf32>
        %slice3A_797 = vector.extract_strided_slice %get3A_667 {offsets = [5], sizes = [1], strides = [1]} : vector<16xf32> to vector<1xf32>
        %squeeze3A_798 = vector.extract %slice3A_797[0] : f32 from vector<1xf32>
        %add3A_799 = vector.broadcast %squeeze3A_798 : f32 to vector<16xf32>
        %add3A_800 = arith.addf %add3A_796, %add3A_799 : vector<16xf32>
        %max3A_801 = arith.maximumf %min3A_779, %add3A_800 : vector<16xf32>
        %min3A_802 = arith.minimumf %min3A_779, %add3A_800 : vector<16xf32>
        %max3A_803 = arith.maximumf %min3A_781, %max3A_801 : vector<16xf32>
        %min3A_804 = arith.minimumf %min3A_781, %max3A_801 : vector<16xf32>
        %min3A_805 = arith.minimumf %min3A_782, %max3A_803 : vector<16xf32>
        %slice3A_806 = vector.extract_strided_slice %get3A_655 {offsets = [6], sizes = [1], strides = [1]} : vector<16xf32> to vector<1xf32>
        %squeeze3A_807 = vector.extract %slice3A_806[0] : f32 from vector<1xf32>
        %mul3A_808 = vector.broadcast %squeeze3A_807 : f32 to vector<16xf32>
        %mul3A_809 = arith.mulf %mul3A_98, %mul3A_808 : vector<16xf32>
        %slice3A_810 = vector.extract_strided_slice %get3A_659 {offsets = [6], sizes = [1], strides = [1]} : vector<16xf32> to vector<1xf32>
        %squeeze3A_811 = vector.extract %slice3A_810[0] : f32 from vector<1xf32>
        %mul3A_812 = vector.broadcast %squeeze3A_811 : f32 to vector<16xf32>
        %mul3A_813 = arith.mulf %mul3A_101, %mul3A_812 : vector<16xf32>
        %add3A_814 = arith.addf %mul3A_809, %mul3A_813 : vector<16xf32>
        %slice3A_815 = vector.extract_strided_slice %get3A_663 {offsets = [6], sizes = [1], strides = [1]} : vector<16xf32> to vector<1xf32>
        %squeeze3A_816 = vector.extract %slice3A_815[0] : f32 from vector<1xf32>
        %mul3A_817 = vector.broadcast %squeeze3A_816 : f32 to vector<16xf32>
        %mul3A_818 = arith.mulf %mul3A_104, %mul3A_817 : vector<16xf32>
        %add3A_819 = arith.addf %add3A_814, %mul3A_818 : vector<16xf32>
        %slice3A_820 = vector.extract_strided_slice %get3A_667 {offsets = [6], sizes = [1], strides = [1]} : vector<16xf32> to vector<1xf32>
        %squeeze3A_821 = vector.extract %slice3A_820[0] : f32 from vector<1xf32>
        %add3A_822 = vector.broadcast %squeeze3A_821 : f32 to vector<16xf32>
        %add3A_823 = arith.addf %add3A_819, %add3A_822 : vector<16xf32>
        %max3A_824 = arith.maximumf %min3A_802, %add3A_823 : vector<16xf32>
        %min3A_825 = arith.minimumf %min3A_802, %add3A_823 : vector<16xf32>
        %max3A_826 = arith.maximumf %min3A_804, %max3A_824 : vector<16xf32>
        %min3A_827 = arith.minimumf %min3A_804, %max3A_824 : vector<16xf32>
        %min3A_828 = arith.minimumf %min3A_805, %max3A_826 : vector<16xf32>
        %slice3A_829 = vector.extract_strided_slice %get3A_655 {offsets = [7], sizes = [1], strides = [1]} : vector<16xf32> to vector<1xf32>
        %squeeze3A_830 = vector.extract %slice3A_829[0] : f32 from vector<1xf32>
        %mul3A_831 = vector.broadcast %squeeze3A_830 : f32 to vector<16xf32>
        %mul3A_832 = arith.mulf %mul3A_98, %mul3A_831 : vector<16xf32>
        %slice3A_833 = vector.extract_strided_slice %get3A_659 {offsets = [7], sizes = [1], strides = [1]} : vector<16xf32> to vector<1xf32>
        %squeeze3A_834 = vector.extract %slice3A_833[0] : f32 from vector<1xf32>
        %mul3A_835 = vector.broadcast %squeeze3A_834 : f32 to vector<16xf32>
        %mul3A_836 = arith.mulf %mul3A_101, %mul3A_835 : vector<16xf32>
        %add3A_837 = arith.addf %mul3A_832, %mul3A_836 : vector<16xf32>
        %slice3A_838 = vector.extract_strided_slice %get3A_663 {offsets = [7], sizes = [1], strides = [1]} : vector<16xf32> to vector<1xf32>
        %squeeze3A_839 = vector.extract %slice3A_838[0] : f32 from vector<1xf32>
        %mul3A_840 = vector.broadcast %squeeze3A_839 : f32 to vector<16xf32>
        %mul3A_841 = arith.mulf %mul3A_104, %mul3A_840 : vector<16xf32>
        %add3A_842 = arith.addf %add3A_837, %mul3A_841 : vector<16xf32>
        %slice3A_843 = vector.extract_strided_slice %get3A_667 {offsets = [7], sizes = [1], strides = [1]} : vector<16xf32> to vector<1xf32>
        %squeeze3A_844 = vector.extract %slice3A_843[0] : f32 from vector<1xf32>
        %add3A_845 = vector.broadcast %squeeze3A_844 : f32 to vector<16xf32>
        %add3A_846 = arith.addf %add3A_842, %add3A_845 : vector<16xf32>
        %max3A_847 = arith.maximumf %min3A_825, %add3A_846 : vector<16xf32>
        %min3A_848 = arith.minimumf %min3A_825, %add3A_846 : vector<16xf32>
        %max3A_849 = arith.maximumf %min3A_827, %max3A_847 : vector<16xf32>
        %min3A_850 = arith.minimumf %min3A_827, %max3A_847 : vector<16xf32>
        %min3A_851 = arith.minimumf %min3A_828, %max3A_849 : vector<16xf32>
        %slice3A_852 = vector.extract_strided_slice %get3A_655 {offsets = [8], sizes = [1], strides = [1]} : vector<16xf32> to vector<1xf32>
        %squeeze3A_853 = vector.extract %slice3A_852[0] : f32 from vector<1xf32>
        %mul3A_854 = vector.broadcast %squeeze3A_853 : f32 to vector<16xf32>
        %mul3A_855 = arith.mulf %mul3A_98, %mul3A_854 : vector<16xf32>
        %slice3A_856 = vector.extract_strided_slice %get3A_659 {offsets = [8], sizes = [1], strides = [1]} : vector<16xf32> to vector<1xf32>
        %squeeze3A_857 = vector.extract %slice3A_856[0] : f32 from vector<1xf32>
        %mul3A_858 = vector.broadcast %squeeze3A_857 : f32 to vector<16xf32>
        %mul3A_859 = arith.mulf %mul3A_101, %mul3A_858 : vector<16xf32>
        %add3A_860 = arith.addf %mul3A_855, %mul3A_859 : vector<16xf32>
        %slice3A_861 = vector.extract_strided_slice %get3A_663 {offsets = [8], sizes = [1], strides = [1]} : vector<16xf32> to vector<1xf32>
        %squeeze3A_862 = vector.extract %slice3A_861[0] : f32 from vector<1xf32>
        %mul3A_863 = vector.broadcast %squeeze3A_862 : f32 to vector<16xf32>
        %mul3A_864 = arith.mulf %mul3A_104, %mul3A_863 : vector<16xf32>
        %add3A_865 = arith.addf %add3A_860, %mul3A_864 : vector<16xf32>
        %slice3A_866 = vector.extract_strided_slice %get3A_667 {offsets = [8], sizes = [1], strides = [1]} : vector<16xf32> to vector<1xf32>
        %squeeze3A_867 = vector.extract %slice3A_866[0] : f32 from vector<1xf32>
        %add3A_868 = vector.broadcast %squeeze3A_867 : f32 to vector<16xf32>
        %add3A_869 = arith.addf %add3A_865, %add3A_868 : vector<16xf32>
        %max3A_870 = arith.maximumf %min3A_848, %add3A_869 : vector<16xf32>
        %min3A_871 = arith.minimumf %min3A_848, %add3A_869 : vector<16xf32>
        %max3A_872 = arith.maximumf %min3A_850, %max3A_870 : vector<16xf32>
        %min3A_873 = arith.minimumf %min3A_850, %max3A_870 : vector<16xf32>
        %min3A_874 = arith.minimumf %min3A_851, %max3A_872 : vector<16xf32>
        %slice3A_875 = vector.extract_strided_slice %get3A_655 {offsets = [9], sizes = [1], strides = [1]} : vector<16xf32> to vector<1xf32>
        %squeeze3A_876 = vector.extract %slice3A_875[0] : f32 from vector<1xf32>
        %mul3A_877 = vector.broadcast %squeeze3A_876 : f32 to vector<16xf32>
        %mul3A_878 = arith.mulf %mul3A_98, %mul3A_877 : vector<16xf32>
        %slice3A_879 = vector.extract_strided_slice %get3A_659 {offsets = [9], sizes = [1], strides = [1]} : vector<16xf32> to vector<1xf32>
        %squeeze3A_880 = vector.extract %slice3A_879[0] : f32 from vector<1xf32>
        %mul3A_881 = vector.broadcast %squeeze3A_880 : f32 to vector<16xf32>
        %mul3A_882 = arith.mulf %mul3A_101, %mul3A_881 : vector<16xf32>
        %add3A_883 = arith.addf %mul3A_878, %mul3A_882 : vector<16xf32>
        %slice3A_884 = vector.extract_strided_slice %get3A_663 {offsets = [9], sizes = [1], strides = [1]} : vector<16xf32> to vector<1xf32>
        %squeeze3A_885 = vector.extract %slice3A_884[0] : f32 from vector<1xf32>
        %mul3A_886 = vector.broadcast %squeeze3A_885 : f32 to vector<16xf32>
        %mul3A_887 = arith.mulf %mul3A_104, %mul3A_886 : vector<16xf32>
        %add3A_888 = arith.addf %add3A_883, %mul3A_887 : vector<16xf32>
        %slice3A_889 = vector.extract_strided_slice %get3A_667 {offsets = [9], sizes = [1], strides = [1]} : vector<16xf32> to vector<1xf32>
        %squeeze3A_890 = vector.extract %slice3A_889[0] : f32 from vector<1xf32>
        %add3A_891 = vector.broadcast %squeeze3A_890 : f32 to vector<16xf32>
        %add3A_892 = arith.addf %add3A_888, %add3A_891 : vector<16xf32>
        %max3A_893 = arith.maximumf %min3A_871, %add3A_892 : vector<16xf32>
        %min3A_894 = arith.minimumf %min3A_871, %add3A_892 : vector<16xf32>
        %max3A_895 = arith.maximumf %min3A_873, %max3A_893 : vector<16xf32>
        %min3A_896 = arith.minimumf %min3A_873, %max3A_893 : vector<16xf32>
        %min3A_897 = arith.minimumf %min3A_874, %max3A_895 : vector<16xf32>
        %slice3A_898 = vector.extract_strided_slice %get3A_655 {offsets = [10], sizes = [1], strides = [1]} : vector<16xf32> to vector<1xf32>
        %squeeze3A_899 = vector.extract %slice3A_898[0] : f32 from vector<1xf32>
        %mul3A_900 = vector.broadcast %squeeze3A_899 : f32 to vector<16xf32>
        %mul3A_901 = arith.mulf %mul3A_98, %mul3A_900 : vector<16xf32>
        %slice3A_902 = vector.extract_strided_slice %get3A_659 {offsets = [10], sizes = [1], strides = [1]} : vector<16xf32> to vector<1xf32>
        %squeeze3A_903 = vector.extract %slice3A_902[0] : f32 from vector<1xf32>
        %mul3A_904 = vector.broadcast %squeeze3A_903 : f32 to vector<16xf32>
        %mul3A_905 = arith.mulf %mul3A_101, %mul3A_904 : vector<16xf32>
        %add3A_906 = arith.addf %mul3A_901, %mul3A_905 : vector<16xf32>
        %slice3A_907 = vector.extract_strided_slice %get3A_663 {offsets = [10], sizes = [1], strides = [1]} : vector<16xf32> to vector<1xf32>
        %squeeze3A_908 = vector.extract %slice3A_907[0] : f32 from vector<1xf32>
        %mul3A_909 = vector.broadcast %squeeze3A_908 : f32 to vector<16xf32>
        %mul3A_910 = arith.mulf %mul3A_104, %mul3A_909 : vector<16xf32>
        %add3A_911 = arith.addf %add3A_906, %mul3A_910 : vector<16xf32>
        %slice3A_912 = vector.extract_strided_slice %get3A_667 {offsets = [10], sizes = [1], strides = [1]} : vector<16xf32> to vector<1xf32>
        %squeeze3A_913 = vector.extract %slice3A_912[0] : f32 from vector<1xf32>
        %add3A_914 = vector.broadcast %squeeze3A_913 : f32 to vector<16xf32>
        %add3A_915 = arith.addf %add3A_911, %add3A_914 : vector<16xf32>
        %max3A_916 = arith.maximumf %min3A_894, %add3A_915 : vector<16xf32>
        %min3A_917 = arith.minimumf %min3A_894, %add3A_915 : vector<16xf32>
        %max3A_918 = arith.maximumf %min3A_896, %max3A_916 : vector<16xf32>
        %min3A_919 = arith.minimumf %min3A_896, %max3A_916 : vector<16xf32>
        %min3A_920 = arith.minimumf %min3A_897, %max3A_918 : vector<16xf32>
        %slice3A_921 = vector.extract_strided_slice %get3A_655 {offsets = [11], sizes = [1], strides = [1]} : vector<16xf32> to vector<1xf32>
        %squeeze3A_922 = vector.extract %slice3A_921[0] : f32 from vector<1xf32>
        %mul3A_923 = vector.broadcast %squeeze3A_922 : f32 to vector<16xf32>
        %mul3A_924 = arith.mulf %mul3A_98, %mul3A_923 : vector<16xf32>
        %slice3A_925 = vector.extract_strided_slice %get3A_659 {offsets = [11], sizes = [1], strides = [1]} : vector<16xf32> to vector<1xf32>
        %squeeze3A_926 = vector.extract %slice3A_925[0] : f32 from vector<1xf32>
        %mul3A_927 = vector.broadcast %squeeze3A_926 : f32 to vector<16xf32>
        %mul3A_928 = arith.mulf %mul3A_101, %mul3A_927 : vector<16xf32>
        %add3A_929 = arith.addf %mul3A_924, %mul3A_928 : vector<16xf32>
        %slice3A_930 = vector.extract_strided_slice %get3A_663 {offsets = [11], sizes = [1], strides = [1]} : vector<16xf32> to vector<1xf32>
        %squeeze3A_931 = vector.extract %slice3A_930[0] : f32 from vector<1xf32>
        %mul3A_932 = vector.broadcast %squeeze3A_931 : f32 to vector<16xf32>
        %mul3A_933 = arith.mulf %mul3A_104, %mul3A_932 : vector<16xf32>
        %add3A_934 = arith.addf %add3A_929, %mul3A_933 : vector<16xf32>
        %slice3A_935 = vector.extract_strided_slice %get3A_667 {offsets = [11], sizes = [1], strides = [1]} : vector<16xf32> to vector<1xf32>
        %squeeze3A_936 = vector.extract %slice3A_935[0] : f32 from vector<1xf32>
        %add3A_937 = vector.broadcast %squeeze3A_936 : f32 to vector<16xf32>
        %add3A_938 = arith.addf %add3A_934, %add3A_937 : vector<16xf32>
        %max3A_939 = arith.maximumf %min3A_917, %add3A_938 : vector<16xf32>
        %min3A_940 = arith.minimumf %min3A_917, %add3A_938 : vector<16xf32>
        %max3A_941 = arith.maximumf %min3A_919, %max3A_939 : vector<16xf32>
        %min3A_942 = arith.minimumf %min3A_919, %max3A_939 : vector<16xf32>
        %min3A_943 = arith.minimumf %min3A_920, %max3A_941 : vector<16xf32>
        %slice3A_944 = vector.extract_strided_slice %get3A_655 {offsets = [12], sizes = [1], strides = [1]} : vector<16xf32> to vector<1xf32>
        %squeeze3A_945 = vector.extract %slice3A_944[0] : f32 from vector<1xf32>
        %mul3A_946 = vector.broadcast %squeeze3A_945 : f32 to vector<16xf32>
        %mul3A_947 = arith.mulf %mul3A_98, %mul3A_946 : vector<16xf32>
        %slice3A_948 = vector.extract_strided_slice %get3A_659 {offsets = [12], sizes = [1], strides = [1]} : vector<16xf32> to vector<1xf32>
        %squeeze3A_949 = vector.extract %slice3A_948[0] : f32 from vector<1xf32>
        %mul3A_950 = vector.broadcast %squeeze3A_949 : f32 to vector<16xf32>
        %mul3A_951 = arith.mulf %mul3A_101, %mul3A_950 : vector<16xf32>
        %add3A_952 = arith.addf %mul3A_947, %mul3A_951 : vector<16xf32>
        %slice3A_953 = vector.extract_strided_slice %get3A_663 {offsets = [12], sizes = [1], strides = [1]} : vector<16xf32> to vector<1xf32>
        %squeeze3A_954 = vector.extract %slice3A_953[0] : f32 from vector<1xf32>
        %mul3A_955 = vector.broadcast %squeeze3A_954 : f32 to vector<16xf32>
        %mul3A_956 = arith.mulf %mul3A_104, %mul3A_955 : vector<16xf32>
        %add3A_957 = arith.addf %add3A_952, %mul3A_956 : vector<16xf32>
        %slice3A_958 = vector.extract_strided_slice %get3A_667 {offsets = [12], sizes = [1], strides = [1]} : vector<16xf32> to vector<1xf32>
        %squeeze3A_959 = vector.extract %slice3A_958[0] : f32 from vector<1xf32>
        %add3A_960 = vector.broadcast %squeeze3A_959 : f32 to vector<16xf32>
        %add3A_961 = arith.addf %add3A_957, %add3A_960 : vector<16xf32>
        %max3A_962 = arith.maximumf %min3A_940, %add3A_961 : vector<16xf32>
        %min3A_963 = arith.minimumf %min3A_940, %add3A_961 : vector<16xf32>
        %max3A_964 = arith.maximumf %min3A_942, %max3A_962 : vector<16xf32>
        %min3A_965 = arith.minimumf %min3A_942, %max3A_962 : vector<16xf32>
        %min3A_966 = arith.minimumf %min3A_943, %max3A_964 : vector<16xf32>
        %slice3A_967 = vector.extract_strided_slice %get3A_655 {offsets = [13], sizes = [1], strides = [1]} : vector<16xf32> to vector<1xf32>
        %squeeze3A_968 = vector.extract %slice3A_967[0] : f32 from vector<1xf32>
        %mul3A_969 = vector.broadcast %squeeze3A_968 : f32 to vector<16xf32>
        %mul3A_970 = arith.mulf %mul3A_98, %mul3A_969 : vector<16xf32>
        %slice3A_971 = vector.extract_strided_slice %get3A_659 {offsets = [13], sizes = [1], strides = [1]} : vector<16xf32> to vector<1xf32>
        %squeeze3A_972 = vector.extract %slice3A_971[0] : f32 from vector<1xf32>
        %mul3A_973 = vector.broadcast %squeeze3A_972 : f32 to vector<16xf32>
        %mul3A_974 = arith.mulf %mul3A_101, %mul3A_973 : vector<16xf32>
        %add3A_975 = arith.addf %mul3A_970, %mul3A_974 : vector<16xf32>
        %slice3A_976 = vector.extract_strided_slice %get3A_663 {offsets = [13], sizes = [1], strides = [1]} : vector<16xf32> to vector<1xf32>
        %squeeze3A_977 = vector.extract %slice3A_976[0] : f32 from vector<1xf32>
        %mul3A_978 = vector.broadcast %squeeze3A_977 : f32 to vector<16xf32>
        %mul3A_979 = arith.mulf %mul3A_104, %mul3A_978 : vector<16xf32>
        %add3A_980 = arith.addf %add3A_975, %mul3A_979 : vector<16xf32>
        %slice3A_981 = vector.extract_strided_slice %get3A_667 {offsets = [13], sizes = [1], strides = [1]} : vector<16xf32> to vector<1xf32>
        %squeeze3A_982 = vector.extract %slice3A_981[0] : f32 from vector<1xf32>
        %add3A_983 = vector.broadcast %squeeze3A_982 : f32 to vector<16xf32>
        %add3A_984 = arith.addf %add3A_980, %add3A_983 : vector<16xf32>
        %max3A_985 = arith.maximumf %min3A_963, %add3A_984 : vector<16xf32>
        %min3A_986 = arith.minimumf %min3A_963, %add3A_984 : vector<16xf32>
        %max3A_987 = arith.maximumf %min3A_965, %max3A_985 : vector<16xf32>
        %min3A_988 = arith.minimumf %min3A_965, %max3A_985 : vector<16xf32>
        %min3A_989 = arith.minimumf %min3A_966, %max3A_987 : vector<16xf32>
        %slice3A_990 = vector.extract_strided_slice %get3A_655 {offsets = [14], sizes = [1], strides = [1]} : vector<16xf32> to vector<1xf32>
        %squeeze3A_991 = vector.extract %slice3A_990[0] : f32 from vector<1xf32>
        %mul3A_992 = vector.broadcast %squeeze3A_991 : f32 to vector<16xf32>
        %mul3A_993 = arith.mulf %mul3A_98, %mul3A_992 : vector<16xf32>
        %slice3A_994 = vector.extract_strided_slice %get3A_659 {offsets = [14], sizes = [1], strides = [1]} : vector<16xf32> to vector<1xf32>
        %squeeze3A_995 = vector.extract %slice3A_994[0] : f32 from vector<1xf32>
        %mul3A_996 = vector.broadcast %squeeze3A_995 : f32 to vector<16xf32>
        %mul3A_997 = arith.mulf %mul3A_101, %mul3A_996 : vector<16xf32>
        %add3A_998 = arith.addf %mul3A_993, %mul3A_997 : vector<16xf32>
        %slice3A_999 = vector.extract_strided_slice %get3A_663 {offsets = [14], sizes = [1], strides = [1]} : vector<16xf32> to vector<1xf32>
        %squeeze3A_1000 = vector.extract %slice3A_999[0] : f32 from vector<1xf32>
        %mul3A_1001 = vector.broadcast %squeeze3A_1000 : f32 to vector<16xf32>
        %mul3A_1002 = arith.mulf %mul3A_104, %mul3A_1001 : vector<16xf32>
        %add3A_1003 = arith.addf %add3A_998, %mul3A_1002 : vector<16xf32>
        %slice3A_1004 = vector.extract_strided_slice %get3A_667 {offsets = [14], sizes = [1], strides = [1]} : vector<16xf32> to vector<1xf32>
        %squeeze3A_1005 = vector.extract %slice3A_1004[0] : f32 from vector<1xf32>
        %add3A_1006 = vector.broadcast %squeeze3A_1005 : f32 to vector<16xf32>
        %add3A_1007 = arith.addf %add3A_1003, %add3A_1006 : vector<16xf32>
        %max3A_1008 = arith.maximumf %min3A_986, %add3A_1007 : vector<16xf32>
        %min3A_1009 = arith.minimumf %min3A_986, %add3A_1007 : vector<16xf32>
        %max3A_1010 = arith.maximumf %min3A_988, %max3A_1008 : vector<16xf32>
        %min3A_1011 = arith.minimumf %min3A_988, %max3A_1008 : vector<16xf32>
        %min3A_1012 = arith.minimumf %min3A_989, %max3A_1010 : vector<16xf32>
        %slice3A_1013 = vector.extract_strided_slice %get3A_655 {offsets = [15], sizes = [1], strides = [1]} : vector<16xf32> to vector<1xf32>
        %squeeze3A_1014 = vector.extract %slice3A_1013[0] : f32 from vector<1xf32>
        %mul3A_1015 = vector.broadcast %squeeze3A_1014 : f32 to vector<16xf32>
        %mul3A_1016 = arith.mulf %mul3A_98, %mul3A_1015 : vector<16xf32>
        %slice3A_1017 = vector.extract_strided_slice %get3A_659 {offsets = [15], sizes = [1], strides = [1]} : vector<16xf32> to vector<1xf32>
        %squeeze3A_1018 = vector.extract %slice3A_1017[0] : f32 from vector<1xf32>
        %mul3A_1019 = vector.broadcast %squeeze3A_1018 : f32 to vector<16xf32>
        %mul3A_1020 = arith.mulf %mul3A_101, %mul3A_1019 : vector<16xf32>
        %add3A_1021 = arith.addf %mul3A_1016, %mul3A_1020 : vector<16xf32>
        %slice3A_1022 = vector.extract_strided_slice %get3A_663 {offsets = [15], sizes = [1], strides = [1]} : vector<16xf32> to vector<1xf32>
        %squeeze3A_1023 = vector.extract %slice3A_1022[0] : f32 from vector<1xf32>
        %mul3A_1024 = vector.broadcast %squeeze3A_1023 : f32 to vector<16xf32>
        %mul3A_1025 = arith.mulf %mul3A_104, %mul3A_1024 : vector<16xf32>
        %add3A_1026 = arith.addf %add3A_1021, %mul3A_1025 : vector<16xf32>
        %slice3A_1027 = vector.extract_strided_slice %get3A_667 {offsets = [15], sizes = [1], strides = [1]} : vector<16xf32> to vector<1xf32>
        %squeeze3A_1028 = vector.extract %slice3A_1027[0] : f32 from vector<1xf32>
        %add3A_1029 = vector.broadcast %squeeze3A_1028 : f32 to vector<16xf32>
        %add3A_1030 = arith.addf %add3A_1026, %add3A_1029 : vector<16xf32>
        %max3A_1031 = arith.maximumf %min3A_1009, %add3A_1030 : vector<16xf32>
        %min3A_1032 = arith.minimumf %min3A_1009, %add3A_1030 : vector<16xf32>
        %max3A_1033 = arith.maximumf %min3A_1011, %max3A_1031 : vector<16xf32>
        %min3A_1034 = arith.minimumf %min3A_1011, %max3A_1031 : vector<16xf32>
        %min3A_1035 = arith.minimumf %min3A_1012, %max3A_1033 : vector<16xf32>
        scf.yield %min3A_1032, %min3A_1034, %min3A_1035 : vector<16xf32>, vector<16xf32>, vector<16xf32>
      }
      %while3A_152 = arith.constant 1 : i32
      %while3A_153:3 = scf.for %while3A_648 = %while3A_149 to %while3A_145 step %while3A_152 iter_args(%while3A_649 = %while3A_151#0, %while3A_650 = %while3A_151#1, %while3A_651 = %while3A_151#2) -> (vector<16xf32>, vector<16xf32>, vector<16xf32>)  : i32 {
        %mul3A_652 = arith.constant 16 : i32
        %mul3A_653 = arith.muli %while3A_648, %mul3A_652 : i32
        %get3A_654 = arith.index_cast %mul3A_653 : i32 to index
        %get3A_655 = tpu.vector_load %arg5[%get3A_654] {strides = array<i32>} : memref<4096xf32, #tpu.memory_space<vmem>>, vector<16xf32>,
        %mul3A_656 = arith.constant 16 : i32
        %mul3A_657 = arith.muli %while3A_648, %mul3A_656 : i32
        %get3A_658 = arith.index_cast %mul3A_657 : i32 to index
        %get3A_659 = tpu.vector_load %arg6[%get3A_658] {strides = array<i32>} : memref<4096xf32, #tpu.memory_space<vmem>>, vector<16xf32>,
        %mul3A_660 = arith.constant 16 : i32
        %mul3A_661 = arith.muli %while3A_648, %mul3A_660 : i32
        %get3A_662 = arith.index_cast %mul3A_661 : i32 to index
        %get3A_663 = tpu.vector_load %arg7[%get3A_662] {strides = array<i32>} : memref<4096xf32, #tpu.memory_space<vmem>>, vector<16xf32>,
        %mul3A_664 = arith.constant 16 : i32
        %mul3A_665 = arith.muli %while3A_648, %mul3A_664 : i32
        %get3A_666 = arith.index_cast %mul3A_665 : i32 to index
        %get3A_667 = tpu.vector_load %arg8[%get3A_666] {strides = array<i32>} : memref<4096xf32, #tpu.memory_space<vmem>>, vector<16xf32>,
        %slice3A_668 = vector.extract_strided_slice %get3A_655 {offsets = [0], sizes = [1], strides = [1]} : vector<16xf32> to vector<1xf32>
        %squeeze3A_669 = vector.extract %slice3A_668[0] : f32 from vector<1xf32>
        %mul3A_670 = vector.broadcast %squeeze3A_669 : f32 to vector<16xf32>
        %mul3A_671 = arith.mulf %mul3A_98, %mul3A_670 : vector<16xf32>
        %slice3A_672 = vector.extract_strided_slice %get3A_659 {offsets = [0], sizes = [1], strides = [1]} : vector<16xf32> to vector<1xf32>
        %squeeze3A_673 = vector.extract %slice3A_672[0] : f32 from vector<1xf32>
        %mul3A_674 = vector.broadcast %squeeze3A_673 : f32 to vector<16xf32>
        %mul3A_675 = arith.mulf %mul3A_101, %mul3A_674 : vector<16xf32>
        %add3A_676 = arith.addf %mul3A_671, %mul3A_675 : vector<16xf32>
        %slice3A_677 = vector.extract_strided_slice %get3A_663 {offsets = [0], sizes = [1], strides = [1]} : vector<16xf32> to vector<1xf32>
        %squeeze3A_678 = vector.extract %slice3A_677[0] : f32 from vector<1xf32>
        %mul3A_679 = vector.broadcast %squeeze3A_678 : f32 to vector<16xf32>
        %mul3A_680 = arith.mulf %mul3A_104, %mul3A_679 : vector<16xf32>
        %add3A_681 = arith.addf %add3A_676, %mul3A_680 : vector<16xf32>
        %slice3A_682 = vector.extract_strided_slice %get3A_667 {offsets = [0], sizes = [1], strides = [1]} : vector<16xf32> to vector<1xf32>
        %squeeze3A_683 = vector.extract %slice3A_682[0] : f32 from vector<1xf32>
        %add3A_684 = vector.broadcast %squeeze3A_683 : f32 to vector<16xf32>
        %add3A_685 = arith.addf %add3A_681, %add3A_684 : vector<16xf32>
        %max3A_686 = arith.maximumf %while3A_649, %add3A_685 : vector<16xf32>
        %min3A_687 = arith.minimumf %while3A_649, %add3A_685 : vector<16xf32>
        %max3A_688 = arith.maximumf %while3A_650, %max3A_686 : vector<16xf32>
        %min3A_689 = arith.minimumf %while3A_650, %max3A_686 : vector<16xf32>
        %min3A_690 = arith.minimumf %while3A_651, %max3A_688 : vector<16xf32>
        %slice3A_691 = vector.extract_strided_slice %get3A_655 {offsets = [1], sizes = [1], strides = [1]} : vector<16xf32> to vector<1xf32>
        %squeeze3A_692 = vector.extract %slice3A_691[0] : f32 from vector<1xf32>
        %mul3A_693 = vector.broadcast %squeeze3A_692 : f32 to vector<16xf32>
        %mul3A_694 = arith.mulf %mul3A_98, %mul3A_693 : vector<16xf32>
        %slice3A_695 = vector.extract_strided_slice %get3A_659 {offsets = [1], sizes = [1], strides = [1]} : vector<16xf32> to vector<1xf32>
        %squeeze3A_696 = vector.extract %slice3A_695[0] : f32 from vector<1xf32>
        %mul3A_697 = vector.broadcast %squeeze3A_696 : f32 to vector<16xf32>
        %mul3A_698 = arith.mulf %mul3A_101, %mul3A_697 : vector<16xf32>
        %add3A_699 = arith.addf %mul3A_694, %mul3A_698 : vector<16xf32>
        %slice3A_700 = vector.extract_strided_slice %get3A_663 {offsets = [1], sizes = [1], strides = [1]} : vector<16xf32> to vector<1xf32>
        %squeeze3A_701 = vector.extract %slice3A_700[0] : f32 from vector<1xf32>
        %mul3A_702 = vector.broadcast %squeeze3A_701 : f32 to vector<16xf32>
        %mul3A_703 = arith.mulf %mul3A_104, %mul3A_702 : vector<16xf32>
        %add3A_704 = arith.addf %add3A_699, %mul3A_703 : vector<16xf32>
        %slice3A_705 = vector.extract_strided_slice %get3A_667 {offsets = [1], sizes = [1], strides = [1]} : vector<16xf32> to vector<1xf32>
        %squeeze3A_706 = vector.extract %slice3A_705[0] : f32 from vector<1xf32>
        %add3A_707 = vector.broadcast %squeeze3A_706 : f32 to vector<16xf32>
        %add3A_708 = arith.addf %add3A_704, %add3A_707 : vector<16xf32>
        %max3A_709 = arith.maximumf %min3A_687, %add3A_708 : vector<16xf32>
        %min3A_710 = arith.minimumf %min3A_687, %add3A_708 : vector<16xf32>
        %max3A_711 = arith.maximumf %min3A_689, %max3A_709 : vector<16xf32>
        %min3A_712 = arith.minimumf %min3A_689, %max3A_709 : vector<16xf32>
        %min3A_713 = arith.minimumf %min3A_690, %max3A_711 : vector<16xf32>
        %slice3A_714 = vector.extract_strided_slice %get3A_655 {offsets = [2], sizes = [1], strides = [1]} : vector<16xf32> to vector<1xf32>
        %squeeze3A_715 = vector.extract %slice3A_714[0] : f32 from vector<1xf32>
        %mul3A_716 = vector.broadcast %squeeze3A_715 : f32 to vector<16xf32>
        %mul3A_717 = arith.mulf %mul3A_98, %mul3A_716 : vector<16xf32>
        %slice3A_718 = vector.extract_strided_slice %get3A_659 {offsets = [2], sizes = [1], strides = [1]} : vector<16xf32> to vector<1xf32>
        %squeeze3A_719 = vector.extract %slice3A_718[0] : f32 from vector<1xf32>
        %mul3A_720 = vector.broadcast %squeeze3A_719 : f32 to vector<16xf32>
        %mul3A_721 = arith.mulf %mul3A_101, %mul3A_720 : vector<16xf32>
        %add3A_722 = arith.addf %mul3A_717, %mul3A_721 : vector<16xf32>
        %slice3A_723 = vector.extract_strided_slice %get3A_663 {offsets = [2], sizes = [1], strides = [1]} : vector<16xf32> to vector<1xf32>
        %squeeze3A_724 = vector.extract %slice3A_723[0] : f32 from vector<1xf32>
        %mul3A_725 = vector.broadcast %squeeze3A_724 : f32 to vector<16xf32>
        %mul3A_726 = arith.mulf %mul3A_104, %mul3A_725 : vector<16xf32>
        %add3A_727 = arith.addf %add3A_722, %mul3A_726 : vector<16xf32>
        %slice3A_728 = vector.extract_strided_slice %get3A_667 {offsets = [2], sizes = [1], strides = [1]} : vector<16xf32> to vector<1xf32>
        %squeeze3A_729 = vector.extract %slice3A_728[0] : f32 from vector<1xf32>
        %add3A_730 = vector.broadcast %squeeze3A_729 : f32 to vector<16xf32>
        %add3A_731 = arith.addf %add3A_727, %add3A_730 : vector<16xf32>
        %max3A_732 = arith.maximumf %min3A_710, %add3A_731 : vector<16xf32>
        %min3A_733 = arith.minimumf %min3A_710, %add3A_731 : vector<16xf32>
        %max3A_734 = arith.maximumf %min3A_712, %max3A_732 : vector<16xf32>
        %min3A_735 = arith.minimumf %min3A_712, %max3A_732 : vector<16xf32>
        %min3A_736 = arith.minimumf %min3A_713, %max3A_734 : vector<16xf32>
        %slice3A_737 = vector.extract_strided_slice %get3A_655 {offsets = [3], sizes = [1], strides = [1]} : vector<16xf32> to vector<1xf32>
        %squeeze3A_738 = vector.extract %slice3A_737[0] : f32 from vector<1xf32>
        %mul3A_739 = vector.broadcast %squeeze3A_738 : f32 to vector<16xf32>
        %mul3A_740 = arith.mulf %mul3A_98, %mul3A_739 : vector<16xf32>
        %slice3A_741 = vector.extract_strided_slice %get3A_659 {offsets = [3], sizes = [1], strides = [1]} : vector<16xf32> to vector<1xf32>
        %squeeze3A_742 = vector.extract %slice3A_741[0] : f32 from vector<1xf32>
        %mul3A_743 = vector.broadcast %squeeze3A_742 : f32 to vector<16xf32>
        %mul3A_744 = arith.mulf %mul3A_101, %mul3A_743 : vector<16xf32>
        %add3A_745 = arith.addf %mul3A_740, %mul3A_744 : vector<16xf32>
        %slice3A_746 = vector.extract_strided_slice %get3A_663 {offsets = [3], sizes = [1], strides = [1]} : vector<16xf32> to vector<1xf32>
        %squeeze3A_747 = vector.extract %slice3A_746[0] : f32 from vector<1xf32>
        %mul3A_748 = vector.broadcast %squeeze3A_747 : f32 to vector<16xf32>
        %mul3A_749 = arith.mulf %mul3A_104, %mul3A_748 : vector<16xf32>
        %add3A_750 = arith.addf %add3A_745, %mul3A_749 : vector<16xf32>
        %slice3A_751 = vector.extract_strided_slice %get3A_667 {offsets = [3], sizes = [1], strides = [1]} : vector<16xf32> to vector<1xf32>
        %squeeze3A_752 = vector.extract %slice3A_751[0] : f32 from vector<1xf32>
        %add3A_753 = vector.broadcast %squeeze3A_752 : f32 to vector<16xf32>
        %add3A_754 = arith.addf %add3A_750, %add3A_753 : vector<16xf32>
        %max3A_755 = arith.maximumf %min3A_733, %add3A_754 : vector<16xf32>
        %min3A_756 = arith.minimumf %min3A_733, %add3A_754 : vector<16xf32>
        %max3A_757 = arith.maximumf %min3A_735, %max3A_755 : vector<16xf32>
        %min3A_758 = arith.minimumf %min3A_735, %max3A_755 : vector<16xf32>
        %min3A_759 = arith.minimumf %min3A_736, %max3A_757 : vector<16xf32>
        %slice3A_760 = vector.extract_strided_slice %get3A_655 {offsets = [4], sizes = [1], strides = [1]} : vector<16xf32> to vector<1xf32>
        %squeeze3A_761 = vector.extract %slice3A_760[0] : f32 from vector<1xf32>
        %mul3A_762 = vector.broadcast %squeeze3A_761 : f32 to vector<16xf32>
        %mul3A_763 = arith.mulf %mul3A_98, %mul3A_762 : vector<16xf32>
        %slice3A_764 = vector.extract_strided_slice %get3A_659 {offsets = [4], sizes = [1], strides = [1]} : vector<16xf32> to vector<1xf32>
        %squeeze3A_765 = vector.extract %slice3A_764[0] : f32 from vector<1xf32>
        %mul3A_766 = vector.broadcast %squeeze3A_765 : f32 to vector<16xf32>
        %mul3A_767 = arith.mulf %mul3A_101, %mul3A_766 : vector<16xf32>
        %add3A_768 = arith.addf %mul3A_763, %mul3A_767 : vector<16xf32>
        %slice3A_769 = vector.extract_strided_slice %get3A_663 {offsets = [4], sizes = [1], strides = [1]} : vector<16xf32> to vector<1xf32>
        %squeeze3A_770 = vector.extract %slice3A_769[0] : f32 from vector<1xf32>
        %mul3A_771 = vector.broadcast %squeeze3A_770 : f32 to vector<16xf32>
        %mul3A_772 = arith.mulf %mul3A_104, %mul3A_771 : vector<16xf32>
        %add3A_773 = arith.addf %add3A_768, %mul3A_772 : vector<16xf32>
        %slice3A_774 = vector.extract_strided_slice %get3A_667 {offsets = [4], sizes = [1], strides = [1]} : vector<16xf32> to vector<1xf32>
        %squeeze3A_775 = vector.extract %slice3A_774[0] : f32 from vector<1xf32>
        %add3A_776 = vector.broadcast %squeeze3A_775 : f32 to vector<16xf32>
        %add3A_777 = arith.addf %add3A_773, %add3A_776 : vector<16xf32>
        %max3A_778 = arith.maximumf %min3A_756, %add3A_777 : vector<16xf32>
        %min3A_779 = arith.minimumf %min3A_756, %add3A_777 : vector<16xf32>
        %max3A_780 = arith.maximumf %min3A_758, %max3A_778 : vector<16xf32>
        %min3A_781 = arith.minimumf %min3A_758, %max3A_778 : vector<16xf32>
        %min3A_782 = arith.minimumf %min3A_759, %max3A_780 : vector<16xf32>
        %slice3A_783 = vector.extract_strided_slice %get3A_655 {offsets = [5], sizes = [1], strides = [1]} : vector<16xf32> to vector<1xf32>
        %squeeze3A_784 = vector.extract %slice3A_783[0] : f32 from vector<1xf32>
        %mul3A_785 = vector.broadcast %squeeze3A_784 : f32 to vector<16xf32>
        %mul3A_786 = arith.mulf %mul3A_98, %mul3A_785 : vector<16xf32>
        %slice3A_787 = vector.extract_strided_slice %get3A_659 {offsets = [5], sizes = [1], strides = [1]} : vector<16xf32> to vector<1xf32>
        %squeeze3A_788 = vector.extract %slice3A_787[0] : f32 from vector<1xf32>
        %mul3A_789 = vector.broadcast %squeeze3A_788 : f32 to vector<16xf32>
        %mul3A_790 = arith.mulf %mul3A_101, %mul3A_789 : vector<16xf32>
        %add3A_791 = arith.addf %mul3A_786, %mul3A_790 : vector<16xf32>
        %slice3A_792 = vector.extract_strided_slice %get3A_663 {offsets = [5], sizes = [1], strides = [1]} : vector<16xf32> to vector<1xf32>
        %squeeze3A_793 = vector.extract %slice3A_792[0] : f32 from vector<1xf32>
        %mul3A_794 = vector.broadcast %squeeze3A_793 : f32 to vector<16xf32>
        %mul3A_795 = arith.mulf %mul3A_104, %mul3A_794 : vector<16xf32>
        %add3A_796 = arith.addf %add3A_791, %mul3A_795 : vector<16xf32>
        %slice3A_797 = vector.extract_strided_slice %get3A_667 {offsets = [5], sizes = [1], strides = [1]} : vector<16xf32> to vector<1xf32>
        %squeeze3A_798 = vector.extract %slice3A_797[0] : f32 from vector<1xf32>
        %add3A_799 = vector.broadcast %squeeze3A_798 : f32 to vector<16xf32>
        %add3A_800 = arith.addf %add3A_796, %add3A_799 : vector<16xf32>
        %max3A_801 = arith.maximumf %min3A_779, %add3A_800 : vector<16xf32>
        %min3A_802 = arith.minimumf %min3A_779, %add3A_800 : vector<16xf32>
        %max3A_803 = arith.maximumf %min3A_781, %max3A_801 : vector<16xf32>
        %min3A_804 = arith.minimumf %min3A_781, %max3A_801 : vector<16xf32>
        %min3A_805 = arith.minimumf %min3A_782, %max3A_803 : vector<16xf32>
        %slice3A_806 = vector.extract_strided_slice %get3A_655 {offsets = [6], sizes = [1], strides = [1]} : vector<16xf32> to vector<1xf32>
        %squeeze3A_807 = vector.extract %slice3A_806[0] : f32 from vector<1xf32>
        %mul3A_808 = vector.broadcast %squeeze3A_807 : f32 to vector<16xf32>
        %mul3A_809 = arith.mulf %mul3A_98, %mul3A_808 : vector<16xf32>
        %slice3A_810 = vector.extract_strided_slice %get3A_659 {offsets = [6], sizes = [1], strides = [1]} : vector<16xf32> to vector<1xf32>
        %squeeze3A_811 = vector.extract %slice3A_810[0] : f32 from vector<1xf32>
        %mul3A_812 = vector.broadcast %squeeze3A_811 : f32 to vector<16xf32>
        %mul3A_813 = arith.mulf %mul3A_101, %mul3A_812 : vector<16xf32>
        %add3A_814 = arith.addf %mul3A_809, %mul3A_813 : vector<16xf32>
        %slice3A_815 = vector.extract_strided_slice %get3A_663 {offsets = [6], sizes = [1], strides = [1]} : vector<16xf32> to vector<1xf32>
        %squeeze3A_816 = vector.extract %slice3A_815[0] : f32 from vector<1xf32>
        %mul3A_817 = vector.broadcast %squeeze3A_816 : f32 to vector<16xf32>
        %mul3A_818 = arith.mulf %mul3A_104, %mul3A_817 : vector<16xf32>
        %add3A_819 = arith.addf %add3A_814, %mul3A_818 : vector<16xf32>
        %slice3A_820 = vector.extract_strided_slice %get3A_667 {offsets = [6], sizes = [1], strides = [1]} : vector<16xf32> to vector<1xf32>
        %squeeze3A_821 = vector.extract %slice3A_820[0] : f32 from vector<1xf32>
        %add3A_822 = vector.broadcast %squeeze3A_821 : f32 to vector<16xf32>
        %add3A_823 = arith.addf %add3A_819, %add3A_822 : vector<16xf32>
        %max3A_824 = arith.maximumf %min3A_802, %add3A_823 : vector<16xf32>
        %min3A_825 = arith.minimumf %min3A_802, %add3A_823 : vector<16xf32>
        %max3A_826 = arith.maximumf %min3A_804, %max3A_824 : vector<16xf32>
        %min3A_827 = arith.minimumf %min3A_804, %max3A_824 : vector<16xf32>
        %min3A_828 = arith.minimumf %min3A_805, %max3A_826 : vector<16xf32>
        %slice3A_829 = vector.extract_strided_slice %get3A_655 {offsets = [7], sizes = [1], strides = [1]} : vector<16xf32> to vector<1xf32>
        %squeeze3A_830 = vector.extract %slice3A_829[0] : f32 from vector<1xf32>
        %mul3A_831 = vector.broadcast %squeeze3A_830 : f32 to vector<16xf32>
        %mul3A_832 = arith.mulf %mul3A_98, %mul3A_831 : vector<16xf32>
        %slice3A_833 = vector.extract_strided_slice %get3A_659 {offsets = [7], sizes = [1], strides = [1]} : vector<16xf32> to vector<1xf32>
        %squeeze3A_834 = vector.extract %slice3A_833[0] : f32 from vector<1xf32>
        %mul3A_835 = vector.broadcast %squeeze3A_834 : f32 to vector<16xf32>
        %mul3A_836 = arith.mulf %mul3A_101, %mul3A_835 : vector<16xf32>
        %add3A_837 = arith.addf %mul3A_832, %mul3A_836 : vector<16xf32>
        %slice3A_838 = vector.extract_strided_slice %get3A_663 {offsets = [7], sizes = [1], strides = [1]} : vector<16xf32> to vector<1xf32>
        %squeeze3A_839 = vector.extract %slice3A_838[0] : f32 from vector<1xf32>
        %mul3A_840 = vector.broadcast %squeeze3A_839 : f32 to vector<16xf32>
        %mul3A_841 = arith.mulf %mul3A_104, %mul3A_840 : vector<16xf32>
        %add3A_842 = arith.addf %add3A_837, %mul3A_841 : vector<16xf32>
        %slice3A_843 = vector.extract_strided_slice %get3A_667 {offsets = [7], sizes = [1], strides = [1]} : vector<16xf32> to vector<1xf32>
        %squeeze3A_844 = vector.extract %slice3A_843[0] : f32 from vector<1xf32>
        %add3A_845 = vector.broadcast %squeeze3A_844 : f32 to vector<16xf32>
        %add3A_846 = arith.addf %add3A_842, %add3A_845 : vector<16xf32>
        %max3A_847 = arith.maximumf %min3A_825, %add3A_846 : vector<16xf32>
        %min3A_848 = arith.minimumf %min3A_825, %add3A_846 : vector<16xf32>
        %max3A_849 = arith.maximumf %min3A_827, %max3A_847 : vector<16xf32>
        %min3A_850 = arith.minimumf %min3A_827, %max3A_847 : vector<16xf32>
        %min3A_851 = arith.minimumf %min3A_828, %max3A_849 : vector<16xf32>
        %slice3A_852 = vector.extract_strided_slice %get3A_655 {offsets = [8], sizes = [1], strides = [1]} : vector<16xf32> to vector<1xf32>
        %squeeze3A_853 = vector.extract %slice3A_852[0] : f32 from vector<1xf32>
        %mul3A_854 = vector.broadcast %squeeze3A_853 : f32 to vector<16xf32>
        %mul3A_855 = arith.mulf %mul3A_98, %mul3A_854 : vector<16xf32>
        %slice3A_856 = vector.extract_strided_slice %get3A_659 {offsets = [8], sizes = [1], strides = [1]} : vector<16xf32> to vector<1xf32>
        %squeeze3A_857 = vector.extract %slice3A_856[0] : f32 from vector<1xf32>
        %mul3A_858 = vector.broadcast %squeeze3A_857 : f32 to vector<16xf32>
        %mul3A_859 = arith.mulf %mul3A_101, %mul3A_858 : vector<16xf32>
        %add3A_860 = arith.addf %mul3A_855, %mul3A_859 : vector<16xf32>
        %slice3A_861 = vector.extract_strided_slice %get3A_663 {offsets = [8], sizes = [1], strides = [1]} : vector<16xf32> to vector<1xf32>
        %squeeze3A_862 = vector.extract %slice3A_861[0] : f32 from vector<1xf32>
        %mul3A_863 = vector.broadcast %squeeze3A_862 : f32 to vector<16xf32>
        %mul3A_864 = arith.mulf %mul3A_104, %mul3A_863 : vector<16xf32>
        %add3A_865 = arith.addf %add3A_860, %mul3A_864 : vector<16xf32>
        %slice3A_866 = vector.extract_strided_slice %get3A_667 {offsets = [8], sizes = [1], strides = [1]} : vector<16xf32> to vector<1xf32>
        %squeeze3A_867 = vector.extract %slice3A_866[0] : f32 from vector<1xf32>
        %add3A_868 = vector.broadcast %squeeze3A_867 : f32 to vector<16xf32>
        %add3A_869 = arith.addf %add3A_865, %add3A_868 : vector<16xf32>
        %max3A_870 = arith.maximumf %min3A_848, %add3A_869 : vector<16xf32>
        %min3A_871 = arith.minimumf %min3A_848, %add3A_869 : vector<16xf32>
        %max3A_872 = arith.maximumf %min3A_850, %max3A_870 : vector<16xf32>
        %min3A_873 = arith.minimumf %min3A_850, %max3A_870 : vector<16xf32>
        %min3A_874 = arith.minimumf %min3A_851, %max3A_872 : vector<16xf32>
        %slice3A_875 = vector.extract_strided_slice %get3A_655 {offsets = [9], sizes = [1], strides = [1]} : vector<16xf32> to vector<1xf32>
        %squeeze3A_876 = vector.extract %slice3A_875[0] : f32 from vector<1xf32>
        %mul3A_877 = vector.broadcast %squeeze3A_876 : f32 to vector<16xf32>
        %mul3A_878 = arith.mulf %mul3A_98, %mul3A_877 : vector<16xf32>
        %slice3A_879 = vector.extract_strided_slice %get3A_659 {offsets = [9], sizes = [1], strides = [1]} : vector<16xf32> to vector<1xf32>
        %squeeze3A_880 = vector.extract %slice3A_879[0] : f32 from vector<1xf32>
        %mul3A_881 = vector.broadcast %squeeze3A_880 : f32 to vector<16xf32>
        %mul3A_882 = arith.mulf %mul3A_101, %mul3A_881 : vector<16xf32>
        %add3A_883 = arith.addf %mul3A_878, %mul3A_882 : vector<16xf32>
        %slice3A_884 = vector.extract_strided_slice %get3A_663 {offsets = [9], sizes = [1], strides = [1]} : vector<16xf32> to vector<1xf32>
        %squeeze3A_885 = vector.extract %slice3A_884[0] : f32 from vector<1xf32>
        %mul3A_886 = vector.broadcast %squeeze3A_885 : f32 to vector<16xf32>
        %mul3A_887 = arith.mulf %mul3A_104, %mul3A_886 : vector<16xf32>
        %add3A_888 = arith.addf %add3A_883, %mul3A_887 : vector<16xf32>
        %slice3A_889 = vector.extract_strided_slice %get3A_667 {offsets = [9], sizes = [1], strides = [1]} : vector<16xf32> to vector<1xf32>
        %squeeze3A_890 = vector.extract %slice3A_889[0] : f32 from vector<1xf32>
        %add3A_891 = vector.broadcast %squeeze3A_890 : f32 to vector<16xf32>
        %add3A_892 = arith.addf %add3A_888, %add3A_891 : vector<16xf32>
        %max3A_893 = arith.maximumf %min3A_871, %add3A_892 : vector<16xf32>
        %min3A_894 = arith.minimumf %min3A_871, %add3A_892 : vector<16xf32>
        %max3A_895 = arith.maximumf %min3A_873, %max3A_893 : vector<16xf32>
        %min3A_896 = arith.minimumf %min3A_873, %max3A_893 : vector<16xf32>
        %min3A_897 = arith.minimumf %min3A_874, %max3A_895 : vector<16xf32>
        %slice3A_898 = vector.extract_strided_slice %get3A_655 {offsets = [10], sizes = [1], strides = [1]} : vector<16xf32> to vector<1xf32>
        %squeeze3A_899 = vector.extract %slice3A_898[0] : f32 from vector<1xf32>
        %mul3A_900 = vector.broadcast %squeeze3A_899 : f32 to vector<16xf32>
        %mul3A_901 = arith.mulf %mul3A_98, %mul3A_900 : vector<16xf32>
        %slice3A_902 = vector.extract_strided_slice %get3A_659 {offsets = [10], sizes = [1], strides = [1]} : vector<16xf32> to vector<1xf32>
        %squeeze3A_903 = vector.extract %slice3A_902[0] : f32 from vector<1xf32>
        %mul3A_904 = vector.broadcast %squeeze3A_903 : f32 to vector<16xf32>
        %mul3A_905 = arith.mulf %mul3A_101, %mul3A_904 : vector<16xf32>
        %add3A_906 = arith.addf %mul3A_901, %mul3A_905 : vector<16xf32>
        %slice3A_907 = vector.extract_strided_slice %get3A_663 {offsets = [10], sizes = [1], strides = [1]} : vector<16xf32> to vector<1xf32>
        %squeeze3A_908 = vector.extract %slice3A_907[0] : f32 from vector<1xf32>
        %mul3A_909 = vector.broadcast %squeeze3A_908 : f32 to vector<16xf32>
        %mul3A_910 = arith.mulf %mul3A_104, %mul3A_909 : vector<16xf32>
        %add3A_911 = arith.addf %add3A_906, %mul3A_910 : vector<16xf32>
        %slice3A_912 = vector.extract_strided_slice %get3A_667 {offsets = [10], sizes = [1], strides = [1]} : vector<16xf32> to vector<1xf32>
        %squeeze3A_913 = vector.extract %slice3A_912[0] : f32 from vector<1xf32>
        %add3A_914 = vector.broadcast %squeeze3A_913 : f32 to vector<16xf32>
        %add3A_915 = arith.addf %add3A_911, %add3A_914 : vector<16xf32>
        %max3A_916 = arith.maximumf %min3A_894, %add3A_915 : vector<16xf32>
        %min3A_917 = arith.minimumf %min3A_894, %add3A_915 : vector<16xf32>
        %max3A_918 = arith.maximumf %min3A_896, %max3A_916 : vector<16xf32>
        %min3A_919 = arith.minimumf %min3A_896, %max3A_916 : vector<16xf32>
        %min3A_920 = arith.minimumf %min3A_897, %max3A_918 : vector<16xf32>
        %slice3A_921 = vector.extract_strided_slice %get3A_655 {offsets = [11], sizes = [1], strides = [1]} : vector<16xf32> to vector<1xf32>
        %squeeze3A_922 = vector.extract %slice3A_921[0] : f32 from vector<1xf32>
        %mul3A_923 = vector.broadcast %squeeze3A_922 : f32 to vector<16xf32>
        %mul3A_924 = arith.mulf %mul3A_98, %mul3A_923 : vector<16xf32>
        %slice3A_925 = vector.extract_strided_slice %get3A_659 {offsets = [11], sizes = [1], strides = [1]} : vector<16xf32> to vector<1xf32>
        %squeeze3A_926 = vector.extract %slice3A_925[0] : f32 from vector<1xf32>
        %mul3A_927 = vector.broadcast %squeeze3A_926 : f32 to vector<16xf32>
        %mul3A_928 = arith.mulf %mul3A_101, %mul3A_927 : vector<16xf32>
        %add3A_929 = arith.addf %mul3A_924, %mul3A_928 : vector<16xf32>
        %slice3A_930 = vector.extract_strided_slice %get3A_663 {offsets = [11], sizes = [1], strides = [1]} : vector<16xf32> to vector<1xf32>
        %squeeze3A_931 = vector.extract %slice3A_930[0] : f32 from vector<1xf32>
        %mul3A_932 = vector.broadcast %squeeze3A_931 : f32 to vector<16xf32>
        %mul3A_933 = arith.mulf %mul3A_104, %mul3A_932 : vector<16xf32>
        %add3A_934 = arith.addf %add3A_929, %mul3A_933 : vector<16xf32>
        %slice3A_935 = vector.extract_strided_slice %get3A_667 {offsets = [11], sizes = [1], strides = [1]} : vector<16xf32> to vector<1xf32>
        %squeeze3A_936 = vector.extract %slice3A_935[0] : f32 from vector<1xf32>
        %add3A_937 = vector.broadcast %squeeze3A_936 : f32 to vector<16xf32>
        %add3A_938 = arith.addf %add3A_934, %add3A_937 : vector<16xf32>
        %max3A_939 = arith.maximumf %min3A_917, %add3A_938 : vector<16xf32>
        %min3A_940 = arith.minimumf %min3A_917, %add3A_938 : vector<16xf32>
        %max3A_941 = arith.maximumf %min3A_919, %max3A_939 : vector<16xf32>
        %min3A_942 = arith.minimumf %min3A_919, %max3A_939 : vector<16xf32>
        %min3A_943 = arith.minimumf %min3A_920, %max3A_941 : vector<16xf32>
        %slice3A_944 = vector.extract_strided_slice %get3A_655 {offsets = [12], sizes = [1], strides = [1]} : vector<16xf32> to vector<1xf32>
        %squeeze3A_945 = vector.extract %slice3A_944[0] : f32 from vector<1xf32>
        %mul3A_946 = vector.broadcast %squeeze3A_945 : f32 to vector<16xf32>
        %mul3A_947 = arith.mulf %mul3A_98, %mul3A_946 : vector<16xf32>
        %slice3A_948 = vector.extract_strided_slice %get3A_659 {offsets = [12], sizes = [1], strides = [1]} : vector<16xf32> to vector<1xf32>
        %squeeze3A_949 = vector.extract %slice3A_948[0] : f32 from vector<1xf32>
        %mul3A_950 = vector.broadcast %squeeze3A_949 : f32 to vector<16xf32>
        %mul3A_951 = arith.mulf %mul3A_101, %mul3A_950 : vector<16xf32>
        %add3A_952 = arith.addf %mul3A_947, %mul3A_951 : vector<16xf32>
        %slice3A_953 = vector.extract_strided_slice %get3A_663 {offsets = [12], sizes = [1], strides = [1]} : vector<16xf32> to vector<1xf32>
        %squeeze3A_954 = vector.extract %slice3A_953[0] : f32 from vector<1xf32>
        %mul3A_955 = vector.broadcast %squeeze3A_954 : f32 to vector<16xf32>
        %mul3A_956 = arith.mulf %mul3A_104, %mul3A_955 : vector<16xf32>
        %add3A_957 = arith.addf %add3A_952, %mul3A_956 : vector<16xf32>
        %slice3A_958 = vector.extract_strided_slice %get3A_667 {offsets = [12], sizes = [1], strides = [1]} : vector<16xf32> to vector<1xf32>
        %squeeze3A_959 = vector.extract %slice3A_958[0] : f32 from vector<1xf32>
        %add3A_960 = vector.broadcast %squeeze3A_959 : f32 to vector<16xf32>
        %add3A_961 = arith.addf %add3A_957, %add3A_960 : vector<16xf32>
        %max3A_962 = arith.maximumf %min3A_940, %add3A_961 : vector<16xf32>
        %min3A_963 = arith.minimumf %min3A_940, %add3A_961 : vector<16xf32>
        %max3A_964 = arith.maximumf %min3A_942, %max3A_962 : vector<16xf32>
        %min3A_965 = arith.minimumf %min3A_942, %max3A_962 : vector<16xf32>
        %min3A_966 = arith.minimumf %min3A_943, %max3A_964 : vector<16xf32>
        %slice3A_967 = vector.extract_strided_slice %get3A_655 {offsets = [13], sizes = [1], strides = [1]} : vector<16xf32> to vector<1xf32>
        %squeeze3A_968 = vector.extract %slice3A_967[0] : f32 from vector<1xf32>
        %mul3A_969 = vector.broadcast %squeeze3A_968 : f32 to vector<16xf32>
        %mul3A_970 = arith.mulf %mul3A_98, %mul3A_969 : vector<16xf32>
        %slice3A_971 = vector.extract_strided_slice %get3A_659 {offsets = [13], sizes = [1], strides = [1]} : vector<16xf32> to vector<1xf32>
        %squeeze3A_972 = vector.extract %slice3A_971[0] : f32 from vector<1xf32>
        %mul3A_973 = vector.broadcast %squeeze3A_972 : f32 to vector<16xf32>
        %mul3A_974 = arith.mulf %mul3A_101, %mul3A_973 : vector<16xf32>
        %add3A_975 = arith.addf %mul3A_970, %mul3A_974 : vector<16xf32>
        %slice3A_976 = vector.extract_strided_slice %get3A_663 {offsets = [13], sizes = [1], strides = [1]} : vector<16xf32> to vector<1xf32>
        %squeeze3A_977 = vector.extract %slice3A_976[0] : f32 from vector<1xf32>
        %mul3A_978 = vector.broadcast %squeeze3A_977 : f32 to vector<16xf32>
        %mul3A_979 = arith.mulf %mul3A_104, %mul3A_978 : vector<16xf32>
        %add3A_980 = arith.addf %add3A_975, %mul3A_979 : vector<16xf32>
        %slice3A_981 = vector.extract_strided_slice %get3A_667 {offsets = [13], sizes = [1], strides = [1]} : vector<16xf32> to vector<1xf32>
        %squeeze3A_982 = vector.extract %slice3A_981[0] : f32 from vector<1xf32>
        %add3A_983 = vector.broadcast %squeeze3A_982 : f32 to vector<16xf32>
        %add3A_984 = arith.addf %add3A_980, %add3A_983 : vector<16xf32>
        %max3A_985 = arith.maximumf %min3A_963, %add3A_984 : vector<16xf32>
        %min3A_986 = arith.minimumf %min3A_963, %add3A_984 : vector<16xf32>
        %max3A_987 = arith.maximumf %min3A_965, %max3A_985 : vector<16xf32>
        %min3A_988 = arith.minimumf %min3A_965, %max3A_985 : vector<16xf32>
        %min3A_989 = arith.minimumf %min3A_966, %max3A_987 : vector<16xf32>
        %slice3A_990 = vector.extract_strided_slice %get3A_655 {offsets = [14], sizes = [1], strides = [1]} : vector<16xf32> to vector<1xf32>
        %squeeze3A_991 = vector.extract %slice3A_990[0] : f32 from vector<1xf32>
        %mul3A_992 = vector.broadcast %squeeze3A_991 : f32 to vector<16xf32>
        %mul3A_993 = arith.mulf %mul3A_98, %mul3A_992 : vector<16xf32>
        %slice3A_994 = vector.extract_strided_slice %get3A_659 {offsets = [14], sizes = [1], strides = [1]} : vector<16xf32> to vector<1xf32>
        %squeeze3A_995 = vector.extract %slice3A_994[0] : f32 from vector<1xf32>
        %mul3A_996 = vector.broadcast %squeeze3A_995 : f32 to vector<16xf32>
        %mul3A_997 = arith.mulf %mul3A_101, %mul3A_996 : vector<16xf32>
        %add3A_998 = arith.addf %mul3A_993, %mul3A_997 : vector<16xf32>
        %slice3A_999 = vector.extract_strided_slice %get3A_663 {offsets = [14], sizes = [1], strides = [1]} : vector<16xf32> to vector<1xf32>
        %squeeze3A_1000 = vector.extract %slice3A_999[0] : f32 from vector<1xf32>
        %mul3A_1001 = vector.broadcast %squeeze3A_1000 : f32 to vector<16xf32>
        %mul3A_1002 = arith.mulf %mul3A_104, %mul3A_1001 : vector<16xf32>
        %add3A_1003 = arith.addf %add3A_998, %mul3A_1002 : vector<16xf32>
        %slice3A_1004 = vector.extract_strided_slice %get3A_667 {offsets = [14], sizes = [1], strides = [1]} : vector<16xf32> to vector<1xf32>
        %squeeze3A_1005 = vector.extract %slice3A_1004[0] : f32 from vector<1xf32>
        %add3A_1006 = vector.broadcast %squeeze3A_1005 : f32 to vector<16xf32>
        %add3A_1007 = arith.addf %add3A_1003, %add3A_1006 : vector<16xf32>
        %max3A_1008 = arith.maximumf %min3A_986, %add3A_1007 : vector<16xf32>
        %min3A_1009 = arith.minimumf %min3A_986, %add3A_1007 : vector<16xf32>
        %max3A_1010 = arith.maximumf %min3A_988, %max3A_1008 : vector<16xf32>
        %min3A_1011 = arith.minimumf %min3A_988, %max3A_1008 : vector<16xf32>
        %min3A_1012 = arith.minimumf %min3A_989, %max3A_1010 : vector<16xf32>
        %slice3A_1013 = vector.extract_strided_slice %get3A_655 {offsets = [15], sizes = [1], strides = [1]} : vector<16xf32> to vector<1xf32>
        %squeeze3A_1014 = vector.extract %slice3A_1013[0] : f32 from vector<1xf32>
        %mul3A_1015 = vector.broadcast %squeeze3A_1014 : f32 to vector<16xf32>
        %mul3A_1016 = arith.mulf %mul3A_98, %mul3A_1015 : vector<16xf32>
        %slice3A_1017 = vector.extract_strided_slice %get3A_659 {offsets = [15], sizes = [1], strides = [1]} : vector<16xf32> to vector<1xf32>
        %squeeze3A_1018 = vector.extract %slice3A_1017[0] : f32 from vector<1xf32>
        %mul3A_1019 = vector.broadcast %squeeze3A_1018 : f32 to vector<16xf32>
        %mul3A_1020 = arith.mulf %mul3A_101, %mul3A_1019 : vector<16xf32>
        %add3A_1021 = arith.addf %mul3A_1016, %mul3A_1020 : vector<16xf32>
        %slice3A_1022 = vector.extract_strided_slice %get3A_663 {offsets = [15], sizes = [1], strides = [1]} : vector<16xf32> to vector<1xf32>
        %squeeze3A_1023 = vector.extract %slice3A_1022[0] : f32 from vector<1xf32>
        %mul3A_1024 = vector.broadcast %squeeze3A_1023 : f32 to vector<16xf32>
        %mul3A_1025 = arith.mulf %mul3A_104, %mul3A_1024 : vector<16xf32>
        %add3A_1026 = arith.addf %add3A_1021, %mul3A_1025 : vector<16xf32>
        %slice3A_1027 = vector.extract_strided_slice %get3A_667 {offsets = [15], sizes = [1], strides = [1]} : vector<16xf32> to vector<1xf32>
        %squeeze3A_1028 = vector.extract %slice3A_1027[0] : f32 from vector<1xf32>
        %add3A_1029 = vector.broadcast %squeeze3A_1028 : f32 to vector<16xf32>
        %add3A_1030 = arith.addf %add3A_1026, %add3A_1029 : vector<16xf32>
        %max3A_1031 = arith.maximumf %min3A_1009, %add3A_1030 : vector<16xf32>
        %min3A_1032 = arith.minimumf %min3A_1009, %add3A_1030 : vector<16xf32>
        %max3A_1033 = arith.maximumf %min3A_1011, %max3A_1031 : vector<16xf32>
        %min3A_1034 = arith.minimumf %min3A_1011, %max3A_1031 : vector<16xf32>
        %min3A_1035 = arith.minimumf %min3A_1012, %max3A_1033 : vector<16xf32>
        scf.yield %min3A_1032, %min3A_1034, %min3A_1035 : vector<16xf32>, vector<16xf32>, vector<16xf32>
      }
      %slice3A_154 = vector.extract_strided_slice %get3A_81 {offsets = [0], sizes = [1], strides = [1]} : vector<16xf32> to vector<1xf32>
      %squeeze3A_155 = vector.extract %slice3A_154[0] : f32 from vector<1xf32>
      %mul3A_156 = vector.broadcast %squeeze3A_155 : f32 to vector<16xf32>
      %mul3A_157 = arith.mulf %mul3A_98, %mul3A_156 : vector<16xf32>
      %slice3A_158 = vector.extract_strided_slice %get3A_83 {offsets = [0], sizes = [1], strides = [1]} : vector<16xf32> to vector<1xf32>
      %squeeze3A_159 = vector.extract %slice3A_158[0] : f32 from vector<1xf32>
      %mul3A_160 = vector.broadcast %squeeze3A_159 : f32 to vector<16xf32>
      %mul3A_161 = arith.mulf %mul3A_101, %mul3A_160 : vector<16xf32>
      %add3A_162 = arith.addf %mul3A_157, %mul3A_161 : vector<16xf32>
      %slice3A_163 = vector.extract_strided_slice %get3A_85 {offsets = [0], sizes = [1], strides = [1]} : vector<16xf32> to vector<1xf32>
      %squeeze3A_164 = vector.extract %slice3A_163[0] : f32 from vector<1xf32>
      %mul3A_165 = vector.broadcast %squeeze3A_164 : f32 to vector<16xf32>
      %mul3A_166 = arith.mulf %mul3A_104, %mul3A_165 : vector<16xf32>
      %add3A_167 = arith.addf %add3A_162, %mul3A_166 : vector<16xf32>
      %slice3A_168 = vector.extract_strided_slice %add3A_109 {offsets = [0], sizes = [1], strides = [1]} : vector<16xf32> to vector<1xf32>
      %squeeze3A_169 = vector.extract %slice3A_168[0] : f32 from vector<1xf32>
      %add3A_170 = vector.broadcast %squeeze3A_169 : f32 to vector<16xf32>
      %add3A_171 = arith.addf %add3A_167, %add3A_170 : vector<16xf32>
      %eq3A = arith.constant 0 : i32
      %eq3A_172 = vector.broadcast %eq3A : i32 to vector<16xi32>
      %eq3A_173 = arith.cmpi eq, %iota3A, %eq3A_172 : vector<16xi32>
      %jit3A = arith.constant 9.99999984E+17 : f32
      %broadcast_in_dim3A_174 = vector.broadcast %jit3A : f32 to vector<16xf32>
      %select_n3A = arith.select %eq3A_173, %broadcast_in_dim3A_174, %add3A_171 : vector<16xi1>, vector<16xf32>
      %max3A_175 = arith.maximumf %while3A_153#0, %select_n3A : vector<16xf32>
      %min3A_176 = arith.minimumf %while3A_153#0, %select_n3A : vector<16xf32>
      %max3A_177 = arith.maximumf %while3A_153#1, %max3A_175 : vector<16xf32>
      %min3A_178 = arith.minimumf %while3A_153#1, %max3A_175 : vector<16xf32>
      %min3A_179 = arith.minimumf %while3A_153#2, %max3A_177 : vector<16xf32>
      %slice3A_180 = vector.extract_strided_slice %get3A_81 {offsets = [1], sizes = [1], strides = [1]} : vector<16xf32> to vector<1xf32>
      %squeeze3A_181 = vector.extract %slice3A_180[0] : f32 from vector<1xf32>
      %mul3A_182 = vector.broadcast %squeeze3A_181 : f32 to vector<16xf32>
      %mul3A_183 = arith.mulf %mul3A_98, %mul3A_182 : vector<16xf32>
      %slice3A_184 = vector.extract_strided_slice %get3A_83 {offsets = [1], sizes = [1], strides = [1]} : vector<16xf32> to vector<1xf32>
      %squeeze3A_185 = vector.extract %slice3A_184[0] : f32 from vector<1xf32>
      %mul3A_186 = vector.broadcast %squeeze3A_185 : f32 to vector<16xf32>
      %mul3A_187 = arith.mulf %mul3A_101, %mul3A_186 : vector<16xf32>
      %add3A_188 = arith.addf %mul3A_183, %mul3A_187 : vector<16xf32>
      %slice3A_189 = vector.extract_strided_slice %get3A_85 {offsets = [1], sizes = [1], strides = [1]} : vector<16xf32> to vector<1xf32>
      %squeeze3A_190 = vector.extract %slice3A_189[0] : f32 from vector<1xf32>
      %mul3A_191 = vector.broadcast %squeeze3A_190 : f32 to vector<16xf32>
      %mul3A_192 = arith.mulf %mul3A_104, %mul3A_191 : vector<16xf32>
      %add3A_193 = arith.addf %add3A_188, %mul3A_192 : vector<16xf32>
      %slice3A_194 = vector.extract_strided_slice %add3A_109 {offsets = [1], sizes = [1], strides = [1]} : vector<16xf32> to vector<1xf32>
      %squeeze3A_195 = vector.extract %slice3A_194[0] : f32 from vector<1xf32>
      %add3A_196 = vector.broadcast %squeeze3A_195 : f32 to vector<16xf32>
      %add3A_197 = arith.addf %add3A_193, %add3A_196 : vector<16xf32>
      %eq3A_198 = arith.constant 1 : i32
      %eq3A_199 = vector.broadcast %eq3A_198 : i32 to vector<16xi32>
      %eq3A_200 = arith.cmpi eq, %iota3A, %eq3A_199 : vector<16xi32>
      %jit3A_201 = arith.constant 9.99999984E+17 : f32
      %broadcast_in_dim3A_202 = vector.broadcast %jit3A_201 : f32 to vector<16xf32>
      %select_n3A_203 = arith.select %eq3A_200, %broadcast_in_dim3A_202, %add3A_197 : vector<16xi1>, vector<16xf32>
      %max3A_204 = arith.maximumf %min3A_176, %select_n3A_203 : vector<16xf32>
      %min3A_205 = arith.minimumf %min3A_176, %select_n3A_203 : vector<16xf32>
      %max3A_206 = arith.maximumf %min3A_178, %max3A_204 : vector<16xf32>
      %min3A_207 = arith.minimumf %min3A_178, %max3A_204 : vector<16xf32>
      %min3A_208 = arith.minimumf %min3A_179, %max3A_206 : vector<16xf32>
      %slice3A_209 = vector.extract_strided_slice %get3A_81 {offsets = [2], sizes = [1], strides = [1]} : vector<16xf32> to vector<1xf32>
      %squeeze3A_210 = vector.extract %slice3A_209[0] : f32 from vector<1xf32>
      %mul3A_211 = vector.broadcast %squeeze3A_210 : f32 to vector<16xf32>
      %mul3A_212 = arith.mulf %mul3A_98, %mul3A_211 : vector<16xf32>
      %slice3A_213 = vector.extract_strided_slice %get3A_83 {offsets = [2], sizes = [1], strides = [1]} : vector<16xf32> to vector<1xf32>
      %squeeze3A_214 = vector.extract %slice3A_213[0] : f32 from vector<1xf32>
      %mul3A_215 = vector.broadcast %squeeze3A_214 : f32 to vector<16xf32>
      %mul3A_216 = arith.mulf %mul3A_101, %mul3A_215 : vector<16xf32>
      %add3A_217 = arith.addf %mul3A_212, %mul3A_216 : vector<16xf32>
      %slice3A_218 = vector.extract_strided_slice %get3A_85 {offsets = [2], sizes = [1], strides = [1]} : vector<16xf32> to vector<1xf32>
      %squeeze3A_219 = vector.extract %slice3A_218[0] : f32 from vector<1xf32>
      %mul3A_220 = vector.broadcast %squeeze3A_219 : f32 to vector<16xf32>
      %mul3A_221 = arith.mulf %mul3A_104, %mul3A_220 : vector<16xf32>
      %add3A_222 = arith.addf %add3A_217, %mul3A_221 : vector<16xf32>
      %slice3A_223 = vector.extract_strided_slice %add3A_109 {offsets = [2], sizes = [1], strides = [1]} : vector<16xf32> to vector<1xf32>
      %squeeze3A_224 = vector.extract %slice3A_223[0] : f32 from vector<1xf32>
      %add3A_225 = vector.broadcast %squeeze3A_224 : f32 to vector<16xf32>
      %add3A_226 = arith.addf %add3A_222, %add3A_225 : vector<16xf32>
      %eq3A_227 = arith.constant 2 : i32
      %eq3A_228 = vector.broadcast %eq3A_227 : i32 to vector<16xi32>
      %eq3A_229 = arith.cmpi eq, %iota3A, %eq3A_228 : vector<16xi32>
      %jit3A_230 = arith.constant 9.99999984E+17 : f32
      %broadcast_in_dim3A_231 = vector.broadcast %jit3A_230 : f32 to vector<16xf32>
      %select_n3A_232 = arith.select %eq3A_229, %broadcast_in_dim3A_231, %add3A_226 : vector<16xi1>, vector<16xf32>
      %max3A_233 = arith.maximumf %min3A_205, %select_n3A_232 : vector<16xf32>
      %min3A_234 = arith.minimumf %min3A_205, %select_n3A_232 : vector<16xf32>
      %max3A_235 = arith.maximumf %min3A_207, %max3A_233 : vector<16xf32>
      %min3A_236 = arith.minimumf %min3A_207, %max3A_233 : vector<16xf32>
      %min3A_237 = arith.minimumf %min3A_208, %max3A_235 : vector<16xf32>
      %slice3A_238 = vector.extract_strided_slice %get3A_81 {offsets = [3], sizes = [1], strides = [1]} : vector<16xf32> to vector<1xf32>
      %squeeze3A_239 = vector.extract %slice3A_238[0] : f32 from vector<1xf32>
      %mul3A_240 = vector.broadcast %squeeze3A_239 : f32 to vector<16xf32>
      %mul3A_241 = arith.mulf %mul3A_98, %mul3A_240 : vector<16xf32>
      %slice3A_242 = vector.extract_strided_slice %get3A_83 {offsets = [3], sizes = [1], strides = [1]} : vector<16xf32> to vector<1xf32>
      %squeeze3A_243 = vector.extract %slice3A_242[0] : f32 from vector<1xf32>
      %mul3A_244 = vector.broadcast %squeeze3A_243 : f32 to vector<16xf32>
      %mul3A_245 = arith.mulf %mul3A_101, %mul3A_244 : vector<16xf32>
      %add3A_246 = arith.addf %mul3A_241, %mul3A_245 : vector<16xf32>
      %slice3A_247 = vector.extract_strided_slice %get3A_85 {offsets = [3], sizes = [1], strides = [1]} : vector<16xf32> to vector<1xf32>
      %squeeze3A_248 = vector.extract %slice3A_247[0] : f32 from vector<1xf32>
      %mul3A_249 = vector.broadcast %squeeze3A_248 : f32 to vector<16xf32>
      %mul3A_250 = arith.mulf %mul3A_104, %mul3A_249 : vector<16xf32>
      %add3A_251 = arith.addf %add3A_246, %mul3A_250 : vector<16xf32>
      %slice3A_252 = vector.extract_strided_slice %add3A_109 {offsets = [3], sizes = [1], strides = [1]} : vector<16xf32> to vector<1xf32>
      %squeeze3A_253 = vector.extract %slice3A_252[0] : f32 from vector<1xf32>
      %add3A_254 = vector.broadcast %squeeze3A_253 : f32 to vector<16xf32>
      %add3A_255 = arith.addf %add3A_251, %add3A_254 : vector<16xf32>
      %eq3A_256 = arith.constant 3 : i32
      %eq3A_257 = vector.broadcast %eq3A_256 : i32 to vector<16xi32>
      %eq3A_258 = arith.cmpi eq, %iota3A, %eq3A_257 : vector<16xi32>
      %jit3A_259 = arith.constant 9.99999984E+17 : f32
      %broadcast_in_dim3A_260 = vector.broadcast %jit3A_259 : f32 to vector<16xf32>
      %select_n3A_261 = arith.select %eq3A_258, %broadcast_in_dim3A_260, %add3A_255 : vector<16xi1>, vector<16xf32>
      %max3A_262 = arith.maximumf %min3A_234, %select_n3A_261 : vector<16xf32>
      %min3A_263 = arith.minimumf %min3A_234, %select_n3A_261 : vector<16xf32>
      %max3A_264 = arith.maximumf %min3A_236, %max3A_262 : vector<16xf32>
      %min3A_265 = arith.minimumf %min3A_236, %max3A_262 : vector<16xf32>
      %min3A_266 = arith.minimumf %min3A_237, %max3A_264 : vector<16xf32>
      %slice3A_267 = vector.extract_strided_slice %get3A_81 {offsets = [4], sizes = [1], strides = [1]} : vector<16xf32> to vector<1xf32>
      %squeeze3A_268 = vector.extract %slice3A_267[0] : f32 from vector<1xf32>
      %mul3A_269 = vector.broadcast %squeeze3A_268 : f32 to vector<16xf32>
      %mul3A_270 = arith.mulf %mul3A_98, %mul3A_269 : vector<16xf32>
      %slice3A_271 = vector.extract_strided_slice %get3A_83 {offsets = [4], sizes = [1], strides = [1]} : vector<16xf32> to vector<1xf32>
      %squeeze3A_272 = vector.extract %slice3A_271[0] : f32 from vector<1xf32>
      %mul3A_273 = vector.broadcast %squeeze3A_272 : f32 to vector<16xf32>
      %mul3A_274 = arith.mulf %mul3A_101, %mul3A_273 : vector<16xf32>
      %add3A_275 = arith.addf %mul3A_270, %mul3A_274 : vector<16xf32>
      %slice3A_276 = vector.extract_strided_slice %get3A_85 {offsets = [4], sizes = [1], strides = [1]} : vector<16xf32> to vector<1xf32>
      %squeeze3A_277 = vector.extract %slice3A_276[0] : f32 from vector<1xf32>
      %mul3A_278 = vector.broadcast %squeeze3A_277 : f32 to vector<16xf32>
      %mul3A_279 = arith.mulf %mul3A_104, %mul3A_278 : vector<16xf32>
      %add3A_280 = arith.addf %add3A_275, %mul3A_279 : vector<16xf32>
      %slice3A_281 = vector.extract_strided_slice %add3A_109 {offsets = [4], sizes = [1], strides = [1]} : vector<16xf32> to vector<1xf32>
      %squeeze3A_282 = vector.extract %slice3A_281[0] : f32 from vector<1xf32>
      %add3A_283 = vector.broadcast %squeeze3A_282 : f32 to vector<16xf32>
      %add3A_284 = arith.addf %add3A_280, %add3A_283 : vector<16xf32>
      %eq3A_285 = arith.constant 4 : i32
      %eq3A_286 = vector.broadcast %eq3A_285 : i32 to vector<16xi32>
      %eq3A_287 = arith.cmpi eq, %iota3A, %eq3A_286 : vector<16xi32>
      %jit3A_288 = arith.constant 9.99999984E+17 : f32
      %broadcast_in_dim3A_289 = vector.broadcast %jit3A_288 : f32 to vector<16xf32>
      %select_n3A_290 = arith.select %eq3A_287, %broadcast_in_dim3A_289, %add3A_284 : vector<16xi1>, vector<16xf32>
      %max3A_291 = arith.maximumf %min3A_263, %select_n3A_290 : vector<16xf32>
      %min3A_292 = arith.minimumf %min3A_263, %select_n3A_290 : vector<16xf32>
      %max3A_293 = arith.maximumf %min3A_265, %max3A_291 : vector<16xf32>
      %min3A_294 = arith.minimumf %min3A_265, %max3A_291 : vector<16xf32>
      %min3A_295 = arith.minimumf %min3A_266, %max3A_293 : vector<16xf32>
      %slice3A_296 = vector.extract_strided_slice %get3A_81 {offsets = [5], sizes = [1], strides = [1]} : vector<16xf32> to vector<1xf32>
      %squeeze3A_297 = vector.extract %slice3A_296[0] : f32 from vector<1xf32>
      %mul3A_298 = vector.broadcast %squeeze3A_297 : f32 to vector<16xf32>
      %mul3A_299 = arith.mulf %mul3A_98, %mul3A_298 : vector<16xf32>
      %slice3A_300 = vector.extract_strided_slice %get3A_83 {offsets = [5], sizes = [1], strides = [1]} : vector<16xf32> to vector<1xf32>
      %squeeze3A_301 = vector.extract %slice3A_300[0] : f32 from vector<1xf32>
      %mul3A_302 = vector.broadcast %squeeze3A_301 : f32 to vector<16xf32>
      %mul3A_303 = arith.mulf %mul3A_101, %mul3A_302 : vector<16xf32>
      %add3A_304 = arith.addf %mul3A_299, %mul3A_303 : vector<16xf32>
      %slice3A_305 = vector.extract_strided_slice %get3A_85 {offsets = [5], sizes = [1], strides = [1]} : vector<16xf32> to vector<1xf32>
      %squeeze3A_306 = vector.extract %slice3A_305[0] : f32 from vector<1xf32>
      %mul3A_307 = vector.broadcast %squeeze3A_306 : f32 to vector<16xf32>
      %mul3A_308 = arith.mulf %mul3A_104, %mul3A_307 : vector<16xf32>
      %add3A_309 = arith.addf %add3A_304, %mul3A_308 : vector<16xf32>
      %slice3A_310 = vector.extract_strided_slice %add3A_109 {offsets = [5], sizes = [1], strides = [1]} : vector<16xf32> to vector<1xf32>
      %squeeze3A_311 = vector.extract %slice3A_310[0] : f32 from vector<1xf32>
      %add3A_312 = vector.broadcast %squeeze3A_311 : f32 to vector<16xf32>
      %add3A_313 = arith.addf %add3A_309, %add3A_312 : vector<16xf32>
      %eq3A_314 = arith.constant 5 : i32
      %eq3A_315 = vector.broadcast %eq3A_314 : i32 to vector<16xi32>
      %eq3A_316 = arith.cmpi eq, %iota3A, %eq3A_315 : vector<16xi32>
      %jit3A_317 = arith.constant 9.99999984E+17 : f32
      %broadcast_in_dim3A_318 = vector.broadcast %jit3A_317 : f32 to vector<16xf32>
      %select_n3A_319 = arith.select %eq3A_316, %broadcast_in_dim3A_318, %add3A_313 : vector<16xi1>, vector<16xf32>
      %max3A_320 = arith.maximumf %min3A_292, %select_n3A_319 : vector<16xf32>
      %min3A_321 = arith.minimumf %min3A_292, %select_n3A_319 : vector<16xf32>
      %max3A_322 = arith.maximumf %min3A_294, %max3A_320 : vector<16xf32>
      %min3A_323 = arith.minimumf %min3A_294, %max3A_320 : vector<16xf32>
      %min3A_324 = arith.minimumf %min3A_295, %max3A_322 : vector<16xf32>
      %slice3A_325 = vector.extract_strided_slice %get3A_81 {offsets = [6], sizes = [1], strides = [1]} : vector<16xf32> to vector<1xf32>
      %squeeze3A_326 = vector.extract %slice3A_325[0] : f32 from vector<1xf32>
      %mul3A_327 = vector.broadcast %squeeze3A_326 : f32 to vector<16xf32>
      %mul3A_328 = arith.mulf %mul3A_98, %mul3A_327 : vector<16xf32>
      %slice3A_329 = vector.extract_strided_slice %get3A_83 {offsets = [6], sizes = [1], strides = [1]} : vector<16xf32> to vector<1xf32>
      %squeeze3A_330 = vector.extract %slice3A_329[0] : f32 from vector<1xf32>
      %mul3A_331 = vector.broadcast %squeeze3A_330 : f32 to vector<16xf32>
      %mul3A_332 = arith.mulf %mul3A_101, %mul3A_331 : vector<16xf32>
      %add3A_333 = arith.addf %mul3A_328, %mul3A_332 : vector<16xf32>
      %slice3A_334 = vector.extract_strided_slice %get3A_85 {offsets = [6], sizes = [1], strides = [1]} : vector<16xf32> to vector<1xf32>
      %squeeze3A_335 = vector.extract %slice3A_334[0] : f32 from vector<1xf32>
      %mul3A_336 = vector.broadcast %squeeze3A_335 : f32 to vector<16xf32>
      %mul3A_337 = arith.mulf %mul3A_104, %mul3A_336 : vector<16xf32>
      %add3A_338 = arith.addf %add3A_333, %mul3A_337 : vector<16xf32>
      %slice3A_339 = vector.extract_strided_slice %add3A_109 {offsets = [6], sizes = [1], strides = [1]} : vector<16xf32> to vector<1xf32>
      %squeeze3A_340 = vector.extract %slice3A_339[0] : f32 from vector<1xf32>
      %add3A_341 = vector.broadcast %squeeze3A_340 : f32 to vector<16xf32>
      %add3A_342 = arith.addf %add3A_338, %add3A_341 : vector<16xf32>
      %eq3A_343 = arith.constant 6 : i32
      %eq3A_344 = vector.broadcast %eq3A_343 : i32 to vector<16xi32>
      %eq3A_345 = arith.cmpi eq, %iota3A, %eq3A_344 : vector<16xi32>
      %jit3A_346 = arith.constant 9.99999984E+17 : f32
      %broadcast_in_dim3A_347 = vector.broadcast %jit3A_346 : f32 to vector<16xf32>
      %select_n3A_348 = arith.select %eq3A_345, %broadcast_in_dim3A_347, %add3A_342 : vector<16xi1>, vector<16xf32>
      %max3A_349 = arith.maximumf %min3A_321, %select_n3A_348 : vector<16xf32>
      %min3A_350 = arith.minimumf %min3A_321, %select_n3A_348 : vector<16xf32>
      %max3A_351 = arith.maximumf %min3A_323, %max3A_349 : vector<16xf32>
      %min3A_352 = arith.minimumf %min3A_323, %max3A_349 : vector<16xf32>
      %min3A_353 = arith.minimumf %min3A_324, %max3A_351 : vector<16xf32>
      %slice3A_354 = vector.extract_strided_slice %get3A_81 {offsets = [7], sizes = [1], strides = [1]} : vector<16xf32> to vector<1xf32>
      %squeeze3A_355 = vector.extract %slice3A_354[0] : f32 from vector<1xf32>
      %mul3A_356 = vector.broadcast %squeeze3A_355 : f32 to vector<16xf32>
      %mul3A_357 = arith.mulf %mul3A_98, %mul3A_356 : vector<16xf32>
      %slice3A_358 = vector.extract_strided_slice %get3A_83 {offsets = [7], sizes = [1], strides = [1]} : vector<16xf32> to vector<1xf32>
      %squeeze3A_359 = vector.extract %slice3A_358[0] : f32 from vector<1xf32>
      %mul3A_360 = vector.broadcast %squeeze3A_359 : f32 to vector<16xf32>
      %mul3A_361 = arith.mulf %mul3A_101, %mul3A_360 : vector<16xf32>
      %add3A_362 = arith.addf %mul3A_357, %mul3A_361 : vector<16xf32>
      %slice3A_363 = vector.extract_strided_slice %get3A_85 {offsets = [7], sizes = [1], strides = [1]} : vector<16xf32> to vector<1xf32>
      %squeeze3A_364 = vector.extract %slice3A_363[0] : f32 from vector<1xf32>
      %mul3A_365 = vector.broadcast %squeeze3A_364 : f32 to vector<16xf32>
      %mul3A_366 = arith.mulf %mul3A_104, %mul3A_365 : vector<16xf32>
      %add3A_367 = arith.addf %add3A_362, %mul3A_366 : vector<16xf32>
      %slice3A_368 = vector.extract_strided_slice %add3A_109 {offsets = [7], sizes = [1], strides = [1]} : vector<16xf32> to vector<1xf32>
      %squeeze3A_369 = vector.extract %slice3A_368[0] : f32 from vector<1xf32>
      %add3A_370 = vector.broadcast %squeeze3A_369 : f32 to vector<16xf32>
      %add3A_371 = arith.addf %add3A_367, %add3A_370 : vector<16xf32>
      %eq3A_372 = arith.constant 7 : i32
      %eq3A_373 = vector.broadcast %eq3A_372 : i32 to vector<16xi32>
      %eq3A_374 = arith.cmpi eq, %iota3A, %eq3A_373 : vector<16xi32>
      %jit3A_375 = arith.constant 9.99999984E+17 : f32
      %broadcast_in_dim3A_376 = vector.broadcast %jit3A_375 : f32 to vector<16xf32>
      %select_n3A_377 = arith.select %eq3A_374, %broadcast_in_dim3A_376, %add3A_371 : vector<16xi1>, vector<16xf32>
      %max3A_378 = arith.maximumf %min3A_350, %select_n3A_377 : vector<16xf32>
      %min3A_379 = arith.minimumf %min3A_350, %select_n3A_377 : vector<16xf32>
      %max3A_380 = arith.maximumf %min3A_352, %max3A_378 : vector<16xf32>
      %min3A_381 = arith.minimumf %min3A_352, %max3A_378 : vector<16xf32>
      %min3A_382 = arith.minimumf %min3A_353, %max3A_380 : vector<16xf32>
      %slice3A_383 = vector.extract_strided_slice %get3A_81 {offsets = [8], sizes = [1], strides = [1]} : vector<16xf32> to vector<1xf32>
      %squeeze3A_384 = vector.extract %slice3A_383[0] : f32 from vector<1xf32>
      %mul3A_385 = vector.broadcast %squeeze3A_384 : f32 to vector<16xf32>
      %mul3A_386 = arith.mulf %mul3A_98, %mul3A_385 : vector<16xf32>
      %slice3A_387 = vector.extract_strided_slice %get3A_83 {offsets = [8], sizes = [1], strides = [1]} : vector<16xf32> to vector<1xf32>
      %squeeze3A_388 = vector.extract %slice3A_387[0] : f32 from vector<1xf32>
      %mul3A_389 = vector.broadcast %squeeze3A_388 : f32 to vector<16xf32>
      %mul3A_390 = arith.mulf %mul3A_101, %mul3A_389 : vector<16xf32>
      %add3A_391 = arith.addf %mul3A_386, %mul3A_390 : vector<16xf32>
      %slice3A_392 = vector.extract_strided_slice %get3A_85 {offsets = [8], sizes = [1], strides = [1]} : vector<16xf32> to vector<1xf32>
      %squeeze3A_393 = vector.extract %slice3A_392[0] : f32 from vector<1xf32>
      %mul3A_394 = vector.broadcast %squeeze3A_393 : f32 to vector<16xf32>
      %mul3A_395 = arith.mulf %mul3A_104, %mul3A_394 : vector<16xf32>
      %add3A_396 = arith.addf %add3A_391, %mul3A_395 : vector<16xf32>
      %slice3A_397 = vector.extract_strided_slice %add3A_109 {offsets = [8], sizes = [1], strides = [1]} : vector<16xf32> to vector<1xf32>
      %squeeze3A_398 = vector.extract %slice3A_397[0] : f32 from vector<1xf32>
      %add3A_399 = vector.broadcast %squeeze3A_398 : f32 to vector<16xf32>
      %add3A_400 = arith.addf %add3A_396, %add3A_399 : vector<16xf32>
      %eq3A_401 = arith.constant 8 : i32
      %eq3A_402 = vector.broadcast %eq3A_401 : i32 to vector<16xi32>
      %eq3A_403 = arith.cmpi eq, %iota3A, %eq3A_402 : vector<16xi32>
      %jit3A_404 = arith.constant 9.99999984E+17 : f32
      %broadcast_in_dim3A_405 = vector.broadcast %jit3A_404 : f32 to vector<16xf32>
      %select_n3A_406 = arith.select %eq3A_403, %broadcast_in_dim3A_405, %add3A_400 : vector<16xi1>, vector<16xf32>
      %max3A_407 = arith.maximumf %min3A_379, %select_n3A_406 : vector<16xf32>
      %min3A_408 = arith.minimumf %min3A_379, %select_n3A_406 : vector<16xf32>
      %max3A_409 = arith.maximumf %min3A_381, %max3A_407 : vector<16xf32>
      %min3A_410 = arith.minimumf %min3A_381, %max3A_407 : vector<16xf32>
      %min3A_411 = arith.minimumf %min3A_382, %max3A_409 : vector<16xf32>
      %slice3A_412 = vector.extract_strided_slice %get3A_81 {offsets = [9], sizes = [1], strides = [1]} : vector<16xf32> to vector<1xf32>
      %squeeze3A_413 = vector.extract %slice3A_412[0] : f32 from vector<1xf32>
      %mul3A_414 = vector.broadcast %squeeze3A_413 : f32 to vector<16xf32>
      %mul3A_415 = arith.mulf %mul3A_98, %mul3A_414 : vector<16xf32>
      %slice3A_416 = vector.extract_strided_slice %get3A_83 {offsets = [9], sizes = [1], strides = [1]} : vector<16xf32> to vector<1xf32>
      %squeeze3A_417 = vector.extract %slice3A_416[0] : f32 from vector<1xf32>
      %mul3A_418 = vector.broadcast %squeeze3A_417 : f32 to vector<16xf32>
      %mul3A_419 = arith.mulf %mul3A_101, %mul3A_418 : vector<16xf32>
      %add3A_420 = arith.addf %mul3A_415, %mul3A_419 : vector<16xf32>
      %slice3A_421 = vector.extract_strided_slice %get3A_85 {offsets = [9], sizes = [1], strides = [1]} : vector<16xf32> to vector<1xf32>
      %squeeze3A_422 = vector.extract %slice3A_421[0] : f32 from vector<1xf32>
      %mul3A_423 = vector.broadcast %squeeze3A_422 : f32 to vector<16xf32>
      %mul3A_424 = arith.mulf %mul3A_104, %mul3A_423 : vector<16xf32>
      %add3A_425 = arith.addf %add3A_420, %mul3A_424 : vector<16xf32>
      %slice3A_426 = vector.extract_strided_slice %add3A_109 {offsets = [9], sizes = [1], strides = [1]} : vector<16xf32> to vector<1xf32>
      %squeeze3A_427 = vector.extract %slice3A_426[0] : f32 from vector<1xf32>
      %add3A_428 = vector.broadcast %squeeze3A_427 : f32 to vector<16xf32>
      %add3A_429 = arith.addf %add3A_425, %add3A_428 : vector<16xf32>
      %eq3A_430 = arith.constant 9 : i32
      %eq3A_431 = vector.broadcast %eq3A_430 : i32 to vector<16xi32>
      %eq3A_432 = arith.cmpi eq, %iota3A, %eq3A_431 : vector<16xi32>
      %jit3A_433 = arith.constant 9.99999984E+17 : f32
      %broadcast_in_dim3A_434 = vector.broadcast %jit3A_433 : f32 to vector<16xf32>
      %select_n3A_435 = arith.select %eq3A_432, %broadcast_in_dim3A_434, %add3A_429 : vector<16xi1>, vector<16xf32>
      %max3A_436 = arith.maximumf %min3A_408, %select_n3A_435 : vector<16xf32>
      %min3A_437 = arith.minimumf %min3A_408, %select_n3A_435 : vector<16xf32>
      %max3A_438 = arith.maximumf %min3A_410, %max3A_436 : vector<16xf32>
      %min3A_439 = arith.minimumf %min3A_410, %max3A_436 : vector<16xf32>
      %min3A_440 = arith.minimumf %min3A_411, %max3A_438 : vector<16xf32>
      %slice3A_441 = vector.extract_strided_slice %get3A_81 {offsets = [10], sizes = [1], strides = [1]} : vector<16xf32> to vector<1xf32>
      %squeeze3A_442 = vector.extract %slice3A_441[0] : f32 from vector<1xf32>
      %mul3A_443 = vector.broadcast %squeeze3A_442 : f32 to vector<16xf32>
      %mul3A_444 = arith.mulf %mul3A_98, %mul3A_443 : vector<16xf32>
      %slice3A_445 = vector.extract_strided_slice %get3A_83 {offsets = [10], sizes = [1], strides = [1]} : vector<16xf32> to vector<1xf32>
      %squeeze3A_446 = vector.extract %slice3A_445[0] : f32 from vector<1xf32>
      %mul3A_447 = vector.broadcast %squeeze3A_446 : f32 to vector<16xf32>
      %mul3A_448 = arith.mulf %mul3A_101, %mul3A_447 : vector<16xf32>
      %add3A_449 = arith.addf %mul3A_444, %mul3A_448 : vector<16xf32>
      %slice3A_450 = vector.extract_strided_slice %get3A_85 {offsets = [10], sizes = [1], strides = [1]} : vector<16xf32> to vector<1xf32>
      %squeeze3A_451 = vector.extract %slice3A_450[0] : f32 from vector<1xf32>
      %mul3A_452 = vector.broadcast %squeeze3A_451 : f32 to vector<16xf32>
      %mul3A_453 = arith.mulf %mul3A_104, %mul3A_452 : vector<16xf32>
      %add3A_454 = arith.addf %add3A_449, %mul3A_453 : vector<16xf32>
      %slice3A_455 = vector.extract_strided_slice %add3A_109 {offsets = [10], sizes = [1], strides = [1]} : vector<16xf32> to vector<1xf32>
      %squeeze3A_456 = vector.extract %slice3A_455[0] : f32 from vector<1xf32>
      %add3A_457 = vector.broadcast %squeeze3A_456 : f32 to vector<16xf32>
      %add3A_458 = arith.addf %add3A_454, %add3A_457 : vector<16xf32>
      %eq3A_459 = arith.constant 10 : i32
      %eq3A_460 = vector.broadcast %eq3A_459 : i32 to vector<16xi32>
      %eq3A_461 = arith.cmpi eq, %iota3A, %eq3A_460 : vector<16xi32>
      %jit3A_462 = arith.constant 9.99999984E+17 : f32
      %broadcast_in_dim3A_463 = vector.broadcast %jit3A_462 : f32 to vector<16xf32>
      %select_n3A_464 = arith.select %eq3A_461, %broadcast_in_dim3A_463, %add3A_458 : vector<16xi1>, vector<16xf32>
      %max3A_465 = arith.maximumf %min3A_437, %select_n3A_464 : vector<16xf32>
      %min3A_466 = arith.minimumf %min3A_437, %select_n3A_464 : vector<16xf32>
      %max3A_467 = arith.maximumf %min3A_439, %max3A_465 : vector<16xf32>
      %min3A_468 = arith.minimumf %min3A_439, %max3A_465 : vector<16xf32>
      %min3A_469 = arith.minimumf %min3A_440, %max3A_467 : vector<16xf32>
      %slice3A_470 = vector.extract_strided_slice %get3A_81 {offsets = [11], sizes = [1], strides = [1]} : vector<16xf32> to vector<1xf32>
      %squeeze3A_471 = vector.extract %slice3A_470[0] : f32 from vector<1xf32>
      %mul3A_472 = vector.broadcast %squeeze3A_471 : f32 to vector<16xf32>
      %mul3A_473 = arith.mulf %mul3A_98, %mul3A_472 : vector<16xf32>
      %slice3A_474 = vector.extract_strided_slice %get3A_83 {offsets = [11], sizes = [1], strides = [1]} : vector<16xf32> to vector<1xf32>
      %squeeze3A_475 = vector.extract %slice3A_474[0] : f32 from vector<1xf32>
      %mul3A_476 = vector.broadcast %squeeze3A_475 : f32 to vector<16xf32>
      %mul3A_477 = arith.mulf %mul3A_101, %mul3A_476 : vector<16xf32>
      %add3A_478 = arith.addf %mul3A_473, %mul3A_477 : vector<16xf32>
      %slice3A_479 = vector.extract_strided_slice %get3A_85 {offsets = [11], sizes = [1], strides = [1]} : vector<16xf32> to vector<1xf32>
      %squeeze3A_480 = vector.extract %slice3A_479[0] : f32 from vector<1xf32>
      %mul3A_481 = vector.broadcast %squeeze3A_480 : f32 to vector<16xf32>
      %mul3A_482 = arith.mulf %mul3A_104, %mul3A_481 : vector<16xf32>
      %add3A_483 = arith.addf %add3A_478, %mul3A_482 : vector<16xf32>
      %slice3A_484 = vector.extract_strided_slice %add3A_109 {offsets = [11], sizes = [1], strides = [1]} : vector<16xf32> to vector<1xf32>
      %squeeze3A_485 = vector.extract %slice3A_484[0] : f32 from vector<1xf32>
      %add3A_486 = vector.broadcast %squeeze3A_485 : f32 to vector<16xf32>
      %add3A_487 = arith.addf %add3A_483, %add3A_486 : vector<16xf32>
      %eq3A_488 = arith.constant 11 : i32
      %eq3A_489 = vector.broadcast %eq3A_488 : i32 to vector<16xi32>
      %eq3A_490 = arith.cmpi eq, %iota3A, %eq3A_489 : vector<16xi32>
      %jit3A_491 = arith.constant 9.99999984E+17 : f32
      %broadcast_in_dim3A_492 = vector.broadcast %jit3A_491 : f32 to vector<16xf32>
      %select_n3A_493 = arith.select %eq3A_490, %broadcast_in_dim3A_492, %add3A_487 : vector<16xi1>, vector<16xf32>
      %max3A_494 = arith.maximumf %min3A_466, %select_n3A_493 : vector<16xf32>
      %min3A_495 = arith.minimumf %min3A_466, %select_n3A_493 : vector<16xf32>
      %max3A_496 = arith.maximumf %min3A_468, %max3A_494 : vector<16xf32>
      %min3A_497 = arith.minimumf %min3A_468, %max3A_494 : vector<16xf32>
      %min3A_498 = arith.minimumf %min3A_469, %max3A_496 : vector<16xf32>
      %slice3A_499 = vector.extract_strided_slice %get3A_81 {offsets = [12], sizes = [1], strides = [1]} : vector<16xf32> to vector<1xf32>
      %squeeze3A_500 = vector.extract %slice3A_499[0] : f32 from vector<1xf32>
      %mul3A_501 = vector.broadcast %squeeze3A_500 : f32 to vector<16xf32>
      %mul3A_502 = arith.mulf %mul3A_98, %mul3A_501 : vector<16xf32>
      %slice3A_503 = vector.extract_strided_slice %get3A_83 {offsets = [12], sizes = [1], strides = [1]} : vector<16xf32> to vector<1xf32>
      %squeeze3A_504 = vector.extract %slice3A_503[0] : f32 from vector<1xf32>
      %mul3A_505 = vector.broadcast %squeeze3A_504 : f32 to vector<16xf32>
      %mul3A_506 = arith.mulf %mul3A_101, %mul3A_505 : vector<16xf32>
      %add3A_507 = arith.addf %mul3A_502, %mul3A_506 : vector<16xf32>
      %slice3A_508 = vector.extract_strided_slice %get3A_85 {offsets = [12], sizes = [1], strides = [1]} : vector<16xf32> to vector<1xf32>
      %squeeze3A_509 = vector.extract %slice3A_508[0] : f32 from vector<1xf32>
      %mul3A_510 = vector.broadcast %squeeze3A_509 : f32 to vector<16xf32>
      %mul3A_511 = arith.mulf %mul3A_104, %mul3A_510 : vector<16xf32>
      %add3A_512 = arith.addf %add3A_507, %mul3A_511 : vector<16xf32>
      %slice3A_513 = vector.extract_strided_slice %add3A_109 {offsets = [12], sizes = [1], strides = [1]} : vector<16xf32> to vector<1xf32>
      %squeeze3A_514 = vector.extract %slice3A_513[0] : f32 from vector<1xf32>
      %add3A_515 = vector.broadcast %squeeze3A_514 : f32 to vector<16xf32>
      %add3A_516 = arith.addf %add3A_512, %add3A_515 : vector<16xf32>
      %eq3A_517 = arith.constant 12 : i32
      %eq3A_518 = vector.broadcast %eq3A_517 : i32 to vector<16xi32>
      %eq3A_519 = arith.cmpi eq, %iota3A, %eq3A_518 : vector<16xi32>
      %jit3A_520 = arith.constant 9.99999984E+17 : f32
      %broadcast_in_dim3A_521 = vector.broadcast %jit3A_520 : f32 to vector<16xf32>
      %select_n3A_522 = arith.select %eq3A_519, %broadcast_in_dim3A_521, %add3A_516 : vector<16xi1>, vector<16xf32>
      %max3A_523 = arith.maximumf %min3A_495, %select_n3A_522 : vector<16xf32>
      %min3A_524 = arith.minimumf %min3A_495, %select_n3A_522 : vector<16xf32>
      %max3A_525 = arith.maximumf %min3A_497, %max3A_523 : vector<16xf32>
      %min3A_526 = arith.minimumf %min3A_497, %max3A_523 : vector<16xf32>
      %min3A_527 = arith.minimumf %min3A_498, %max3A_525 : vector<16xf32>
      %slice3A_528 = vector.extract_strided_slice %get3A_81 {offsets = [13], sizes = [1], strides = [1]} : vector<16xf32> to vector<1xf32>
      %squeeze3A_529 = vector.extract %slice3A_528[0] : f32 from vector<1xf32>
      %mul3A_530 = vector.broadcast %squeeze3A_529 : f32 to vector<16xf32>
      %mul3A_531 = arith.mulf %mul3A_98, %mul3A_530 : vector<16xf32>
      %slice3A_532 = vector.extract_strided_slice %get3A_83 {offsets = [13], sizes = [1], strides = [1]} : vector<16xf32> to vector<1xf32>
      %squeeze3A_533 = vector.extract %slice3A_532[0] : f32 from vector<1xf32>
      %mul3A_534 = vector.broadcast %squeeze3A_533 : f32 to vector<16xf32>
      %mul3A_535 = arith.mulf %mul3A_101, %mul3A_534 : vector<16xf32>
      %add3A_536 = arith.addf %mul3A_531, %mul3A_535 : vector<16xf32>
      %slice3A_537 = vector.extract_strided_slice %get3A_85 {offsets = [13], sizes = [1], strides = [1]} : vector<16xf32> to vector<1xf32>
      %squeeze3A_538 = vector.extract %slice3A_537[0] : f32 from vector<1xf32>
      %mul3A_539 = vector.broadcast %squeeze3A_538 : f32 to vector<16xf32>
      %mul3A_540 = arith.mulf %mul3A_104, %mul3A_539 : vector<16xf32>
      %add3A_541 = arith.addf %add3A_536, %mul3A_540 : vector<16xf32>
      %slice3A_542 = vector.extract_strided_slice %add3A_109 {offsets = [13], sizes = [1], strides = [1]} : vector<16xf32> to vector<1xf32>
      %squeeze3A_543 = vector.extract %slice3A_542[0] : f32 from vector<1xf32>
      %add3A_544 = vector.broadcast %squeeze3A_543 : f32 to vector<16xf32>
      %add3A_545 = arith.addf %add3A_541, %add3A_544 : vector<16xf32>
      %eq3A_546 = arith.constant 13 : i32
      %eq3A_547 = vector.broadcast %eq3A_546 : i32 to vector<16xi32>
      %eq3A_548 = arith.cmpi eq, %iota3A, %eq3A_547 : vector<16xi32>
      %jit3A_549 = arith.constant 9.99999984E+17 : f32
      %broadcast_in_dim3A_550 = vector.broadcast %jit3A_549 : f32 to vector<16xf32>
      %select_n3A_551 = arith.select %eq3A_548, %broadcast_in_dim3A_550, %add3A_545 : vector<16xi1>, vector<16xf32>
      %max3A_552 = arith.maximumf %min3A_524, %select_n3A_551 : vector<16xf32>
      %min3A_553 = arith.minimumf %min3A_524, %select_n3A_551 : vector<16xf32>
      %max3A_554 = arith.maximumf %min3A_526, %max3A_552 : vector<16xf32>
      %min3A_555 = arith.minimumf %min3A_526, %max3A_552 : vector<16xf32>
      %min3A_556 = arith.minimumf %min3A_527, %max3A_554 : vector<16xf32>
      %slice3A_557 = vector.extract_strided_slice %get3A_81 {offsets = [14], sizes = [1], strides = [1]} : vector<16xf32> to vector<1xf32>
      %squeeze3A_558 = vector.extract %slice3A_557[0] : f32 from vector<1xf32>
      %mul3A_559 = vector.broadcast %squeeze3A_558 : f32 to vector<16xf32>
      %mul3A_560 = arith.mulf %mul3A_98, %mul3A_559 : vector<16xf32>
      %slice3A_561 = vector.extract_strided_slice %get3A_83 {offsets = [14], sizes = [1], strides = [1]} : vector<16xf32> to vector<1xf32>
      %squeeze3A_562 = vector.extract %slice3A_561[0] : f32 from vector<1xf32>
      %mul3A_563 = vector.broadcast %squeeze3A_562 : f32 to vector<16xf32>
      %mul3A_564 = arith.mulf %mul3A_101, %mul3A_563 : vector<16xf32>
      %add3A_565 = arith.addf %mul3A_560, %mul3A_564 : vector<16xf32>
      %slice3A_566 = vector.extract_strided_slice %get3A_85 {offsets = [14], sizes = [1], strides = [1]} : vector<16xf32> to vector<1xf32>
      %squeeze3A_567 = vector.extract %slice3A_566[0] : f32 from vector<1xf32>
      %mul3A_568 = vector.broadcast %squeeze3A_567 : f32 to vector<16xf32>
      %mul3A_569 = arith.mulf %mul3A_104, %mul3A_568 : vector<16xf32>
      %add3A_570 = arith.addf %add3A_565, %mul3A_569 : vector<16xf32>
      %slice3A_571 = vector.extract_strided_slice %add3A_109 {offsets = [14], sizes = [1], strides = [1]} : vector<16xf32> to vector<1xf32>
      %squeeze3A_572 = vector.extract %slice3A_571[0] : f32 from vector<1xf32>
      %add3A_573 = vector.broadcast %squeeze3A_572 : f32 to vector<16xf32>
      %add3A_574 = arith.addf %add3A_570, %add3A_573 : vector<16xf32>
      %eq3A_575 = arith.constant 14 : i32
      %eq3A_576 = vector.broadcast %eq3A_575 : i32 to vector<16xi32>
      %eq3A_577 = arith.cmpi eq, %iota3A, %eq3A_576 : vector<16xi32>
      %jit3A_578 = arith.constant 9.99999984E+17 : f32
      %broadcast_in_dim3A_579 = vector.broadcast %jit3A_578 : f32 to vector<16xf32>
      %select_n3A_580 = arith.select %eq3A_577, %broadcast_in_dim3A_579, %add3A_574 : vector<16xi1>, vector<16xf32>
      %max3A_581 = arith.maximumf %min3A_553, %select_n3A_580 : vector<16xf32>
      %min3A_582 = arith.minimumf %min3A_553, %select_n3A_580 : vector<16xf32>
      %max3A_583 = arith.maximumf %min3A_555, %max3A_581 : vector<16xf32>
      %min3A_584 = arith.minimumf %min3A_555, %max3A_581 : vector<16xf32>
      %min3A_585 = arith.minimumf %min3A_556, %max3A_583 : vector<16xf32>
      %slice3A_586 = vector.extract_strided_slice %get3A_81 {offsets = [15], sizes = [1], strides = [1]} : vector<16xf32> to vector<1xf32>
      %squeeze3A_587 = vector.extract %slice3A_586[0] : f32 from vector<1xf32>
      %mul3A_588 = vector.broadcast %squeeze3A_587 : f32 to vector<16xf32>
      %mul3A_589 = arith.mulf %mul3A_98, %mul3A_588 : vector<16xf32>
      %slice3A_590 = vector.extract_strided_slice %get3A_83 {offsets = [15], sizes = [1], strides = [1]} : vector<16xf32> to vector<1xf32>
      %squeeze3A_591 = vector.extract %slice3A_590[0] : f32 from vector<1xf32>
      %mul3A_592 = vector.broadcast %squeeze3A_591 : f32 to vector<16xf32>
      %mul3A_593 = arith.mulf %mul3A_101, %mul3A_592 : vector<16xf32>
      %add3A_594 = arith.addf %mul3A_589, %mul3A_593 : vector<16xf32>
      %slice3A_595 = vector.extract_strided_slice %get3A_85 {offsets = [15], sizes = [1], strides = [1]} : vector<16xf32> to vector<1xf32>
      %squeeze3A_596 = vector.extract %slice3A_595[0] : f32 from vector<1xf32>
      %mul3A_597 = vector.broadcast %squeeze3A_596 : f32 to vector<16xf32>
      %mul3A_598 = arith.mulf %mul3A_104, %mul3A_597 : vector<16xf32>
      %add3A_599 = arith.addf %add3A_594, %mul3A_598 : vector<16xf32>
      %slice3A_600 = vector.extract_strided_slice %add3A_109 {offsets = [15], sizes = [1], strides = [1]} : vector<16xf32> to vector<1xf32>
      %squeeze3A_601 = vector.extract %slice3A_600[0] : f32 from vector<1xf32>
      %add3A_602 = vector.broadcast %squeeze3A_601 : f32 to vector<16xf32>
      %add3A_603 = arith.addf %add3A_599, %add3A_602 : vector<16xf32>
      %eq3A_604 = arith.constant 15 : i32
      %eq3A_605 = vector.broadcast %eq3A_604 : i32 to vector<16xi32>
      %eq3A_606 = arith.cmpi eq, %iota3A, %eq3A_605 : vector<16xi32>
      %jit3A_607 = arith.constant 9.99999984E+17 : f32
      %broadcast_in_dim3A_608 = vector.broadcast %jit3A_607 : f32 to vector<16xf32>
      %select_n3A_609 = arith.select %eq3A_606, %broadcast_in_dim3A_608, %add3A_603 : vector<16xi1>, vector<16xf32>
      %max3A_610 = arith.maximumf %min3A_582, %select_n3A_609 : vector<16xf32>
      %min3A_611 = arith.minimumf %min3A_582, %select_n3A_609 : vector<16xf32>
      %max3A_612 = arith.maximumf %min3A_584, %max3A_610 : vector<16xf32>
      %min3A_613 = arith.minimumf %min3A_584, %max3A_610 : vector<16xf32>
      %min3A_614 = arith.minimumf %min3A_585, %max3A_612 : vector<16xf32>
      %add3A_615 = arith.constant 1 : i32
      %add3A_616 = arith.addi %add3A_144, %add3A_615 : i32
      %while3A_617 = arith.subi %min3A_141, %add3A_616 : i32
      %while3A_618 = arith.addi %add3A_616, %while3A_617 : i32
      %while3A_619 = arith.constant 1 : i32
      %while3A_620 = arith.divsi %while3A_617, %while3A_619 : i32
      %while3A_621 = arith.muli %while3A_620, %while3A_619 : i32
      %while3A_622 = arith.addi %add3A_616, %while3A_621 : i32
      %while3A_623 = arith.constant 1 : i32
      %while3A_624:3 = scf.for %while3A_648 = %add3A_616 to %while3A_622 step %while3A_623 iter_args(%while3A_649 = %min3A_611, %while3A_650 = %min3A_613, %while3A_651 = %min3A_614) -> (vector<16xf32>, vector<16xf32>, vector<16xf32>)  : i32 {
        %mul3A_652 = arith.constant 16 : i32
        %mul3A_653 = arith.muli %while3A_648, %mul3A_652 : i32
        %get3A_654 = arith.index_cast %mul3A_653 : i32 to index
        %get3A_655 = tpu.vector_load %arg5[%get3A_654] {strides = array<i32>} : memref<4096xf32, #tpu.memory_space<vmem>>, vector<16xf32>,
        %mul3A_656 = arith.constant 16 : i32
        %mul3A_657 = arith.muli %while3A_648, %mul3A_656 : i32
        %get3A_658 = arith.index_cast %mul3A_657 : i32 to index
        %get3A_659 = tpu.vector_load %arg6[%get3A_658] {strides = array<i32>} : memref<4096xf32, #tpu.memory_space<vmem>>, vector<16xf32>,
        %mul3A_660 = arith.constant 16 : i32
        %mul3A_661 = arith.muli %while3A_648, %mul3A_660 : i32
        %get3A_662 = arith.index_cast %mul3A_661 : i32 to index
        %get3A_663 = tpu.vector_load %arg7[%get3A_662] {strides = array<i32>} : memref<4096xf32, #tpu.memory_space<vmem>>, vector<16xf32>,
        %mul3A_664 = arith.constant 16 : i32
        %mul3A_665 = arith.muli %while3A_648, %mul3A_664 : i32
        %get3A_666 = arith.index_cast %mul3A_665 : i32 to index
        %get3A_667 = tpu.vector_load %arg8[%get3A_666] {strides = array<i32>} : memref<4096xf32, #tpu.memory_space<vmem>>, vector<16xf32>,
        %slice3A_668 = vector.extract_strided_slice %get3A_655 {offsets = [0], sizes = [1], strides = [1]} : vector<16xf32> to vector<1xf32>
        %squeeze3A_669 = vector.extract %slice3A_668[0] : f32 from vector<1xf32>
        %mul3A_670 = vector.broadcast %squeeze3A_669 : f32 to vector<16xf32>
        %mul3A_671 = arith.mulf %mul3A_98, %mul3A_670 : vector<16xf32>
        %slice3A_672 = vector.extract_strided_slice %get3A_659 {offsets = [0], sizes = [1], strides = [1]} : vector<16xf32> to vector<1xf32>
        %squeeze3A_673 = vector.extract %slice3A_672[0] : f32 from vector<1xf32>
        %mul3A_674 = vector.broadcast %squeeze3A_673 : f32 to vector<16xf32>
        %mul3A_675 = arith.mulf %mul3A_101, %mul3A_674 : vector<16xf32>
        %add3A_676 = arith.addf %mul3A_671, %mul3A_675 : vector<16xf32>
        %slice3A_677 = vector.extract_strided_slice %get3A_663 {offsets = [0], sizes = [1], strides = [1]} : vector<16xf32> to vector<1xf32>
        %squeeze3A_678 = vector.extract %slice3A_677[0] : f32 from vector<1xf32>
        %mul3A_679 = vector.broadcast %squeeze3A_678 : f32 to vector<16xf32>
        %mul3A_680 = arith.mulf %mul3A_104, %mul3A_679 : vector<16xf32>
        %add3A_681 = arith.addf %add3A_676, %mul3A_680 : vector<16xf32>
        %slice3A_682 = vector.extract_strided_slice %get3A_667 {offsets = [0], sizes = [1], strides = [1]} : vector<16xf32> to vector<1xf32>
        %squeeze3A_683 = vector.extract %slice3A_682[0] : f32 from vector<1xf32>
        %add3A_684 = vector.broadcast %squeeze3A_683 : f32 to vector<16xf32>
        %add3A_685 = arith.addf %add3A_681, %add3A_684 : vector<16xf32>
        %max3A_686 = arith.maximumf %while3A_649, %add3A_685 : vector<16xf32>
        %min3A_687 = arith.minimumf %while3A_649, %add3A_685 : vector<16xf32>
        %max3A_688 = arith.maximumf %while3A_650, %max3A_686 : vector<16xf32>
        %min3A_689 = arith.minimumf %while3A_650, %max3A_686 : vector<16xf32>
        %min3A_690 = arith.minimumf %while3A_651, %max3A_688 : vector<16xf32>
        %slice3A_691 = vector.extract_strided_slice %get3A_655 {offsets = [1], sizes = [1], strides = [1]} : vector<16xf32> to vector<1xf32>
        %squeeze3A_692 = vector.extract %slice3A_691[0] : f32 from vector<1xf32>
        %mul3A_693 = vector.broadcast %squeeze3A_692 : f32 to vector<16xf32>
        %mul3A_694 = arith.mulf %mul3A_98, %mul3A_693 : vector<16xf32>
        %slice3A_695 = vector.extract_strided_slice %get3A_659 {offsets = [1], sizes = [1], strides = [1]} : vector<16xf32> to vector<1xf32>
        %squeeze3A_696 = vector.extract %slice3A_695[0] : f32 from vector<1xf32>
        %mul3A_697 = vector.broadcast %squeeze3A_696 : f32 to vector<16xf32>
        %mul3A_698 = arith.mulf %mul3A_101, %mul3A_697 : vector<16xf32>
        %add3A_699 = arith.addf %mul3A_694, %mul3A_698 : vector<16xf32>
        %slice3A_700 = vector.extract_strided_slice %get3A_663 {offsets = [1], sizes = [1], strides = [1]} : vector<16xf32> to vector<1xf32>
        %squeeze3A_701 = vector.extract %slice3A_700[0] : f32 from vector<1xf32>
        %mul3A_702 = vector.broadcast %squeeze3A_701 : f32 to vector<16xf32>
        %mul3A_703 = arith.mulf %mul3A_104, %mul3A_702 : vector<16xf32>
        %add3A_704 = arith.addf %add3A_699, %mul3A_703 : vector<16xf32>
        %slice3A_705 = vector.extract_strided_slice %get3A_667 {offsets = [1], sizes = [1], strides = [1]} : vector<16xf32> to vector<1xf32>
        %squeeze3A_706 = vector.extract %slice3A_705[0] : f32 from vector<1xf32>
        %add3A_707 = vector.broadcast %squeeze3A_706 : f32 to vector<16xf32>
        %add3A_708 = arith.addf %add3A_704, %add3A_707 : vector<16xf32>
        %max3A_709 = arith.maximumf %min3A_687, %add3A_708 : vector<16xf32>
        %min3A_710 = arith.minimumf %min3A_687, %add3A_708 : vector<16xf32>
        %max3A_711 = arith.maximumf %min3A_689, %max3A_709 : vector<16xf32>
        %min3A_712 = arith.minimumf %min3A_689, %max3A_709 : vector<16xf32>
        %min3A_713 = arith.minimumf %min3A_690, %max3A_711 : vector<16xf32>
        %slice3A_714 = vector.extract_strided_slice %get3A_655 {offsets = [2], sizes = [1], strides = [1]} : vector<16xf32> to vector<1xf32>
        %squeeze3A_715 = vector.extract %slice3A_714[0] : f32 from vector<1xf32>
        %mul3A_716 = vector.broadcast %squeeze3A_715 : f32 to vector<16xf32>
        %mul3A_717 = arith.mulf %mul3A_98, %mul3A_716 : vector<16xf32>
        %slice3A_718 = vector.extract_strided_slice %get3A_659 {offsets = [2], sizes = [1], strides = [1]} : vector<16xf32> to vector<1xf32>
        %squeeze3A_719 = vector.extract %slice3A_718[0] : f32 from vector<1xf32>
        %mul3A_720 = vector.broadcast %squeeze3A_719 : f32 to vector<16xf32>
        %mul3A_721 = arith.mulf %mul3A_101, %mul3A_720 : vector<16xf32>
        %add3A_722 = arith.addf %mul3A_717, %mul3A_721 : vector<16xf32>
        %slice3A_723 = vector.extract_strided_slice %get3A_663 {offsets = [2], sizes = [1], strides = [1]} : vector<16xf32> to vector<1xf32>
        %squeeze3A_724 = vector.extract %slice3A_723[0] : f32 from vector<1xf32>
        %mul3A_725 = vector.broadcast %squeeze3A_724 : f32 to vector<16xf32>
        %mul3A_726 = arith.mulf %mul3A_104, %mul3A_725 : vector<16xf32>
        %add3A_727 = arith.addf %add3A_722, %mul3A_726 : vector<16xf32>
        %slice3A_728 = vector.extract_strided_slice %get3A_667 {offsets = [2], sizes = [1], strides = [1]} : vector<16xf32> to vector<1xf32>
        %squeeze3A_729 = vector.extract %slice3A_728[0] : f32 from vector<1xf32>
        %add3A_730 = vector.broadcast %squeeze3A_729 : f32 to vector<16xf32>
        %add3A_731 = arith.addf %add3A_727, %add3A_730 : vector<16xf32>
        %max3A_732 = arith.maximumf %min3A_710, %add3A_731 : vector<16xf32>
        %min3A_733 = arith.minimumf %min3A_710, %add3A_731 : vector<16xf32>
        %max3A_734 = arith.maximumf %min3A_712, %max3A_732 : vector<16xf32>
        %min3A_735 = arith.minimumf %min3A_712, %max3A_732 : vector<16xf32>
        %min3A_736 = arith.minimumf %min3A_713, %max3A_734 : vector<16xf32>
        %slice3A_737 = vector.extract_strided_slice %get3A_655 {offsets = [3], sizes = [1], strides = [1]} : vector<16xf32> to vector<1xf32>
        %squeeze3A_738 = vector.extract %slice3A_737[0] : f32 from vector<1xf32>
        %mul3A_739 = vector.broadcast %squeeze3A_738 : f32 to vector<16xf32>
        %mul3A_740 = arith.mulf %mul3A_98, %mul3A_739 : vector<16xf32>
        %slice3A_741 = vector.extract_strided_slice %get3A_659 {offsets = [3], sizes = [1], strides = [1]} : vector<16xf32> to vector<1xf32>
        %squeeze3A_742 = vector.extract %slice3A_741[0] : f32 from vector<1xf32>
        %mul3A_743 = vector.broadcast %squeeze3A_742 : f32 to vector<16xf32>
        %mul3A_744 = arith.mulf %mul3A_101, %mul3A_743 : vector<16xf32>
        %add3A_745 = arith.addf %mul3A_740, %mul3A_744 : vector<16xf32>
        %slice3A_746 = vector.extract_strided_slice %get3A_663 {offsets = [3], sizes = [1], strides = [1]} : vector<16xf32> to vector<1xf32>
        %squeeze3A_747 = vector.extract %slice3A_746[0] : f32 from vector<1xf32>
        %mul3A_748 = vector.broadcast %squeeze3A_747 : f32 to vector<16xf32>
        %mul3A_749 = arith.mulf %mul3A_104, %mul3A_748 : vector<16xf32>
        %add3A_750 = arith.addf %add3A_745, %mul3A_749 : vector<16xf32>
        %slice3A_751 = vector.extract_strided_slice %get3A_667 {offsets = [3], sizes = [1], strides = [1]} : vector<16xf32> to vector<1xf32>
        %squeeze3A_752 = vector.extract %slice3A_751[0] : f32 from vector<1xf32>
        %add3A_753 = vector.broadcast %squeeze3A_752 : f32 to vector<16xf32>
        %add3A_754 = arith.addf %add3A_750, %add3A_753 : vector<16xf32>
        %max3A_755 = arith.maximumf %min3A_733, %add3A_754 : vector<16xf32>
        %min3A_756 = arith.minimumf %min3A_733, %add3A_754 : vector<16xf32>
        %max3A_757 = arith.maximumf %min3A_735, %max3A_755 : vector<16xf32>
        %min3A_758 = arith.minimumf %min3A_735, %max3A_755 : vector<16xf32>
        %min3A_759 = arith.minimumf %min3A_736, %max3A_757 : vector<16xf32>
        %slice3A_760 = vector.extract_strided_slice %get3A_655 {offsets = [4], sizes = [1], strides = [1]} : vector<16xf32> to vector<1xf32>
        %squeeze3A_761 = vector.extract %slice3A_760[0] : f32 from vector<1xf32>
        %mul3A_762 = vector.broadcast %squeeze3A_761 : f32 to vector<16xf32>
        %mul3A_763 = arith.mulf %mul3A_98, %mul3A_762 : vector<16xf32>
        %slice3A_764 = vector.extract_strided_slice %get3A_659 {offsets = [4], sizes = [1], strides = [1]} : vector<16xf32> to vector<1xf32>
        %squeeze3A_765 = vector.extract %slice3A_764[0] : f32 from vector<1xf32>
        %mul3A_766 = vector.broadcast %squeeze3A_765 : f32 to vector<16xf32>
        %mul3A_767 = arith.mulf %mul3A_101, %mul3A_766 : vector<16xf32>
        %add3A_768 = arith.addf %mul3A_763, %mul3A_767 : vector<16xf32>
        %slice3A_769 = vector.extract_strided_slice %get3A_663 {offsets = [4], sizes = [1], strides = [1]} : vector<16xf32> to vector<1xf32>
        %squeeze3A_770 = vector.extract %slice3A_769[0] : f32 from vector<1xf32>
        %mul3A_771 = vector.broadcast %squeeze3A_770 : f32 to vector<16xf32>
        %mul3A_772 = arith.mulf %mul3A_104, %mul3A_771 : vector<16xf32>
        %add3A_773 = arith.addf %add3A_768, %mul3A_772 : vector<16xf32>
        %slice3A_774 = vector.extract_strided_slice %get3A_667 {offsets = [4], sizes = [1], strides = [1]} : vector<16xf32> to vector<1xf32>
        %squeeze3A_775 = vector.extract %slice3A_774[0] : f32 from vector<1xf32>
        %add3A_776 = vector.broadcast %squeeze3A_775 : f32 to vector<16xf32>
        %add3A_777 = arith.addf %add3A_773, %add3A_776 : vector<16xf32>
        %max3A_778 = arith.maximumf %min3A_756, %add3A_777 : vector<16xf32>
        %min3A_779 = arith.minimumf %min3A_756, %add3A_777 : vector<16xf32>
        %max3A_780 = arith.maximumf %min3A_758, %max3A_778 : vector<16xf32>
        %min3A_781 = arith.minimumf %min3A_758, %max3A_778 : vector<16xf32>
        %min3A_782 = arith.minimumf %min3A_759, %max3A_780 : vector<16xf32>
        %slice3A_783 = vector.extract_strided_slice %get3A_655 {offsets = [5], sizes = [1], strides = [1]} : vector<16xf32> to vector<1xf32>
        %squeeze3A_784 = vector.extract %slice3A_783[0] : f32 from vector<1xf32>
        %mul3A_785 = vector.broadcast %squeeze3A_784 : f32 to vector<16xf32>
        %mul3A_786 = arith.mulf %mul3A_98, %mul3A_785 : vector<16xf32>
        %slice3A_787 = vector.extract_strided_slice %get3A_659 {offsets = [5], sizes = [1], strides = [1]} : vector<16xf32> to vector<1xf32>
        %squeeze3A_788 = vector.extract %slice3A_787[0] : f32 from vector<1xf32>
        %mul3A_789 = vector.broadcast %squeeze3A_788 : f32 to vector<16xf32>
        %mul3A_790 = arith.mulf %mul3A_101, %mul3A_789 : vector<16xf32>
        %add3A_791 = arith.addf %mul3A_786, %mul3A_790 : vector<16xf32>
        %slice3A_792 = vector.extract_strided_slice %get3A_663 {offsets = [5], sizes = [1], strides = [1]} : vector<16xf32> to vector<1xf32>
        %squeeze3A_793 = vector.extract %slice3A_792[0] : f32 from vector<1xf32>
        %mul3A_794 = vector.broadcast %squeeze3A_793 : f32 to vector<16xf32>
        %mul3A_795 = arith.mulf %mul3A_104, %mul3A_794 : vector<16xf32>
        %add3A_796 = arith.addf %add3A_791, %mul3A_795 : vector<16xf32>
        %slice3A_797 = vector.extract_strided_slice %get3A_667 {offsets = [5], sizes = [1], strides = [1]} : vector<16xf32> to vector<1xf32>
        %squeeze3A_798 = vector.extract %slice3A_797[0] : f32 from vector<1xf32>
        %add3A_799 = vector.broadcast %squeeze3A_798 : f32 to vector<16xf32>
        %add3A_800 = arith.addf %add3A_796, %add3A_799 : vector<16xf32>
        %max3A_801 = arith.maximumf %min3A_779, %add3A_800 : vector<16xf32>
        %min3A_802 = arith.minimumf %min3A_779, %add3A_800 : vector<16xf32>
        %max3A_803 = arith.maximumf %min3A_781, %max3A_801 : vector<16xf32>
        %min3A_804 = arith.minimumf %min3A_781, %max3A_801 : vector<16xf32>
        %min3A_805 = arith.minimumf %min3A_782, %max3A_803 : vector<16xf32>
        %slice3A_806 = vector.extract_strided_slice %get3A_655 {offsets = [6], sizes = [1], strides = [1]} : vector<16xf32> to vector<1xf32>
        %squeeze3A_807 = vector.extract %slice3A_806[0] : f32 from vector<1xf32>
        %mul3A_808 = vector.broadcast %squeeze3A_807 : f32 to vector<16xf32>
        %mul3A_809 = arith.mulf %mul3A_98, %mul3A_808 : vector<16xf32>
        %slice3A_810 = vector.extract_strided_slice %get3A_659 {offsets = [6], sizes = [1], strides = [1]} : vector<16xf32> to vector<1xf32>
        %squeeze3A_811 = vector.extract %slice3A_810[0] : f32 from vector<1xf32>
        %mul3A_812 = vector.broadcast %squeeze3A_811 : f32 to vector<16xf32>
        %mul3A_813 = arith.mulf %mul3A_101, %mul3A_812 : vector<16xf32>
        %add3A_814 = arith.addf %mul3A_809, %mul3A_813 : vector<16xf32>
        %slice3A_815 = vector.extract_strided_slice %get3A_663 {offsets = [6], sizes = [1], strides = [1]} : vector<16xf32> to vector<1xf32>
        %squeeze3A_816 = vector.extract %slice3A_815[0] : f32 from vector<1xf32>
        %mul3A_817 = vector.broadcast %squeeze3A_816 : f32 to vector<16xf32>
        %mul3A_818 = arith.mulf %mul3A_104, %mul3A_817 : vector<16xf32>
        %add3A_819 = arith.addf %add3A_814, %mul3A_818 : vector<16xf32>
        %slice3A_820 = vector.extract_strided_slice %get3A_667 {offsets = [6], sizes = [1], strides = [1]} : vector<16xf32> to vector<1xf32>
        %squeeze3A_821 = vector.extract %slice3A_820[0] : f32 from vector<1xf32>
        %add3A_822 = vector.broadcast %squeeze3A_821 : f32 to vector<16xf32>
        %add3A_823 = arith.addf %add3A_819, %add3A_822 : vector<16xf32>
        %max3A_824 = arith.maximumf %min3A_802, %add3A_823 : vector<16xf32>
        %min3A_825 = arith.minimumf %min3A_802, %add3A_823 : vector<16xf32>
        %max3A_826 = arith.maximumf %min3A_804, %max3A_824 : vector<16xf32>
        %min3A_827 = arith.minimumf %min3A_804, %max3A_824 : vector<16xf32>
        %min3A_828 = arith.minimumf %min3A_805, %max3A_826 : vector<16xf32>
        %slice3A_829 = vector.extract_strided_slice %get3A_655 {offsets = [7], sizes = [1], strides = [1]} : vector<16xf32> to vector<1xf32>
        %squeeze3A_830 = vector.extract %slice3A_829[0] : f32 from vector<1xf32>
        %mul3A_831 = vector.broadcast %squeeze3A_830 : f32 to vector<16xf32>
        %mul3A_832 = arith.mulf %mul3A_98, %mul3A_831 : vector<16xf32>
        %slice3A_833 = vector.extract_strided_slice %get3A_659 {offsets = [7], sizes = [1], strides = [1]} : vector<16xf32> to vector<1xf32>
        %squeeze3A_834 = vector.extract %slice3A_833[0] : f32 from vector<1xf32>
        %mul3A_835 = vector.broadcast %squeeze3A_834 : f32 to vector<16xf32>
        %mul3A_836 = arith.mulf %mul3A_101, %mul3A_835 : vector<16xf32>
        %add3A_837 = arith.addf %mul3A_832, %mul3A_836 : vector<16xf32>
        %slice3A_838 = vector.extract_strided_slice %get3A_663 {offsets = [7], sizes = [1], strides = [1]} : vector<16xf32> to vector<1xf32>
        %squeeze3A_839 = vector.extract %slice3A_838[0] : f32 from vector<1xf32>
        %mul3A_840 = vector.broadcast %squeeze3A_839 : f32 to vector<16xf32>
        %mul3A_841 = arith.mulf %mul3A_104, %mul3A_840 : vector<16xf32>
        %add3A_842 = arith.addf %add3A_837, %mul3A_841 : vector<16xf32>
        %slice3A_843 = vector.extract_strided_slice %get3A_667 {offsets = [7], sizes = [1], strides = [1]} : vector<16xf32> to vector<1xf32>
        %squeeze3A_844 = vector.extract %slice3A_843[0] : f32 from vector<1xf32>
        %add3A_845 = vector.broadcast %squeeze3A_844 : f32 to vector<16xf32>
        %add3A_846 = arith.addf %add3A_842, %add3A_845 : vector<16xf32>
        %max3A_847 = arith.maximumf %min3A_825, %add3A_846 : vector<16xf32>
        %min3A_848 = arith.minimumf %min3A_825, %add3A_846 : vector<16xf32>
        %max3A_849 = arith.maximumf %min3A_827, %max3A_847 : vector<16xf32>
        %min3A_850 = arith.minimumf %min3A_827, %max3A_847 : vector<16xf32>
        %min3A_851 = arith.minimumf %min3A_828, %max3A_849 : vector<16xf32>
        %slice3A_852 = vector.extract_strided_slice %get3A_655 {offsets = [8], sizes = [1], strides = [1]} : vector<16xf32> to vector<1xf32>
        %squeeze3A_853 = vector.extract %slice3A_852[0] : f32 from vector<1xf32>
        %mul3A_854 = vector.broadcast %squeeze3A_853 : f32 to vector<16xf32>
        %mul3A_855 = arith.mulf %mul3A_98, %mul3A_854 : vector<16xf32>
        %slice3A_856 = vector.extract_strided_slice %get3A_659 {offsets = [8], sizes = [1], strides = [1]} : vector<16xf32> to vector<1xf32>
        %squeeze3A_857 = vector.extract %slice3A_856[0] : f32 from vector<1xf32>
        %mul3A_858 = vector.broadcast %squeeze3A_857 : f32 to vector<16xf32>
        %mul3A_859 = arith.mulf %mul3A_101, %mul3A_858 : vector<16xf32>
        %add3A_860 = arith.addf %mul3A_855, %mul3A_859 : vector<16xf32>
        %slice3A_861 = vector.extract_strided_slice %get3A_663 {offsets = [8], sizes = [1], strides = [1]} : vector<16xf32> to vector<1xf32>
        %squeeze3A_862 = vector.extract %slice3A_861[0] : f32 from vector<1xf32>
        %mul3A_863 = vector.broadcast %squeeze3A_862 : f32 to vector<16xf32>
        %mul3A_864 = arith.mulf %mul3A_104, %mul3A_863 : vector<16xf32>
        %add3A_865 = arith.addf %add3A_860, %mul3A_864 : vector<16xf32>
        %slice3A_866 = vector.extract_strided_slice %get3A_667 {offsets = [8], sizes = [1], strides = [1]} : vector<16xf32> to vector<1xf32>
        %squeeze3A_867 = vector.extract %slice3A_866[0] : f32 from vector<1xf32>
        %add3A_868 = vector.broadcast %squeeze3A_867 : f32 to vector<16xf32>
        %add3A_869 = arith.addf %add3A_865, %add3A_868 : vector<16xf32>
        %max3A_870 = arith.maximumf %min3A_848, %add3A_869 : vector<16xf32>
        %min3A_871 = arith.minimumf %min3A_848, %add3A_869 : vector<16xf32>
        %max3A_872 = arith.maximumf %min3A_850, %max3A_870 : vector<16xf32>
        %min3A_873 = arith.minimumf %min3A_850, %max3A_870 : vector<16xf32>
        %min3A_874 = arith.minimumf %min3A_851, %max3A_872 : vector<16xf32>
        %slice3A_875 = vector.extract_strided_slice %get3A_655 {offsets = [9], sizes = [1], strides = [1]} : vector<16xf32> to vector<1xf32>
        %squeeze3A_876 = vector.extract %slice3A_875[0] : f32 from vector<1xf32>
        %mul3A_877 = vector.broadcast %squeeze3A_876 : f32 to vector<16xf32>
        %mul3A_878 = arith.mulf %mul3A_98, %mul3A_877 : vector<16xf32>
        %slice3A_879 = vector.extract_strided_slice %get3A_659 {offsets = [9], sizes = [1], strides = [1]} : vector<16xf32> to vector<1xf32>
        %squeeze3A_880 = vector.extract %slice3A_879[0] : f32 from vector<1xf32>
        %mul3A_881 = vector.broadcast %squeeze3A_880 : f32 to vector<16xf32>
        %mul3A_882 = arith.mulf %mul3A_101, %mul3A_881 : vector<16xf32>
        %add3A_883 = arith.addf %mul3A_878, %mul3A_882 : vector<16xf32>
        %slice3A_884 = vector.extract_strided_slice %get3A_663 {offsets = [9], sizes = [1], strides = [1]} : vector<16xf32> to vector<1xf32>
        %squeeze3A_885 = vector.extract %slice3A_884[0] : f32 from vector<1xf32>
        %mul3A_886 = vector.broadcast %squeeze3A_885 : f32 to vector<16xf32>
        %mul3A_887 = arith.mulf %mul3A_104, %mul3A_886 : vector<16xf32>
        %add3A_888 = arith.addf %add3A_883, %mul3A_887 : vector<16xf32>
        %slice3A_889 = vector.extract_strided_slice %get3A_667 {offsets = [9], sizes = [1], strides = [1]} : vector<16xf32> to vector<1xf32>
        %squeeze3A_890 = vector.extract %slice3A_889[0] : f32 from vector<1xf32>
        %add3A_891 = vector.broadcast %squeeze3A_890 : f32 to vector<16xf32>
        %add3A_892 = arith.addf %add3A_888, %add3A_891 : vector<16xf32>
        %max3A_893 = arith.maximumf %min3A_871, %add3A_892 : vector<16xf32>
        %min3A_894 = arith.minimumf %min3A_871, %add3A_892 : vector<16xf32>
        %max3A_895 = arith.maximumf %min3A_873, %max3A_893 : vector<16xf32>
        %min3A_896 = arith.minimumf %min3A_873, %max3A_893 : vector<16xf32>
        %min3A_897 = arith.minimumf %min3A_874, %max3A_895 : vector<16xf32>
        %slice3A_898 = vector.extract_strided_slice %get3A_655 {offsets = [10], sizes = [1], strides = [1]} : vector<16xf32> to vector<1xf32>
        %squeeze3A_899 = vector.extract %slice3A_898[0] : f32 from vector<1xf32>
        %mul3A_900 = vector.broadcast %squeeze3A_899 : f32 to vector<16xf32>
        %mul3A_901 = arith.mulf %mul3A_98, %mul3A_900 : vector<16xf32>
        %slice3A_902 = vector.extract_strided_slice %get3A_659 {offsets = [10], sizes = [1], strides = [1]} : vector<16xf32> to vector<1xf32>
        %squeeze3A_903 = vector.extract %slice3A_902[0] : f32 from vector<1xf32>
        %mul3A_904 = vector.broadcast %squeeze3A_903 : f32 to vector<16xf32>
        %mul3A_905 = arith.mulf %mul3A_101, %mul3A_904 : vector<16xf32>
        %add3A_906 = arith.addf %mul3A_901, %mul3A_905 : vector<16xf32>
        %slice3A_907 = vector.extract_strided_slice %get3A_663 {offsets = [10], sizes = [1], strides = [1]} : vector<16xf32> to vector<1xf32>
        %squeeze3A_908 = vector.extract %slice3A_907[0] : f32 from vector<1xf32>
        %mul3A_909 = vector.broadcast %squeeze3A_908 : f32 to vector<16xf32>
        %mul3A_910 = arith.mulf %mul3A_104, %mul3A_909 : vector<16xf32>
        %add3A_911 = arith.addf %add3A_906, %mul3A_910 : vector<16xf32>
        %slice3A_912 = vector.extract_strided_slice %get3A_667 {offsets = [10], sizes = [1], strides = [1]} : vector<16xf32> to vector<1xf32>
        %squeeze3A_913 = vector.extract %slice3A_912[0] : f32 from vector<1xf32>
        %add3A_914 = vector.broadcast %squeeze3A_913 : f32 to vector<16xf32>
        %add3A_915 = arith.addf %add3A_911, %add3A_914 : vector<16xf32>
        %max3A_916 = arith.maximumf %min3A_894, %add3A_915 : vector<16xf32>
        %min3A_917 = arith.minimumf %min3A_894, %add3A_915 : vector<16xf32>
        %max3A_918 = arith.maximumf %min3A_896, %max3A_916 : vector<16xf32>
        %min3A_919 = arith.minimumf %min3A_896, %max3A_916 : vector<16xf32>
        %min3A_920 = arith.minimumf %min3A_897, %max3A_918 : vector<16xf32>
        %slice3A_921 = vector.extract_strided_slice %get3A_655 {offsets = [11], sizes = [1], strides = [1]} : vector<16xf32> to vector<1xf32>
        %squeeze3A_922 = vector.extract %slice3A_921[0] : f32 from vector<1xf32>
        %mul3A_923 = vector.broadcast %squeeze3A_922 : f32 to vector<16xf32>
        %mul3A_924 = arith.mulf %mul3A_98, %mul3A_923 : vector<16xf32>
        %slice3A_925 = vector.extract_strided_slice %get3A_659 {offsets = [11], sizes = [1], strides = [1]} : vector<16xf32> to vector<1xf32>
        %squeeze3A_926 = vector.extract %slice3A_925[0] : f32 from vector<1xf32>
        %mul3A_927 = vector.broadcast %squeeze3A_926 : f32 to vector<16xf32>
        %mul3A_928 = arith.mulf %mul3A_101, %mul3A_927 : vector<16xf32>
        %add3A_929 = arith.addf %mul3A_924, %mul3A_928 : vector<16xf32>
        %slice3A_930 = vector.extract_strided_slice %get3A_663 {offsets = [11], sizes = [1], strides = [1]} : vector<16xf32> to vector<1xf32>
        %squeeze3A_931 = vector.extract %slice3A_930[0] : f32 from vector<1xf32>
        %mul3A_932 = vector.broadcast %squeeze3A_931 : f32 to vector<16xf32>
        %mul3A_933 = arith.mulf %mul3A_104, %mul3A_932 : vector<16xf32>
        %add3A_934 = arith.addf %add3A_929, %mul3A_933 : vector<16xf32>
        %slice3A_935 = vector.extract_strided_slice %get3A_667 {offsets = [11], sizes = [1], strides = [1]} : vector<16xf32> to vector<1xf32>
        %squeeze3A_936 = vector.extract %slice3A_935[0] : f32 from vector<1xf32>
        %add3A_937 = vector.broadcast %squeeze3A_936 : f32 to vector<16xf32>
        %add3A_938 = arith.addf %add3A_934, %add3A_937 : vector<16xf32>
        %max3A_939 = arith.maximumf %min3A_917, %add3A_938 : vector<16xf32>
        %min3A_940 = arith.minimumf %min3A_917, %add3A_938 : vector<16xf32>
        %max3A_941 = arith.maximumf %min3A_919, %max3A_939 : vector<16xf32>
        %min3A_942 = arith.minimumf %min3A_919, %max3A_939 : vector<16xf32>
        %min3A_943 = arith.minimumf %min3A_920, %max3A_941 : vector<16xf32>
        %slice3A_944 = vector.extract_strided_slice %get3A_655 {offsets = [12], sizes = [1], strides = [1]} : vector<16xf32> to vector<1xf32>
        %squeeze3A_945 = vector.extract %slice3A_944[0] : f32 from vector<1xf32>
        %mul3A_946 = vector.broadcast %squeeze3A_945 : f32 to vector<16xf32>
        %mul3A_947 = arith.mulf %mul3A_98, %mul3A_946 : vector<16xf32>
        %slice3A_948 = vector.extract_strided_slice %get3A_659 {offsets = [12], sizes = [1], strides = [1]} : vector<16xf32> to vector<1xf32>
        %squeeze3A_949 = vector.extract %slice3A_948[0] : f32 from vector<1xf32>
        %mul3A_950 = vector.broadcast %squeeze3A_949 : f32 to vector<16xf32>
        %mul3A_951 = arith.mulf %mul3A_101, %mul3A_950 : vector<16xf32>
        %add3A_952 = arith.addf %mul3A_947, %mul3A_951 : vector<16xf32>
        %slice3A_953 = vector.extract_strided_slice %get3A_663 {offsets = [12], sizes = [1], strides = [1]} : vector<16xf32> to vector<1xf32>
        %squeeze3A_954 = vector.extract %slice3A_953[0] : f32 from vector<1xf32>
        %mul3A_955 = vector.broadcast %squeeze3A_954 : f32 to vector<16xf32>
        %mul3A_956 = arith.mulf %mul3A_104, %mul3A_955 : vector<16xf32>
        %add3A_957 = arith.addf %add3A_952, %mul3A_956 : vector<16xf32>
        %slice3A_958 = vector.extract_strided_slice %get3A_667 {offsets = [12], sizes = [1], strides = [1]} : vector<16xf32> to vector<1xf32>
        %squeeze3A_959 = vector.extract %slice3A_958[0] : f32 from vector<1xf32>
        %add3A_960 = vector.broadcast %squeeze3A_959 : f32 to vector<16xf32>
        %add3A_961 = arith.addf %add3A_957, %add3A_960 : vector<16xf32>
        %max3A_962 = arith.maximumf %min3A_940, %add3A_961 : vector<16xf32>
        %min3A_963 = arith.minimumf %min3A_940, %add3A_961 : vector<16xf32>
        %max3A_964 = arith.maximumf %min3A_942, %max3A_962 : vector<16xf32>
        %min3A_965 = arith.minimumf %min3A_942, %max3A_962 : vector<16xf32>
        %min3A_966 = arith.minimumf %min3A_943, %max3A_964 : vector<16xf32>
        %slice3A_967 = vector.extract_strided_slice %get3A_655 {offsets = [13], sizes = [1], strides = [1]} : vector<16xf32> to vector<1xf32>
        %squeeze3A_968 = vector.extract %slice3A_967[0] : f32 from vector<1xf32>
        %mul3A_969 = vector.broadcast %squeeze3A_968 : f32 to vector<16xf32>
        %mul3A_970 = arith.mulf %mul3A_98, %mul3A_969 : vector<16xf32>
        %slice3A_971 = vector.extract_strided_slice %get3A_659 {offsets = [13], sizes = [1], strides = [1]} : vector<16xf32> to vector<1xf32>
        %squeeze3A_972 = vector.extract %slice3A_971[0] : f32 from vector<1xf32>
        %mul3A_973 = vector.broadcast %squeeze3A_972 : f32 to vector<16xf32>
        %mul3A_974 = arith.mulf %mul3A_101, %mul3A_973 : vector<16xf32>
        %add3A_975 = arith.addf %mul3A_970, %mul3A_974 : vector<16xf32>
        %slice3A_976 = vector.extract_strided_slice %get3A_663 {offsets = [13], sizes = [1], strides = [1]} : vector<16xf32> to vector<1xf32>
        %squeeze3A_977 = vector.extract %slice3A_976[0] : f32 from vector<1xf32>
        %mul3A_978 = vector.broadcast %squeeze3A_977 : f32 to vector<16xf32>
        %mul3A_979 = arith.mulf %mul3A_104, %mul3A_978 : vector<16xf32>
        %add3A_980 = arith.addf %add3A_975, %mul3A_979 : vector<16xf32>
        %slice3A_981 = vector.extract_strided_slice %get3A_667 {offsets = [13], sizes = [1], strides = [1]} : vector<16xf32> to vector<1xf32>
        %squeeze3A_982 = vector.extract %slice3A_981[0] : f32 from vector<1xf32>
        %add3A_983 = vector.broadcast %squeeze3A_982 : f32 to vector<16xf32>
        %add3A_984 = arith.addf %add3A_980, %add3A_983 : vector<16xf32>
        %max3A_985 = arith.maximumf %min3A_963, %add3A_984 : vector<16xf32>
        %min3A_986 = arith.minimumf %min3A_963, %add3A_984 : vector<16xf32>
        %max3A_987 = arith.maximumf %min3A_965, %max3A_985 : vector<16xf32>
        %min3A_988 = arith.minimumf %min3A_965, %max3A_985 : vector<16xf32>
        %min3A_989 = arith.minimumf %min3A_966, %max3A_987 : vector<16xf32>
        %slice3A_990 = vector.extract_strided_slice %get3A_655 {offsets = [14], sizes = [1], strides = [1]} : vector<16xf32> to vector<1xf32>
        %squeeze3A_991 = vector.extract %slice3A_990[0] : f32 from vector<1xf32>
        %mul3A_992 = vector.broadcast %squeeze3A_991 : f32 to vector<16xf32>
        %mul3A_993 = arith.mulf %mul3A_98, %mul3A_992 : vector<16xf32>
        %slice3A_994 = vector.extract_strided_slice %get3A_659 {offsets = [14], sizes = [1], strides = [1]} : vector<16xf32> to vector<1xf32>
        %squeeze3A_995 = vector.extract %slice3A_994[0] : f32 from vector<1xf32>
        %mul3A_996 = vector.broadcast %squeeze3A_995 : f32 to vector<16xf32>
        %mul3A_997 = arith.mulf %mul3A_101, %mul3A_996 : vector<16xf32>
        %add3A_998 = arith.addf %mul3A_993, %mul3A_997 : vector<16xf32>
        %slice3A_999 = vector.extract_strided_slice %get3A_663 {offsets = [14], sizes = [1], strides = [1]} : vector<16xf32> to vector<1xf32>
        %squeeze3A_1000 = vector.extract %slice3A_999[0] : f32 from vector<1xf32>
        %mul3A_1001 = vector.broadcast %squeeze3A_1000 : f32 to vector<16xf32>
        %mul3A_1002 = arith.mulf %mul3A_104, %mul3A_1001 : vector<16xf32>
        %add3A_1003 = arith.addf %add3A_998, %mul3A_1002 : vector<16xf32>
        %slice3A_1004 = vector.extract_strided_slice %get3A_667 {offsets = [14], sizes = [1], strides = [1]} : vector<16xf32> to vector<1xf32>
        %squeeze3A_1005 = vector.extract %slice3A_1004[0] : f32 from vector<1xf32>
        %add3A_1006 = vector.broadcast %squeeze3A_1005 : f32 to vector<16xf32>
        %add3A_1007 = arith.addf %add3A_1003, %add3A_1006 : vector<16xf32>
        %max3A_1008 = arith.maximumf %min3A_986, %add3A_1007 : vector<16xf32>
        %min3A_1009 = arith.minimumf %min3A_986, %add3A_1007 : vector<16xf32>
        %max3A_1010 = arith.maximumf %min3A_988, %max3A_1008 : vector<16xf32>
        %min3A_1011 = arith.minimumf %min3A_988, %max3A_1008 : vector<16xf32>
        %min3A_1012 = arith.minimumf %min3A_989, %max3A_1010 : vector<16xf32>
        %slice3A_1013 = vector.extract_strided_slice %get3A_655 {offsets = [15], sizes = [1], strides = [1]} : vector<16xf32> to vector<1xf32>
        %squeeze3A_1014 = vector.extract %slice3A_1013[0] : f32 from vector<1xf32>
        %mul3A_1015 = vector.broadcast %squeeze3A_1014 : f32 to vector<16xf32>
        %mul3A_1016 = arith.mulf %mul3A_98, %mul3A_1015 : vector<16xf32>
        %slice3A_1017 = vector.extract_strided_slice %get3A_659 {offsets = [15], sizes = [1], strides = [1]} : vector<16xf32> to vector<1xf32>
        %squeeze3A_1018 = vector.extract %slice3A_1017[0] : f32 from vector<1xf32>
        %mul3A_1019 = vector.broadcast %squeeze3A_1018 : f32 to vector<16xf32>
        %mul3A_1020 = arith.mulf %mul3A_101, %mul3A_1019 : vector<16xf32>
        %add3A_1021 = arith.addf %mul3A_1016, %mul3A_1020 : vector<16xf32>
        %slice3A_1022 = vector.extract_strided_slice %get3A_663 {offsets = [15], sizes = [1], strides = [1]} : vector<16xf32> to vector<1xf32>
        %squeeze3A_1023 = vector.extract %slice3A_1022[0] : f32 from vector<1xf32>
        %mul3A_1024 = vector.broadcast %squeeze3A_1023 : f32 to vector<16xf32>
        %mul3A_1025 = arith.mulf %mul3A_104, %mul3A_1024 : vector<16xf32>
        %add3A_1026 = arith.addf %add3A_1021, %mul3A_1025 : vector<16xf32>
        %slice3A_1027 = vector.extract_strided_slice %get3A_667 {offsets = [15], sizes = [1], strides = [1]} : vector<16xf32> to vector<1xf32>
        %squeeze3A_1028 = vector.extract %slice3A_1027[0] : f32 from vector<1xf32>
        %add3A_1029 = vector.broadcast %squeeze3A_1028 : f32 to vector<16xf32>
        %add3A_1030 = arith.addf %add3A_1026, %add3A_1029 : vector<16xf32>
        %max3A_1031 = arith.maximumf %min3A_1009, %add3A_1030 : vector<16xf32>
        %min3A_1032 = arith.minimumf %min3A_1009, %add3A_1030 : vector<16xf32>
        %max3A_1033 = arith.maximumf %min3A_1011, %max3A_1031 : vector<16xf32>
        %min3A_1034 = arith.minimumf %min3A_1011, %max3A_1031 : vector<16xf32>
        %min3A_1035 = arith.minimumf %min3A_1012, %max3A_1033 : vector<16xf32>
        scf.yield %min3A_1032, %min3A_1034, %min3A_1035 : vector<16xf32>, vector<16xf32>, vector<16xf32>
      }
      %while3A_625 = arith.constant 1 : i32
      %while3A_626:3 = scf.for %while3A_648 = %while3A_622 to %while3A_618 step %while3A_625 iter_args(%while3A_649 = %while3A_624#0, %while3A_650 = %while3A_624#1, %while3A_651 = %while3A_624#2) -> (vector<16xf32>, vector<16xf32>, vector<16xf32>)  : i32 {
        %mul3A_652 = arith.constant 16 : i32
        %mul3A_653 = arith.muli %while3A_648, %mul3A_652 : i32
        %get3A_654 = arith.index_cast %mul3A_653 : i32 to index
        %get3A_655 = tpu.vector_load %arg5[%get3A_654] {strides = array<i32>} : memref<4096xf32, #tpu.memory_space<vmem>>, vector<16xf32>,
        %mul3A_656 = arith.constant 16 : i32
        %mul3A_657 = arith.muli %while3A_648, %mul3A_656 : i32
        %get3A_658 = arith.index_cast %mul3A_657 : i32 to index
        %get3A_659 = tpu.vector_load %arg6[%get3A_658] {strides = array<i32>} : memref<4096xf32, #tpu.memory_space<vmem>>, vector<16xf32>,
        %mul3A_660 = arith.constant 16 : i32
        %mul3A_661 = arith.muli %while3A_648, %mul3A_660 : i32
        %get3A_662 = arith.index_cast %mul3A_661 : i32 to index
        %get3A_663 = tpu.vector_load %arg7[%get3A_662] {strides = array<i32>} : memref<4096xf32, #tpu.memory_space<vmem>>, vector<16xf32>,
        %mul3A_664 = arith.constant 16 : i32
        %mul3A_665 = arith.muli %while3A_648, %mul3A_664 : i32
        %get3A_666 = arith.index_cast %mul3A_665 : i32 to index
        %get3A_667 = tpu.vector_load %arg8[%get3A_666] {strides = array<i32>} : memref<4096xf32, #tpu.memory_space<vmem>>, vector<16xf32>,
        %slice3A_668 = vector.extract_strided_slice %get3A_655 {offsets = [0], sizes = [1], strides = [1]} : vector<16xf32> to vector<1xf32>
        %squeeze3A_669 = vector.extract %slice3A_668[0] : f32 from vector<1xf32>
        %mul3A_670 = vector.broadcast %squeeze3A_669 : f32 to vector<16xf32>
        %mul3A_671 = arith.mulf %mul3A_98, %mul3A_670 : vector<16xf32>
        %slice3A_672 = vector.extract_strided_slice %get3A_659 {offsets = [0], sizes = [1], strides = [1]} : vector<16xf32> to vector<1xf32>
        %squeeze3A_673 = vector.extract %slice3A_672[0] : f32 from vector<1xf32>
        %mul3A_674 = vector.broadcast %squeeze3A_673 : f32 to vector<16xf32>
        %mul3A_675 = arith.mulf %mul3A_101, %mul3A_674 : vector<16xf32>
        %add3A_676 = arith.addf %mul3A_671, %mul3A_675 : vector<16xf32>
        %slice3A_677 = vector.extract_strided_slice %get3A_663 {offsets = [0], sizes = [1], strides = [1]} : vector<16xf32> to vector<1xf32>
        %squeeze3A_678 = vector.extract %slice3A_677[0] : f32 from vector<1xf32>
        %mul3A_679 = vector.broadcast %squeeze3A_678 : f32 to vector<16xf32>
        %mul3A_680 = arith.mulf %mul3A_104, %mul3A_679 : vector<16xf32>
        %add3A_681 = arith.addf %add3A_676, %mul3A_680 : vector<16xf32>
        %slice3A_682 = vector.extract_strided_slice %get3A_667 {offsets = [0], sizes = [1], strides = [1]} : vector<16xf32> to vector<1xf32>
        %squeeze3A_683 = vector.extract %slice3A_682[0] : f32 from vector<1xf32>
        %add3A_684 = vector.broadcast %squeeze3A_683 : f32 to vector<16xf32>
        %add3A_685 = arith.addf %add3A_681, %add3A_684 : vector<16xf32>
        %max3A_686 = arith.maximumf %while3A_649, %add3A_685 : vector<16xf32>
        %min3A_687 = arith.minimumf %while3A_649, %add3A_685 : vector<16xf32>
        %max3A_688 = arith.maximumf %while3A_650, %max3A_686 : vector<16xf32>
        %min3A_689 = arith.minimumf %while3A_650, %max3A_686 : vector<16xf32>
        %min3A_690 = arith.minimumf %while3A_651, %max3A_688 : vector<16xf32>
        %slice3A_691 = vector.extract_strided_slice %get3A_655 {offsets = [1], sizes = [1], strides = [1]} : vector<16xf32> to vector<1xf32>
        %squeeze3A_692 = vector.extract %slice3A_691[0] : f32 from vector<1xf32>
        %mul3A_693 = vector.broadcast %squeeze3A_692 : f32 to vector<16xf32>
        %mul3A_694 = arith.mulf %mul3A_98, %mul3A_693 : vector<16xf32>
        %slice3A_695 = vector.extract_strided_slice %get3A_659 {offsets = [1], sizes = [1], strides = [1]} : vector<16xf32> to vector<1xf32>
        %squeeze3A_696 = vector.extract %slice3A_695[0] : f32 from vector<1xf32>
        %mul3A_697 = vector.broadcast %squeeze3A_696 : f32 to vector<16xf32>
        %mul3A_698 = arith.mulf %mul3A_101, %mul3A_697 : vector<16xf32>
        %add3A_699 = arith.addf %mul3A_694, %mul3A_698 : vector<16xf32>
        %slice3A_700 = vector.extract_strided_slice %get3A_663 {offsets = [1], sizes = [1], strides = [1]} : vector<16xf32> to vector<1xf32>
        %squeeze3A_701 = vector.extract %slice3A_700[0] : f32 from vector<1xf32>
        %mul3A_702 = vector.broadcast %squeeze3A_701 : f32 to vector<16xf32>
        %mul3A_703 = arith.mulf %mul3A_104, %mul3A_702 : vector<16xf32>
        %add3A_704 = arith.addf %add3A_699, %mul3A_703 : vector<16xf32>
        %slice3A_705 = vector.extract_strided_slice %get3A_667 {offsets = [1], sizes = [1], strides = [1]} : vector<16xf32> to vector<1xf32>
        %squeeze3A_706 = vector.extract %slice3A_705[0] : f32 from vector<1xf32>
        %add3A_707 = vector.broadcast %squeeze3A_706 : f32 to vector<16xf32>
        %add3A_708 = arith.addf %add3A_704, %add3A_707 : vector<16xf32>
        %max3A_709 = arith.maximumf %min3A_687, %add3A_708 : vector<16xf32>
        %min3A_710 = arith.minimumf %min3A_687, %add3A_708 : vector<16xf32>
        %max3A_711 = arith.maximumf %min3A_689, %max3A_709 : vector<16xf32>
        %min3A_712 = arith.minimumf %min3A_689, %max3A_709 : vector<16xf32>
        %min3A_713 = arith.minimumf %min3A_690, %max3A_711 : vector<16xf32>
        %slice3A_714 = vector.extract_strided_slice %get3A_655 {offsets = [2], sizes = [1], strides = [1]} : vector<16xf32> to vector<1xf32>
        %squeeze3A_715 = vector.extract %slice3A_714[0] : f32 from vector<1xf32>
        %mul3A_716 = vector.broadcast %squeeze3A_715 : f32 to vector<16xf32>
        %mul3A_717 = arith.mulf %mul3A_98, %mul3A_716 : vector<16xf32>
        %slice3A_718 = vector.extract_strided_slice %get3A_659 {offsets = [2], sizes = [1], strides = [1]} : vector<16xf32> to vector<1xf32>
        %squeeze3A_719 = vector.extract %slice3A_718[0] : f32 from vector<1xf32>
        %mul3A_720 = vector.broadcast %squeeze3A_719 : f32 to vector<16xf32>
        %mul3A_721 = arith.mulf %mul3A_101, %mul3A_720 : vector<16xf32>
        %add3A_722 = arith.addf %mul3A_717, %mul3A_721 : vector<16xf32>
        %slice3A_723 = vector.extract_strided_slice %get3A_663 {offsets = [2], sizes = [1], strides = [1]} : vector<16xf32> to vector<1xf32>
        %squeeze3A_724 = vector.extract %slice3A_723[0] : f32 from vector<1xf32>
        %mul3A_725 = vector.broadcast %squeeze3A_724 : f32 to vector<16xf32>
        %mul3A_726 = arith.mulf %mul3A_104, %mul3A_725 : vector<16xf32>
        %add3A_727 = arith.addf %add3A_722, %mul3A_726 : vector<16xf32>
        %slice3A_728 = vector.extract_strided_slice %get3A_667 {offsets = [2], sizes = [1], strides = [1]} : vector<16xf32> to vector<1xf32>
        %squeeze3A_729 = vector.extract %slice3A_728[0] : f32 from vector<1xf32>
        %add3A_730 = vector.broadcast %squeeze3A_729 : f32 to vector<16xf32>
        %add3A_731 = arith.addf %add3A_727, %add3A_730 : vector<16xf32>
        %max3A_732 = arith.maximumf %min3A_710, %add3A_731 : vector<16xf32>
        %min3A_733 = arith.minimumf %min3A_710, %add3A_731 : vector<16xf32>
        %max3A_734 = arith.maximumf %min3A_712, %max3A_732 : vector<16xf32>
        %min3A_735 = arith.minimumf %min3A_712, %max3A_732 : vector<16xf32>
        %min3A_736 = arith.minimumf %min3A_713, %max3A_734 : vector<16xf32>
        %slice3A_737 = vector.extract_strided_slice %get3A_655 {offsets = [3], sizes = [1], strides = [1]} : vector<16xf32> to vector<1xf32>
        %squeeze3A_738 = vector.extract %slice3A_737[0] : f32 from vector<1xf32>
        %mul3A_739 = vector.broadcast %squeeze3A_738 : f32 to vector<16xf32>
        %mul3A_740 = arith.mulf %mul3A_98, %mul3A_739 : vector<16xf32>
        %slice3A_741 = vector.extract_strided_slice %get3A_659 {offsets = [3], sizes = [1], strides = [1]} : vector<16xf32> to vector<1xf32>
        %squeeze3A_742 = vector.extract %slice3A_741[0] : f32 from vector<1xf32>
        %mul3A_743 = vector.broadcast %squeeze3A_742 : f32 to vector<16xf32>
        %mul3A_744 = arith.mulf %mul3A_101, %mul3A_743 : vector<16xf32>
        %add3A_745 = arith.addf %mul3A_740, %mul3A_744 : vector<16xf32>
        %slice3A_746 = vector.extract_strided_slice %get3A_663 {offsets = [3], sizes = [1], strides = [1]} : vector<16xf32> to vector<1xf32>
        %squeeze3A_747 = vector.extract %slice3A_746[0] : f32 from vector<1xf32>
        %mul3A_748 = vector.broadcast %squeeze3A_747 : f32 to vector<16xf32>
        %mul3A_749 = arith.mulf %mul3A_104, %mul3A_748 : vector<16xf32>
        %add3A_750 = arith.addf %add3A_745, %mul3A_749 : vector<16xf32>
        %slice3A_751 = vector.extract_strided_slice %get3A_667 {offsets = [3], sizes = [1], strides = [1]} : vector<16xf32> to vector<1xf32>
        %squeeze3A_752 = vector.extract %slice3A_751[0] : f32 from vector<1xf32>
        %add3A_753 = vector.broadcast %squeeze3A_752 : f32 to vector<16xf32>
        %add3A_754 = arith.addf %add3A_750, %add3A_753 : vector<16xf32>
        %max3A_755 = arith.maximumf %min3A_733, %add3A_754 : vector<16xf32>
        %min3A_756 = arith.minimumf %min3A_733, %add3A_754 : vector<16xf32>
        %max3A_757 = arith.maximumf %min3A_735, %max3A_755 : vector<16xf32>
        %min3A_758 = arith.minimumf %min3A_735, %max3A_755 : vector<16xf32>
        %min3A_759 = arith.minimumf %min3A_736, %max3A_757 : vector<16xf32>
        %slice3A_760 = vector.extract_strided_slice %get3A_655 {offsets = [4], sizes = [1], strides = [1]} : vector<16xf32> to vector<1xf32>
        %squeeze3A_761 = vector.extract %slice3A_760[0] : f32 from vector<1xf32>
        %mul3A_762 = vector.broadcast %squeeze3A_761 : f32 to vector<16xf32>
        %mul3A_763 = arith.mulf %mul3A_98, %mul3A_762 : vector<16xf32>
        %slice3A_764 = vector.extract_strided_slice %get3A_659 {offsets = [4], sizes = [1], strides = [1]} : vector<16xf32> to vector<1xf32>
        %squeeze3A_765 = vector.extract %slice3A_764[0] : f32 from vector<1xf32>
        %mul3A_766 = vector.broadcast %squeeze3A_765 : f32 to vector<16xf32>
        %mul3A_767 = arith.mulf %mul3A_101, %mul3A_766 : vector<16xf32>
        %add3A_768 = arith.addf %mul3A_763, %mul3A_767 : vector<16xf32>
        %slice3A_769 = vector.extract_strided_slice %get3A_663 {offsets = [4], sizes = [1], strides = [1]} : vector<16xf32> to vector<1xf32>
        %squeeze3A_770 = vector.extract %slice3A_769[0] : f32 from vector<1xf32>
        %mul3A_771 = vector.broadcast %squeeze3A_770 : f32 to vector<16xf32>
        %mul3A_772 = arith.mulf %mul3A_104, %mul3A_771 : vector<16xf32>
        %add3A_773 = arith.addf %add3A_768, %mul3A_772 : vector<16xf32>
        %slice3A_774 = vector.extract_strided_slice %get3A_667 {offsets = [4], sizes = [1], strides = [1]} : vector<16xf32> to vector<1xf32>
        %squeeze3A_775 = vector.extract %slice3A_774[0] : f32 from vector<1xf32>
        %add3A_776 = vector.broadcast %squeeze3A_775 : f32 to vector<16xf32>
        %add3A_777 = arith.addf %add3A_773, %add3A_776 : vector<16xf32>
        %max3A_778 = arith.maximumf %min3A_756, %add3A_777 : vector<16xf32>
        %min3A_779 = arith.minimumf %min3A_756, %add3A_777 : vector<16xf32>
        %max3A_780 = arith.maximumf %min3A_758, %max3A_778 : vector<16xf32>
        %min3A_781 = arith.minimumf %min3A_758, %max3A_778 : vector<16xf32>
        %min3A_782 = arith.minimumf %min3A_759, %max3A_780 : vector<16xf32>
        %slice3A_783 = vector.extract_strided_slice %get3A_655 {offsets = [5], sizes = [1], strides = [1]} : vector<16xf32> to vector<1xf32>
        %squeeze3A_784 = vector.extract %slice3A_783[0] : f32 from vector<1xf32>
        %mul3A_785 = vector.broadcast %squeeze3A_784 : f32 to vector<16xf32>
        %mul3A_786 = arith.mulf %mul3A_98, %mul3A_785 : vector<16xf32>
        %slice3A_787 = vector.extract_strided_slice %get3A_659 {offsets = [5], sizes = [1], strides = [1]} : vector<16xf32> to vector<1xf32>
        %squeeze3A_788 = vector.extract %slice3A_787[0] : f32 from vector<1xf32>
        %mul3A_789 = vector.broadcast %squeeze3A_788 : f32 to vector<16xf32>
        %mul3A_790 = arith.mulf %mul3A_101, %mul3A_789 : vector<16xf32>
        %add3A_791 = arith.addf %mul3A_786, %mul3A_790 : vector<16xf32>
        %slice3A_792 = vector.extract_strided_slice %get3A_663 {offsets = [5], sizes = [1], strides = [1]} : vector<16xf32> to vector<1xf32>
        %squeeze3A_793 = vector.extract %slice3A_792[0] : f32 from vector<1xf32>
        %mul3A_794 = vector.broadcast %squeeze3A_793 : f32 to vector<16xf32>
        %mul3A_795 = arith.mulf %mul3A_104, %mul3A_794 : vector<16xf32>
        %add3A_796 = arith.addf %add3A_791, %mul3A_795 : vector<16xf32>
        %slice3A_797 = vector.extract_strided_slice %get3A_667 {offsets = [5], sizes = [1], strides = [1]} : vector<16xf32> to vector<1xf32>
        %squeeze3A_798 = vector.extract %slice3A_797[0] : f32 from vector<1xf32>
        %add3A_799 = vector.broadcast %squeeze3A_798 : f32 to vector<16xf32>
        %add3A_800 = arith.addf %add3A_796, %add3A_799 : vector<16xf32>
        %max3A_801 = arith.maximumf %min3A_779, %add3A_800 : vector<16xf32>
        %min3A_802 = arith.minimumf %min3A_779, %add3A_800 : vector<16xf32>
        %max3A_803 = arith.maximumf %min3A_781, %max3A_801 : vector<16xf32>
        %min3A_804 = arith.minimumf %min3A_781, %max3A_801 : vector<16xf32>
        %min3A_805 = arith.minimumf %min3A_782, %max3A_803 : vector<16xf32>
        %slice3A_806 = vector.extract_strided_slice %get3A_655 {offsets = [6], sizes = [1], strides = [1]} : vector<16xf32> to vector<1xf32>
        %squeeze3A_807 = vector.extract %slice3A_806[0] : f32 from vector<1xf32>
        %mul3A_808 = vector.broadcast %squeeze3A_807 : f32 to vector<16xf32>
        %mul3A_809 = arith.mulf %mul3A_98, %mul3A_808 : vector<16xf32>
        %slice3A_810 = vector.extract_strided_slice %get3A_659 {offsets = [6], sizes = [1], strides = [1]} : vector<16xf32> to vector<1xf32>
        %squeeze3A_811 = vector.extract %slice3A_810[0] : f32 from vector<1xf32>
        %mul3A_812 = vector.broadcast %squeeze3A_811 : f32 to vector<16xf32>
        %mul3A_813 = arith.mulf %mul3A_101, %mul3A_812 : vector<16xf32>
        %add3A_814 = arith.addf %mul3A_809, %mul3A_813 : vector<16xf32>
        %slice3A_815 = vector.extract_strided_slice %get3A_663 {offsets = [6], sizes = [1], strides = [1]} : vector<16xf32> to vector<1xf32>
        %squeeze3A_816 = vector.extract %slice3A_815[0] : f32 from vector<1xf32>
        %mul3A_817 = vector.broadcast %squeeze3A_816 : f32 to vector<16xf32>
        %mul3A_818 = arith.mulf %mul3A_104, %mul3A_817 : vector<16xf32>
        %add3A_819 = arith.addf %add3A_814, %mul3A_818 : vector<16xf32>
        %slice3A_820 = vector.extract_strided_slice %get3A_667 {offsets = [6], sizes = [1], strides = [1]} : vector<16xf32> to vector<1xf32>
        %squeeze3A_821 = vector.extract %slice3A_820[0] : f32 from vector<1xf32>
        %add3A_822 = vector.broadcast %squeeze3A_821 : f32 to vector<16xf32>
        %add3A_823 = arith.addf %add3A_819, %add3A_822 : vector<16xf32>
        %max3A_824 = arith.maximumf %min3A_802, %add3A_823 : vector<16xf32>
        %min3A_825 = arith.minimumf %min3A_802, %add3A_823 : vector<16xf32>
        %max3A_826 = arith.maximumf %min3A_804, %max3A_824 : vector<16xf32>
        %min3A_827 = arith.minimumf %min3A_804, %max3A_824 : vector<16xf32>
        %min3A_828 = arith.minimumf %min3A_805, %max3A_826 : vector<16xf32>
        %slice3A_829 = vector.extract_strided_slice %get3A_655 {offsets = [7], sizes = [1], strides = [1]} : vector<16xf32> to vector<1xf32>
        %squeeze3A_830 = vector.extract %slice3A_829[0] : f32 from vector<1xf32>
        %mul3A_831 = vector.broadcast %squeeze3A_830 : f32 to vector<16xf32>
        %mul3A_832 = arith.mulf %mul3A_98, %mul3A_831 : vector<16xf32>
        %slice3A_833 = vector.extract_strided_slice %get3A_659 {offsets = [7], sizes = [1], strides = [1]} : vector<16xf32> to vector<1xf32>
        %squeeze3A_834 = vector.extract %slice3A_833[0] : f32 from vector<1xf32>
        %mul3A_835 = vector.broadcast %squeeze3A_834 : f32 to vector<16xf32>
        %mul3A_836 = arith.mulf %mul3A_101, %mul3A_835 : vector<16xf32>
        %add3A_837 = arith.addf %mul3A_832, %mul3A_836 : vector<16xf32>
        %slice3A_838 = vector.extract_strided_slice %get3A_663 {offsets = [7], sizes = [1], strides = [1]} : vector<16xf32> to vector<1xf32>
        %squeeze3A_839 = vector.extract %slice3A_838[0] : f32 from vector<1xf32>
        %mul3A_840 = vector.broadcast %squeeze3A_839 : f32 to vector<16xf32>
        %mul3A_841 = arith.mulf %mul3A_104, %mul3A_840 : vector<16xf32>
        %add3A_842 = arith.addf %add3A_837, %mul3A_841 : vector<16xf32>
        %slice3A_843 = vector.extract_strided_slice %get3A_667 {offsets = [7], sizes = [1], strides = [1]} : vector<16xf32> to vector<1xf32>
        %squeeze3A_844 = vector.extract %slice3A_843[0] : f32 from vector<1xf32>
        %add3A_845 = vector.broadcast %squeeze3A_844 : f32 to vector<16xf32>
        %add3A_846 = arith.addf %add3A_842, %add3A_845 : vector<16xf32>
        %max3A_847 = arith.maximumf %min3A_825, %add3A_846 : vector<16xf32>
        %min3A_848 = arith.minimumf %min3A_825, %add3A_846 : vector<16xf32>
        %max3A_849 = arith.maximumf %min3A_827, %max3A_847 : vector<16xf32>
        %min3A_850 = arith.minimumf %min3A_827, %max3A_847 : vector<16xf32>
        %min3A_851 = arith.minimumf %min3A_828, %max3A_849 : vector<16xf32>
        %slice3A_852 = vector.extract_strided_slice %get3A_655 {offsets = [8], sizes = [1], strides = [1]} : vector<16xf32> to vector<1xf32>
        %squeeze3A_853 = vector.extract %slice3A_852[0] : f32 from vector<1xf32>
        %mul3A_854 = vector.broadcast %squeeze3A_853 : f32 to vector<16xf32>
        %mul3A_855 = arith.mulf %mul3A_98, %mul3A_854 : vector<16xf32>
        %slice3A_856 = vector.extract_strided_slice %get3A_659 {offsets = [8], sizes = [1], strides = [1]} : vector<16xf32> to vector<1xf32>
        %squeeze3A_857 = vector.extract %slice3A_856[0] : f32 from vector<1xf32>
        %mul3A_858 = vector.broadcast %squeeze3A_857 : f32 to vector<16xf32>
        %mul3A_859 = arith.mulf %mul3A_101, %mul3A_858 : vector<16xf32>
        %add3A_860 = arith.addf %mul3A_855, %mul3A_859 : vector<16xf32>
        %slice3A_861 = vector.extract_strided_slice %get3A_663 {offsets = [8], sizes = [1], strides = [1]} : vector<16xf32> to vector<1xf32>
        %squeeze3A_862 = vector.extract %slice3A_861[0] : f32 from vector<1xf32>
        %mul3A_863 = vector.broadcast %squeeze3A_862 : f32 to vector<16xf32>
        %mul3A_864 = arith.mulf %mul3A_104, %mul3A_863 : vector<16xf32>
        %add3A_865 = arith.addf %add3A_860, %mul3A_864 : vector<16xf32>
        %slice3A_866 = vector.extract_strided_slice %get3A_667 {offsets = [8], sizes = [1], strides = [1]} : vector<16xf32> to vector<1xf32>
        %squeeze3A_867 = vector.extract %slice3A_866[0] : f32 from vector<1xf32>
        %add3A_868 = vector.broadcast %squeeze3A_867 : f32 to vector<16xf32>
        %add3A_869 = arith.addf %add3A_865, %add3A_868 : vector<16xf32>
        %max3A_870 = arith.maximumf %min3A_848, %add3A_869 : vector<16xf32>
        %min3A_871 = arith.minimumf %min3A_848, %add3A_869 : vector<16xf32>
        %max3A_872 = arith.maximumf %min3A_850, %max3A_870 : vector<16xf32>
        %min3A_873 = arith.minimumf %min3A_850, %max3A_870 : vector<16xf32>
        %min3A_874 = arith.minimumf %min3A_851, %max3A_872 : vector<16xf32>
        %slice3A_875 = vector.extract_strided_slice %get3A_655 {offsets = [9], sizes = [1], strides = [1]} : vector<16xf32> to vector<1xf32>
        %squeeze3A_876 = vector.extract %slice3A_875[0] : f32 from vector<1xf32>
        %mul3A_877 = vector.broadcast %squeeze3A_876 : f32 to vector<16xf32>
        %mul3A_878 = arith.mulf %mul3A_98, %mul3A_877 : vector<16xf32>
        %slice3A_879 = vector.extract_strided_slice %get3A_659 {offsets = [9], sizes = [1], strides = [1]} : vector<16xf32> to vector<1xf32>
        %squeeze3A_880 = vector.extract %slice3A_879[0] : f32 from vector<1xf32>
        %mul3A_881 = vector.broadcast %squeeze3A_880 : f32 to vector<16xf32>
        %mul3A_882 = arith.mulf %mul3A_101, %mul3A_881 : vector<16xf32>
        %add3A_883 = arith.addf %mul3A_878, %mul3A_882 : vector<16xf32>
        %slice3A_884 = vector.extract_strided_slice %get3A_663 {offsets = [9], sizes = [1], strides = [1]} : vector<16xf32> to vector<1xf32>
        %squeeze3A_885 = vector.extract %slice3A_884[0] : f32 from vector<1xf32>
        %mul3A_886 = vector.broadcast %squeeze3A_885 : f32 to vector<16xf32>
        %mul3A_887 = arith.mulf %mul3A_104, %mul3A_886 : vector<16xf32>
        %add3A_888 = arith.addf %add3A_883, %mul3A_887 : vector<16xf32>
        %slice3A_889 = vector.extract_strided_slice %get3A_667 {offsets = [9], sizes = [1], strides = [1]} : vector<16xf32> to vector<1xf32>
        %squeeze3A_890 = vector.extract %slice3A_889[0] : f32 from vector<1xf32>
        %add3A_891 = vector.broadcast %squeeze3A_890 : f32 to vector<16xf32>
        %add3A_892 = arith.addf %add3A_888, %add3A_891 : vector<16xf32>
        %max3A_893 = arith.maximumf %min3A_871, %add3A_892 : vector<16xf32>
        %min3A_894 = arith.minimumf %min3A_871, %add3A_892 : vector<16xf32>
        %max3A_895 = arith.maximumf %min3A_873, %max3A_893 : vector<16xf32>
        %min3A_896 = arith.minimumf %min3A_873, %max3A_893 : vector<16xf32>
        %min3A_897 = arith.minimumf %min3A_874, %max3A_895 : vector<16xf32>
        %slice3A_898 = vector.extract_strided_slice %get3A_655 {offsets = [10], sizes = [1], strides = [1]} : vector<16xf32> to vector<1xf32>
        %squeeze3A_899 = vector.extract %slice3A_898[0] : f32 from vector<1xf32>
        %mul3A_900 = vector.broadcast %squeeze3A_899 : f32 to vector<16xf32>
        %mul3A_901 = arith.mulf %mul3A_98, %mul3A_900 : vector<16xf32>
        %slice3A_902 = vector.extract_strided_slice %get3A_659 {offsets = [10], sizes = [1], strides = [1]} : vector<16xf32> to vector<1xf32>
        %squeeze3A_903 = vector.extract %slice3A_902[0] : f32 from vector<1xf32>
        %mul3A_904 = vector.broadcast %squeeze3A_903 : f32 to vector<16xf32>
        %mul3A_905 = arith.mulf %mul3A_101, %mul3A_904 : vector<16xf32>
        %add3A_906 = arith.addf %mul3A_901, %mul3A_905 : vector<16xf32>
        %slice3A_907 = vector.extract_strided_slice %get3A_663 {offsets = [10], sizes = [1], strides = [1]} : vector<16xf32> to vector<1xf32>
        %squeeze3A_908 = vector.extract %slice3A_907[0] : f32 from vector<1xf32>
        %mul3A_909 = vector.broadcast %squeeze3A_908 : f32 to vector<16xf32>
        %mul3A_910 = arith.mulf %mul3A_104, %mul3A_909 : vector<16xf32>
        %add3A_911 = arith.addf %add3A_906, %mul3A_910 : vector<16xf32>
        %slice3A_912 = vector.extract_strided_slice %get3A_667 {offsets = [10], sizes = [1], strides = [1]} : vector<16xf32> to vector<1xf32>
        %squeeze3A_913 = vector.extract %slice3A_912[0] : f32 from vector<1xf32>
        %add3A_914 = vector.broadcast %squeeze3A_913 : f32 to vector<16xf32>
        %add3A_915 = arith.addf %add3A_911, %add3A_914 : vector<16xf32>
        %max3A_916 = arith.maximumf %min3A_894, %add3A_915 : vector<16xf32>
        %min3A_917 = arith.minimumf %min3A_894, %add3A_915 : vector<16xf32>
        %max3A_918 = arith.maximumf %min3A_896, %max3A_916 : vector<16xf32>
        %min3A_919 = arith.minimumf %min3A_896, %max3A_916 : vector<16xf32>
        %min3A_920 = arith.minimumf %min3A_897, %max3A_918 : vector<16xf32>
        %slice3A_921 = vector.extract_strided_slice %get3A_655 {offsets = [11], sizes = [1], strides = [1]} : vector<16xf32> to vector<1xf32>
        %squeeze3A_922 = vector.extract %slice3A_921[0] : f32 from vector<1xf32>
        %mul3A_923 = vector.broadcast %squeeze3A_922 : f32 to vector<16xf32>
        %mul3A_924 = arith.mulf %mul3A_98, %mul3A_923 : vector<16xf32>
        %slice3A_925 = vector.extract_strided_slice %get3A_659 {offsets = [11], sizes = [1], strides = [1]} : vector<16xf32> to vector<1xf32>
        %squeeze3A_926 = vector.extract %slice3A_925[0] : f32 from vector<1xf32>
        %mul3A_927 = vector.broadcast %squeeze3A_926 : f32 to vector<16xf32>
        %mul3A_928 = arith.mulf %mul3A_101, %mul3A_927 : vector<16xf32>
        %add3A_929 = arith.addf %mul3A_924, %mul3A_928 : vector<16xf32>
        %slice3A_930 = vector.extract_strided_slice %get3A_663 {offsets = [11], sizes = [1], strides = [1]} : vector<16xf32> to vector<1xf32>
        %squeeze3A_931 = vector.extract %slice3A_930[0] : f32 from vector<1xf32>
        %mul3A_932 = vector.broadcast %squeeze3A_931 : f32 to vector<16xf32>
        %mul3A_933 = arith.mulf %mul3A_104, %mul3A_932 : vector<16xf32>
        %add3A_934 = arith.addf %add3A_929, %mul3A_933 : vector<16xf32>
        %slice3A_935 = vector.extract_strided_slice %get3A_667 {offsets = [11], sizes = [1], strides = [1]} : vector<16xf32> to vector<1xf32>
        %squeeze3A_936 = vector.extract %slice3A_935[0] : f32 from vector<1xf32>
        %add3A_937 = vector.broadcast %squeeze3A_936 : f32 to vector<16xf32>
        %add3A_938 = arith.addf %add3A_934, %add3A_937 : vector<16xf32>
        %max3A_939 = arith.maximumf %min3A_917, %add3A_938 : vector<16xf32>
        %min3A_940 = arith.minimumf %min3A_917, %add3A_938 : vector<16xf32>
        %max3A_941 = arith.maximumf %min3A_919, %max3A_939 : vector<16xf32>
        %min3A_942 = arith.minimumf %min3A_919, %max3A_939 : vector<16xf32>
        %min3A_943 = arith.minimumf %min3A_920, %max3A_941 : vector<16xf32>
        %slice3A_944 = vector.extract_strided_slice %get3A_655 {offsets = [12], sizes = [1], strides = [1]} : vector<16xf32> to vector<1xf32>
        %squeeze3A_945 = vector.extract %slice3A_944[0] : f32 from vector<1xf32>
        %mul3A_946 = vector.broadcast %squeeze3A_945 : f32 to vector<16xf32>
        %mul3A_947 = arith.mulf %mul3A_98, %mul3A_946 : vector<16xf32>
        %slice3A_948 = vector.extract_strided_slice %get3A_659 {offsets = [12], sizes = [1], strides = [1]} : vector<16xf32> to vector<1xf32>
        %squeeze3A_949 = vector.extract %slice3A_948[0] : f32 from vector<1xf32>
        %mul3A_950 = vector.broadcast %squeeze3A_949 : f32 to vector<16xf32>
        %mul3A_951 = arith.mulf %mul3A_101, %mul3A_950 : vector<16xf32>
        %add3A_952 = arith.addf %mul3A_947, %mul3A_951 : vector<16xf32>
        %slice3A_953 = vector.extract_strided_slice %get3A_663 {offsets = [12], sizes = [1], strides = [1]} : vector<16xf32> to vector<1xf32>
        %squeeze3A_954 = vector.extract %slice3A_953[0] : f32 from vector<1xf32>
        %mul3A_955 = vector.broadcast %squeeze3A_954 : f32 to vector<16xf32>
        %mul3A_956 = arith.mulf %mul3A_104, %mul3A_955 : vector<16xf32>
        %add3A_957 = arith.addf %add3A_952, %mul3A_956 : vector<16xf32>
        %slice3A_958 = vector.extract_strided_slice %get3A_667 {offsets = [12], sizes = [1], strides = [1]} : vector<16xf32> to vector<1xf32>
        %squeeze3A_959 = vector.extract %slice3A_958[0] : f32 from vector<1xf32>
        %add3A_960 = vector.broadcast %squeeze3A_959 : f32 to vector<16xf32>
        %add3A_961 = arith.addf %add3A_957, %add3A_960 : vector<16xf32>
        %max3A_962 = arith.maximumf %min3A_940, %add3A_961 : vector<16xf32>
        %min3A_963 = arith.minimumf %min3A_940, %add3A_961 : vector<16xf32>
        %max3A_964 = arith.maximumf %min3A_942, %max3A_962 : vector<16xf32>
        %min3A_965 = arith.minimumf %min3A_942, %max3A_962 : vector<16xf32>
        %min3A_966 = arith.minimumf %min3A_943, %max3A_964 : vector<16xf32>
        %slice3A_967 = vector.extract_strided_slice %get3A_655 {offsets = [13], sizes = [1], strides = [1]} : vector<16xf32> to vector<1xf32>
        %squeeze3A_968 = vector.extract %slice3A_967[0] : f32 from vector<1xf32>
        %mul3A_969 = vector.broadcast %squeeze3A_968 : f32 to vector<16xf32>
        %mul3A_970 = arith.mulf %mul3A_98, %mul3A_969 : vector<16xf32>
        %slice3A_971 = vector.extract_strided_slice %get3A_659 {offsets = [13], sizes = [1], strides = [1]} : vector<16xf32> to vector<1xf32>
        %squeeze3A_972 = vector.extract %slice3A_971[0] : f32 from vector<1xf32>
        %mul3A_973 = vector.broadcast %squeeze3A_972 : f32 to vector<16xf32>
        %mul3A_974 = arith.mulf %mul3A_101, %mul3A_973 : vector<16xf32>
        %add3A_975 = arith.addf %mul3A_970, %mul3A_974 : vector<16xf32>
        %slice3A_976 = vector.extract_strided_slice %get3A_663 {offsets = [13], sizes = [1], strides = [1]} : vector<16xf32> to vector<1xf32>
        %squeeze3A_977 = vector.extract %slice3A_976[0] : f32 from vector<1xf32>
        %mul3A_978 = vector.broadcast %squeeze3A_977 : f32 to vector<16xf32>
        %mul3A_979 = arith.mulf %mul3A_104, %mul3A_978 : vector<16xf32>
        %add3A_980 = arith.addf %add3A_975, %mul3A_979 : vector<16xf32>
        %slice3A_981 = vector.extract_strided_slice %get3A_667 {offsets = [13], sizes = [1], strides = [1]} : vector<16xf32> to vector<1xf32>
        %squeeze3A_982 = vector.extract %slice3A_981[0] : f32 from vector<1xf32>
        %add3A_983 = vector.broadcast %squeeze3A_982 : f32 to vector<16xf32>
        %add3A_984 = arith.addf %add3A_980, %add3A_983 : vector<16xf32>
        %max3A_985 = arith.maximumf %min3A_963, %add3A_984 : vector<16xf32>
        %min3A_986 = arith.minimumf %min3A_963, %add3A_984 : vector<16xf32>
        %max3A_987 = arith.maximumf %min3A_965, %max3A_985 : vector<16xf32>
        %min3A_988 = arith.minimumf %min3A_965, %max3A_985 : vector<16xf32>
        %min3A_989 = arith.minimumf %min3A_966, %max3A_987 : vector<16xf32>
        %slice3A_990 = vector.extract_strided_slice %get3A_655 {offsets = [14], sizes = [1], strides = [1]} : vector<16xf32> to vector<1xf32>
        %squeeze3A_991 = vector.extract %slice3A_990[0] : f32 from vector<1xf32>
        %mul3A_992 = vector.broadcast %squeeze3A_991 : f32 to vector<16xf32>
        %mul3A_993 = arith.mulf %mul3A_98, %mul3A_992 : vector<16xf32>
        %slice3A_994 = vector.extract_strided_slice %get3A_659 {offsets = [14], sizes = [1], strides = [1]} : vector<16xf32> to vector<1xf32>
        %squeeze3A_995 = vector.extract %slice3A_994[0] : f32 from vector<1xf32>
        %mul3A_996 = vector.broadcast %squeeze3A_995 : f32 to vector<16xf32>
        %mul3A_997 = arith.mulf %mul3A_101, %mul3A_996 : vector<16xf32>
        %add3A_998 = arith.addf %mul3A_993, %mul3A_997 : vector<16xf32>
        %slice3A_999 = vector.extract_strided_slice %get3A_663 {offsets = [14], sizes = [1], strides = [1]} : vector<16xf32> to vector<1xf32>
        %squeeze3A_1000 = vector.extract %slice3A_999[0] : f32 from vector<1xf32>
        %mul3A_1001 = vector.broadcast %squeeze3A_1000 : f32 to vector<16xf32>
        %mul3A_1002 = arith.mulf %mul3A_104, %mul3A_1001 : vector<16xf32>
        %add3A_1003 = arith.addf %add3A_998, %mul3A_1002 : vector<16xf32>
        %slice3A_1004 = vector.extract_strided_slice %get3A_667 {offsets = [14], sizes = [1], strides = [1]} : vector<16xf32> to vector<1xf32>
        %squeeze3A_1005 = vector.extract %slice3A_1004[0] : f32 from vector<1xf32>
        %add3A_1006 = vector.broadcast %squeeze3A_1005 : f32 to vector<16xf32>
        %add3A_1007 = arith.addf %add3A_1003, %add3A_1006 : vector<16xf32>
        %max3A_1008 = arith.maximumf %min3A_986, %add3A_1007 : vector<16xf32>
        %min3A_1009 = arith.minimumf %min3A_986, %add3A_1007 : vector<16xf32>
        %max3A_1010 = arith.maximumf %min3A_988, %max3A_1008 : vector<16xf32>
        %min3A_1011 = arith.minimumf %min3A_988, %max3A_1008 : vector<16xf32>
        %min3A_1012 = arith.minimumf %min3A_989, %max3A_1010 : vector<16xf32>
        %slice3A_1013 = vector.extract_strided_slice %get3A_655 {offsets = [15], sizes = [1], strides = [1]} : vector<16xf32> to vector<1xf32>
        %squeeze3A_1014 = vector.extract %slice3A_1013[0] : f32 from vector<1xf32>
        %mul3A_1015 = vector.broadcast %squeeze3A_1014 : f32 to vector<16xf32>
        %mul3A_1016 = arith.mulf %mul3A_98, %mul3A_1015 : vector<16xf32>
        %slice3A_1017 = vector.extract_strided_slice %get3A_659 {offsets = [15], sizes = [1], strides = [1]} : vector<16xf32> to vector<1xf32>
        %squeeze3A_1018 = vector.extract %slice3A_1017[0] : f32 from vector<1xf32>
        %mul3A_1019 = vector.broadcast %squeeze3A_1018 : f32 to vector<16xf32>
        %mul3A_1020 = arith.mulf %mul3A_101, %mul3A_1019 : vector<16xf32>
        %add3A_1021 = arith.addf %mul3A_1016, %mul3A_1020 : vector<16xf32>
        %slice3A_1022 = vector.extract_strided_slice %get3A_663 {offsets = [15], sizes = [1], strides = [1]} : vector<16xf32> to vector<1xf32>
        %squeeze3A_1023 = vector.extract %slice3A_1022[0] : f32 from vector<1xf32>
        %mul3A_1024 = vector.broadcast %squeeze3A_1023 : f32 to vector<16xf32>
        %mul3A_1025 = arith.mulf %mul3A_104, %mul3A_1024 : vector<16xf32>
        %add3A_1026 = arith.addf %add3A_1021, %mul3A_1025 : vector<16xf32>
        %slice3A_1027 = vector.extract_strided_slice %get3A_667 {offsets = [15], sizes = [1], strides = [1]} : vector<16xf32> to vector<1xf32>
        %squeeze3A_1028 = vector.extract %slice3A_1027[0] : f32 from vector<1xf32>
        %add3A_1029 = vector.broadcast %squeeze3A_1028 : f32 to vector<16xf32>
        %add3A_1030 = arith.addf %add3A_1026, %add3A_1029 : vector<16xf32>
        %max3A_1031 = arith.maximumf %min3A_1009, %add3A_1030 : vector<16xf32>
        %min3A_1032 = arith.minimumf %min3A_1009, %add3A_1030 : vector<16xf32>
        %max3A_1033 = arith.maximumf %min3A_1011, %max3A_1031 : vector<16xf32>
        %min3A_1034 = arith.minimumf %min3A_1011, %max3A_1031 : vector<16xf32>
        %min3A_1035 = arith.minimumf %min3A_1012, %max3A_1033 : vector<16xf32>
        scf.yield %min3A_1032, %min3A_1034, %min3A_1035 : vector<16xf32>, vector<16xf32>, vector<16xf32>
      }
      %while3A_627:7 = scf.while (%while3A_648 = %while3A_626#0, %while3A_649 = %while3A_626#1, %while3A_650 = %while3A_626#2, %while3A_651 = %max3A_116, %while3A_652 = %min3A_127, %while3A_653 = %shift_right_logical3A_131, %while3A_654 = %min3A_141) : (vector<16xf32>, vector<16xf32>, vector<16xf32>, i32, i32, i32, i32) -> (vector<16xf32>, vector<16xf32>, vector<16xf32>, i32, i32, i32, i32) {
        %broadcast_in_dim3A_655 = vector.broadcast %while3A_651 : i32 to vector<16xi32>
        %broadcast_in_dim3A_656 = vector.broadcast %while3A_652 : i32 to vector<16xi32>
        %convert_element_type3A_657 = arith.sitofp %broadcast_in_dim3A_655 : vector<16xi32> to vector<16xf32>
        %mul3A_658 = arith.mulf %convert_element_type3A_657, %div3A_25 : vector<16xf32>
        %add3A_659 = arith.addf %broadcast_in_dim3A_14, %mul3A_658 : vector<16xf32>
        %convert_element_type3A_660 = arith.sitofp %broadcast_in_dim3A_656 : vector<16xi32> to vector<16xf32>
        %mul3A_661 = arith.mulf %convert_element_type3A_660, %div3A_25 : vector<16xf32>
        %add3A_662 = arith.addf %broadcast_in_dim3A_14, %mul3A_661 : vector<16xf32>
        %eq3A_663 = arith.constant 0 : i32
        %eq3A_664 = vector.broadcast %eq3A_663 : i32 to vector<16xi32>
        %eq3A_665 = arith.cmpi eq, %broadcast_in_dim3A_655, %eq3A_664 : vector<16xi32>
        %sub3A_666 = arith.subf %get3A_81, %add3A_659 : vector<16xf32>
        %sub3A_667 = arith.subf %sub3A_666, %mul3A_28 : vector<16xf32>
        %jit3A_668 = arith.constant 9.99999984E+17 : f32
        %broadcast_in_dim3A_669 = vector.broadcast %jit3A_668 : f32 to vector<16xf32>
        %select_n3A_670 = arith.select %eq3A_665, %broadcast_in_dim3A_669, %sub3A_667 : vector<16xi1>, vector<16xf32>
        %eq3A_671 = arith.constant 64 : i32
        %eq3A_672 = vector.broadcast %eq3A_671 : i32 to vector<16xi32>
        %eq3A_673 = arith.cmpi eq, %broadcast_in_dim3A_656, %eq3A_672 : vector<16xi32>
        %sub3A_674 = arith.subf %add3A_662, %get3A_81 : vector<16xf32>
        %sub3A_675 = arith.subf %sub3A_674, %mul3A_28 : vector<16xf32>
        %jit3A_676 = arith.constant 9.99999984E+17 : f32
        %broadcast_in_dim3A_677 = vector.broadcast %jit3A_676 : f32 to vector<16xf32>
        %select_n3A_678 = arith.select %eq3A_673, %broadcast_in_dim3A_677, %sub3A_675 : vector<16xi1>, vector<16xf32>
        %min3A_679 = arith.minimumf %select_n3A_670, %select_n3A_678 : vector<16xf32>
        %max3A_680 = arith.constant 0.000000e+00 : f32
        %max3A_681 = vector.broadcast %max3A_680 : f32 to vector<16xf32>
        %max3A_682 = arith.maximumf %min3A_679, %max3A_681 : vector<16xf32>
        %mul3A_683 = arith.mulf %max3A_682, %max3A_682 : vector<16xf32>
        %sub3A_684 = arith.subf %mul3A_683, %add3A_109 : vector<16xf32>
        %gt3A = arith.cmpf ogt, %while3A_650, %sub3A_684 : vector<16xf32>
        %reduce_or3A = arith.constant 1.000000e+00 : f32
        %reduce_or3A_685 = arith.constant 0.000000e+00 : f32
        %reduce_or3A_686 = vector.broadcast %reduce_or3A : f32 to vector<16xf32>
        %reduce_or3A_687 = vector.broadcast %reduce_or3A_685 : f32 to vector<16xf32>
        %reduce_or3A_688 = arith.select %gt3A, %reduce_or3A_686, %reduce_or3A_687 : vector<16xi1>, vector<16xf32>
        %reduce_or3A_689 = arith.constant true
        %reduce_or3A_690 = vector.broadcast %reduce_or3A_689 : i1 to vector<16xi1>
        %reduce_or3A_691 = tpu.scan <max>, %reduce_or3A_688 masked %reduce_or3A_690 : vector<16xf32>, vector<16xi1> -> vector<16xf32>
        %reduce_or3A_692 = vector.extract %reduce_or3A_691[15] : f32 from vector<16xf32>
        %reduce_or3A_693 = arith.constant 0.000000e+00 : f32
        %reduce_or3A_694 = arith.cmpf ogt, %reduce_or3A_692, %reduce_or3A_693 : f32
        scf.condition(%reduce_or3A_694) %while3A_648, %while3A_649, %while3A_650, %while3A_651, %while3A_652, %while3A_653, %while3A_654 : vector<16xf32>, vector<16xf32>, vector<16xf32>, i32, i32, i32, i32
      } do {
      ^bb0(%while3A_648: vector<16xf32>, %while3A_649: vector<16xf32>, %while3A_650: vector<16xf32>, %while3A_651: i32, %while3A_652: i32, %while3A_653: i32, %while3A_654: i32):
        %sub3A_655 = arith.constant 1 : i32
        %sub3A_656 = arith.subi %while3A_651, %sub3A_655 : i32
        %max3A_657 = arith.constant 0 : i32
        %max3A_658 = arith.maxsi %sub3A_656, %max3A_657 : i32
        %add3A_659 = arith.constant 1 : i32
        %add3A_660 = arith.addi %while3A_652, %add3A_659 : i32
        %min3A_661 = arith.constant 64 : i32
        %min3A_662 = arith.minsi %add3A_660, %min3A_661 : i32
        %broadcast_in_dim3A_663 = vector.broadcast %max3A_658 : i32 to vector<16xi32>
        %gather3A_664 = tpu.vector_load_idx %arg12[%broadcast_in_dim3A_663] : memref<80xi32, #tpu.memory_space<vmem>>[vector<16xi32>], vector<16xi32>,
        %slice3A_665 = vector.extract_strided_slice %gather3A_664 {offsets = [0], sizes = [1], strides = [1]} : vector<16xi32> to vector<1xi32>
        %squeeze3A_666 = vector.extract %slice3A_665[0] : i32 from vector<1xi32>
        %shift_right_logical3A_667 = arith.constant 4 : i32
        %shift_right_logical3A_668 = arith.shrui %squeeze3A_666, %shift_right_logical3A_667 : i32
        %broadcast_in_dim3A_669 = vector.broadcast %min3A_662 : i32 to vector<16xi32>
        %gather3A_670 = tpu.vector_load_idx %arg12[%broadcast_in_dim3A_669] : memref<80xi32, #tpu.memory_space<vmem>>[vector<16xi32>], vector<16xi32>,
        %slice3A_671 = vector.extract_strided_slice %gather3A_670 {offsets = [0], sizes = [1], strides = [1]} : vector<16xi32> to vector<1xi32>
        %squeeze3A_672 = vector.extract %slice3A_671[0] : i32 from vector<1xi32>
        %add3A_673 = arith.constant 15 : i32
        %add3A_674 = arith.addi %squeeze3A_672, %add3A_673 : i32
        %shift_right_logical3A_675 = arith.constant 4 : i32
        %shift_right_logical3A_676 = arith.shrui %add3A_674, %shift_right_logical3A_675 : i32
        %min3A_677 = arith.constant 256 : i32
        %min3A_678 = arith.minsi %shift_right_logical3A_676, %min3A_677 : i32
        %while3A_679 = arith.subi %while3A_653, %shift_right_logical3A_668 : i32
        %while3A_680 = arith.addi %shift_right_logical3A_668, %while3A_679 : i32
        %while3A_681 = arith.constant 1 : i32
        %while3A_682 = arith.divsi %while3A_679, %while3A_681 : i32
        %while3A_683 = arith.muli %while3A_682, %while3A_681 : i32
        %while3A_684 = arith.addi %shift_right_logical3A_668, %while3A_683 : i32
        %while3A_685 = arith.constant 1 : i32
        %while3A_686:3 = scf.for %while3A_699 = %shift_right_logical3A_668 to %while3A_684 step %while3A_685 iter_args(%while3A_700 = %while3A_648, %while3A_701 = %while3A_649, %while3A_702 = %while3A_650) -> (vector<16xf32>, vector<16xf32>, vector<16xf32>)  : i32 {
          %mul3A_703 = arith.constant 16 : i32
          %mul3A_704 = arith.muli %while3A_699, %mul3A_703 : i32
          %get3A_705 = arith.index_cast %mul3A_704 : i32 to index
          %get3A_706 = tpu.vector_load %arg5[%get3A_705] {strides = array<i32>} : memref<4096xf32, #tpu.memory_space<vmem>>, vector<16xf32>,
          %mul3A_707 = arith.constant 16 : i32
          %mul3A_708 = arith.muli %while3A_699, %mul3A_707 : i32
          %get3A_709 = arith.index_cast %mul3A_708 : i32 to index
          %get3A_710 = tpu.vector_load %arg6[%get3A_709] {strides = array<i32>} : memref<4096xf32, #tpu.memory_space<vmem>>, vector<16xf32>,
          %mul3A_711 = arith.constant 16 : i32
          %mul3A_712 = arith.muli %while3A_699, %mul3A_711 : i32
          %get3A_713 = arith.index_cast %mul3A_712 : i32 to index
          %get3A_714 = tpu.vector_load %arg7[%get3A_713] {strides = array<i32>} : memref<4096xf32, #tpu.memory_space<vmem>>, vector<16xf32>,
          %mul3A_715 = arith.constant 16 : i32
          %mul3A_716 = arith.muli %while3A_699, %mul3A_715 : i32
          %get3A_717 = arith.index_cast %mul3A_716 : i32 to index
          %get3A_718 = tpu.vector_load %arg8[%get3A_717] {strides = array<i32>} : memref<4096xf32, #tpu.memory_space<vmem>>, vector<16xf32>,
          %slice3A_719 = vector.extract_strided_slice %get3A_706 {offsets = [0], sizes = [1], strides = [1]} : vector<16xf32> to vector<1xf32>
          %squeeze3A_720 = vector.extract %slice3A_719[0] : f32 from vector<1xf32>
          %mul3A_721 = vector.broadcast %squeeze3A_720 : f32 to vector<16xf32>
          %mul3A_722 = arith.mulf %mul3A_98, %mul3A_721 : vector<16xf32>
          %slice3A_723 = vector.extract_strided_slice %get3A_710 {offsets = [0], sizes = [1], strides = [1]} : vector<16xf32> to vector<1xf32>
          %squeeze3A_724 = vector.extract %slice3A_723[0] : f32 from vector<1xf32>
          %mul3A_725 = vector.broadcast %squeeze3A_724 : f32 to vector<16xf32>
          %mul3A_726 = arith.mulf %mul3A_101, %mul3A_725 : vector<16xf32>
          %add3A_727 = arith.addf %mul3A_722, %mul3A_726 : vector<16xf32>
          %slice3A_728 = vector.extract_strided_slice %get3A_714 {offsets = [0], sizes = [1], strides = [1]} : vector<16xf32> to vector<1xf32>
          %squeeze3A_729 = vector.extract %slice3A_728[0] : f32 from vector<1xf32>
          %mul3A_730 = vector.broadcast %squeeze3A_729 : f32 to vector<16xf32>
          %mul3A_731 = arith.mulf %mul3A_104, %mul3A_730 : vector<16xf32>
          %add3A_732 = arith.addf %add3A_727, %mul3A_731 : vector<16xf32>
          %slice3A_733 = vector.extract_strided_slice %get3A_718 {offsets = [0], sizes = [1], strides = [1]} : vector<16xf32> to vector<1xf32>
          %squeeze3A_734 = vector.extract %slice3A_733[0] : f32 from vector<1xf32>
          %add3A_735 = vector.broadcast %squeeze3A_734 : f32 to vector<16xf32>
          %add3A_736 = arith.addf %add3A_732, %add3A_735 : vector<16xf32>
          %max3A_737 = arith.maximumf %while3A_700, %add3A_736 : vector<16xf32>
          %min3A_738 = arith.minimumf %while3A_700, %add3A_736 : vector<16xf32>
          %max3A_739 = arith.maximumf %while3A_701, %max3A_737 : vector<16xf32>
          %min3A_740 = arith.minimumf %while3A_701, %max3A_737 : vector<16xf32>
          %min3A_741 = arith.minimumf %while3A_702, %max3A_739 : vector<16xf32>
          %slice3A_742 = vector.extract_strided_slice %get3A_706 {offsets = [1], sizes = [1], strides = [1]} : vector<16xf32> to vector<1xf32>
          %squeeze3A_743 = vector.extract %slice3A_742[0] : f32 from vector<1xf32>
          %mul3A_744 = vector.broadcast %squeeze3A_743 : f32 to vector<16xf32>
          %mul3A_745 = arith.mulf %mul3A_98, %mul3A_744 : vector<16xf32>
          %slice3A_746 = vector.extract_strided_slice %get3A_710 {offsets = [1], sizes = [1], strides = [1]} : vector<16xf32> to vector<1xf32>
          %squeeze3A_747 = vector.extract %slice3A_746[0] : f32 from vector<1xf32>
          %mul3A_748 = vector.broadcast %squeeze3A_747 : f32 to vector<16xf32>
          %mul3A_749 = arith.mulf %mul3A_101, %mul3A_748 : vector<16xf32>
          %add3A_750 = arith.addf %mul3A_745, %mul3A_749 : vector<16xf32>
          %slice3A_751 = vector.extract_strided_slice %get3A_714 {offsets = [1], sizes = [1], strides = [1]} : vector<16xf32> to vector<1xf32>
          %squeeze3A_752 = vector.extract %slice3A_751[0] : f32 from vector<1xf32>
          %mul3A_753 = vector.broadcast %squeeze3A_752 : f32 to vector<16xf32>
          %mul3A_754 = arith.mulf %mul3A_104, %mul3A_753 : vector<16xf32>
          %add3A_755 = arith.addf %add3A_750, %mul3A_754 : vector<16xf32>
          %slice3A_756 = vector.extract_strided_slice %get3A_718 {offsets = [1], sizes = [1], strides = [1]} : vector<16xf32> to vector<1xf32>
          %squeeze3A_757 = vector.extract %slice3A_756[0] : f32 from vector<1xf32>
          %add3A_758 = vector.broadcast %squeeze3A_757 : f32 to vector<16xf32>
          %add3A_759 = arith.addf %add3A_755, %add3A_758 : vector<16xf32>
          %max3A_760 = arith.maximumf %min3A_738, %add3A_759 : vector<16xf32>
          %min3A_761 = arith.minimumf %min3A_738, %add3A_759 : vector<16xf32>
          %max3A_762 = arith.maximumf %min3A_740, %max3A_760 : vector<16xf32>
          %min3A_763 = arith.minimumf %min3A_740, %max3A_760 : vector<16xf32>
          %min3A_764 = arith.minimumf %min3A_741, %max3A_762 : vector<16xf32>
          %slice3A_765 = vector.extract_strided_slice %get3A_706 {offsets = [2], sizes = [1], strides = [1]} : vector<16xf32> to vector<1xf32>
          %squeeze3A_766 = vector.extract %slice3A_765[0] : f32 from vector<1xf32>
          %mul3A_767 = vector.broadcast %squeeze3A_766 : f32 to vector<16xf32>
          %mul3A_768 = arith.mulf %mul3A_98, %mul3A_767 : vector<16xf32>
          %slice3A_769 = vector.extract_strided_slice %get3A_710 {offsets = [2], sizes = [1], strides = [1]} : vector<16xf32> to vector<1xf32>
          %squeeze3A_770 = vector.extract %slice3A_769[0] : f32 from vector<1xf32>
          %mul3A_771 = vector.broadcast %squeeze3A_770 : f32 to vector<16xf32>
          %mul3A_772 = arith.mulf %mul3A_101, %mul3A_771 : vector<16xf32>
          %add3A_773 = arith.addf %mul3A_768, %mul3A_772 : vector<16xf32>
          %slice3A_774 = vector.extract_strided_slice %get3A_714 {offsets = [2], sizes = [1], strides = [1]} : vector<16xf32> to vector<1xf32>
          %squeeze3A_775 = vector.extract %slice3A_774[0] : f32 from vector<1xf32>
          %mul3A_776 = vector.broadcast %squeeze3A_775 : f32 to vector<16xf32>
          %mul3A_777 = arith.mulf %mul3A_104, %mul3A_776 : vector<16xf32>
          %add3A_778 = arith.addf %add3A_773, %mul3A_777 : vector<16xf32>
          %slice3A_779 = vector.extract_strided_slice %get3A_718 {offsets = [2], sizes = [1], strides = [1]} : vector<16xf32> to vector<1xf32>
          %squeeze3A_780 = vector.extract %slice3A_779[0] : f32 from vector<1xf32>
          %add3A_781 = vector.broadcast %squeeze3A_780 : f32 to vector<16xf32>
          %add3A_782 = arith.addf %add3A_778, %add3A_781 : vector<16xf32>
          %max3A_783 = arith.maximumf %min3A_761, %add3A_782 : vector<16xf32>
          %min3A_784 = arith.minimumf %min3A_761, %add3A_782 : vector<16xf32>
          %max3A_785 = arith.maximumf %min3A_763, %max3A_783 : vector<16xf32>
          %min3A_786 = arith.minimumf %min3A_763, %max3A_783 : vector<16xf32>
          %min3A_787 = arith.minimumf %min3A_764, %max3A_785 : vector<16xf32>
          %slice3A_788 = vector.extract_strided_slice %get3A_706 {offsets = [3], sizes = [1], strides = [1]} : vector<16xf32> to vector<1xf32>
          %squeeze3A_789 = vector.extract %slice3A_788[0] : f32 from vector<1xf32>
          %mul3A_790 = vector.broadcast %squeeze3A_789 : f32 to vector<16xf32>
          %mul3A_791 = arith.mulf %mul3A_98, %mul3A_790 : vector<16xf32>
          %slice3A_792 = vector.extract_strided_slice %get3A_710 {offsets = [3], sizes = [1], strides = [1]} : vector<16xf32> to vector<1xf32>
          %squeeze3A_793 = vector.extract %slice3A_792[0] : f32 from vector<1xf32>
          %mul3A_794 = vector.broadcast %squeeze3A_793 : f32 to vector<16xf32>
          %mul3A_795 = arith.mulf %mul3A_101, %mul3A_794 : vector<16xf32>
          %add3A_796 = arith.addf %mul3A_791, %mul3A_795 : vector<16xf32>
          %slice3A_797 = vector.extract_strided_slice %get3A_714 {offsets = [3], sizes = [1], strides = [1]} : vector<16xf32> to vector<1xf32>
          %squeeze3A_798 = vector.extract %slice3A_797[0] : f32 from vector<1xf32>
          %mul3A_799 = vector.broadcast %squeeze3A_798 : f32 to vector<16xf32>
          %mul3A_800 = arith.mulf %mul3A_104, %mul3A_799 : vector<16xf32>
          %add3A_801 = arith.addf %add3A_796, %mul3A_800 : vector<16xf32>
          %slice3A_802 = vector.extract_strided_slice %get3A_718 {offsets = [3], sizes = [1], strides = [1]} : vector<16xf32> to vector<1xf32>
          %squeeze3A_803 = vector.extract %slice3A_802[0] : f32 from vector<1xf32>
          %add3A_804 = vector.broadcast %squeeze3A_803 : f32 to vector<16xf32>
          %add3A_805 = arith.addf %add3A_801, %add3A_804 : vector<16xf32>
          %max3A_806 = arith.maximumf %min3A_784, %add3A_805 : vector<16xf32>
          %min3A_807 = arith.minimumf %min3A_784, %add3A_805 : vector<16xf32>
          %max3A_808 = arith.maximumf %min3A_786, %max3A_806 : vector<16xf32>
          %min3A_809 = arith.minimumf %min3A_786, %max3A_806 : vector<16xf32>
          %min3A_810 = arith.minimumf %min3A_787, %max3A_808 : vector<16xf32>
          %slice3A_811 = vector.extract_strided_slice %get3A_706 {offsets = [4], sizes = [1], strides = [1]} : vector<16xf32> to vector<1xf32>
          %squeeze3A_812 = vector.extract %slice3A_811[0] : f32 from vector<1xf32>
          %mul3A_813 = vector.broadcast %squeeze3A_812 : f32 to vector<16xf32>
          %mul3A_814 = arith.mulf %mul3A_98, %mul3A_813 : vector<16xf32>
          %slice3A_815 = vector.extract_strided_slice %get3A_710 {offsets = [4], sizes = [1], strides = [1]} : vector<16xf32> to vector<1xf32>
          %squeeze3A_816 = vector.extract %slice3A_815[0] : f32 from vector<1xf32>
          %mul3A_817 = vector.broadcast %squeeze3A_816 : f32 to vector<16xf32>
          %mul3A_818 = arith.mulf %mul3A_101, %mul3A_817 : vector<16xf32>
          %add3A_819 = arith.addf %mul3A_814, %mul3A_818 : vector<16xf32>
          %slice3A_820 = vector.extract_strided_slice %get3A_714 {offsets = [4], sizes = [1], strides = [1]} : vector<16xf32> to vector<1xf32>
          %squeeze3A_821 = vector.extract %slice3A_820[0] : f32 from vector<1xf32>
          %mul3A_822 = vector.broadcast %squeeze3A_821 : f32 to vector<16xf32>
          %mul3A_823 = arith.mulf %mul3A_104, %mul3A_822 : vector<16xf32>
          %add3A_824 = arith.addf %add3A_819, %mul3A_823 : vector<16xf32>
          %slice3A_825 = vector.extract_strided_slice %get3A_718 {offsets = [4], sizes = [1], strides = [1]} : vector<16xf32> to vector<1xf32>
          %squeeze3A_826 = vector.extract %slice3A_825[0] : f32 from vector<1xf32>
          %add3A_827 = vector.broadcast %squeeze3A_826 : f32 to vector<16xf32>
          %add3A_828 = arith.addf %add3A_824, %add3A_827 : vector<16xf32>
          %max3A_829 = arith.maximumf %min3A_807, %add3A_828 : vector<16xf32>
          %min3A_830 = arith.minimumf %min3A_807, %add3A_828 : vector<16xf32>
          %max3A_831 = arith.maximumf %min3A_809, %max3A_829 : vector<16xf32>
          %min3A_832 = arith.minimumf %min3A_809, %max3A_829 : vector<16xf32>
          %min3A_833 = arith.minimumf %min3A_810, %max3A_831 : vector<16xf32>
          %slice3A_834 = vector.extract_strided_slice %get3A_706 {offsets = [5], sizes = [1], strides = [1]} : vector<16xf32> to vector<1xf32>
          %squeeze3A_835 = vector.extract %slice3A_834[0] : f32 from vector<1xf32>
          %mul3A_836 = vector.broadcast %squeeze3A_835 : f32 to vector<16xf32>
          %mul3A_837 = arith.mulf %mul3A_98, %mul3A_836 : vector<16xf32>
          %slice3A_838 = vector.extract_strided_slice %get3A_710 {offsets = [5], sizes = [1], strides = [1]} : vector<16xf32> to vector<1xf32>
          %squeeze3A_839 = vector.extract %slice3A_838[0] : f32 from vector<1xf32>
          %mul3A_840 = vector.broadcast %squeeze3A_839 : f32 to vector<16xf32>
          %mul3A_841 = arith.mulf %mul3A_101, %mul3A_840 : vector<16xf32>
          %add3A_842 = arith.addf %mul3A_837, %mul3A_841 : vector<16xf32>
          %slice3A_843 = vector.extract_strided_slice %get3A_714 {offsets = [5], sizes = [1], strides = [1]} : vector<16xf32> to vector<1xf32>
          %squeeze3A_844 = vector.extract %slice3A_843[0] : f32 from vector<1xf32>
          %mul3A_845 = vector.broadcast %squeeze3A_844 : f32 to vector<16xf32>
          %mul3A_846 = arith.mulf %mul3A_104, %mul3A_845 : vector<16xf32>
          %add3A_847 = arith.addf %add3A_842, %mul3A_846 : vector<16xf32>
          %slice3A_848 = vector.extract_strided_slice %get3A_718 {offsets = [5], sizes = [1], strides = [1]} : vector<16xf32> to vector<1xf32>
          %squeeze3A_849 = vector.extract %slice3A_848[0] : f32 from vector<1xf32>
          %add3A_850 = vector.broadcast %squeeze3A_849 : f32 to vector<16xf32>
          %add3A_851 = arith.addf %add3A_847, %add3A_850 : vector<16xf32>
          %max3A_852 = arith.maximumf %min3A_830, %add3A_851 : vector<16xf32>
          %min3A_853 = arith.minimumf %min3A_830, %add3A_851 : vector<16xf32>
          %max3A_854 = arith.maximumf %min3A_832, %max3A_852 : vector<16xf32>
          %min3A_855 = arith.minimumf %min3A_832, %max3A_852 : vector<16xf32>
          %min3A_856 = arith.minimumf %min3A_833, %max3A_854 : vector<16xf32>
          %slice3A_857 = vector.extract_strided_slice %get3A_706 {offsets = [6], sizes = [1], strides = [1]} : vector<16xf32> to vector<1xf32>
          %squeeze3A_858 = vector.extract %slice3A_857[0] : f32 from vector<1xf32>
          %mul3A_859 = vector.broadcast %squeeze3A_858 : f32 to vector<16xf32>
          %mul3A_860 = arith.mulf %mul3A_98, %mul3A_859 : vector<16xf32>
          %slice3A_861 = vector.extract_strided_slice %get3A_710 {offsets = [6], sizes = [1], strides = [1]} : vector<16xf32> to vector<1xf32>
          %squeeze3A_862 = vector.extract %slice3A_861[0] : f32 from vector<1xf32>
          %mul3A_863 = vector.broadcast %squeeze3A_862 : f32 to vector<16xf32>
          %mul3A_864 = arith.mulf %mul3A_101, %mul3A_863 : vector<16xf32>
          %add3A_865 = arith.addf %mul3A_860, %mul3A_864 : vector<16xf32>
          %slice3A_866 = vector.extract_strided_slice %get3A_714 {offsets = [6], sizes = [1], strides = [1]} : vector<16xf32> to vector<1xf32>
          %squeeze3A_867 = vector.extract %slice3A_866[0] : f32 from vector<1xf32>
          %mul3A_868 = vector.broadcast %squeeze3A_867 : f32 to vector<16xf32>
          %mul3A_869 = arith.mulf %mul3A_104, %mul3A_868 : vector<16xf32>
          %add3A_870 = arith.addf %add3A_865, %mul3A_869 : vector<16xf32>
          %slice3A_871 = vector.extract_strided_slice %get3A_718 {offsets = [6], sizes = [1], strides = [1]} : vector<16xf32> to vector<1xf32>
          %squeeze3A_872 = vector.extract %slice3A_871[0] : f32 from vector<1xf32>
          %add3A_873 = vector.broadcast %squeeze3A_872 : f32 to vector<16xf32>
          %add3A_874 = arith.addf %add3A_870, %add3A_873 : vector<16xf32>
          %max3A_875 = arith.maximumf %min3A_853, %add3A_874 : vector<16xf32>
          %min3A_876 = arith.minimumf %min3A_853, %add3A_874 : vector<16xf32>
          %max3A_877 = arith.maximumf %min3A_855, %max3A_875 : vector<16xf32>
          %min3A_878 = arith.minimumf %min3A_855, %max3A_875 : vector<16xf32>
          %min3A_879 = arith.minimumf %min3A_856, %max3A_877 : vector<16xf32>
          %slice3A_880 = vector.extract_strided_slice %get3A_706 {offsets = [7], sizes = [1], strides = [1]} : vector<16xf32> to vector<1xf32>
          %squeeze3A_881 = vector.extract %slice3A_880[0] : f32 from vector<1xf32>
          %mul3A_882 = vector.broadcast %squeeze3A_881 : f32 to vector<16xf32>
          %mul3A_883 = arith.mulf %mul3A_98, %mul3A_882 : vector<16xf32>
          %slice3A_884 = vector.extract_strided_slice %get3A_710 {offsets = [7], sizes = [1], strides = [1]} : vector<16xf32> to vector<1xf32>
          %squeeze3A_885 = vector.extract %slice3A_884[0] : f32 from vector<1xf32>
          %mul3A_886 = vector.broadcast %squeeze3A_885 : f32 to vector<16xf32>
          %mul3A_887 = arith.mulf %mul3A_101, %mul3A_886 : vector<16xf32>
          %add3A_888 = arith.addf %mul3A_883, %mul3A_887 : vector<16xf32>
          %slice3A_889 = vector.extract_strided_slice %get3A_714 {offsets = [7], sizes = [1], strides = [1]} : vector<16xf32> to vector<1xf32>
          %squeeze3A_890 = vector.extract %slice3A_889[0] : f32 from vector<1xf32>
          %mul3A_891 = vector.broadcast %squeeze3A_890 : f32 to vector<16xf32>
          %mul3A_892 = arith.mulf %mul3A_104, %mul3A_891 : vector<16xf32>
          %add3A_893 = arith.addf %add3A_888, %mul3A_892 : vector<16xf32>
          %slice3A_894 = vector.extract_strided_slice %get3A_718 {offsets = [7], sizes = [1], strides = [1]} : vector<16xf32> to vector<1xf32>
          %squeeze3A_895 = vector.extract %slice3A_894[0] : f32 from vector<1xf32>
          %add3A_896 = vector.broadcast %squeeze3A_895 : f32 to vector<16xf32>
          %add3A_897 = arith.addf %add3A_893, %add3A_896 : vector<16xf32>
          %max3A_898 = arith.maximumf %min3A_876, %add3A_897 : vector<16xf32>
          %min3A_899 = arith.minimumf %min3A_876, %add3A_897 : vector<16xf32>
          %max3A_900 = arith.maximumf %min3A_878, %max3A_898 : vector<16xf32>
          %min3A_901 = arith.minimumf %min3A_878, %max3A_898 : vector<16xf32>
          %min3A_902 = arith.minimumf %min3A_879, %max3A_900 : vector<16xf32>
          %slice3A_903 = vector.extract_strided_slice %get3A_706 {offsets = [8], sizes = [1], strides = [1]} : vector<16xf32> to vector<1xf32>
          %squeeze3A_904 = vector.extract %slice3A_903[0] : f32 from vector<1xf32>
          %mul3A_905 = vector.broadcast %squeeze3A_904 : f32 to vector<16xf32>
          %mul3A_906 = arith.mulf %mul3A_98, %mul3A_905 : vector<16xf32>
          %slice3A_907 = vector.extract_strided_slice %get3A_710 {offsets = [8], sizes = [1], strides = [1]} : vector<16xf32> to vector<1xf32>
          %squeeze3A_908 = vector.extract %slice3A_907[0] : f32 from vector<1xf32>
          %mul3A_909 = vector.broadcast %squeeze3A_908 : f32 to vector<16xf32>
          %mul3A_910 = arith.mulf %mul3A_101, %mul3A_909 : vector<16xf32>
          %add3A_911 = arith.addf %mul3A_906, %mul3A_910 : vector<16xf32>
          %slice3A_912 = vector.extract_strided_slice %get3A_714 {offsets = [8], sizes = [1], strides = [1]} : vector<16xf32> to vector<1xf32>
          %squeeze3A_913 = vector.extract %slice3A_912[0] : f32 from vector<1xf32>
          %mul3A_914 = vector.broadcast %squeeze3A_913 : f32 to vector<16xf32>
          %mul3A_915 = arith.mulf %mul3A_104, %mul3A_914 : vector<16xf32>
          %add3A_916 = arith.addf %add3A_911, %mul3A_915 : vector<16xf32>
          %slice3A_917 = vector.extract_strided_slice %get3A_718 {offsets = [8], sizes = [1], strides = [1]} : vector<16xf32> to vector<1xf32>
          %squeeze3A_918 = vector.extract %slice3A_917[0] : f32 from vector<1xf32>
          %add3A_919 = vector.broadcast %squeeze3A_918 : f32 to vector<16xf32>
          %add3A_920 = arith.addf %add3A_916, %add3A_919 : vector<16xf32>
          %max3A_921 = arith.maximumf %min3A_899, %add3A_920 : vector<16xf32>
          %min3A_922 = arith.minimumf %min3A_899, %add3A_920 : vector<16xf32>
          %max3A_923 = arith.maximumf %min3A_901, %max3A_921 : vector<16xf32>
          %min3A_924 = arith.minimumf %min3A_901, %max3A_921 : vector<16xf32>
          %min3A_925 = arith.minimumf %min3A_902, %max3A_923 : vector<16xf32>
          %slice3A_926 = vector.extract_strided_slice %get3A_706 {offsets = [9], sizes = [1], strides = [1]} : vector<16xf32> to vector<1xf32>
          %squeeze3A_927 = vector.extract %slice3A_926[0] : f32 from vector<1xf32>
          %mul3A_928 = vector.broadcast %squeeze3A_927 : f32 to vector<16xf32>
          %mul3A_929 = arith.mulf %mul3A_98, %mul3A_928 : vector<16xf32>
          %slice3A_930 = vector.extract_strided_slice %get3A_710 {offsets = [9], sizes = [1], strides = [1]} : vector<16xf32> to vector<1xf32>
          %squeeze3A_931 = vector.extract %slice3A_930[0] : f32 from vector<1xf32>
          %mul3A_932 = vector.broadcast %squeeze3A_931 : f32 to vector<16xf32>
          %mul3A_933 = arith.mulf %mul3A_101, %mul3A_932 : vector<16xf32>
          %add3A_934 = arith.addf %mul3A_929, %mul3A_933 : vector<16xf32>
          %slice3A_935 = vector.extract_strided_slice %get3A_714 {offsets = [9], sizes = [1], strides = [1]} : vector<16xf32> to vector<1xf32>
          %squeeze3A_936 = vector.extract %slice3A_935[0] : f32 from vector<1xf32>
          %mul3A_937 = vector.broadcast %squeeze3A_936 : f32 to vector<16xf32>
          %mul3A_938 = arith.mulf %mul3A_104, %mul3A_937 : vector<16xf32>
          %add3A_939 = arith.addf %add3A_934, %mul3A_938 : vector<16xf32>
          %slice3A_940 = vector.extract_strided_slice %get3A_718 {offsets = [9], sizes = [1], strides = [1]} : vector<16xf32> to vector<1xf32>
          %squeeze3A_941 = vector.extract %slice3A_940[0] : f32 from vector<1xf32>
          %add3A_942 = vector.broadcast %squeeze3A_941 : f32 to vector<16xf32>
          %add3A_943 = arith.addf %add3A_939, %add3A_942 : vector<16xf32>
          %max3A_944 = arith.maximumf %min3A_922, %add3A_943 : vector<16xf32>
          %min3A_945 = arith.minimumf %min3A_922, %add3A_943 : vector<16xf32>
          %max3A_946 = arith.maximumf %min3A_924, %max3A_944 : vector<16xf32>
          %min3A_947 = arith.minimumf %min3A_924, %max3A_944 : vector<16xf32>
          %min3A_948 = arith.minimumf %min3A_925, %max3A_946 : vector<16xf32>
          %slice3A_949 = vector.extract_strided_slice %get3A_706 {offsets = [10], sizes = [1], strides = [1]} : vector<16xf32> to vector<1xf32>
          %squeeze3A_950 = vector.extract %slice3A_949[0] : f32 from vector<1xf32>
          %mul3A_951 = vector.broadcast %squeeze3A_950 : f32 to vector<16xf32>
          %mul3A_952 = arith.mulf %mul3A_98, %mul3A_951 : vector<16xf32>
          %slice3A_953 = vector.extract_strided_slice %get3A_710 {offsets = [10], sizes = [1], strides = [1]} : vector<16xf32> to vector<1xf32>
          %squeeze3A_954 = vector.extract %slice3A_953[0] : f32 from vector<1xf32>
          %mul3A_955 = vector.broadcast %squeeze3A_954 : f32 to vector<16xf32>
          %mul3A_956 = arith.mulf %mul3A_101, %mul3A_955 : vector<16xf32>
          %add3A_957 = arith.addf %mul3A_952, %mul3A_956 : vector<16xf32>
          %slice3A_958 = vector.extract_strided_slice %get3A_714 {offsets = [10], sizes = [1], strides = [1]} : vector<16xf32> to vector<1xf32>
          %squeeze3A_959 = vector.extract %slice3A_958[0] : f32 from vector<1xf32>
          %mul3A_960 = vector.broadcast %squeeze3A_959 : f32 to vector<16xf32>
          %mul3A_961 = arith.mulf %mul3A_104, %mul3A_960 : vector<16xf32>
          %add3A_962 = arith.addf %add3A_957, %mul3A_961 : vector<16xf32>
          %slice3A_963 = vector.extract_strided_slice %get3A_718 {offsets = [10], sizes = [1], strides = [1]} : vector<16xf32> to vector<1xf32>
          %squeeze3A_964 = vector.extract %slice3A_963[0] : f32 from vector<1xf32>
          %add3A_965 = vector.broadcast %squeeze3A_964 : f32 to vector<16xf32>
          %add3A_966 = arith.addf %add3A_962, %add3A_965 : vector<16xf32>
          %max3A_967 = arith.maximumf %min3A_945, %add3A_966 : vector<16xf32>
          %min3A_968 = arith.minimumf %min3A_945, %add3A_966 : vector<16xf32>
          %max3A_969 = arith.maximumf %min3A_947, %max3A_967 : vector<16xf32>
          %min3A_970 = arith.minimumf %min3A_947, %max3A_967 : vector<16xf32>
          %min3A_971 = arith.minimumf %min3A_948, %max3A_969 : vector<16xf32>
          %slice3A_972 = vector.extract_strided_slice %get3A_706 {offsets = [11], sizes = [1], strides = [1]} : vector<16xf32> to vector<1xf32>
          %squeeze3A_973 = vector.extract %slice3A_972[0] : f32 from vector<1xf32>
          %mul3A_974 = vector.broadcast %squeeze3A_973 : f32 to vector<16xf32>
          %mul3A_975 = arith.mulf %mul3A_98, %mul3A_974 : vector<16xf32>
          %slice3A_976 = vector.extract_strided_slice %get3A_710 {offsets = [11], sizes = [1], strides = [1]} : vector<16xf32> to vector<1xf32>
          %squeeze3A_977 = vector.extract %slice3A_976[0] : f32 from vector<1xf32>
          %mul3A_978 = vector.broadcast %squeeze3A_977 : f32 to vector<16xf32>
          %mul3A_979 = arith.mulf %mul3A_101, %mul3A_978 : vector<16xf32>
          %add3A_980 = arith.addf %mul3A_975, %mul3A_979 : vector<16xf32>
          %slice3A_981 = vector.extract_strided_slice %get3A_714 {offsets = [11], sizes = [1], strides = [1]} : vector<16xf32> to vector<1xf32>
          %squeeze3A_982 = vector.extract %slice3A_981[0] : f32 from vector<1xf32>
          %mul3A_983 = vector.broadcast %squeeze3A_982 : f32 to vector<16xf32>
          %mul3A_984 = arith.mulf %mul3A_104, %mul3A_983 : vector<16xf32>
          %add3A_985 = arith.addf %add3A_980, %mul3A_984 : vector<16xf32>
          %slice3A_986 = vector.extract_strided_slice %get3A_718 {offsets = [11], sizes = [1], strides = [1]} : vector<16xf32> to vector<1xf32>
          %squeeze3A_987 = vector.extract %slice3A_986[0] : f32 from vector<1xf32>
          %add3A_988 = vector.broadcast %squeeze3A_987 : f32 to vector<16xf32>
          %add3A_989 = arith.addf %add3A_985, %add3A_988 : vector<16xf32>
          %max3A_990 = arith.maximumf %min3A_968, %add3A_989 : vector<16xf32>
          %min3A_991 = arith.minimumf %min3A_968, %add3A_989 : vector<16xf32>
          %max3A_992 = arith.maximumf %min3A_970, %max3A_990 : vector<16xf32>
          %min3A_993 = arith.minimumf %min3A_970, %max3A_990 : vector<16xf32>
          %min3A_994 = arith.minimumf %min3A_971, %max3A_992 : vector<16xf32>
          %slice3A_995 = vector.extract_strided_slice %get3A_706 {offsets = [12], sizes = [1], strides = [1]} : vector<16xf32> to vector<1xf32>
          %squeeze3A_996 = vector.extract %slice3A_995[0] : f32 from vector<1xf32>
          %mul3A_997 = vector.broadcast %squeeze3A_996 : f32 to vector<16xf32>
          %mul3A_998 = arith.mulf %mul3A_98, %mul3A_997 : vector<16xf32>
          %slice3A_999 = vector.extract_strided_slice %get3A_710 {offsets = [12], sizes = [1], strides = [1]} : vector<16xf32> to vector<1xf32>
          %squeeze3A_1000 = vector.extract %slice3A_999[0] : f32 from vector<1xf32>
          %mul3A_1001 = vector.broadcast %squeeze3A_1000 : f32 to vector<16xf32>
          %mul3A_1002 = arith.mulf %mul3A_101, %mul3A_1001 : vector<16xf32>
          %add3A_1003 = arith.addf %mul3A_998, %mul3A_1002 : vector<16xf32>
          %slice3A_1004 = vector.extract_strided_slice %get3A_714 {offsets = [12], sizes = [1], strides = [1]} : vector<16xf32> to vector<1xf32>
          %squeeze3A_1005 = vector.extract %slice3A_1004[0] : f32 from vector<1xf32>
          %mul3A_1006 = vector.broadcast %squeeze3A_1005 : f32 to vector<16xf32>
          %mul3A_1007 = arith.mulf %mul3A_104, %mul3A_1006 : vector<16xf32>
          %add3A_1008 = arith.addf %add3A_1003, %mul3A_1007 : vector<16xf32>
          %slice3A_1009 = vector.extract_strided_slice %get3A_718 {offsets = [12], sizes = [1], strides = [1]} : vector<16xf32> to vector<1xf32>
          %squeeze3A_1010 = vector.extract %slice3A_1009[0] : f32 from vector<1xf32>
          %add3A_1011 = vector.broadcast %squeeze3A_1010 : f32 to vector<16xf32>
          %add3A_1012 = arith.addf %add3A_1008, %add3A_1011 : vector<16xf32>
          %max3A_1013 = arith.maximumf %min3A_991, %add3A_1012 : vector<16xf32>
          %min3A_1014 = arith.minimumf %min3A_991, %add3A_1012 : vector<16xf32>
          %max3A_1015 = arith.maximumf %min3A_993, %max3A_1013 : vector<16xf32>
          %min3A_1016 = arith.minimumf %min3A_993, %max3A_1013 : vector<16xf32>
          %min3A_1017 = arith.minimumf %min3A_994, %max3A_1015 : vector<16xf32>
          %slice3A_1018 = vector.extract_strided_slice %get3A_706 {offsets = [13], sizes = [1], strides = [1]} : vector<16xf32> to vector<1xf32>
          %squeeze3A_1019 = vector.extract %slice3A_1018[0] : f32 from vector<1xf32>
          %mul3A_1020 = vector.broadcast %squeeze3A_1019 : f32 to vector<16xf32>
          %mul3A_1021 = arith.mulf %mul3A_98, %mul3A_1020 : vector<16xf32>
          %slice3A_1022 = vector.extract_strided_slice %get3A_710 {offsets = [13], sizes = [1], strides = [1]} : vector<16xf32> to vector<1xf32>
          %squeeze3A_1023 = vector.extract %slice3A_1022[0] : f32 from vector<1xf32>
          %mul3A_1024 = vector.broadcast %squeeze3A_1023 : f32 to vector<16xf32>
          %mul3A_1025 = arith.mulf %mul3A_101, %mul3A_1024 : vector<16xf32>
          %add3A_1026 = arith.addf %mul3A_1021, %mul3A_1025 : vector<16xf32>
          %slice3A_1027 = vector.extract_strided_slice %get3A_714 {offsets = [13], sizes = [1], strides = [1]} : vector<16xf32> to vector<1xf32>
          %squeeze3A_1028 = vector.extract %slice3A_1027[0] : f32 from vector<1xf32>
          %mul3A_1029 = vector.broadcast %squeeze3A_1028 : f32 to vector<16xf32>
          %mul3A_1030 = arith.mulf %mul3A_104, %mul3A_1029 : vector<16xf32>
          %add3A_1031 = arith.addf %add3A_1026, %mul3A_1030 : vector<16xf32>
          %slice3A_1032 = vector.extract_strided_slice %get3A_718 {offsets = [13], sizes = [1], strides = [1]} : vector<16xf32> to vector<1xf32>
          %squeeze3A_1033 = vector.extract %slice3A_1032[0] : f32 from vector<1xf32>
          %add3A_1034 = vector.broadcast %squeeze3A_1033 : f32 to vector<16xf32>
          %add3A_1035 = arith.addf %add3A_1031, %add3A_1034 : vector<16xf32>
          %max3A_1036 = arith.maximumf %min3A_1014, %add3A_1035 : vector<16xf32>
          %min3A_1037 = arith.minimumf %min3A_1014, %add3A_1035 : vector<16xf32>
          %max3A_1038 = arith.maximumf %min3A_1016, %max3A_1036 : vector<16xf32>
          %min3A_1039 = arith.minimumf %min3A_1016, %max3A_1036 : vector<16xf32>
          %min3A_1040 = arith.minimumf %min3A_1017, %max3A_1038 : vector<16xf32>
          %slice3A_1041 = vector.extract_strided_slice %get3A_706 {offsets = [14], sizes = [1], strides = [1]} : vector<16xf32> to vector<1xf32>
          %squeeze3A_1042 = vector.extract %slice3A_1041[0] : f32 from vector<1xf32>
          %mul3A_1043 = vector.broadcast %squeeze3A_1042 : f32 to vector<16xf32>
          %mul3A_1044 = arith.mulf %mul3A_98, %mul3A_1043 : vector<16xf32>
          %slice3A_1045 = vector.extract_strided_slice %get3A_710 {offsets = [14], sizes = [1], strides = [1]} : vector<16xf32> to vector<1xf32>
          %squeeze3A_1046 = vector.extract %slice3A_1045[0] : f32 from vector<1xf32>
          %mul3A_1047 = vector.broadcast %squeeze3A_1046 : f32 to vector<16xf32>
          %mul3A_1048 = arith.mulf %mul3A_101, %mul3A_1047 : vector<16xf32>
          %add3A_1049 = arith.addf %mul3A_1044, %mul3A_1048 : vector<16xf32>
          %slice3A_1050 = vector.extract_strided_slice %get3A_714 {offsets = [14], sizes = [1], strides = [1]} : vector<16xf32> to vector<1xf32>
          %squeeze3A_1051 = vector.extract %slice3A_1050[0] : f32 from vector<1xf32>
          %mul3A_1052 = vector.broadcast %squeeze3A_1051 : f32 to vector<16xf32>
          %mul3A_1053 = arith.mulf %mul3A_104, %mul3A_1052 : vector<16xf32>
          %add3A_1054 = arith.addf %add3A_1049, %mul3A_1053 : vector<16xf32>
          %slice3A_1055 = vector.extract_strided_slice %get3A_718 {offsets = [14], sizes = [1], strides = [1]} : vector<16xf32> to vector<1xf32>
          %squeeze3A_1056 = vector.extract %slice3A_1055[0] : f32 from vector<1xf32>
          %add3A_1057 = vector.broadcast %squeeze3A_1056 : f32 to vector<16xf32>
          %add3A_1058 = arith.addf %add3A_1054, %add3A_1057 : vector<16xf32>
          %max3A_1059 = arith.maximumf %min3A_1037, %add3A_1058 : vector<16xf32>
          %min3A_1060 = arith.minimumf %min3A_1037, %add3A_1058 : vector<16xf32>
          %max3A_1061 = arith.maximumf %min3A_1039, %max3A_1059 : vector<16xf32>
          %min3A_1062 = arith.minimumf %min3A_1039, %max3A_1059 : vector<16xf32>
          %min3A_1063 = arith.minimumf %min3A_1040, %max3A_1061 : vector<16xf32>
          %slice3A_1064 = vector.extract_strided_slice %get3A_706 {offsets = [15], sizes = [1], strides = [1]} : vector<16xf32> to vector<1xf32>
          %squeeze3A_1065 = vector.extract %slice3A_1064[0] : f32 from vector<1xf32>
          %mul3A_1066 = vector.broadcast %squeeze3A_1065 : f32 to vector<16xf32>
          %mul3A_1067 = arith.mulf %mul3A_98, %mul3A_1066 : vector<16xf32>
          %slice3A_1068 = vector.extract_strided_slice %get3A_710 {offsets = [15], sizes = [1], strides = [1]} : vector<16xf32> to vector<1xf32>
          %squeeze3A_1069 = vector.extract %slice3A_1068[0] : f32 from vector<1xf32>
          %mul3A_1070 = vector.broadcast %squeeze3A_1069 : f32 to vector<16xf32>
          %mul3A_1071 = arith.mulf %mul3A_101, %mul3A_1070 : vector<16xf32>
          %add3A_1072 = arith.addf %mul3A_1067, %mul3A_1071 : vector<16xf32>
          %slice3A_1073 = vector.extract_strided_slice %get3A_714 {offsets = [15], sizes = [1], strides = [1]} : vector<16xf32> to vector<1xf32>
          %squeeze3A_1074 = vector.extract %slice3A_1073[0] : f32 from vector<1xf32>
          %mul3A_1075 = vector.broadcast %squeeze3A_1074 : f32 to vector<16xf32>
          %mul3A_1076 = arith.mulf %mul3A_104, %mul3A_1075 : vector<16xf32>
          %add3A_1077 = arith.addf %add3A_1072, %mul3A_1076 : vector<16xf32>
          %slice3A_1078 = vector.extract_strided_slice %get3A_718 {offsets = [15], sizes = [1], strides = [1]} : vector<16xf32> to vector<1xf32>
          %squeeze3A_1079 = vector.extract %slice3A_1078[0] : f32 from vector<1xf32>
          %add3A_1080 = vector.broadcast %squeeze3A_1079 : f32 to vector<16xf32>
          %add3A_1081 = arith.addf %add3A_1077, %add3A_1080 : vector<16xf32>
          %max3A_1082 = arith.maximumf %min3A_1060, %add3A_1081 : vector<16xf32>
          %min3A_1083 = arith.minimumf %min3A_1060, %add3A_1081 : vector<16xf32>
          %max3A_1084 = arith.maximumf %min3A_1062, %max3A_1082 : vector<16xf32>
          %min3A_1085 = arith.minimumf %min3A_1062, %max3A_1082 : vector<16xf32>
          %min3A_1086 = arith.minimumf %min3A_1063, %max3A_1084 : vector<16xf32>
          scf.yield %min3A_1083, %min3A_1085, %min3A_1086 : vector<16xf32>, vector<16xf32>, vector<16xf32>
        }
        %while3A_687 = arith.constant 1 : i32
        %while3A_688:3 = scf.for %while3A_699 = %while3A_684 to %while3A_680 step %while3A_687 iter_args(%while3A_700 = %while3A_686#0, %while3A_701 = %while3A_686#1, %while3A_702 = %while3A_686#2) -> (vector<16xf32>, vector<16xf32>, vector<16xf32>)  : i32 {
          %mul3A_703 = arith.constant 16 : i32
          %mul3A_704 = arith.muli %while3A_699, %mul3A_703 : i32
          %get3A_705 = arith.index_cast %mul3A_704 : i32 to index
          %get3A_706 = tpu.vector_load %arg5[%get3A_705] {strides = array<i32>} : memref<4096xf32, #tpu.memory_space<vmem>>, vector<16xf32>,
          %mul3A_707 = arith.constant 16 : i32
          %mul3A_708 = arith.muli %while3A_699, %mul3A_707 : i32
          %get3A_709 = arith.index_cast %mul3A_708 : i32 to index
          %get3A_710 = tpu.vector_load %arg6[%get3A_709] {strides = array<i32>} : memref<4096xf32, #tpu.memory_space<vmem>>, vector<16xf32>,
          %mul3A_711 = arith.constant 16 : i32
          %mul3A_712 = arith.muli %while3A_699, %mul3A_711 : i32
          %get3A_713 = arith.index_cast %mul3A_712 : i32 to index
          %get3A_714 = tpu.vector_load %arg7[%get3A_713] {strides = array<i32>} : memref<4096xf32, #tpu.memory_space<vmem>>, vector<16xf32>,
          %mul3A_715 = arith.constant 16 : i32
          %mul3A_716 = arith.muli %while3A_699, %mul3A_715 : i32
          %get3A_717 = arith.index_cast %mul3A_716 : i32 to index
          %get3A_718 = tpu.vector_load %arg8[%get3A_717] {strides = array<i32>} : memref<4096xf32, #tpu.memory_space<vmem>>, vector<16xf32>,
          %slice3A_719 = vector.extract_strided_slice %get3A_706 {offsets = [0], sizes = [1], strides = [1]} : vector<16xf32> to vector<1xf32>
          %squeeze3A_720 = vector.extract %slice3A_719[0] : f32 from vector<1xf32>
          %mul3A_721 = vector.broadcast %squeeze3A_720 : f32 to vector<16xf32>
          %mul3A_722 = arith.mulf %mul3A_98, %mul3A_721 : vector<16xf32>
          %slice3A_723 = vector.extract_strided_slice %get3A_710 {offsets = [0], sizes = [1], strides = [1]} : vector<16xf32> to vector<1xf32>
          %squeeze3A_724 = vector.extract %slice3A_723[0] : f32 from vector<1xf32>
          %mul3A_725 = vector.broadcast %squeeze3A_724 : f32 to vector<16xf32>
          %mul3A_726 = arith.mulf %mul3A_101, %mul3A_725 : vector<16xf32>
          %add3A_727 = arith.addf %mul3A_722, %mul3A_726 : vector<16xf32>
          %slice3A_728 = vector.extract_strided_slice %get3A_714 {offsets = [0], sizes = [1], strides = [1]} : vector<16xf32> to vector<1xf32>
          %squeeze3A_729 = vector.extract %slice3A_728[0] : f32 from vector<1xf32>
          %mul3A_730 = vector.broadcast %squeeze3A_729 : f32 to vector<16xf32>
          %mul3A_731 = arith.mulf %mul3A_104, %mul3A_730 : vector<16xf32>
          %add3A_732 = arith.addf %add3A_727, %mul3A_731 : vector<16xf32>
          %slice3A_733 = vector.extract_strided_slice %get3A_718 {offsets = [0], sizes = [1], strides = [1]} : vector<16xf32> to vector<1xf32>
          %squeeze3A_734 = vector.extract %slice3A_733[0] : f32 from vector<1xf32>
          %add3A_735 = vector.broadcast %squeeze3A_734 : f32 to vector<16xf32>
          %add3A_736 = arith.addf %add3A_732, %add3A_735 : vector<16xf32>
          %max3A_737 = arith.maximumf %while3A_700, %add3A_736 : vector<16xf32>
          %min3A_738 = arith.minimumf %while3A_700, %add3A_736 : vector<16xf32>
          %max3A_739 = arith.maximumf %while3A_701, %max3A_737 : vector<16xf32>
          %min3A_740 = arith.minimumf %while3A_701, %max3A_737 : vector<16xf32>
          %min3A_741 = arith.minimumf %while3A_702, %max3A_739 : vector<16xf32>
          %slice3A_742 = vector.extract_strided_slice %get3A_706 {offsets = [1], sizes = [1], strides = [1]} : vector<16xf32> to vector<1xf32>
          %squeeze3A_743 = vector.extract %slice3A_742[0] : f32 from vector<1xf32>
          %mul3A_744 = vector.broadcast %squeeze3A_743 : f32 to vector<16xf32>
          %mul3A_745 = arith.mulf %mul3A_98, %mul3A_744 : vector<16xf32>
          %slice3A_746 = vector.extract_strided_slice %get3A_710 {offsets = [1], sizes = [1], strides = [1]} : vector<16xf32> to vector<1xf32>
          %squeeze3A_747 = vector.extract %slice3A_746[0] : f32 from vector<1xf32>
          %mul3A_748 = vector.broadcast %squeeze3A_747 : f32 to vector<16xf32>
          %mul3A_749 = arith.mulf %mul3A_101, %mul3A_748 : vector<16xf32>
          %add3A_750 = arith.addf %mul3A_745, %mul3A_749 : vector<16xf32>
          %slice3A_751 = vector.extract_strided_slice %get3A_714 {offsets = [1], sizes = [1], strides = [1]} : vector<16xf32> to vector<1xf32>
          %squeeze3A_752 = vector.extract %slice3A_751[0] : f32 from vector<1xf32>
          %mul3A_753 = vector.broadcast %squeeze3A_752 : f32 to vector<16xf32>
          %mul3A_754 = arith.mulf %mul3A_104, %mul3A_753 : vector<16xf32>
          %add3A_755 = arith.addf %add3A_750, %mul3A_754 : vector<16xf32>
          %slice3A_756 = vector.extract_strided_slice %get3A_718 {offsets = [1], sizes = [1], strides = [1]} : vector<16xf32> to vector<1xf32>
          %squeeze3A_757 = vector.extract %slice3A_756[0] : f32 from vector<1xf32>
          %add3A_758 = vector.broadcast %squeeze3A_757 : f32 to vector<16xf32>
          %add3A_759 = arith.addf %add3A_755, %add3A_758 : vector<16xf32>
          %max3A_760 = arith.maximumf %min3A_738, %add3A_759 : vector<16xf32>
          %min3A_761 = arith.minimumf %min3A_738, %add3A_759 : vector<16xf32>
          %max3A_762 = arith.maximumf %min3A_740, %max3A_760 : vector<16xf32>
          %min3A_763 = arith.minimumf %min3A_740, %max3A_760 : vector<16xf32>
          %min3A_764 = arith.minimumf %min3A_741, %max3A_762 : vector<16xf32>
          %slice3A_765 = vector.extract_strided_slice %get3A_706 {offsets = [2], sizes = [1], strides = [1]} : vector<16xf32> to vector<1xf32>
          %squeeze3A_766 = vector.extract %slice3A_765[0] : f32 from vector<1xf32>
          %mul3A_767 = vector.broadcast %squeeze3A_766 : f32 to vector<16xf32>
          %mul3A_768 = arith.mulf %mul3A_98, %mul3A_767 : vector<16xf32>
          %slice3A_769 = vector.extract_strided_slice %get3A_710 {offsets = [2], sizes = [1], strides = [1]} : vector<16xf32> to vector<1xf32>
          %squeeze3A_770 = vector.extract %slice3A_769[0] : f32 from vector<1xf32>
          %mul3A_771 = vector.broadcast %squeeze3A_770 : f32 to vector<16xf32>
          %mul3A_772 = arith.mulf %mul3A_101, %mul3A_771 : vector<16xf32>
          %add3A_773 = arith.addf %mul3A_768, %mul3A_772 : vector<16xf32>
          %slice3A_774 = vector.extract_strided_slice %get3A_714 {offsets = [2], sizes = [1], strides = [1]} : vector<16xf32> to vector<1xf32>
          %squeeze3A_775 = vector.extract %slice3A_774[0] : f32 from vector<1xf32>
          %mul3A_776 = vector.broadcast %squeeze3A_775 : f32 to vector<16xf32>
          %mul3A_777 = arith.mulf %mul3A_104, %mul3A_776 : vector<16xf32>
          %add3A_778 = arith.addf %add3A_773, %mul3A_777 : vector<16xf32>
          %slice3A_779 = vector.extract_strided_slice %get3A_718 {offsets = [2], sizes = [1], strides = [1]} : vector<16xf32> to vector<1xf32>
          %squeeze3A_780 = vector.extract %slice3A_779[0] : f32 from vector<1xf32>
          %add3A_781 = vector.broadcast %squeeze3A_780 : f32 to vector<16xf32>
          %add3A_782 = arith.addf %add3A_778, %add3A_781 : vector<16xf32>
          %max3A_783 = arith.maximumf %min3A_761, %add3A_782 : vector<16xf32>
          %min3A_784 = arith.minimumf %min3A_761, %add3A_782 : vector<16xf32>
          %max3A_785 = arith.maximumf %min3A_763, %max3A_783 : vector<16xf32>
          %min3A_786 = arith.minimumf %min3A_763, %max3A_783 : vector<16xf32>
          %min3A_787 = arith.minimumf %min3A_764, %max3A_785 : vector<16xf32>
          %slice3A_788 = vector.extract_strided_slice %get3A_706 {offsets = [3], sizes = [1], strides = [1]} : vector<16xf32> to vector<1xf32>
          %squeeze3A_789 = vector.extract %slice3A_788[0] : f32 from vector<1xf32>
          %mul3A_790 = vector.broadcast %squeeze3A_789 : f32 to vector<16xf32>
          %mul3A_791 = arith.mulf %mul3A_98, %mul3A_790 : vector<16xf32>
          %slice3A_792 = vector.extract_strided_slice %get3A_710 {offsets = [3], sizes = [1], strides = [1]} : vector<16xf32> to vector<1xf32>
          %squeeze3A_793 = vector.extract %slice3A_792[0] : f32 from vector<1xf32>
          %mul3A_794 = vector.broadcast %squeeze3A_793 : f32 to vector<16xf32>
          %mul3A_795 = arith.mulf %mul3A_101, %mul3A_794 : vector<16xf32>
          %add3A_796 = arith.addf %mul3A_791, %mul3A_795 : vector<16xf32>
          %slice3A_797 = vector.extract_strided_slice %get3A_714 {offsets = [3], sizes = [1], strides = [1]} : vector<16xf32> to vector<1xf32>
          %squeeze3A_798 = vector.extract %slice3A_797[0] : f32 from vector<1xf32>
          %mul3A_799 = vector.broadcast %squeeze3A_798 : f32 to vector<16xf32>
          %mul3A_800 = arith.mulf %mul3A_104, %mul3A_799 : vector<16xf32>
          %add3A_801 = arith.addf %add3A_796, %mul3A_800 : vector<16xf32>
          %slice3A_802 = vector.extract_strided_slice %get3A_718 {offsets = [3], sizes = [1], strides = [1]} : vector<16xf32> to vector<1xf32>
          %squeeze3A_803 = vector.extract %slice3A_802[0] : f32 from vector<1xf32>
          %add3A_804 = vector.broadcast %squeeze3A_803 : f32 to vector<16xf32>
          %add3A_805 = arith.addf %add3A_801, %add3A_804 : vector<16xf32>
          %max3A_806 = arith.maximumf %min3A_784, %add3A_805 : vector<16xf32>
          %min3A_807 = arith.minimumf %min3A_784, %add3A_805 : vector<16xf32>
          %max3A_808 = arith.maximumf %min3A_786, %max3A_806 : vector<16xf32>
          %min3A_809 = arith.minimumf %min3A_786, %max3A_806 : vector<16xf32>
          %min3A_810 = arith.minimumf %min3A_787, %max3A_808 : vector<16xf32>
          %slice3A_811 = vector.extract_strided_slice %get3A_706 {offsets = [4], sizes = [1], strides = [1]} : vector<16xf32> to vector<1xf32>
          %squeeze3A_812 = vector.extract %slice3A_811[0] : f32 from vector<1xf32>
          %mul3A_813 = vector.broadcast %squeeze3A_812 : f32 to vector<16xf32>
          %mul3A_814 = arith.mulf %mul3A_98, %mul3A_813 : vector<16xf32>
          %slice3A_815 = vector.extract_strided_slice %get3A_710 {offsets = [4], sizes = [1], strides = [1]} : vector<16xf32> to vector<1xf32>
          %squeeze3A_816 = vector.extract %slice3A_815[0] : f32 from vector<1xf32>
          %mul3A_817 = vector.broadcast %squeeze3A_816 : f32 to vector<16xf32>
          %mul3A_818 = arith.mulf %mul3A_101, %mul3A_817 : vector<16xf32>
          %add3A_819 = arith.addf %mul3A_814, %mul3A_818 : vector<16xf32>
          %slice3A_820 = vector.extract_strided_slice %get3A_714 {offsets = [4], sizes = [1], strides = [1]} : vector<16xf32> to vector<1xf32>
          %squeeze3A_821 = vector.extract %slice3A_820[0] : f32 from vector<1xf32>
          %mul3A_822 = vector.broadcast %squeeze3A_821 : f32 to vector<16xf32>
          %mul3A_823 = arith.mulf %mul3A_104, %mul3A_822 : vector<16xf32>
          %add3A_824 = arith.addf %add3A_819, %mul3A_823 : vector<16xf32>
          %slice3A_825 = vector.extract_strided_slice %get3A_718 {offsets = [4], sizes = [1], strides = [1]} : vector<16xf32> to vector<1xf32>
          %squeeze3A_826 = vector.extract %slice3A_825[0] : f32 from vector<1xf32>
          %add3A_827 = vector.broadcast %squeeze3A_826 : f32 to vector<16xf32>
          %add3A_828 = arith.addf %add3A_824, %add3A_827 : vector<16xf32>
          %max3A_829 = arith.maximumf %min3A_807, %add3A_828 : vector<16xf32>
          %min3A_830 = arith.minimumf %min3A_807, %add3A_828 : vector<16xf32>
          %max3A_831 = arith.maximumf %min3A_809, %max3A_829 : vector<16xf32>
          %min3A_832 = arith.minimumf %min3A_809, %max3A_829 : vector<16xf32>
          %min3A_833 = arith.minimumf %min3A_810, %max3A_831 : vector<16xf32>
          %slice3A_834 = vector.extract_strided_slice %get3A_706 {offsets = [5], sizes = [1], strides = [1]} : vector<16xf32> to vector<1xf32>
          %squeeze3A_835 = vector.extract %slice3A_834[0] : f32 from vector<1xf32>
          %mul3A_836 = vector.broadcast %squeeze3A_835 : f32 to vector<16xf32>
          %mul3A_837 = arith.mulf %mul3A_98, %mul3A_836 : vector<16xf32>
          %slice3A_838 = vector.extract_strided_slice %get3A_710 {offsets = [5], sizes = [1], strides = [1]} : vector<16xf32> to vector<1xf32>
          %squeeze3A_839 = vector.extract %slice3A_838[0] : f32 from vector<1xf32>
          %mul3A_840 = vector.broadcast %squeeze3A_839 : f32 to vector<16xf32>
          %mul3A_841 = arith.mulf %mul3A_101, %mul3A_840 : vector<16xf32>
          %add3A_842 = arith.addf %mul3A_837, %mul3A_841 : vector<16xf32>
          %slice3A_843 = vector.extract_strided_slice %get3A_714 {offsets = [5], sizes = [1], strides = [1]} : vector<16xf32> to vector<1xf32>
          %squeeze3A_844 = vector.extract %slice3A_843[0] : f32 from vector<1xf32>
          %mul3A_845 = vector.broadcast %squeeze3A_844 : f32 to vector<16xf32>
          %mul3A_846 = arith.mulf %mul3A_104, %mul3A_845 : vector<16xf32>
          %add3A_847 = arith.addf %add3A_842, %mul3A_846 : vector<16xf32>
          %slice3A_848 = vector.extract_strided_slice %get3A_718 {offsets = [5], sizes = [1], strides = [1]} : vector<16xf32> to vector<1xf32>
          %squeeze3A_849 = vector.extract %slice3A_848[0] : f32 from vector<1xf32>
          %add3A_850 = vector.broadcast %squeeze3A_849 : f32 to vector<16xf32>
          %add3A_851 = arith.addf %add3A_847, %add3A_850 : vector<16xf32>
          %max3A_852 = arith.maximumf %min3A_830, %add3A_851 : vector<16xf32>
          %min3A_853 = arith.minimumf %min3A_830, %add3A_851 : vector<16xf32>
          %max3A_854 = arith.maximumf %min3A_832, %max3A_852 : vector<16xf32>
          %min3A_855 = arith.minimumf %min3A_832, %max3A_852 : vector<16xf32>
          %min3A_856 = arith.minimumf %min3A_833, %max3A_854 : vector<16xf32>
          %slice3A_857 = vector.extract_strided_slice %get3A_706 {offsets = [6], sizes = [1], strides = [1]} : vector<16xf32> to vector<1xf32>
          %squeeze3A_858 = vector.extract %slice3A_857[0] : f32 from vector<1xf32>
          %mul3A_859 = vector.broadcast %squeeze3A_858 : f32 to vector<16xf32>
          %mul3A_860 = arith.mulf %mul3A_98, %mul3A_859 : vector<16xf32>
          %slice3A_861 = vector.extract_strided_slice %get3A_710 {offsets = [6], sizes = [1], strides = [1]} : vector<16xf32> to vector<1xf32>
          %squeeze3A_862 = vector.extract %slice3A_861[0] : f32 from vector<1xf32>
          %mul3A_863 = vector.broadcast %squeeze3A_862 : f32 to vector<16xf32>
          %mul3A_864 = arith.mulf %mul3A_101, %mul3A_863 : vector<16xf32>
          %add3A_865 = arith.addf %mul3A_860, %mul3A_864 : vector<16xf32>
          %slice3A_866 = vector.extract_strided_slice %get3A_714 {offsets = [6], sizes = [1], strides = [1]} : vector<16xf32> to vector<1xf32>
          %squeeze3A_867 = vector.extract %slice3A_866[0] : f32 from vector<1xf32>
          %mul3A_868 = vector.broadcast %squeeze3A_867 : f32 to vector<16xf32>
          %mul3A_869 = arith.mulf %mul3A_104, %mul3A_868 : vector<16xf32>
          %add3A_870 = arith.addf %add3A_865, %mul3A_869 : vector<16xf32>
          %slice3A_871 = vector.extract_strided_slice %get3A_718 {offsets = [6], sizes = [1], strides = [1]} : vector<16xf32> to vector<1xf32>
          %squeeze3A_872 = vector.extract %slice3A_871[0] : f32 from vector<1xf32>
          %add3A_873 = vector.broadcast %squeeze3A_872 : f32 to vector<16xf32>
          %add3A_874 = arith.addf %add3A_870, %add3A_873 : vector<16xf32>
          %max3A_875 = arith.maximumf %min3A_853, %add3A_874 : vector<16xf32>
          %min3A_876 = arith.minimumf %min3A_853, %add3A_874 : vector<16xf32>
          %max3A_877 = arith.maximumf %min3A_855, %max3A_875 : vector<16xf32>
          %min3A_878 = arith.minimumf %min3A_855, %max3A_875 : vector<16xf32>
          %min3A_879 = arith.minimumf %min3A_856, %max3A_877 : vector<16xf32>
          %slice3A_880 = vector.extract_strided_slice %get3A_706 {offsets = [7], sizes = [1], strides = [1]} : vector<16xf32> to vector<1xf32>
          %squeeze3A_881 = vector.extract %slice3A_880[0] : f32 from vector<1xf32>
          %mul3A_882 = vector.broadcast %squeeze3A_881 : f32 to vector<16xf32>
          %mul3A_883 = arith.mulf %mul3A_98, %mul3A_882 : vector<16xf32>
          %slice3A_884 = vector.extract_strided_slice %get3A_710 {offsets = [7], sizes = [1], strides = [1]} : vector<16xf32> to vector<1xf32>
          %squeeze3A_885 = vector.extract %slice3A_884[0] : f32 from vector<1xf32>
          %mul3A_886 = vector.broadcast %squeeze3A_885 : f32 to vector<16xf32>
          %mul3A_887 = arith.mulf %mul3A_101, %mul3A_886 : vector<16xf32>
          %add3A_888 = arith.addf %mul3A_883, %mul3A_887 : vector<16xf32>
          %slice3A_889 = vector.extract_strided_slice %get3A_714 {offsets = [7], sizes = [1], strides = [1]} : vector<16xf32> to vector<1xf32>
          %squeeze3A_890 = vector.extract %slice3A_889[0] : f32 from vector<1xf32>
          %mul3A_891 = vector.broadcast %squeeze3A_890 : f32 to vector<16xf32>
          %mul3A_892 = arith.mulf %mul3A_104, %mul3A_891 : vector<16xf32>
          %add3A_893 = arith.addf %add3A_888, %mul3A_892 : vector<16xf32>
          %slice3A_894 = vector.extract_strided_slice %get3A_718 {offsets = [7], sizes = [1], strides = [1]} : vector<16xf32> to vector<1xf32>
          %squeeze3A_895 = vector.extract %slice3A_894[0] : f32 from vector<1xf32>
          %add3A_896 = vector.broadcast %squeeze3A_895 : f32 to vector<16xf32>
          %add3A_897 = arith.addf %add3A_893, %add3A_896 : vector<16xf32>
          %max3A_898 = arith.maximumf %min3A_876, %add3A_897 : vector<16xf32>
          %min3A_899 = arith.minimumf %min3A_876, %add3A_897 : vector<16xf32>
          %max3A_900 = arith.maximumf %min3A_878, %max3A_898 : vector<16xf32>
          %min3A_901 = arith.minimumf %min3A_878, %max3A_898 : vector<16xf32>
          %min3A_902 = arith.minimumf %min3A_879, %max3A_900 : vector<16xf32>
          %slice3A_903 = vector.extract_strided_slice %get3A_706 {offsets = [8], sizes = [1], strides = [1]} : vector<16xf32> to vector<1xf32>
          %squeeze3A_904 = vector.extract %slice3A_903[0] : f32 from vector<1xf32>
          %mul3A_905 = vector.broadcast %squeeze3A_904 : f32 to vector<16xf32>
          %mul3A_906 = arith.mulf %mul3A_98, %mul3A_905 : vector<16xf32>
          %slice3A_907 = vector.extract_strided_slice %get3A_710 {offsets = [8], sizes = [1], strides = [1]} : vector<16xf32> to vector<1xf32>
          %squeeze3A_908 = vector.extract %slice3A_907[0] : f32 from vector<1xf32>
          %mul3A_909 = vector.broadcast %squeeze3A_908 : f32 to vector<16xf32>
          %mul3A_910 = arith.mulf %mul3A_101, %mul3A_909 : vector<16xf32>
          %add3A_911 = arith.addf %mul3A_906, %mul3A_910 : vector<16xf32>
          %slice3A_912 = vector.extract_strided_slice %get3A_714 {offsets = [8], sizes = [1], strides = [1]} : vector<16xf32> to vector<1xf32>
          %squeeze3A_913 = vector.extract %slice3A_912[0] : f32 from vector<1xf32>
          %mul3A_914 = vector.broadcast %squeeze3A_913 : f32 to vector<16xf32>
          %mul3A_915 = arith.mulf %mul3A_104, %mul3A_914 : vector<16xf32>
          %add3A_916 = arith.addf %add3A_911, %mul3A_915 : vector<16xf32>
          %slice3A_917 = vector.extract_strided_slice %get3A_718 {offsets = [8], sizes = [1], strides = [1]} : vector<16xf32> to vector<1xf32>
          %squeeze3A_918 = vector.extract %slice3A_917[0] : f32 from vector<1xf32>
          %add3A_919 = vector.broadcast %squeeze3A_918 : f32 to vector<16xf32>
          %add3A_920 = arith.addf %add3A_916, %add3A_919 : vector<16xf32>
          %max3A_921 = arith.maximumf %min3A_899, %add3A_920 : vector<16xf32>
          %min3A_922 = arith.minimumf %min3A_899, %add3A_920 : vector<16xf32>
          %max3A_923 = arith.maximumf %min3A_901, %max3A_921 : vector<16xf32>
          %min3A_924 = arith.minimumf %min3A_901, %max3A_921 : vector<16xf32>
          %min3A_925 = arith.minimumf %min3A_902, %max3A_923 : vector<16xf32>
          %slice3A_926 = vector.extract_strided_slice %get3A_706 {offsets = [9], sizes = [1], strides = [1]} : vector<16xf32> to vector<1xf32>
          %squeeze3A_927 = vector.extract %slice3A_926[0] : f32 from vector<1xf32>
          %mul3A_928 = vector.broadcast %squeeze3A_927 : f32 to vector<16xf32>
          %mul3A_929 = arith.mulf %mul3A_98, %mul3A_928 : vector<16xf32>
          %slice3A_930 = vector.extract_strided_slice %get3A_710 {offsets = [9], sizes = [1], strides = [1]} : vector<16xf32> to vector<1xf32>
          %squeeze3A_931 = vector.extract %slice3A_930[0] : f32 from vector<1xf32>
          %mul3A_932 = vector.broadcast %squeeze3A_931 : f32 to vector<16xf32>
          %mul3A_933 = arith.mulf %mul3A_101, %mul3A_932 : vector<16xf32>
          %add3A_934 = arith.addf %mul3A_929, %mul3A_933 : vector<16xf32>
          %slice3A_935 = vector.extract_strided_slice %get3A_714 {offsets = [9], sizes = [1], strides = [1]} : vector<16xf32> to vector<1xf32>
          %squeeze3A_936 = vector.extract %slice3A_935[0] : f32 from vector<1xf32>
          %mul3A_937 = vector.broadcast %squeeze3A_936 : f32 to vector<16xf32>
          %mul3A_938 = arith.mulf %mul3A_104, %mul3A_937 : vector<16xf32>
          %add3A_939 = arith.addf %add3A_934, %mul3A_938 : vector<16xf32>
          %slice3A_940 = vector.extract_strided_slice %get3A_718 {offsets = [9], sizes = [1], strides = [1]} : vector<16xf32> to vector<1xf32>
          %squeeze3A_941 = vector.extract %slice3A_940[0] : f32 from vector<1xf32>
          %add3A_942 = vector.broadcast %squeeze3A_941 : f32 to vector<16xf32>
          %add3A_943 = arith.addf %add3A_939, %add3A_942 : vector<16xf32>
          %max3A_944 = arith.maximumf %min3A_922, %add3A_943 : vector<16xf32>
          %min3A_945 = arith.minimumf %min3A_922, %add3A_943 : vector<16xf32>
          %max3A_946 = arith.maximumf %min3A_924, %max3A_944 : vector<16xf32>
          %min3A_947 = arith.minimumf %min3A_924, %max3A_944 : vector<16xf32>
          %min3A_948 = arith.minimumf %min3A_925, %max3A_946 : vector<16xf32>
          %slice3A_949 = vector.extract_strided_slice %get3A_706 {offsets = [10], sizes = [1], strides = [1]} : vector<16xf32> to vector<1xf32>
          %squeeze3A_950 = vector.extract %slice3A_949[0] : f32 from vector<1xf32>
          %mul3A_951 = vector.broadcast %squeeze3A_950 : f32 to vector<16xf32>
          %mul3A_952 = arith.mulf %mul3A_98, %mul3A_951 : vector<16xf32>
          %slice3A_953 = vector.extract_strided_slice %get3A_710 {offsets = [10], sizes = [1], strides = [1]} : vector<16xf32> to vector<1xf32>
          %squeeze3A_954 = vector.extract %slice3A_953[0] : f32 from vector<1xf32>
          %mul3A_955 = vector.broadcast %squeeze3A_954 : f32 to vector<16xf32>
          %mul3A_956 = arith.mulf %mul3A_101, %mul3A_955 : vector<16xf32>
          %add3A_957 = arith.addf %mul3A_952, %mul3A_956 : vector<16xf32>
          %slice3A_958 = vector.extract_strided_slice %get3A_714 {offsets = [10], sizes = [1], strides = [1]} : vector<16xf32> to vector<1xf32>
          %squeeze3A_959 = vector.extract %slice3A_958[0] : f32 from vector<1xf32>
          %mul3A_960 = vector.broadcast %squeeze3A_959 : f32 to vector<16xf32>
          %mul3A_961 = arith.mulf %mul3A_104, %mul3A_960 : vector<16xf32>
          %add3A_962 = arith.addf %add3A_957, %mul3A_961 : vector<16xf32>
          %slice3A_963 = vector.extract_strided_slice %get3A_718 {offsets = [10], sizes = [1], strides = [1]} : vector<16xf32> to vector<1xf32>
          %squeeze3A_964 = vector.extract %slice3A_963[0] : f32 from vector<1xf32>
          %add3A_965 = vector.broadcast %squeeze3A_964 : f32 to vector<16xf32>
          %add3A_966 = arith.addf %add3A_962, %add3A_965 : vector<16xf32>
          %max3A_967 = arith.maximumf %min3A_945, %add3A_966 : vector<16xf32>
          %min3A_968 = arith.minimumf %min3A_945, %add3A_966 : vector<16xf32>
          %max3A_969 = arith.maximumf %min3A_947, %max3A_967 : vector<16xf32>
          %min3A_970 = arith.minimumf %min3A_947, %max3A_967 : vector<16xf32>
          %min3A_971 = arith.minimumf %min3A_948, %max3A_969 : vector<16xf32>
          %slice3A_972 = vector.extract_strided_slice %get3A_706 {offsets = [11], sizes = [1], strides = [1]} : vector<16xf32> to vector<1xf32>
          %squeeze3A_973 = vector.extract %slice3A_972[0] : f32 from vector<1xf32>
          %mul3A_974 = vector.broadcast %squeeze3A_973 : f32 to vector<16xf32>
          %mul3A_975 = arith.mulf %mul3A_98, %mul3A_974 : vector<16xf32>
          %slice3A_976 = vector.extract_strided_slice %get3A_710 {offsets = [11], sizes = [1], strides = [1]} : vector<16xf32> to vector<1xf32>
          %squeeze3A_977 = vector.extract %slice3A_976[0] : f32 from vector<1xf32>
          %mul3A_978 = vector.broadcast %squeeze3A_977 : f32 to vector<16xf32>
          %mul3A_979 = arith.mulf %mul3A_101, %mul3A_978 : vector<16xf32>
          %add3A_980 = arith.addf %mul3A_975, %mul3A_979 : vector<16xf32>
          %slice3A_981 = vector.extract_strided_slice %get3A_714 {offsets = [11], sizes = [1], strides = [1]} : vector<16xf32> to vector<1xf32>
          %squeeze3A_982 = vector.extract %slice3A_981[0] : f32 from vector<1xf32>
          %mul3A_983 = vector.broadcast %squeeze3A_982 : f32 to vector<16xf32>
          %mul3A_984 = arith.mulf %mul3A_104, %mul3A_983 : vector<16xf32>
          %add3A_985 = arith.addf %add3A_980, %mul3A_984 : vector<16xf32>
          %slice3A_986 = vector.extract_strided_slice %get3A_718 {offsets = [11], sizes = [1], strides = [1]} : vector<16xf32> to vector<1xf32>
          %squeeze3A_987 = vector.extract %slice3A_986[0] : f32 from vector<1xf32>
          %add3A_988 = vector.broadcast %squeeze3A_987 : f32 to vector<16xf32>
          %add3A_989 = arith.addf %add3A_985, %add3A_988 : vector<16xf32>
          %max3A_990 = arith.maximumf %min3A_968, %add3A_989 : vector<16xf32>
          %min3A_991 = arith.minimumf %min3A_968, %add3A_989 : vector<16xf32>
          %max3A_992 = arith.maximumf %min3A_970, %max3A_990 : vector<16xf32>
          %min3A_993 = arith.minimumf %min3A_970, %max3A_990 : vector<16xf32>
          %min3A_994 = arith.minimumf %min3A_971, %max3A_992 : vector<16xf32>
          %slice3A_995 = vector.extract_strided_slice %get3A_706 {offsets = [12], sizes = [1], strides = [1]} : vector<16xf32> to vector<1xf32>
          %squeeze3A_996 = vector.extract %slice3A_995[0] : f32 from vector<1xf32>
          %mul3A_997 = vector.broadcast %squeeze3A_996 : f32 to vector<16xf32>
          %mul3A_998 = arith.mulf %mul3A_98, %mul3A_997 : vector<16xf32>
          %slice3A_999 = vector.extract_strided_slice %get3A_710 {offsets = [12], sizes = [1], strides = [1]} : vector<16xf32> to vector<1xf32>
          %squeeze3A_1000 = vector.extract %slice3A_999[0] : f32 from vector<1xf32>
          %mul3A_1001 = vector.broadcast %squeeze3A_1000 : f32 to vector<16xf32>
          %mul3A_1002 = arith.mulf %mul3A_101, %mul3A_1001 : vector<16xf32>
          %add3A_1003 = arith.addf %mul3A_998, %mul3A_1002 : vector<16xf32>
          %slice3A_1004 = vector.extract_strided_slice %get3A_714 {offsets = [12], sizes = [1], strides = [1]} : vector<16xf32> to vector<1xf32>
          %squeeze3A_1005 = vector.extract %slice3A_1004[0] : f32 from vector<1xf32>
          %mul3A_1006 = vector.broadcast %squeeze3A_1005 : f32 to vector<16xf32>
          %mul3A_1007 = arith.mulf %mul3A_104, %mul3A_1006 : vector<16xf32>
          %add3A_1008 = arith.addf %add3A_1003, %mul3A_1007 : vector<16xf32>
          %slice3A_1009 = vector.extract_strided_slice %get3A_718 {offsets = [12], sizes = [1], strides = [1]} : vector<16xf32> to vector<1xf32>
          %squeeze3A_1010 = vector.extract %slice3A_1009[0] : f32 from vector<1xf32>
          %add3A_1011 = vector.broadcast %squeeze3A_1010 : f32 to vector<16xf32>
          %add3A_1012 = arith.addf %add3A_1008, %add3A_1011 : vector<16xf32>
          %max3A_1013 = arith.maximumf %min3A_991, %add3A_1012 : vector<16xf32>
          %min3A_1014 = arith.minimumf %min3A_991, %add3A_1012 : vector<16xf32>
          %max3A_1015 = arith.maximumf %min3A_993, %max3A_1013 : vector<16xf32>
          %min3A_1016 = arith.minimumf %min3A_993, %max3A_1013 : vector<16xf32>
          %min3A_1017 = arith.minimumf %min3A_994, %max3A_1015 : vector<16xf32>
          %slice3A_1018 = vector.extract_strided_slice %get3A_706 {offsets = [13], sizes = [1], strides = [1]} : vector<16xf32> to vector<1xf32>
          %squeeze3A_1019 = vector.extract %slice3A_1018[0] : f32 from vector<1xf32>
          %mul3A_1020 = vector.broadcast %squeeze3A_1019 : f32 to vector<16xf32>
          %mul3A_1021 = arith.mulf %mul3A_98, %mul3A_1020 : vector<16xf32>
          %slice3A_1022 = vector.extract_strided_slice %get3A_710 {offsets = [13], sizes = [1], strides = [1]} : vector<16xf32> to vector<1xf32>
          %squeeze3A_1023 = vector.extract %slice3A_1022[0] : f32 from vector<1xf32>
          %mul3A_1024 = vector.broadcast %squeeze3A_1023 : f32 to vector<16xf32>
          %mul3A_1025 = arith.mulf %mul3A_101, %mul3A_1024 : vector<16xf32>
          %add3A_1026 = arith.addf %mul3A_1021, %mul3A_1025 : vector<16xf32>
          %slice3A_1027 = vector.extract_strided_slice %get3A_714 {offsets = [13], sizes = [1], strides = [1]} : vector<16xf32> to vector<1xf32>
          %squeeze3A_1028 = vector.extract %slice3A_1027[0] : f32 from vector<1xf32>
          %mul3A_1029 = vector.broadcast %squeeze3A_1028 : f32 to vector<16xf32>
          %mul3A_1030 = arith.mulf %mul3A_104, %mul3A_1029 : vector<16xf32>
          %add3A_1031 = arith.addf %add3A_1026, %mul3A_1030 : vector<16xf32>
          %slice3A_1032 = vector.extract_strided_slice %get3A_718 {offsets = [13], sizes = [1], strides = [1]} : vector<16xf32> to vector<1xf32>
          %squeeze3A_1033 = vector.extract %slice3A_1032[0] : f32 from vector<1xf32>
          %add3A_1034 = vector.broadcast %squeeze3A_1033 : f32 to vector<16xf32>
          %add3A_1035 = arith.addf %add3A_1031, %add3A_1034 : vector<16xf32>
          %max3A_1036 = arith.maximumf %min3A_1014, %add3A_1035 : vector<16xf32>
          %min3A_1037 = arith.minimumf %min3A_1014, %add3A_1035 : vector<16xf32>
          %max3A_1038 = arith.maximumf %min3A_1016, %max3A_1036 : vector<16xf32>
          %min3A_1039 = arith.minimumf %min3A_1016, %max3A_1036 : vector<16xf32>
          %min3A_1040 = arith.minimumf %min3A_1017, %max3A_1038 : vector<16xf32>
          %slice3A_1041 = vector.extract_strided_slice %get3A_706 {offsets = [14], sizes = [1], strides = [1]} : vector<16xf32> to vector<1xf32>
          %squeeze3A_1042 = vector.extract %slice3A_1041[0] : f32 from vector<1xf32>
          %mul3A_1043 = vector.broadcast %squeeze3A_1042 : f32 to vector<16xf32>
          %mul3A_1044 = arith.mulf %mul3A_98, %mul3A_1043 : vector<16xf32>
          %slice3A_1045 = vector.extract_strided_slice %get3A_710 {offsets = [14], sizes = [1], strides = [1]} : vector<16xf32> to vector<1xf32>
          %squeeze3A_1046 = vector.extract %slice3A_1045[0] : f32 from vector<1xf32>
          %mul3A_1047 = vector.broadcast %squeeze3A_1046 : f32 to vector<16xf32>
          %mul3A_1048 = arith.mulf %mul3A_101, %mul3A_1047 : vector<16xf32>
          %add3A_1049 = arith.addf %mul3A_1044, %mul3A_1048 : vector<16xf32>
          %slice3A_1050 = vector.extract_strided_slice %get3A_714 {offsets = [14], sizes = [1], strides = [1]} : vector<16xf32> to vector<1xf32>
          %squeeze3A_1051 = vector.extract %slice3A_1050[0] : f32 from vector<1xf32>
          %mul3A_1052 = vector.broadcast %squeeze3A_1051 : f32 to vector<16xf32>
          %mul3A_1053 = arith.mulf %mul3A_104, %mul3A_1052 : vector<16xf32>
          %add3A_1054 = arith.addf %add3A_1049, %mul3A_1053 : vector<16xf32>
          %slice3A_1055 = vector.extract_strided_slice %get3A_718 {offsets = [14], sizes = [1], strides = [1]} : vector<16xf32> to vector<1xf32>
          %squeeze3A_1056 = vector.extract %slice3A_1055[0] : f32 from vector<1xf32>
          %add3A_1057 = vector.broadcast %squeeze3A_1056 : f32 to vector<16xf32>
          %add3A_1058 = arith.addf %add3A_1054, %add3A_1057 : vector<16xf32>
          %max3A_1059 = arith.maximumf %min3A_1037, %add3A_1058 : vector<16xf32>
          %min3A_1060 = arith.minimumf %min3A_1037, %add3A_1058 : vector<16xf32>
          %max3A_1061 = arith.maximumf %min3A_1039, %max3A_1059 : vector<16xf32>
          %min3A_1062 = arith.minimumf %min3A_1039, %max3A_1059 : vector<16xf32>
          %min3A_1063 = arith.minimumf %min3A_1040, %max3A_1061 : vector<16xf32>
          %slice3A_1064 = vector.extract_strided_slice %get3A_706 {offsets = [15], sizes = [1], strides = [1]} : vector<16xf32> to vector<1xf32>
          %squeeze3A_1065 = vector.extract %slice3A_1064[0] : f32 from vector<1xf32>
          %mul3A_1066 = vector.broadcast %squeeze3A_1065 : f32 to vector<16xf32>
          %mul3A_1067 = arith.mulf %mul3A_98, %mul3A_1066 : vector<16xf32>
          %slice3A_1068 = vector.extract_strided_slice %get3A_710 {offsets = [15], sizes = [1], strides = [1]} : vector<16xf32> to vector<1xf32>
          %squeeze3A_1069 = vector.extract %slice3A_1068[0] : f32 from vector<1xf32>
          %mul3A_1070 = vector.broadcast %squeeze3A_1069 : f32 to vector<16xf32>
          %mul3A_1071 = arith.mulf %mul3A_101, %mul3A_1070 : vector<16xf32>
          %add3A_1072 = arith.addf %mul3A_1067, %mul3A_1071 : vector<16xf32>
          %slice3A_1073 = vector.extract_strided_slice %get3A_714 {offsets = [15], sizes = [1], strides = [1]} : vector<16xf32> to vector<1xf32>
          %squeeze3A_1074 = vector.extract %slice3A_1073[0] : f32 from vector<1xf32>
          %mul3A_1075 = vector.broadcast %squeeze3A_1074 : f32 to vector<16xf32>
          %mul3A_1076 = arith.mulf %mul3A_104, %mul3A_1075 : vector<16xf32>
          %add3A_1077 = arith.addf %add3A_1072, %mul3A_1076 : vector<16xf32>
          %slice3A_1078 = vector.extract_strided_slice %get3A_718 {offsets = [15], sizes = [1], strides = [1]} : vector<16xf32> to vector<1xf32>
          %squeeze3A_1079 = vector.extract %slice3A_1078[0] : f32 from vector<1xf32>
          %add3A_1080 = vector.broadcast %squeeze3A_1079 : f32 to vector<16xf32>
          %add3A_1081 = arith.addf %add3A_1077, %add3A_1080 : vector<16xf32>
          %max3A_1082 = arith.maximumf %min3A_1060, %add3A_1081 : vector<16xf32>
          %min3A_1083 = arith.minimumf %min3A_1060, %add3A_1081 : vector<16xf32>
          %max3A_1084 = arith.maximumf %min3A_1062, %max3A_1082 : vector<16xf32>
          %min3A_1085 = arith.minimumf %min3A_1062, %max3A_1082 : vector<16xf32>
          %min3A_1086 = arith.minimumf %min3A_1063, %max3A_1084 : vector<16xf32>
          scf.yield %min3A_1083, %min3A_1085, %min3A_1086 : vector<16xf32>, vector<16xf32>, vector<16xf32>
        }
        %while3A_689 = arith.subi %min3A_678, %while3A_654 : i32
        %while3A_690 = arith.addi %while3A_654, %while3A_689 : i32
        %while3A_691 = arith.constant 1 : i32
        %while3A_692 = arith.divsi %while3A_689, %while3A_691 : i32
        %while3A_693 = arith.muli %while3A_692, %while3A_691 : i32
        %while3A_694 = arith.addi %while3A_654, %while3A_693 : i32
        %while3A_695 = arith.constant 1 : i32
        %while3A_696:3 = scf.for %while3A_699 = %while3A_654 to %while3A_694 step %while3A_695 iter_args(%while3A_700 = %while3A_688#0, %while3A_701 = %while3A_688#1, %while3A_702 = %while3A_688#2) -> (vector<16xf32>, vector<16xf32>, vector<16xf32>)  : i32 {
          %mul3A_703 = arith.constant 16 : i32
          %mul3A_704 = arith.muli %while3A_699, %mul3A_703 : i32
          %get3A_705 = arith.index_cast %mul3A_704 : i32 to index
          %get3A_706 = tpu.vector_load %arg5[%get3A_705] {strides = array<i32>} : memref<4096xf32, #tpu.memory_space<vmem>>, vector<16xf32>,
          %mul3A_707 = arith.constant 16 : i32
          %mul3A_708 = arith.muli %while3A_699, %mul3A_707 : i32
          %get3A_709 = arith.index_cast %mul3A_708 : i32 to index
          %get3A_710 = tpu.vector_load %arg6[%get3A_709] {strides = array<i32>} : memref<4096xf32, #tpu.memory_space<vmem>>, vector<16xf32>,
          %mul3A_711 = arith.constant 16 : i32
          %mul3A_712 = arith.muli %while3A_699, %mul3A_711 : i32
          %get3A_713 = arith.index_cast %mul3A_712 : i32 to index
          %get3A_714 = tpu.vector_load %arg7[%get3A_713] {strides = array<i32>} : memref<4096xf32, #tpu.memory_space<vmem>>, vector<16xf32>,
          %mul3A_715 = arith.constant 16 : i32
          %mul3A_716 = arith.muli %while3A_699, %mul3A_715 : i32
          %get3A_717 = arith.index_cast %mul3A_716 : i32 to index
          %get3A_718 = tpu.vector_load %arg8[%get3A_717] {strides = array<i32>} : memref<4096xf32, #tpu.memory_space<vmem>>, vector<16xf32>,
          %slice3A_719 = vector.extract_strided_slice %get3A_706 {offsets = [0], sizes = [1], strides = [1]} : vector<16xf32> to vector<1xf32>
          %squeeze3A_720 = vector.extract %slice3A_719[0] : f32 from vector<1xf32>
          %mul3A_721 = vector.broadcast %squeeze3A_720 : f32 to vector<16xf32>
          %mul3A_722 = arith.mulf %mul3A_98, %mul3A_721 : vector<16xf32>
          %slice3A_723 = vector.extract_strided_slice %get3A_710 {offsets = [0], sizes = [1], strides = [1]} : vector<16xf32> to vector<1xf32>
          %squeeze3A_724 = vector.extract %slice3A_723[0] : f32 from vector<1xf32>
          %mul3A_725 = vector.broadcast %squeeze3A_724 : f32 to vector<16xf32>
          %mul3A_726 = arith.mulf %mul3A_101, %mul3A_725 : vector<16xf32>
          %add3A_727 = arith.addf %mul3A_722, %mul3A_726 : vector<16xf32>
          %slice3A_728 = vector.extract_strided_slice %get3A_714 {offsets = [0], sizes = [1], strides = [1]} : vector<16xf32> to vector<1xf32>
          %squeeze3A_729 = vector.extract %slice3A_728[0] : f32 from vector<1xf32>
          %mul3A_730 = vector.broadcast %squeeze3A_729 : f32 to vector<16xf32>
          %mul3A_731 = arith.mulf %mul3A_104, %mul3A_730 : vector<16xf32>
          %add3A_732 = arith.addf %add3A_727, %mul3A_731 : vector<16xf32>
          %slice3A_733 = vector.extract_strided_slice %get3A_718 {offsets = [0], sizes = [1], strides = [1]} : vector<16xf32> to vector<1xf32>
          %squeeze3A_734 = vector.extract %slice3A_733[0] : f32 from vector<1xf32>
          %add3A_735 = vector.broadcast %squeeze3A_734 : f32 to vector<16xf32>
          %add3A_736 = arith.addf %add3A_732, %add3A_735 : vector<16xf32>
          %max3A_737 = arith.maximumf %while3A_700, %add3A_736 : vector<16xf32>
          %min3A_738 = arith.minimumf %while3A_700, %add3A_736 : vector<16xf32>
          %max3A_739 = arith.maximumf %while3A_701, %max3A_737 : vector<16xf32>
          %min3A_740 = arith.minimumf %while3A_701, %max3A_737 : vector<16xf32>
          %min3A_741 = arith.minimumf %while3A_702, %max3A_739 : vector<16xf32>
          %slice3A_742 = vector.extract_strided_slice %get3A_706 {offsets = [1], sizes = [1], strides = [1]} : vector<16xf32> to vector<1xf32>
          %squeeze3A_743 = vector.extract %slice3A_742[0] : f32 from vector<1xf32>
          %mul3A_744 = vector.broadcast %squeeze3A_743 : f32 to vector<16xf32>
          %mul3A_745 = arith.mulf %mul3A_98, %mul3A_744 : vector<16xf32>
          %slice3A_746 = vector.extract_strided_slice %get3A_710 {offsets = [1], sizes = [1], strides = [1]} : vector<16xf32> to vector<1xf32>
          %squeeze3A_747 = vector.extract %slice3A_746[0] : f32 from vector<1xf32>
          %mul3A_748 = vector.broadcast %squeeze3A_747 : f32 to vector<16xf32>
          %mul3A_749 = arith.mulf %mul3A_101, %mul3A_748 : vector<16xf32>
          %add3A_750 = arith.addf %mul3A_745, %mul3A_749 : vector<16xf32>
          %slice3A_751 = vector.extract_strided_slice %get3A_714 {offsets = [1], sizes = [1], strides = [1]} : vector<16xf32> to vector<1xf32>
          %squeeze3A_752 = vector.extract %slice3A_751[0] : f32 from vector<1xf32>
          %mul3A_753 = vector.broadcast %squeeze3A_752 : f32 to vector<16xf32>
          %mul3A_754 = arith.mulf %mul3A_104, %mul3A_753 : vector<16xf32>
          %add3A_755 = arith.addf %add3A_750, %mul3A_754 : vector<16xf32>
          %slice3A_756 = vector.extract_strided_slice %get3A_718 {offsets = [1], sizes = [1], strides = [1]} : vector<16xf32> to vector<1xf32>
          %squeeze3A_757 = vector.extract %slice3A_756[0] : f32 from vector<1xf32>
          %add3A_758 = vector.broadcast %squeeze3A_757 : f32 to vector<16xf32>
          %add3A_759 = arith.addf %add3A_755, %add3A_758 : vector<16xf32>
          %max3A_760 = arith.maximumf %min3A_738, %add3A_759 : vector<16xf32>
          %min3A_761 = arith.minimumf %min3A_738, %add3A_759 : vector<16xf32>
          %max3A_762 = arith.maximumf %min3A_740, %max3A_760 : vector<16xf32>
          %min3A_763 = arith.minimumf %min3A_740, %max3A_760 : vector<16xf32>
          %min3A_764 = arith.minimumf %min3A_741, %max3A_762 : vector<16xf32>
          %slice3A_765 = vector.extract_strided_slice %get3A_706 {offsets = [2], sizes = [1], strides = [1]} : vector<16xf32> to vector<1xf32>
          %squeeze3A_766 = vector.extract %slice3A_765[0] : f32 from vector<1xf32>
          %mul3A_767 = vector.broadcast %squeeze3A_766 : f32 to vector<16xf32>
          %mul3A_768 = arith.mulf %mul3A_98, %mul3A_767 : vector<16xf32>
          %slice3A_769 = vector.extract_strided_slice %get3A_710 {offsets = [2], sizes = [1], strides = [1]} : vector<16xf32> to vector<1xf32>
          %squeeze3A_770 = vector.extract %slice3A_769[0] : f32 from vector<1xf32>
          %mul3A_771 = vector.broadcast %squeeze3A_770 : f32 to vector<16xf32>
          %mul3A_772 = arith.mulf %mul3A_101, %mul3A_771 : vector<16xf32>
          %add3A_773 = arith.addf %mul3A_768, %mul3A_772 : vector<16xf32>
          %slice3A_774 = vector.extract_strided_slice %get3A_714 {offsets = [2], sizes = [1], strides = [1]} : vector<16xf32> to vector<1xf32>
          %squeeze3A_775 = vector.extract %slice3A_774[0] : f32 from vector<1xf32>
          %mul3A_776 = vector.broadcast %squeeze3A_775 : f32 to vector<16xf32>
          %mul3A_777 = arith.mulf %mul3A_104, %mul3A_776 : vector<16xf32>
          %add3A_778 = arith.addf %add3A_773, %mul3A_777 : vector<16xf32>
          %slice3A_779 = vector.extract_strided_slice %get3A_718 {offsets = [2], sizes = [1], strides = [1]} : vector<16xf32> to vector<1xf32>
          %squeeze3A_780 = vector.extract %slice3A_779[0] : f32 from vector<1xf32>
          %add3A_781 = vector.broadcast %squeeze3A_780 : f32 to vector<16xf32>
          %add3A_782 = arith.addf %add3A_778, %add3A_781 : vector<16xf32>
          %max3A_783 = arith.maximumf %min3A_761, %add3A_782 : vector<16xf32>
          %min3A_784 = arith.minimumf %min3A_761, %add3A_782 : vector<16xf32>
          %max3A_785 = arith.maximumf %min3A_763, %max3A_783 : vector<16xf32>
          %min3A_786 = arith.minimumf %min3A_763, %max3A_783 : vector<16xf32>
          %min3A_787 = arith.minimumf %min3A_764, %max3A_785 : vector<16xf32>
          %slice3A_788 = vector.extract_strided_slice %get3A_706 {offsets = [3], sizes = [1], strides = [1]} : vector<16xf32> to vector<1xf32>
          %squeeze3A_789 = vector.extract %slice3A_788[0] : f32 from vector<1xf32>
          %mul3A_790 = vector.broadcast %squeeze3A_789 : f32 to vector<16xf32>
          %mul3A_791 = arith.mulf %mul3A_98, %mul3A_790 : vector<16xf32>
          %slice3A_792 = vector.extract_strided_slice %get3A_710 {offsets = [3], sizes = [1], strides = [1]} : vector<16xf32> to vector<1xf32>
          %squeeze3A_793 = vector.extract %slice3A_792[0] : f32 from vector<1xf32>
          %mul3A_794 = vector.broadcast %squeeze3A_793 : f32 to vector<16xf32>
          %mul3A_795 = arith.mulf %mul3A_101, %mul3A_794 : vector<16xf32>
          %add3A_796 = arith.addf %mul3A_791, %mul3A_795 : vector<16xf32>
          %slice3A_797 = vector.extract_strided_slice %get3A_714 {offsets = [3], sizes = [1], strides = [1]} : vector<16xf32> to vector<1xf32>
          %squeeze3A_798 = vector.extract %slice3A_797[0] : f32 from vector<1xf32>
          %mul3A_799 = vector.broadcast %squeeze3A_798 : f32 to vector<16xf32>
          %mul3A_800 = arith.mulf %mul3A_104, %mul3A_799 : vector<16xf32>
          %add3A_801 = arith.addf %add3A_796, %mul3A_800 : vector<16xf32>
          %slice3A_802 = vector.extract_strided_slice %get3A_718 {offsets = [3], sizes = [1], strides = [1]} : vector<16xf32> to vector<1xf32>
          %squeeze3A_803 = vector.extract %slice3A_802[0] : f32 from vector<1xf32>
          %add3A_804 = vector.broadcast %squeeze3A_803 : f32 to vector<16xf32>
          %add3A_805 = arith.addf %add3A_801, %add3A_804 : vector<16xf32>
          %max3A_806 = arith.maximumf %min3A_784, %add3A_805 : vector<16xf32>
          %min3A_807 = arith.minimumf %min3A_784, %add3A_805 : vector<16xf32>
          %max3A_808 = arith.maximumf %min3A_786, %max3A_806 : vector<16xf32>
          %min3A_809 = arith.minimumf %min3A_786, %max3A_806 : vector<16xf32>
          %min3A_810 = arith.minimumf %min3A_787, %max3A_808 : vector<16xf32>
          %slice3A_811 = vector.extract_strided_slice %get3A_706 {offsets = [4], sizes = [1], strides = [1]} : vector<16xf32> to vector<1xf32>
          %squeeze3A_812 = vector.extract %slice3A_811[0] : f32 from vector<1xf32>
          %mul3A_813 = vector.broadcast %squeeze3A_812 : f32 to vector<16xf32>
          %mul3A_814 = arith.mulf %mul3A_98, %mul3A_813 : vector<16xf32>
          %slice3A_815 = vector.extract_strided_slice %get3A_710 {offsets = [4], sizes = [1], strides = [1]} : vector<16xf32> to vector<1xf32>
          %squeeze3A_816 = vector.extract %slice3A_815[0] : f32 from vector<1xf32>
          %mul3A_817 = vector.broadcast %squeeze3A_816 : f32 to vector<16xf32>
          %mul3A_818 = arith.mulf %mul3A_101, %mul3A_817 : vector<16xf32>
          %add3A_819 = arith.addf %mul3A_814, %mul3A_818 : vector<16xf32>
          %slice3A_820 = vector.extract_strided_slice %get3A_714 {offsets = [4], sizes = [1], strides = [1]} : vector<16xf32> to vector<1xf32>
          %squeeze3A_821 = vector.extract %slice3A_820[0] : f32 from vector<1xf32>
          %mul3A_822 = vector.broadcast %squeeze3A_821 : f32 to vector<16xf32>
          %mul3A_823 = arith.mulf %mul3A_104, %mul3A_822 : vector<16xf32>
          %add3A_824 = arith.addf %add3A_819, %mul3A_823 : vector<16xf32>
          %slice3A_825 = vector.extract_strided_slice %get3A_718 {offsets = [4], sizes = [1], strides = [1]} : vector<16xf32> to vector<1xf32>
          %squeeze3A_826 = vector.extract %slice3A_825[0] : f32 from vector<1xf32>
          %add3A_827 = vector.broadcast %squeeze3A_826 : f32 to vector<16xf32>
          %add3A_828 = arith.addf %add3A_824, %add3A_827 : vector<16xf32>
          %max3A_829 = arith.maximumf %min3A_807, %add3A_828 : vector<16xf32>
          %min3A_830 = arith.minimumf %min3A_807, %add3A_828 : vector<16xf32>
          %max3A_831 = arith.maximumf %min3A_809, %max3A_829 : vector<16xf32>
          %min3A_832 = arith.minimumf %min3A_809, %max3A_829 : vector<16xf32>
          %min3A_833 = arith.minimumf %min3A_810, %max3A_831 : vector<16xf32>
          %slice3A_834 = vector.extract_strided_slice %get3A_706 {offsets = [5], sizes = [1], strides = [1]} : vector<16xf32> to vector<1xf32>
          %squeeze3A_835 = vector.extract %slice3A_834[0] : f32 from vector<1xf32>
          %mul3A_836 = vector.broadcast %squeeze3A_835 : f32 to vector<16xf32>
          %mul3A_837 = arith.mulf %mul3A_98, %mul3A_836 : vector<16xf32>
          %slice3A_838 = vector.extract_strided_slice %get3A_710 {offsets = [5], sizes = [1], strides = [1]} : vector<16xf32> to vector<1xf32>
          %squeeze3A_839 = vector.extract %slice3A_838[0] : f32 from vector<1xf32>
          %mul3A_840 = vector.broadcast %squeeze3A_839 : f32 to vector<16xf32>
          %mul3A_841 = arith.mulf %mul3A_101, %mul3A_840 : vector<16xf32>
          %add3A_842 = arith.addf %mul3A_837, %mul3A_841 : vector<16xf32>
          %slice3A_843 = vector.extract_strided_slice %get3A_714 {offsets = [5], sizes = [1], strides = [1]} : vector<16xf32> to vector<1xf32>
          %squeeze3A_844 = vector.extract %slice3A_843[0] : f32 from vector<1xf32>
          %mul3A_845 = vector.broadcast %squeeze3A_844 : f32 to vector<16xf32>
          %mul3A_846 = arith.mulf %mul3A_104, %mul3A_845 : vector<16xf32>
          %add3A_847 = arith.addf %add3A_842, %mul3A_846 : vector<16xf32>
          %slice3A_848 = vector.extract_strided_slice %get3A_718 {offsets = [5], sizes = [1], strides = [1]} : vector<16xf32> to vector<1xf32>
          %squeeze3A_849 = vector.extract %slice3A_848[0] : f32 from vector<1xf32>
          %add3A_850 = vector.broadcast %squeeze3A_849 : f32 to vector<16xf32>
          %add3A_851 = arith.addf %add3A_847, %add3A_850 : vector<16xf32>
          %max3A_852 = arith.maximumf %min3A_830, %add3A_851 : vector<16xf32>
          %min3A_853 = arith.minimumf %min3A_830, %add3A_851 : vector<16xf32>
          %max3A_854 = arith.maximumf %min3A_832, %max3A_852 : vector<16xf32>
          %min3A_855 = arith.minimumf %min3A_832, %max3A_852 : vector<16xf32>
          %min3A_856 = arith.minimumf %min3A_833, %max3A_854 : vector<16xf32>
          %slice3A_857 = vector.extract_strided_slice %get3A_706 {offsets = [6], sizes = [1], strides = [1]} : vector<16xf32> to vector<1xf32>
          %squeeze3A_858 = vector.extract %slice3A_857[0] : f32 from vector<1xf32>
          %mul3A_859 = vector.broadcast %squeeze3A_858 : f32 to vector<16xf32>
          %mul3A_860 = arith.mulf %mul3A_98, %mul3A_859 : vector<16xf32>
          %slice3A_861 = vector.extract_strided_slice %get3A_710 {offsets = [6], sizes = [1], strides = [1]} : vector<16xf32> to vector<1xf32>
          %squeeze3A_862 = vector.extract %slice3A_861[0] : f32 from vector<1xf32>
          %mul3A_863 = vector.broadcast %squeeze3A_862 : f32 to vector<16xf32>
          %mul3A_864 = arith.mulf %mul3A_101, %mul3A_863 : vector<16xf32>
          %add3A_865 = arith.addf %mul3A_860, %mul3A_864 : vector<16xf32>
          %slice3A_866 = vector.extract_strided_slice %get3A_714 {offsets = [6], sizes = [1], strides = [1]} : vector<16xf32> to vector<1xf32>
          %squeeze3A_867 = vector.extract %slice3A_866[0] : f32 from vector<1xf32>
          %mul3A_868 = vector.broadcast %squeeze3A_867 : f32 to vector<16xf32>
          %mul3A_869 = arith.mulf %mul3A_104, %mul3A_868 : vector<16xf32>
          %add3A_870 = arith.addf %add3A_865, %mul3A_869 : vector<16xf32>
          %slice3A_871 = vector.extract_strided_slice %get3A_718 {offsets = [6], sizes = [1], strides = [1]} : vector<16xf32> to vector<1xf32>
          %squeeze3A_872 = vector.extract %slice3A_871[0] : f32 from vector<1xf32>
          %add3A_873 = vector.broadcast %squeeze3A_872 : f32 to vector<16xf32>
          %add3A_874 = arith.addf %add3A_870, %add3A_873 : vector<16xf32>
          %max3A_875 = arith.maximumf %min3A_853, %add3A_874 : vector<16xf32>
          %min3A_876 = arith.minimumf %min3A_853, %add3A_874 : vector<16xf32>
          %max3A_877 = arith.maximumf %min3A_855, %max3A_875 : vector<16xf32>
          %min3A_878 = arith.minimumf %min3A_855, %max3A_875 : vector<16xf32>
          %min3A_879 = arith.minimumf %min3A_856, %max3A_877 : vector<16xf32>
          %slice3A_880 = vector.extract_strided_slice %get3A_706 {offsets = [7], sizes = [1], strides = [1]} : vector<16xf32> to vector<1xf32>
          %squeeze3A_881 = vector.extract %slice3A_880[0] : f32 from vector<1xf32>
          %mul3A_882 = vector.broadcast %squeeze3A_881 : f32 to vector<16xf32>
          %mul3A_883 = arith.mulf %mul3A_98, %mul3A_882 : vector<16xf32>
          %slice3A_884 = vector.extract_strided_slice %get3A_710 {offsets = [7], sizes = [1], strides = [1]} : vector<16xf32> to vector<1xf32>
          %squeeze3A_885 = vector.extract %slice3A_884[0] : f32 from vector<1xf32>
          %mul3A_886 = vector.broadcast %squeeze3A_885 : f32 to vector<16xf32>
          %mul3A_887 = arith.mulf %mul3A_101, %mul3A_886 : vector<16xf32>
          %add3A_888 = arith.addf %mul3A_883, %mul3A_887 : vector<16xf32>
          %slice3A_889 = vector.extract_strided_slice %get3A_714 {offsets = [7], sizes = [1], strides = [1]} : vector<16xf32> to vector<1xf32>
          %squeeze3A_890 = vector.extract %slice3A_889[0] : f32 from vector<1xf32>
          %mul3A_891 = vector.broadcast %squeeze3A_890 : f32 to vector<16xf32>
          %mul3A_892 = arith.mulf %mul3A_104, %mul3A_891 : vector<16xf32>
          %add3A_893 = arith.addf %add3A_888, %mul3A_892 : vector<16xf32>
          %slice3A_894 = vector.extract_strided_slice %get3A_718 {offsets = [7], sizes = [1], strides = [1]} : vector<16xf32> to vector<1xf32>
          %squeeze3A_895 = vector.extract %slice3A_894[0] : f32 from vector<1xf32>
          %add3A_896 = vector.broadcast %squeeze3A_895 : f32 to vector<16xf32>
          %add3A_897 = arith.addf %add3A_893, %add3A_896 : vector<16xf32>
          %max3A_898 = arith.maximumf %min3A_876, %add3A_897 : vector<16xf32>
          %min3A_899 = arith.minimumf %min3A_876, %add3A_897 : vector<16xf32>
          %max3A_900 = arith.maximumf %min3A_878, %max3A_898 : vector<16xf32>
          %min3A_901 = arith.minimumf %min3A_878, %max3A_898 : vector<16xf32>
          %min3A_902 = arith.minimumf %min3A_879, %max3A_900 : vector<16xf32>
          %slice3A_903 = vector.extract_strided_slice %get3A_706 {offsets = [8], sizes = [1], strides = [1]} : vector<16xf32> to vector<1xf32>
          %squeeze3A_904 = vector.extract %slice3A_903[0] : f32 from vector<1xf32>
          %mul3A_905 = vector.broadcast %squeeze3A_904 : f32 to vector<16xf32>
          %mul3A_906 = arith.mulf %mul3A_98, %mul3A_905 : vector<16xf32>
          %slice3A_907 = vector.extract_strided_slice %get3A_710 {offsets = [8], sizes = [1], strides = [1]} : vector<16xf32> to vector<1xf32>
          %squeeze3A_908 = vector.extract %slice3A_907[0] : f32 from vector<1xf32>
          %mul3A_909 = vector.broadcast %squeeze3A_908 : f32 to vector<16xf32>
          %mul3A_910 = arith.mulf %mul3A_101, %mul3A_909 : vector<16xf32>
          %add3A_911 = arith.addf %mul3A_906, %mul3A_910 : vector<16xf32>
          %slice3A_912 = vector.extract_strided_slice %get3A_714 {offsets = [8], sizes = [1], strides = [1]} : vector<16xf32> to vector<1xf32>
          %squeeze3A_913 = vector.extract %slice3A_912[0] : f32 from vector<1xf32>
          %mul3A_914 = vector.broadcast %squeeze3A_913 : f32 to vector<16xf32>
          %mul3A_915 = arith.mulf %mul3A_104, %mul3A_914 : vector<16xf32>
          %add3A_916 = arith.addf %add3A_911, %mul3A_915 : vector<16xf32>
          %slice3A_917 = vector.extract_strided_slice %get3A_718 {offsets = [8], sizes = [1], strides = [1]} : vector<16xf32> to vector<1xf32>
          %squeeze3A_918 = vector.extract %slice3A_917[0] : f32 from vector<1xf32>
          %add3A_919 = vector.broadcast %squeeze3A_918 : f32 to vector<16xf32>
          %add3A_920 = arith.addf %add3A_916, %add3A_919 : vector<16xf32>
          %max3A_921 = arith.maximumf %min3A_899, %add3A_920 : vector<16xf32>
          %min3A_922 = arith.minimumf %min3A_899, %add3A_920 : vector<16xf32>
          %max3A_923 = arith.maximumf %min3A_901, %max3A_921 : vector<16xf32>
          %min3A_924 = arith.minimumf %min3A_901, %max3A_921 : vector<16xf32>
          %min3A_925 = arith.minimumf %min3A_902, %max3A_923 : vector<16xf32>
          %slice3A_926 = vector.extract_strided_slice %get3A_706 {offsets = [9], sizes = [1], strides = [1]} : vector<16xf32> to vector<1xf32>
          %squeeze3A_927 = vector.extract %slice3A_926[0] : f32 from vector<1xf32>
          %mul3A_928 = vector.broadcast %squeeze3A_927 : f32 to vector<16xf32>
          %mul3A_929 = arith.mulf %mul3A_98, %mul3A_928 : vector<16xf32>
          %slice3A_930 = vector.extract_strided_slice %get3A_710 {offsets = [9], sizes = [1], strides = [1]} : vector<16xf32> to vector<1xf32>
          %squeeze3A_931 = vector.extract %slice3A_930[0] : f32 from vector<1xf32>
          %mul3A_932 = vector.broadcast %squeeze3A_931 : f32 to vector<16xf32>
          %mul3A_933 = arith.mulf %mul3A_101, %mul3A_932 : vector<16xf32>
          %add3A_934 = arith.addf %mul3A_929, %mul3A_933 : vector<16xf32>
          %slice3A_935 = vector.extract_strided_slice %get3A_714 {offsets = [9], sizes = [1], strides = [1]} : vector<16xf32> to vector<1xf32>
          %squeeze3A_936 = vector.extract %slice3A_935[0] : f32 from vector<1xf32>
          %mul3A_937 = vector.broadcast %squeeze3A_936 : f32 to vector<16xf32>
          %mul3A_938 = arith.mulf %mul3A_104, %mul3A_937 : vector<16xf32>
          %add3A_939 = arith.addf %add3A_934, %mul3A_938 : vector<16xf32>
          %slice3A_940 = vector.extract_strided_slice %get3A_718 {offsets = [9], sizes = [1], strides = [1]} : vector<16xf32> to vector<1xf32>
          %squeeze3A_941 = vector.extract %slice3A_940[0] : f32 from vector<1xf32>
          %add3A_942 = vector.broadcast %squeeze3A_941 : f32 to vector<16xf32>
          %add3A_943 = arith.addf %add3A_939, %add3A_942 : vector<16xf32>
          %max3A_944 = arith.maximumf %min3A_922, %add3A_943 : vector<16xf32>
          %min3A_945 = arith.minimumf %min3A_922, %add3A_943 : vector<16xf32>
          %max3A_946 = arith.maximumf %min3A_924, %max3A_944 : vector<16xf32>
          %min3A_947 = arith.minimumf %min3A_924, %max3A_944 : vector<16xf32>
          %min3A_948 = arith.minimumf %min3A_925, %max3A_946 : vector<16xf32>
          %slice3A_949 = vector.extract_strided_slice %get3A_706 {offsets = [10], sizes = [1], strides = [1]} : vector<16xf32> to vector<1xf32>
          %squeeze3A_950 = vector.extract %slice3A_949[0] : f32 from vector<1xf32>
          %mul3A_951 = vector.broadcast %squeeze3A_950 : f32 to vector<16xf32>
          %mul3A_952 = arith.mulf %mul3A_98, %mul3A_951 : vector<16xf32>
          %slice3A_953 = vector.extract_strided_slice %get3A_710 {offsets = [10], sizes = [1], strides = [1]} : vector<16xf32> to vector<1xf32>
          %squeeze3A_954 = vector.extract %slice3A_953[0] : f32 from vector<1xf32>
          %mul3A_955 = vector.broadcast %squeeze3A_954 : f32 to vector<16xf32>
          %mul3A_956 = arith.mulf %mul3A_101, %mul3A_955 : vector<16xf32>
          %add3A_957 = arith.addf %mul3A_952, %mul3A_956 : vector<16xf32>
          %slice3A_958 = vector.extract_strided_slice %get3A_714 {offsets = [10], sizes = [1], strides = [1]} : vector<16xf32> to vector<1xf32>
          %squeeze3A_959 = vector.extract %slice3A_958[0] : f32 from vector<1xf32>
          %mul3A_960 = vector.broadcast %squeeze3A_959 : f32 to vector<16xf32>
          %mul3A_961 = arith.mulf %mul3A_104, %mul3A_960 : vector<16xf32>
          %add3A_962 = arith.addf %add3A_957, %mul3A_961 : vector<16xf32>
          %slice3A_963 = vector.extract_strided_slice %get3A_718 {offsets = [10], sizes = [1], strides = [1]} : vector<16xf32> to vector<1xf32>
          %squeeze3A_964 = vector.extract %slice3A_963[0] : f32 from vector<1xf32>
          %add3A_965 = vector.broadcast %squeeze3A_964 : f32 to vector<16xf32>
          %add3A_966 = arith.addf %add3A_962, %add3A_965 : vector<16xf32>
          %max3A_967 = arith.maximumf %min3A_945, %add3A_966 : vector<16xf32>
          %min3A_968 = arith.minimumf %min3A_945, %add3A_966 : vector<16xf32>
          %max3A_969 = arith.maximumf %min3A_947, %max3A_967 : vector<16xf32>
          %min3A_970 = arith.minimumf %min3A_947, %max3A_967 : vector<16xf32>
          %min3A_971 = arith.minimumf %min3A_948, %max3A_969 : vector<16xf32>
          %slice3A_972 = vector.extract_strided_slice %get3A_706 {offsets = [11], sizes = [1], strides = [1]} : vector<16xf32> to vector<1xf32>
          %squeeze3A_973 = vector.extract %slice3A_972[0] : f32 from vector<1xf32>
          %mul3A_974 = vector.broadcast %squeeze3A_973 : f32 to vector<16xf32>
          %mul3A_975 = arith.mulf %mul3A_98, %mul3A_974 : vector<16xf32>
          %slice3A_976 = vector.extract_strided_slice %get3A_710 {offsets = [11], sizes = [1], strides = [1]} : vector<16xf32> to vector<1xf32>
          %squeeze3A_977 = vector.extract %slice3A_976[0] : f32 from vector<1xf32>
          %mul3A_978 = vector.broadcast %squeeze3A_977 : f32 to vector<16xf32>
          %mul3A_979 = arith.mulf %mul3A_101, %mul3A_978 : vector<16xf32>
          %add3A_980 = arith.addf %mul3A_975, %mul3A_979 : vector<16xf32>
          %slice3A_981 = vector.extract_strided_slice %get3A_714 {offsets = [11], sizes = [1], strides = [1]} : vector<16xf32> to vector<1xf32>
          %squeeze3A_982 = vector.extract %slice3A_981[0] : f32 from vector<1xf32>
          %mul3A_983 = vector.broadcast %squeeze3A_982 : f32 to vector<16xf32>
          %mul3A_984 = arith.mulf %mul3A_104, %mul3A_983 : vector<16xf32>
          %add3A_985 = arith.addf %add3A_980, %mul3A_984 : vector<16xf32>
          %slice3A_986 = vector.extract_strided_slice %get3A_718 {offsets = [11], sizes = [1], strides = [1]} : vector<16xf32> to vector<1xf32>
          %squeeze3A_987 = vector.extract %slice3A_986[0] : f32 from vector<1xf32>
          %add3A_988 = vector.broadcast %squeeze3A_987 : f32 to vector<16xf32>
          %add3A_989 = arith.addf %add3A_985, %add3A_988 : vector<16xf32>
          %max3A_990 = arith.maximumf %min3A_968, %add3A_989 : vector<16xf32>
          %min3A_991 = arith.minimumf %min3A_968, %add3A_989 : vector<16xf32>
          %max3A_992 = arith.maximumf %min3A_970, %max3A_990 : vector<16xf32>
          %min3A_993 = arith.minimumf %min3A_970, %max3A_990 : vector<16xf32>
          %min3A_994 = arith.minimumf %min3A_971, %max3A_992 : vector<16xf32>
          %slice3A_995 = vector.extract_strided_slice %get3A_706 {offsets = [12], sizes = [1], strides = [1]} : vector<16xf32> to vector<1xf32>
          %squeeze3A_996 = vector.extract %slice3A_995[0] : f32 from vector<1xf32>
          %mul3A_997 = vector.broadcast %squeeze3A_996 : f32 to vector<16xf32>
          %mul3A_998 = arith.mulf %mul3A_98, %mul3A_997 : vector<16xf32>
          %slice3A_999 = vector.extract_strided_slice %get3A_710 {offsets = [12], sizes = [1], strides = [1]} : vector<16xf32> to vector<1xf32>
          %squeeze3A_1000 = vector.extract %slice3A_999[0] : f32 from vector<1xf32>
          %mul3A_1001 = vector.broadcast %squeeze3A_1000 : f32 to vector<16xf32>
          %mul3A_1002 = arith.mulf %mul3A_101, %mul3A_1001 : vector<16xf32>
          %add3A_1003 = arith.addf %mul3A_998, %mul3A_1002 : vector<16xf32>
          %slice3A_1004 = vector.extract_strided_slice %get3A_714 {offsets = [12], sizes = [1], strides = [1]} : vector<16xf32> to vector<1xf32>
          %squeeze3A_1005 = vector.extract %slice3A_1004[0] : f32 from vector<1xf32>
          %mul3A_1006 = vector.broadcast %squeeze3A_1005 : f32 to vector<16xf32>
          %mul3A_1007 = arith.mulf %mul3A_104, %mul3A_1006 : vector<16xf32>
          %add3A_1008 = arith.addf %add3A_1003, %mul3A_1007 : vector<16xf32>
          %slice3A_1009 = vector.extract_strided_slice %get3A_718 {offsets = [12], sizes = [1], strides = [1]} : vector<16xf32> to vector<1xf32>
          %squeeze3A_1010 = vector.extract %slice3A_1009[0] : f32 from vector<1xf32>
          %add3A_1011 = vector.broadcast %squeeze3A_1010 : f32 to vector<16xf32>
          %add3A_1012 = arith.addf %add3A_1008, %add3A_1011 : vector<16xf32>
          %max3A_1013 = arith.maximumf %min3A_991, %add3A_1012 : vector<16xf32>
          %min3A_1014 = arith.minimumf %min3A_991, %add3A_1012 : vector<16xf32>
          %max3A_1015 = arith.maximumf %min3A_993, %max3A_1013 : vector<16xf32>
          %min3A_1016 = arith.minimumf %min3A_993, %max3A_1013 : vector<16xf32>
          %min3A_1017 = arith.minimumf %min3A_994, %max3A_1015 : vector<16xf32>
          %slice3A_1018 = vector.extract_strided_slice %get3A_706 {offsets = [13], sizes = [1], strides = [1]} : vector<16xf32> to vector<1xf32>
          %squeeze3A_1019 = vector.extract %slice3A_1018[0] : f32 from vector<1xf32>
          %mul3A_1020 = vector.broadcast %squeeze3A_1019 : f32 to vector<16xf32>
          %mul3A_1021 = arith.mulf %mul3A_98, %mul3A_1020 : vector<16xf32>
          %slice3A_1022 = vector.extract_strided_slice %get3A_710 {offsets = [13], sizes = [1], strides = [1]} : vector<16xf32> to vector<1xf32>
          %squeeze3A_1023 = vector.extract %slice3A_1022[0] : f32 from vector<1xf32>
          %mul3A_1024 = vector.broadcast %squeeze3A_1023 : f32 to vector<16xf32>
          %mul3A_1025 = arith.mulf %mul3A_101, %mul3A_1024 : vector<16xf32>
          %add3A_1026 = arith.addf %mul3A_1021, %mul3A_1025 : vector<16xf32>
          %slice3A_1027 = vector.extract_strided_slice %get3A_714 {offsets = [13], sizes = [1], strides = [1]} : vector<16xf32> to vector<1xf32>
          %squeeze3A_1028 = vector.extract %slice3A_1027[0] : f32 from vector<1xf32>
          %mul3A_1029 = vector.broadcast %squeeze3A_1028 : f32 to vector<16xf32>
          %mul3A_1030 = arith.mulf %mul3A_104, %mul3A_1029 : vector<16xf32>
          %add3A_1031 = arith.addf %add3A_1026, %mul3A_1030 : vector<16xf32>
          %slice3A_1032 = vector.extract_strided_slice %get3A_718 {offsets = [13], sizes = [1], strides = [1]} : vector<16xf32> to vector<1xf32>
          %squeeze3A_1033 = vector.extract %slice3A_1032[0] : f32 from vector<1xf32>
          %add3A_1034 = vector.broadcast %squeeze3A_1033 : f32 to vector<16xf32>
          %add3A_1035 = arith.addf %add3A_1031, %add3A_1034 : vector<16xf32>
          %max3A_1036 = arith.maximumf %min3A_1014, %add3A_1035 : vector<16xf32>
          %min3A_1037 = arith.minimumf %min3A_1014, %add3A_1035 : vector<16xf32>
          %max3A_1038 = arith.maximumf %min3A_1016, %max3A_1036 : vector<16xf32>
          %min3A_1039 = arith.minimumf %min3A_1016, %max3A_1036 : vector<16xf32>
          %min3A_1040 = arith.minimumf %min3A_1017, %max3A_1038 : vector<16xf32>
          %slice3A_1041 = vector.extract_strided_slice %get3A_706 {offsets = [14], sizes = [1], strides = [1]} : vector<16xf32> to vector<1xf32>
          %squeeze3A_1042 = vector.extract %slice3A_1041[0] : f32 from vector<1xf32>
          %mul3A_1043 = vector.broadcast %squeeze3A_1042 : f32 to vector<16xf32>
          %mul3A_1044 = arith.mulf %mul3A_98, %mul3A_1043 : vector<16xf32>
          %slice3A_1045 = vector.extract_strided_slice %get3A_710 {offsets = [14], sizes = [1], strides = [1]} : vector<16xf32> to vector<1xf32>
          %squeeze3A_1046 = vector.extract %slice3A_1045[0] : f32 from vector<1xf32>
          %mul3A_1047 = vector.broadcast %squeeze3A_1046 : f32 to vector<16xf32>
          %mul3A_1048 = arith.mulf %mul3A_101, %mul3A_1047 : vector<16xf32>
          %add3A_1049 = arith.addf %mul3A_1044, %mul3A_1048 : vector<16xf32>
          %slice3A_1050 = vector.extract_strided_slice %get3A_714 {offsets = [14], sizes = [1], strides = [1]} : vector<16xf32> to vector<1xf32>
          %squeeze3A_1051 = vector.extract %slice3A_1050[0] : f32 from vector<1xf32>
          %mul3A_1052 = vector.broadcast %squeeze3A_1051 : f32 to vector<16xf32>
          %mul3A_1053 = arith.mulf %mul3A_104, %mul3A_1052 : vector<16xf32>
          %add3A_1054 = arith.addf %add3A_1049, %mul3A_1053 : vector<16xf32>
          %slice3A_1055 = vector.extract_strided_slice %get3A_718 {offsets = [14], sizes = [1], strides = [1]} : vector<16xf32> to vector<1xf32>
          %squeeze3A_1056 = vector.extract %slice3A_1055[0] : f32 from vector<1xf32>
          %add3A_1057 = vector.broadcast %squeeze3A_1056 : f32 to vector<16xf32>
          %add3A_1058 = arith.addf %add3A_1054, %add3A_1057 : vector<16xf32>
          %max3A_1059 = arith.maximumf %min3A_1037, %add3A_1058 : vector<16xf32>
          %min3A_1060 = arith.minimumf %min3A_1037, %add3A_1058 : vector<16xf32>
          %max3A_1061 = arith.maximumf %min3A_1039, %max3A_1059 : vector<16xf32>
          %min3A_1062 = arith.minimumf %min3A_1039, %max3A_1059 : vector<16xf32>
          %min3A_1063 = arith.minimumf %min3A_1040, %max3A_1061 : vector<16xf32>
          %slice3A_1064 = vector.extract_strided_slice %get3A_706 {offsets = [15], sizes = [1], strides = [1]} : vector<16xf32> to vector<1xf32>
          %squeeze3A_1065 = vector.extract %slice3A_1064[0] : f32 from vector<1xf32>
          %mul3A_1066 = vector.broadcast %squeeze3A_1065 : f32 to vector<16xf32>
          %mul3A_1067 = arith.mulf %mul3A_98, %mul3A_1066 : vector<16xf32>
          %slice3A_1068 = vector.extract_strided_slice %get3A_710 {offsets = [15], sizes = [1], strides = [1]} : vector<16xf32> to vector<1xf32>
          %squeeze3A_1069 = vector.extract %slice3A_1068[0] : f32 from vector<1xf32>
          %mul3A_1070 = vector.broadcast %squeeze3A_1069 : f32 to vector<16xf32>
          %mul3A_1071 = arith.mulf %mul3A_101, %mul3A_1070 : vector<16xf32>
          %add3A_1072 = arith.addf %mul3A_1067, %mul3A_1071 : vector<16xf32>
          %slice3A_1073 = vector.extract_strided_slice %get3A_714 {offsets = [15], sizes = [1], strides = [1]} : vector<16xf32> to vector<1xf32>
          %squeeze3A_1074 = vector.extract %slice3A_1073[0] : f32 from vector<1xf32>
          %mul3A_1075 = vector.broadcast %squeeze3A_1074 : f32 to vector<16xf32>
          %mul3A_1076 = arith.mulf %mul3A_104, %mul3A_1075 : vector<16xf32>
          %add3A_1077 = arith.addf %add3A_1072, %mul3A_1076 : vector<16xf32>
          %slice3A_1078 = vector.extract_strided_slice %get3A_718 {offsets = [15], sizes = [1], strides = [1]} : vector<16xf32> to vector<1xf32>
          %squeeze3A_1079 = vector.extract %slice3A_1078[0] : f32 from vector<1xf32>
          %add3A_1080 = vector.broadcast %squeeze3A_1079 : f32 to vector<16xf32>
          %add3A_1081 = arith.addf %add3A_1077, %add3A_1080 : vector<16xf32>
          %max3A_1082 = arith.maximumf %min3A_1060, %add3A_1081 : vector<16xf32>
          %min3A_1083 = arith.minimumf %min3A_1060, %add3A_1081 : vector<16xf32>
          %max3A_1084 = arith.maximumf %min3A_1062, %max3A_1082 : vector<16xf32>
          %min3A_1085 = arith.minimumf %min3A_1062, %max3A_1082 : vector<16xf32>
          %min3A_1086 = arith.minimumf %min3A_1063, %max3A_1084 : vector<16xf32>
          scf.yield %min3A_1083, %min3A_1085, %min3A_1086 : vector<16xf32>, vector<16xf32>, vector<16xf32>
        }
        %while3A_697 = arith.constant 1 : i32
        %while3A_698:3 = scf.for %while3A_699 = %while3A_694 to %while3A_690 step %while3A_697 iter_args(%while3A_700 = %while3A_696#0, %while3A_701 = %while3A_696#1, %while3A_702 = %while3A_696#2) -> (vector<16xf32>, vector<16xf32>, vector<16xf32>)  : i32 {
          %mul3A_703 = arith.constant 16 : i32
          %mul3A_704 = arith.muli %while3A_699, %mul3A_703 : i32
          %get3A_705 = arith.index_cast %mul3A_704 : i32 to index
          %get3A_706 = tpu.vector_load %arg5[%get3A_705] {strides = array<i32>} : memref<4096xf32, #tpu.memory_space<vmem>>, vector<16xf32>,
          %mul3A_707 = arith.constant 16 : i32
          %mul3A_708 = arith.muli %while3A_699, %mul3A_707 : i32
          %get3A_709 = arith.index_cast %mul3A_708 : i32 to index
          %get3A_710 = tpu.vector_load %arg6[%get3A_709] {strides = array<i32>} : memref<4096xf32, #tpu.memory_space<vmem>>, vector<16xf32>,
          %mul3A_711 = arith.constant 16 : i32
          %mul3A_712 = arith.muli %while3A_699, %mul3A_711 : i32
          %get3A_713 = arith.index_cast %mul3A_712 : i32 to index
          %get3A_714 = tpu.vector_load %arg7[%get3A_713] {strides = array<i32>} : memref<4096xf32, #tpu.memory_space<vmem>>, vector<16xf32>,
          %mul3A_715 = arith.constant 16 : i32
          %mul3A_716 = arith.muli %while3A_699, %mul3A_715 : i32
          %get3A_717 = arith.index_cast %mul3A_716 : i32 to index
          %get3A_718 = tpu.vector_load %arg8[%get3A_717] {strides = array<i32>} : memref<4096xf32, #tpu.memory_space<vmem>>, vector<16xf32>,
          %slice3A_719 = vector.extract_strided_slice %get3A_706 {offsets = [0], sizes = [1], strides = [1]} : vector<16xf32> to vector<1xf32>
          %squeeze3A_720 = vector.extract %slice3A_719[0] : f32 from vector<1xf32>
          %mul3A_721 = vector.broadcast %squeeze3A_720 : f32 to vector<16xf32>
          %mul3A_722 = arith.mulf %mul3A_98, %mul3A_721 : vector<16xf32>
          %slice3A_723 = vector.extract_strided_slice %get3A_710 {offsets = [0], sizes = [1], strides = [1]} : vector<16xf32> to vector<1xf32>
          %squeeze3A_724 = vector.extract %slice3A_723[0] : f32 from vector<1xf32>
          %mul3A_725 = vector.broadcast %squeeze3A_724 : f32 to vector<16xf32>
          %mul3A_726 = arith.mulf %mul3A_101, %mul3A_725 : vector<16xf32>
          %add3A_727 = arith.addf %mul3A_722, %mul3A_726 : vector<16xf32>
          %slice3A_728 = vector.extract_strided_slice %get3A_714 {offsets = [0], sizes = [1], strides = [1]} : vector<16xf32> to vector<1xf32>
          %squeeze3A_729 = vector.extract %slice3A_728[0] : f32 from vector<1xf32>
          %mul3A_730 = vector.broadcast %squeeze3A_729 : f32 to vector<16xf32>
          %mul3A_731 = arith.mulf %mul3A_104, %mul3A_730 : vector<16xf32>
          %add3A_732 = arith.addf %add3A_727, %mul3A_731 : vector<16xf32>
          %slice3A_733 = vector.extract_strided_slice %get3A_718 {offsets = [0], sizes = [1], strides = [1]} : vector<16xf32> to vector<1xf32>
          %squeeze3A_734 = vector.extract %slice3A_733[0] : f32 from vector<1xf32>
          %add3A_735 = vector.broadcast %squeeze3A_734 : f32 to vector<16xf32>
          %add3A_736 = arith.addf %add3A_732, %add3A_735 : vector<16xf32>
          %max3A_737 = arith.maximumf %while3A_700, %add3A_736 : vector<16xf32>
          %min3A_738 = arith.minimumf %while3A_700, %add3A_736 : vector<16xf32>
          %max3A_739 = arith.maximumf %while3A_701, %max3A_737 : vector<16xf32>
          %min3A_740 = arith.minimumf %while3A_701, %max3A_737 : vector<16xf32>
          %min3A_741 = arith.minimumf %while3A_702, %max3A_739 : vector<16xf32>
          %slice3A_742 = vector.extract_strided_slice %get3A_706 {offsets = [1], sizes = [1], strides = [1]} : vector<16xf32> to vector<1xf32>
          %squeeze3A_743 = vector.extract %slice3A_742[0] : f32 from vector<1xf32>
          %mul3A_744 = vector.broadcast %squeeze3A_743 : f32 to vector<16xf32>
          %mul3A_745 = arith.mulf %mul3A_98, %mul3A_744 : vector<16xf32>
          %slice3A_746 = vector.extract_strided_slice %get3A_710 {offsets = [1], sizes = [1], strides = [1]} : vector<16xf32> to vector<1xf32>
          %squeeze3A_747 = vector.extract %slice3A_746[0] : f32 from vector<1xf32>
          %mul3A_748 = vector.broadcast %squeeze3A_747 : f32 to vector<16xf32>
          %mul3A_749 = arith.mulf %mul3A_101, %mul3A_748 : vector<16xf32>
          %add3A_750 = arith.addf %mul3A_745, %mul3A_749 : vector<16xf32>
          %slice3A_751 = vector.extract_strided_slice %get3A_714 {offsets = [1], sizes = [1], strides = [1]} : vector<16xf32> to vector<1xf32>
          %squeeze3A_752 = vector.extract %slice3A_751[0] : f32 from vector<1xf32>
          %mul3A_753 = vector.broadcast %squeeze3A_752 : f32 to vector<16xf32>
          %mul3A_754 = arith.mulf %mul3A_104, %mul3A_753 : vector<16xf32>
          %add3A_755 = arith.addf %add3A_750, %mul3A_754 : vector<16xf32>
          %slice3A_756 = vector.extract_strided_slice %get3A_718 {offsets = [1], sizes = [1], strides = [1]} : vector<16xf32> to vector<1xf32>
          %squeeze3A_757 = vector.extract %slice3A_756[0] : f32 from vector<1xf32>
          %add3A_758 = vector.broadcast %squeeze3A_757 : f32 to vector<16xf32>
          %add3A_759 = arith.addf %add3A_755, %add3A_758 : vector<16xf32>
          %max3A_760 = arith.maximumf %min3A_738, %add3A_759 : vector<16xf32>
          %min3A_761 = arith.minimumf %min3A_738, %add3A_759 : vector<16xf32>
          %max3A_762 = arith.maximumf %min3A_740, %max3A_760 : vector<16xf32>
          %min3A_763 = arith.minimumf %min3A_740, %max3A_760 : vector<16xf32>
          %min3A_764 = arith.minimumf %min3A_741, %max3A_762 : vector<16xf32>
          %slice3A_765 = vector.extract_strided_slice %get3A_706 {offsets = [2], sizes = [1], strides = [1]} : vector<16xf32> to vector<1xf32>
          %squeeze3A_766 = vector.extract %slice3A_765[0] : f32 from vector<1xf32>
          %mul3A_767 = vector.broadcast %squeeze3A_766 : f32 to vector<16xf32>
          %mul3A_768 = arith.mulf %mul3A_98, %mul3A_767 : vector<16xf32>
          %slice3A_769 = vector.extract_strided_slice %get3A_710 {offsets = [2], sizes = [1], strides = [1]} : vector<16xf32> to vector<1xf32>
          %squeeze3A_770 = vector.extract %slice3A_769[0] : f32 from vector<1xf32>
          %mul3A_771 = vector.broadcast %squeeze3A_770 : f32 to vector<16xf32>
          %mul3A_772 = arith.mulf %mul3A_101, %mul3A_771 : vector<16xf32>
          %add3A_773 = arith.addf %mul3A_768, %mul3A_772 : vector<16xf32>
          %slice3A_774 = vector.extract_strided_slice %get3A_714 {offsets = [2], sizes = [1], strides = [1]} : vector<16xf32> to vector<1xf32>
          %squeeze3A_775 = vector.extract %slice3A_774[0] : f32 from vector<1xf32>
          %mul3A_776 = vector.broadcast %squeeze3A_775 : f32 to vector<16xf32>
          %mul3A_777 = arith.mulf %mul3A_104, %mul3A_776 : vector<16xf32>
          %add3A_778 = arith.addf %add3A_773, %mul3A_777 : vector<16xf32>
          %slice3A_779 = vector.extract_strided_slice %get3A_718 {offsets = [2], sizes = [1], strides = [1]} : vector<16xf32> to vector<1xf32>
          %squeeze3A_780 = vector.extract %slice3A_779[0] : f32 from vector<1xf32>
          %add3A_781 = vector.broadcast %squeeze3A_780 : f32 to vector<16xf32>
          %add3A_782 = arith.addf %add3A_778, %add3A_781 : vector<16xf32>
          %max3A_783 = arith.maximumf %min3A_761, %add3A_782 : vector<16xf32>
          %min3A_784 = arith.minimumf %min3A_761, %add3A_782 : vector<16xf32>
          %max3A_785 = arith.maximumf %min3A_763, %max3A_783 : vector<16xf32>
          %min3A_786 = arith.minimumf %min3A_763, %max3A_783 : vector<16xf32>
          %min3A_787 = arith.minimumf %min3A_764, %max3A_785 : vector<16xf32>
          %slice3A_788 = vector.extract_strided_slice %get3A_706 {offsets = [3], sizes = [1], strides = [1]} : vector<16xf32> to vector<1xf32>
          %squeeze3A_789 = vector.extract %slice3A_788[0] : f32 from vector<1xf32>
          %mul3A_790 = vector.broadcast %squeeze3A_789 : f32 to vector<16xf32>
          %mul3A_791 = arith.mulf %mul3A_98, %mul3A_790 : vector<16xf32>
          %slice3A_792 = vector.extract_strided_slice %get3A_710 {offsets = [3], sizes = [1], strides = [1]} : vector<16xf32> to vector<1xf32>
          %squeeze3A_793 = vector.extract %slice3A_792[0] : f32 from vector<1xf32>
          %mul3A_794 = vector.broadcast %squeeze3A_793 : f32 to vector<16xf32>
          %mul3A_795 = arith.mulf %mul3A_101, %mul3A_794 : vector<16xf32>
          %add3A_796 = arith.addf %mul3A_791, %mul3A_795 : vector<16xf32>
          %slice3A_797 = vector.extract_strided_slice %get3A_714 {offsets = [3], sizes = [1], strides = [1]} : vector<16xf32> to vector<1xf32>
          %squeeze3A_798 = vector.extract %slice3A_797[0] : f32 from vector<1xf32>
          %mul3A_799 = vector.broadcast %squeeze3A_798 : f32 to vector<16xf32>
          %mul3A_800 = arith.mulf %mul3A_104, %mul3A_799 : vector<16xf32>
          %add3A_801 = arith.addf %add3A_796, %mul3A_800 : vector<16xf32>
          %slice3A_802 = vector.extract_strided_slice %get3A_718 {offsets = [3], sizes = [1], strides = [1]} : vector<16xf32> to vector<1xf32>
          %squeeze3A_803 = vector.extract %slice3A_802[0] : f32 from vector<1xf32>
          %add3A_804 = vector.broadcast %squeeze3A_803 : f32 to vector<16xf32>
          %add3A_805 = arith.addf %add3A_801, %add3A_804 : vector<16xf32>
          %max3A_806 = arith.maximumf %min3A_784, %add3A_805 : vector<16xf32>
          %min3A_807 = arith.minimumf %min3A_784, %add3A_805 : vector<16xf32>
          %max3A_808 = arith.maximumf %min3A_786, %max3A_806 : vector<16xf32>
          %min3A_809 = arith.minimumf %min3A_786, %max3A_806 : vector<16xf32>
          %min3A_810 = arith.minimumf %min3A_787, %max3A_808 : vector<16xf32>
          %slice3A_811 = vector.extract_strided_slice %get3A_706 {offsets = [4], sizes = [1], strides = [1]} : vector<16xf32> to vector<1xf32>
          %squeeze3A_812 = vector.extract %slice3A_811[0] : f32 from vector<1xf32>
          %mul3A_813 = vector.broadcast %squeeze3A_812 : f32 to vector<16xf32>
          %mul3A_814 = arith.mulf %mul3A_98, %mul3A_813 : vector<16xf32>
          %slice3A_815 = vector.extract_strided_slice %get3A_710 {offsets = [4], sizes = [1], strides = [1]} : vector<16xf32> to vector<1xf32>
          %squeeze3A_816 = vector.extract %slice3A_815[0] : f32 from vector<1xf32>
          %mul3A_817 = vector.broadcast %squeeze3A_816 : f32 to vector<16xf32>
          %mul3A_818 = arith.mulf %mul3A_101, %mul3A_817 : vector<16xf32>
          %add3A_819 = arith.addf %mul3A_814, %mul3A_818 : vector<16xf32>
          %slice3A_820 = vector.extract_strided_slice %get3A_714 {offsets = [4], sizes = [1], strides = [1]} : vector<16xf32> to vector<1xf32>
          %squeeze3A_821 = vector.extract %slice3A_820[0] : f32 from vector<1xf32>
          %mul3A_822 = vector.broadcast %squeeze3A_821 : f32 to vector<16xf32>
          %mul3A_823 = arith.mulf %mul3A_104, %mul3A_822 : vector<16xf32>
          %add3A_824 = arith.addf %add3A_819, %mul3A_823 : vector<16xf32>
          %slice3A_825 = vector.extract_strided_slice %get3A_718 {offsets = [4], sizes = [1], strides = [1]} : vector<16xf32> to vector<1xf32>
          %squeeze3A_826 = vector.extract %slice3A_825[0] : f32 from vector<1xf32>
          %add3A_827 = vector.broadcast %squeeze3A_826 : f32 to vector<16xf32>
          %add3A_828 = arith.addf %add3A_824, %add3A_827 : vector<16xf32>
          %max3A_829 = arith.maximumf %min3A_807, %add3A_828 : vector<16xf32>
          %min3A_830 = arith.minimumf %min3A_807, %add3A_828 : vector<16xf32>
          %max3A_831 = arith.maximumf %min3A_809, %max3A_829 : vector<16xf32>
          %min3A_832 = arith.minimumf %min3A_809, %max3A_829 : vector<16xf32>
          %min3A_833 = arith.minimumf %min3A_810, %max3A_831 : vector<16xf32>
          %slice3A_834 = vector.extract_strided_slice %get3A_706 {offsets = [5], sizes = [1], strides = [1]} : vector<16xf32> to vector<1xf32>
          %squeeze3A_835 = vector.extract %slice3A_834[0] : f32 from vector<1xf32>
          %mul3A_836 = vector.broadcast %squeeze3A_835 : f32 to vector<16xf32>
          %mul3A_837 = arith.mulf %mul3A_98, %mul3A_836 : vector<16xf32>
          %slice3A_838 = vector.extract_strided_slice %get3A_710 {offsets = [5], sizes = [1], strides = [1]} : vector<16xf32> to vector<1xf32>
          %squeeze3A_839 = vector.extract %slice3A_838[0] : f32 from vector<1xf32>
          %mul3A_840 = vector.broadcast %squeeze3A_839 : f32 to vector<16xf32>
          %mul3A_841 = arith.mulf %mul3A_101, %mul3A_840 : vector<16xf32>
          %add3A_842 = arith.addf %mul3A_837, %mul3A_841 : vector<16xf32>
          %slice3A_843 = vector.extract_strided_slice %get3A_714 {offsets = [5], sizes = [1], strides = [1]} : vector<16xf32> to vector<1xf32>
          %squeeze3A_844 = vector.extract %slice3A_843[0] : f32 from vector<1xf32>
          %mul3A_845 = vector.broadcast %squeeze3A_844 : f32 to vector<16xf32>
          %mul3A_846 = arith.mulf %mul3A_104, %mul3A_845 : vector<16xf32>
          %add3A_847 = arith.addf %add3A_842, %mul3A_846 : vector<16xf32>
          %slice3A_848 = vector.extract_strided_slice %get3A_718 {offsets = [5], sizes = [1], strides = [1]} : vector<16xf32> to vector<1xf32>
          %squeeze3A_849 = vector.extract %slice3A_848[0] : f32 from vector<1xf32>
          %add3A_850 = vector.broadcast %squeeze3A_849 : f32 to vector<16xf32>
          %add3A_851 = arith.addf %add3A_847, %add3A_850 : vector<16xf32>
          %max3A_852 = arith.maximumf %min3A_830, %add3A_851 : vector<16xf32>
          %min3A_853 = arith.minimumf %min3A_830, %add3A_851 : vector<16xf32>
          %max3A_854 = arith.maximumf %min3A_832, %max3A_852 : vector<16xf32>
          %min3A_855 = arith.minimumf %min3A_832, %max3A_852 : vector<16xf32>
          %min3A_856 = arith.minimumf %min3A_833, %max3A_854 : vector<16xf32>
          %slice3A_857 = vector.extract_strided_slice %get3A_706 {offsets = [6], sizes = [1], strides = [1]} : vector<16xf32> to vector<1xf32>
          %squeeze3A_858 = vector.extract %slice3A_857[0] : f32 from vector<1xf32>
          %mul3A_859 = vector.broadcast %squeeze3A_858 : f32 to vector<16xf32>
          %mul3A_860 = arith.mulf %mul3A_98, %mul3A_859 : vector<16xf32>
          %slice3A_861 = vector.extract_strided_slice %get3A_710 {offsets = [6], sizes = [1], strides = [1]} : vector<16xf32> to vector<1xf32>
          %squeeze3A_862 = vector.extract %slice3A_861[0] : f32 from vector<1xf32>
          %mul3A_863 = vector.broadcast %squeeze3A_862 : f32 to vector<16xf32>
          %mul3A_864 = arith.mulf %mul3A_101, %mul3A_863 : vector<16xf32>
          %add3A_865 = arith.addf %mul3A_860, %mul3A_864 : vector<16xf32>
          %slice3A_866 = vector.extract_strided_slice %get3A_714 {offsets = [6], sizes = [1], strides = [1]} : vector<16xf32> to vector<1xf32>
          %squeeze3A_867 = vector.extract %slice3A_866[0] : f32 from vector<1xf32>
          %mul3A_868 = vector.broadcast %squeeze3A_867 : f32 to vector<16xf32>
          %mul3A_869 = arith.mulf %mul3A_104, %mul3A_868 : vector<16xf32>
          %add3A_870 = arith.addf %add3A_865, %mul3A_869 : vector<16xf32>
          %slice3A_871 = vector.extract_strided_slice %get3A_718 {offsets = [6], sizes = [1], strides = [1]} : vector<16xf32> to vector<1xf32>
          %squeeze3A_872 = vector.extract %slice3A_871[0] : f32 from vector<1xf32>
          %add3A_873 = vector.broadcast %squeeze3A_872 : f32 to vector<16xf32>
          %add3A_874 = arith.addf %add3A_870, %add3A_873 : vector<16xf32>
          %max3A_875 = arith.maximumf %min3A_853, %add3A_874 : vector<16xf32>
          %min3A_876 = arith.minimumf %min3A_853, %add3A_874 : vector<16xf32>
          %max3A_877 = arith.maximumf %min3A_855, %max3A_875 : vector<16xf32>
          %min3A_878 = arith.minimumf %min3A_855, %max3A_875 : vector<16xf32>
          %min3A_879 = arith.minimumf %min3A_856, %max3A_877 : vector<16xf32>
          %slice3A_880 = vector.extract_strided_slice %get3A_706 {offsets = [7], sizes = [1], strides = [1]} : vector<16xf32> to vector<1xf32>
          %squeeze3A_881 = vector.extract %slice3A_880[0] : f32 from vector<1xf32>
          %mul3A_882 = vector.broadcast %squeeze3A_881 : f32 to vector<16xf32>
          %mul3A_883 = arith.mulf %mul3A_98, %mul3A_882 : vector<16xf32>
          %slice3A_884 = vector.extract_strided_slice %get3A_710 {offsets = [7], sizes = [1], strides = [1]} : vector<16xf32> to vector<1xf32>
          %squeeze3A_885 = vector.extract %slice3A_884[0] : f32 from vector<1xf32>
          %mul3A_886 = vector.broadcast %squeeze3A_885 : f32 to vector<16xf32>
          %mul3A_887 = arith.mulf %mul3A_101, %mul3A_886 : vector<16xf32>
          %add3A_888 = arith.addf %mul3A_883, %mul3A_887 : vector<16xf32>
          %slice3A_889 = vector.extract_strided_slice %get3A_714 {offsets = [7], sizes = [1], strides = [1]} : vector<16xf32> to vector<1xf32>
          %squeeze3A_890 = vector.extract %slice3A_889[0] : f32 from vector<1xf32>
          %mul3A_891 = vector.broadcast %squeeze3A_890 : f32 to vector<16xf32>
          %mul3A_892 = arith.mulf %mul3A_104, %mul3A_891 : vector<16xf32>
          %add3A_893 = arith.addf %add3A_888, %mul3A_892 : vector<16xf32>
          %slice3A_894 = vector.extract_strided_slice %get3A_718 {offsets = [7], sizes = [1], strides = [1]} : vector<16xf32> to vector<1xf32>
          %squeeze3A_895 = vector.extract %slice3A_894[0] : f32 from vector<1xf32>
          %add3A_896 = vector.broadcast %squeeze3A_895 : f32 to vector<16xf32>
          %add3A_897 = arith.addf %add3A_893, %add3A_896 : vector<16xf32>
          %max3A_898 = arith.maximumf %min3A_876, %add3A_897 : vector<16xf32>
          %min3A_899 = arith.minimumf %min3A_876, %add3A_897 : vector<16xf32>
          %max3A_900 = arith.maximumf %min3A_878, %max3A_898 : vector<16xf32>
          %min3A_901 = arith.minimumf %min3A_878, %max3A_898 : vector<16xf32>
          %min3A_902 = arith.minimumf %min3A_879, %max3A_900 : vector<16xf32>
          %slice3A_903 = vector.extract_strided_slice %get3A_706 {offsets = [8], sizes = [1], strides = [1]} : vector<16xf32> to vector<1xf32>
          %squeeze3A_904 = vector.extract %slice3A_903[0] : f32 from vector<1xf32>
          %mul3A_905 = vector.broadcast %squeeze3A_904 : f32 to vector<16xf32>
          %mul3A_906 = arith.mulf %mul3A_98, %mul3A_905 : vector<16xf32>
          %slice3A_907 = vector.extract_strided_slice %get3A_710 {offsets = [8], sizes = [1], strides = [1]} : vector<16xf32> to vector<1xf32>
          %squeeze3A_908 = vector.extract %slice3A_907[0] : f32 from vector<1xf32>
          %mul3A_909 = vector.broadcast %squeeze3A_908 : f32 to vector<16xf32>
          %mul3A_910 = arith.mulf %mul3A_101, %mul3A_909 : vector<16xf32>
          %add3A_911 = arith.addf %mul3A_906, %mul3A_910 : vector<16xf32>
          %slice3A_912 = vector.extract_strided_slice %get3A_714 {offsets = [8], sizes = [1], strides = [1]} : vector<16xf32> to vector<1xf32>
          %squeeze3A_913 = vector.extract %slice3A_912[0] : f32 from vector<1xf32>
          %mul3A_914 = vector.broadcast %squeeze3A_913 : f32 to vector<16xf32>
          %mul3A_915 = arith.mulf %mul3A_104, %mul3A_914 : vector<16xf32>
          %add3A_916 = arith.addf %add3A_911, %mul3A_915 : vector<16xf32>
          %slice3A_917 = vector.extract_strided_slice %get3A_718 {offsets = [8], sizes = [1], strides = [1]} : vector<16xf32> to vector<1xf32>
          %squeeze3A_918 = vector.extract %slice3A_917[0] : f32 from vector<1xf32>
          %add3A_919 = vector.broadcast %squeeze3A_918 : f32 to vector<16xf32>
          %add3A_920 = arith.addf %add3A_916, %add3A_919 : vector<16xf32>
          %max3A_921 = arith.maximumf %min3A_899, %add3A_920 : vector<16xf32>
          %min3A_922 = arith.minimumf %min3A_899, %add3A_920 : vector<16xf32>
          %max3A_923 = arith.maximumf %min3A_901, %max3A_921 : vector<16xf32>
          %min3A_924 = arith.minimumf %min3A_901, %max3A_921 : vector<16xf32>
          %min3A_925 = arith.minimumf %min3A_902, %max3A_923 : vector<16xf32>
          %slice3A_926 = vector.extract_strided_slice %get3A_706 {offsets = [9], sizes = [1], strides = [1]} : vector<16xf32> to vector<1xf32>
          %squeeze3A_927 = vector.extract %slice3A_926[0] : f32 from vector<1xf32>
          %mul3A_928 = vector.broadcast %squeeze3A_927 : f32 to vector<16xf32>
          %mul3A_929 = arith.mulf %mul3A_98, %mul3A_928 : vector<16xf32>
          %slice3A_930 = vector.extract_strided_slice %get3A_710 {offsets = [9], sizes = [1], strides = [1]} : vector<16xf32> to vector<1xf32>
          %squeeze3A_931 = vector.extract %slice3A_930[0] : f32 from vector<1xf32>
          %mul3A_932 = vector.broadcast %squeeze3A_931 : f32 to vector<16xf32>
          %mul3A_933 = arith.mulf %mul3A_101, %mul3A_932 : vector<16xf32>
          %add3A_934 = arith.addf %mul3A_929, %mul3A_933 : vector<16xf32>
          %slice3A_935 = vector.extract_strided_slice %get3A_714 {offsets = [9], sizes = [1], strides = [1]} : vector<16xf32> to vector<1xf32>
          %squeeze3A_936 = vector.extract %slice3A_935[0] : f32 from vector<1xf32>
          %mul3A_937 = vector.broadcast %squeeze3A_936 : f32 to vector<16xf32>
          %mul3A_938 = arith.mulf %mul3A_104, %mul3A_937 : vector<16xf32>
          %add3A_939 = arith.addf %add3A_934, %mul3A_938 : vector<16xf32>
          %slice3A_940 = vector.extract_strided_slice %get3A_718 {offsets = [9], sizes = [1], strides = [1]} : vector<16xf32> to vector<1xf32>
          %squeeze3A_941 = vector.extract %slice3A_940[0] : f32 from vector<1xf32>
          %add3A_942 = vector.broadcast %squeeze3A_941 : f32 to vector<16xf32>
          %add3A_943 = arith.addf %add3A_939, %add3A_942 : vector<16xf32>
          %max3A_944 = arith.maximumf %min3A_922, %add3A_943 : vector<16xf32>
          %min3A_945 = arith.minimumf %min3A_922, %add3A_943 : vector<16xf32>
          %max3A_946 = arith.maximumf %min3A_924, %max3A_944 : vector<16xf32>
          %min3A_947 = arith.minimumf %min3A_924, %max3A_944 : vector<16xf32>
          %min3A_948 = arith.minimumf %min3A_925, %max3A_946 : vector<16xf32>
          %slice3A_949 = vector.extract_strided_slice %get3A_706 {offsets = [10], sizes = [1], strides = [1]} : vector<16xf32> to vector<1xf32>
          %squeeze3A_950 = vector.extract %slice3A_949[0] : f32 from vector<1xf32>
          %mul3A_951 = vector.broadcast %squeeze3A_950 : f32 to vector<16xf32>
          %mul3A_952 = arith.mulf %mul3A_98, %mul3A_951 : vector<16xf32>
          %slice3A_953 = vector.extract_strided_slice %get3A_710 {offsets = [10], sizes = [1], strides = [1]} : vector<16xf32> to vector<1xf32>
          %squeeze3A_954 = vector.extract %slice3A_953[0] : f32 from vector<1xf32>
          %mul3A_955 = vector.broadcast %squeeze3A_954 : f32 to vector<16xf32>
          %mul3A_956 = arith.mulf %mul3A_101, %mul3A_955 : vector<16xf32>
          %add3A_957 = arith.addf %mul3A_952, %mul3A_956 : vector<16xf32>
          %slice3A_958 = vector.extract_strided_slice %get3A_714 {offsets = [10], sizes = [1], strides = [1]} : vector<16xf32> to vector<1xf32>
          %squeeze3A_959 = vector.extract %slice3A_958[0] : f32 from vector<1xf32>
          %mul3A_960 = vector.broadcast %squeeze3A_959 : f32 to vector<16xf32>
          %mul3A_961 = arith.mulf %mul3A_104, %mul3A_960 : vector<16xf32>
          %add3A_962 = arith.addf %add3A_957, %mul3A_961 : vector<16xf32>
          %slice3A_963 = vector.extract_strided_slice %get3A_718 {offsets = [10], sizes = [1], strides = [1]} : vector<16xf32> to vector<1xf32>
          %squeeze3A_964 = vector.extract %slice3A_963[0] : f32 from vector<1xf32>
          %add3A_965 = vector.broadcast %squeeze3A_964 : f32 to vector<16xf32>
          %add3A_966 = arith.addf %add3A_962, %add3A_965 : vector<16xf32>
          %max3A_967 = arith.maximumf %min3A_945, %add3A_966 : vector<16xf32>
          %min3A_968 = arith.minimumf %min3A_945, %add3A_966 : vector<16xf32>
          %max3A_969 = arith.maximumf %min3A_947, %max3A_967 : vector<16xf32>
          %min3A_970 = arith.minimumf %min3A_947, %max3A_967 : vector<16xf32>
          %min3A_971 = arith.minimumf %min3A_948, %max3A_969 : vector<16xf32>
          %slice3A_972 = vector.extract_strided_slice %get3A_706 {offsets = [11], sizes = [1], strides = [1]} : vector<16xf32> to vector<1xf32>
          %squeeze3A_973 = vector.extract %slice3A_972[0] : f32 from vector<1xf32>
          %mul3A_974 = vector.broadcast %squeeze3A_973 : f32 to vector<16xf32>
          %mul3A_975 = arith.mulf %mul3A_98, %mul3A_974 : vector<16xf32>
          %slice3A_976 = vector.extract_strided_slice %get3A_710 {offsets = [11], sizes = [1], strides = [1]} : vector<16xf32> to vector<1xf32>
          %squeeze3A_977 = vector.extract %slice3A_976[0] : f32 from vector<1xf32>
          %mul3A_978 = vector.broadcast %squeeze3A_977 : f32 to vector<16xf32>
          %mul3A_979 = arith.mulf %mul3A_101, %mul3A_978 : vector<16xf32>
          %add3A_980 = arith.addf %mul3A_975, %mul3A_979 : vector<16xf32>
          %slice3A_981 = vector.extract_strided_slice %get3A_714 {offsets = [11], sizes = [1], strides = [1]} : vector<16xf32> to vector<1xf32>
          %squeeze3A_982 = vector.extract %slice3A_981[0] : f32 from vector<1xf32>
          %mul3A_983 = vector.broadcast %squeeze3A_982 : f32 to vector<16xf32>
          %mul3A_984 = arith.mulf %mul3A_104, %mul3A_983 : vector<16xf32>
          %add3A_985 = arith.addf %add3A_980, %mul3A_984 : vector<16xf32>
          %slice3A_986 = vector.extract_strided_slice %get3A_718 {offsets = [11], sizes = [1], strides = [1]} : vector<16xf32> to vector<1xf32>
          %squeeze3A_987 = vector.extract %slice3A_986[0] : f32 from vector<1xf32>
          %add3A_988 = vector.broadcast %squeeze3A_987 : f32 to vector<16xf32>
          %add3A_989 = arith.addf %add3A_985, %add3A_988 : vector<16xf32>
          %max3A_990 = arith.maximumf %min3A_968, %add3A_989 : vector<16xf32>
          %min3A_991 = arith.minimumf %min3A_968, %add3A_989 : vector<16xf32>
          %max3A_992 = arith.maximumf %min3A_970, %max3A_990 : vector<16xf32>
          %min3A_993 = arith.minimumf %min3A_970, %max3A_990 : vector<16xf32>
          %min3A_994 = arith.minimumf %min3A_971, %max3A_992 : vector<16xf32>
          %slice3A_995 = vector.extract_strided_slice %get3A_706 {offsets = [12], sizes = [1], strides = [1]} : vector<16xf32> to vector<1xf32>
          %squeeze3A_996 = vector.extract %slice3A_995[0] : f32 from vector<1xf32>
          %mul3A_997 = vector.broadcast %squeeze3A_996 : f32 to vector<16xf32>
          %mul3A_998 = arith.mulf %mul3A_98, %mul3A_997 : vector<16xf32>
          %slice3A_999 = vector.extract_strided_slice %get3A_710 {offsets = [12], sizes = [1], strides = [1]} : vector<16xf32> to vector<1xf32>
          %squeeze3A_1000 = vector.extract %slice3A_999[0] : f32 from vector<1xf32>
          %mul3A_1001 = vector.broadcast %squeeze3A_1000 : f32 to vector<16xf32>
          %mul3A_1002 = arith.mulf %mul3A_101, %mul3A_1001 : vector<16xf32>
          %add3A_1003 = arith.addf %mul3A_998, %mul3A_1002 : vector<16xf32>
          %slice3A_1004 = vector.extract_strided_slice %get3A_714 {offsets = [12], sizes = [1], strides = [1]} : vector<16xf32> to vector<1xf32>
          %squeeze3A_1005 = vector.extract %slice3A_1004[0] : f32 from vector<1xf32>
          %mul3A_1006 = vector.broadcast %squeeze3A_1005 : f32 to vector<16xf32>
          %mul3A_1007 = arith.mulf %mul3A_104, %mul3A_1006 : vector<16xf32>
          %add3A_1008 = arith.addf %add3A_1003, %mul3A_1007 : vector<16xf32>
          %slice3A_1009 = vector.extract_strided_slice %get3A_718 {offsets = [12], sizes = [1], strides = [1]} : vector<16xf32> to vector<1xf32>
          %squeeze3A_1010 = vector.extract %slice3A_1009[0] : f32 from vector<1xf32>
          %add3A_1011 = vector.broadcast %squeeze3A_1010 : f32 to vector<16xf32>
          %add3A_1012 = arith.addf %add3A_1008, %add3A_1011 : vector<16xf32>
          %max3A_1013 = arith.maximumf %min3A_991, %add3A_1012 : vector<16xf32>
          %min3A_1014 = arith.minimumf %min3A_991, %add3A_1012 : vector<16xf32>
          %max3A_1015 = arith.maximumf %min3A_993, %max3A_1013 : vector<16xf32>
          %min3A_1016 = arith.minimumf %min3A_993, %max3A_1013 : vector<16xf32>
          %min3A_1017 = arith.minimumf %min3A_994, %max3A_1015 : vector<16xf32>
          %slice3A_1018 = vector.extract_strided_slice %get3A_706 {offsets = [13], sizes = [1], strides = [1]} : vector<16xf32> to vector<1xf32>
          %squeeze3A_1019 = vector.extract %slice3A_1018[0] : f32 from vector<1xf32>
          %mul3A_1020 = vector.broadcast %squeeze3A_1019 : f32 to vector<16xf32>
          %mul3A_1021 = arith.mulf %mul3A_98, %mul3A_1020 : vector<16xf32>
          %slice3A_1022 = vector.extract_strided_slice %get3A_710 {offsets = [13], sizes = [1], strides = [1]} : vector<16xf32> to vector<1xf32>
          %squeeze3A_1023 = vector.extract %slice3A_1022[0] : f32 from vector<1xf32>
          %mul3A_1024 = vector.broadcast %squeeze3A_1023 : f32 to vector<16xf32>
          %mul3A_1025 = arith.mulf %mul3A_101, %mul3A_1024 : vector<16xf32>
          %add3A_1026 = arith.addf %mul3A_1021, %mul3A_1025 : vector<16xf32>
          %slice3A_1027 = vector.extract_strided_slice %get3A_714 {offsets = [13], sizes = [1], strides = [1]} : vector<16xf32> to vector<1xf32>
          %squeeze3A_1028 = vector.extract %slice3A_1027[0] : f32 from vector<1xf32>
          %mul3A_1029 = vector.broadcast %squeeze3A_1028 : f32 to vector<16xf32>
          %mul3A_1030 = arith.mulf %mul3A_104, %mul3A_1029 : vector<16xf32>
          %add3A_1031 = arith.addf %add3A_1026, %mul3A_1030 : vector<16xf32>
          %slice3A_1032 = vector.extract_strided_slice %get3A_718 {offsets = [13], sizes = [1], strides = [1]} : vector<16xf32> to vector<1xf32>
          %squeeze3A_1033 = vector.extract %slice3A_1032[0] : f32 from vector<1xf32>
          %add3A_1034 = vector.broadcast %squeeze3A_1033 : f32 to vector<16xf32>
          %add3A_1035 = arith.addf %add3A_1031, %add3A_1034 : vector<16xf32>
          %max3A_1036 = arith.maximumf %min3A_1014, %add3A_1035 : vector<16xf32>
          %min3A_1037 = arith.minimumf %min3A_1014, %add3A_1035 : vector<16xf32>
          %max3A_1038 = arith.maximumf %min3A_1016, %max3A_1036 : vector<16xf32>
          %min3A_1039 = arith.minimumf %min3A_1016, %max3A_1036 : vector<16xf32>
          %min3A_1040 = arith.minimumf %min3A_1017, %max3A_1038 : vector<16xf32>
          %slice3A_1041 = vector.extract_strided_slice %get3A_706 {offsets = [14], sizes = [1], strides = [1]} : vector<16xf32> to vector<1xf32>
          %squeeze3A_1042 = vector.extract %slice3A_1041[0] : f32 from vector<1xf32>
          %mul3A_1043 = vector.broadcast %squeeze3A_1042 : f32 to vector<16xf32>
          %mul3A_1044 = arith.mulf %mul3A_98, %mul3A_1043 : vector<16xf32>
          %slice3A_1045 = vector.extract_strided_slice %get3A_710 {offsets = [14], sizes = [1], strides = [1]} : vector<16xf32> to vector<1xf32>
          %squeeze3A_1046 = vector.extract %slice3A_1045[0] : f32 from vector<1xf32>
          %mul3A_1047 = vector.broadcast %squeeze3A_1046 : f32 to vector<16xf32>
          %mul3A_1048 = arith.mulf %mul3A_101, %mul3A_1047 : vector<16xf32>
          %add3A_1049 = arith.addf %mul3A_1044, %mul3A_1048 : vector<16xf32>
          %slice3A_1050 = vector.extract_strided_slice %get3A_714 {offsets = [14], sizes = [1], strides = [1]} : vector<16xf32> to vector<1xf32>
          %squeeze3A_1051 = vector.extract %slice3A_1050[0] : f32 from vector<1xf32>
          %mul3A_1052 = vector.broadcast %squeeze3A_1051 : f32 to vector<16xf32>
          %mul3A_1053 = arith.mulf %mul3A_104, %mul3A_1052 : vector<16xf32>
          %add3A_1054 = arith.addf %add3A_1049, %mul3A_1053 : vector<16xf32>
          %slice3A_1055 = vector.extract_strided_slice %get3A_718 {offsets = [14], sizes = [1], strides = [1]} : vector<16xf32> to vector<1xf32>
          %squeeze3A_1056 = vector.extract %slice3A_1055[0] : f32 from vector<1xf32>
          %add3A_1057 = vector.broadcast %squeeze3A_1056 : f32 to vector<16xf32>
          %add3A_1058 = arith.addf %add3A_1054, %add3A_1057 : vector<16xf32>
          %max3A_1059 = arith.maximumf %min3A_1037, %add3A_1058 : vector<16xf32>
          %min3A_1060 = arith.minimumf %min3A_1037, %add3A_1058 : vector<16xf32>
          %max3A_1061 = arith.maximumf %min3A_1039, %max3A_1059 : vector<16xf32>
          %min3A_1062 = arith.minimumf %min3A_1039, %max3A_1059 : vector<16xf32>
          %min3A_1063 = arith.minimumf %min3A_1040, %max3A_1061 : vector<16xf32>
          %slice3A_1064 = vector.extract_strided_slice %get3A_706 {offsets = [15], sizes = [1], strides = [1]} : vector<16xf32> to vector<1xf32>
          %squeeze3A_1065 = vector.extract %slice3A_1064[0] : f32 from vector<1xf32>
          %mul3A_1066 = vector.broadcast %squeeze3A_1065 : f32 to vector<16xf32>
          %mul3A_1067 = arith.mulf %mul3A_98, %mul3A_1066 : vector<16xf32>
          %slice3A_1068 = vector.extract_strided_slice %get3A_710 {offsets = [15], sizes = [1], strides = [1]} : vector<16xf32> to vector<1xf32>
          %squeeze3A_1069 = vector.extract %slice3A_1068[0] : f32 from vector<1xf32>
          %mul3A_1070 = vector.broadcast %squeeze3A_1069 : f32 to vector<16xf32>
          %mul3A_1071 = arith.mulf %mul3A_101, %mul3A_1070 : vector<16xf32>
          %add3A_1072 = arith.addf %mul3A_1067, %mul3A_1071 : vector<16xf32>
          %slice3A_1073 = vector.extract_strided_slice %get3A_714 {offsets = [15], sizes = [1], strides = [1]} : vector<16xf32> to vector<1xf32>
          %squeeze3A_1074 = vector.extract %slice3A_1073[0] : f32 from vector<1xf32>
          %mul3A_1075 = vector.broadcast %squeeze3A_1074 : f32 to vector<16xf32>
          %mul3A_1076 = arith.mulf %mul3A_104, %mul3A_1075 : vector<16xf32>
          %add3A_1077 = arith.addf %add3A_1072, %mul3A_1076 : vector<16xf32>
          %slice3A_1078 = vector.extract_strided_slice %get3A_718 {offsets = [15], sizes = [1], strides = [1]} : vector<16xf32> to vector<1xf32>
          %squeeze3A_1079 = vector.extract %slice3A_1078[0] : f32 from vector<1xf32>
          %add3A_1080 = vector.broadcast %squeeze3A_1079 : f32 to vector<16xf32>
          %add3A_1081 = arith.addf %add3A_1077, %add3A_1080 : vector<16xf32>
          %max3A_1082 = arith.maximumf %min3A_1060, %add3A_1081 : vector<16xf32>
          %min3A_1083 = arith.minimumf %min3A_1060, %add3A_1081 : vector<16xf32>
          %max3A_1084 = arith.maximumf %min3A_1062, %max3A_1082 : vector<16xf32>
          %min3A_1085 = arith.minimumf %min3A_1062, %max3A_1082 : vector<16xf32>
          %min3A_1086 = arith.minimumf %min3A_1063, %max3A_1084 : vector<16xf32>
          scf.yield %min3A_1083, %min3A_1085, %min3A_1086 : vector<16xf32>, vector<16xf32>, vector<16xf32>
        }
        scf.yield %while3A_698#0, %while3A_698#1, %while3A_698#2, %max3A_658, %min3A_662, %shift_right_logical3A_668, %min3A_678 : vector<16xf32>, vector<16xf32>, vector<16xf32>, i32, i32, i32, i32
      }
      %mul3A_628 = arith.constant 16 : i32
      %mul3A_629 = arith.muli %scan3A_74, %mul3A_628 : i32
      %add3A_630 = vector.broadcast %mul3A_629 : i32 to vector<16xi32>
      %add3A_631 = arith.addi %add3A_630, %iota3A : vector<16xi32>
      %broadcast_in_dim3A_632 = arith.constant 0 : i32
      %broadcast_in_dim3A_633 = vector.broadcast %broadcast_in_dim3A_632 : i32 to vector<16xi32>
      %add3A_634 = arith.addf %while3A_627#0, %add3A_109 : vector<16xf32>
      tpu.vector_store_idx %arg13[%add3A_631, %broadcast_in_dim3A_633], %add3A_634 : memref<128x128xf32, #tpu.memory_space<vmem>>[vector<16xi32>, vector<16xi32>], vector<16xf32>,
      %broadcast_in_dim3A_635 = arith.constant 1 : i32
      %broadcast_in_dim3A_636 = vector.broadcast %broadcast_in_dim3A_635 : i32 to vector<16xi32>
      %add3A_637 = arith.addf %while3A_627#1, %add3A_109 : vector<16xf32>
      tpu.vector_store_idx %arg13[%add3A_631, %broadcast_in_dim3A_636], %add3A_637 : memref<128x128xf32, #tpu.memory_space<vmem>>[vector<16xi32>, vector<16xi32>], vector<16xf32>,
      %broadcast_in_dim3A_638 = arith.constant 2 : i32
      %broadcast_in_dim3A_639 = vector.broadcast %broadcast_in_dim3A_638 : i32 to vector<16xi32>
      %add3A_640 = arith.addf %while3A_627#2, %add3A_109 : vector<16xf32>
      tpu.vector_store_idx %arg13[%add3A_631, %broadcast_in_dim3A_639], %add3A_640 : memref<128x128xf32, #tpu.memory_space<vmem>>[vector<16xi32>, vector<16xi32>], vector<16xf32>,
      %get3A_641 = arith.index_cast %mul3A_80 : i32 to index
      %get3A_642 = tpu.vector_load %arg9[%get3A_641] {strides = array<i32>} : memref<4096xi32, #tpu.memory_space<vmem>>, vector<16xi32>,
      %mul3A_643 = arith.constant 16 : i32
      %mul3A_644 = arith.muli %scan3A_74, %mul3A_643 : i32
      %swap3A_645 = arith.index_cast %mul3A_644 : i32 to index
      %swap3A_646 = tpu.vector_load %arg14[%swap3A_645] {strides = array<i32>} : memref<128xi32, #tpu.memory_space<vmem>>, vector<16xi32>,
      tpu.vector_store %arg14[%swap3A_645], %get3A_642 {strides = array<i32>} : memref<128xi32, #tpu.memory_space<vmem>>, vector<16xi32>,
      %scan3A_647 = arith.constant 0 : i32
      scf.yield %scan3A_647 : i32
    }
    %scan3A_73 = arith.constant 8 : i32
    "tpu.region"() ({
      %run_scoped3A = tpu.sem_alloc : memref<!tpu.dma_semaphore, #tpu.memory_space<semaphore_mem>>
      %dma_start3A = arith.constant 0 : i32
      %dma_start3A_74 = arith.constant 0 : i32
      %dma_start3A_75 = tpu.memref_slice %arg3[%dma_start3A, %dma_start3A_74] : memref<4096x128xf32, #tpu.memory_space<hbm>> -> memref<4096x128xf32, #tpu.memory_space<hbm>>
      tpu.enqueue_indirect_dma source(%arg13 : memref<128x128xf32, #tpu.memory_space<vmem>>) target(%dma_start3A_75 : memref<4096x128xf32, #tpu.memory_space<hbm>>) offsets(%arg14 : memref<128xi32, #tpu.memory_space<vmem>>) semaphore(%run_scoped3A : memref<!tpu.dma_semaphore, #tpu.memory_space<semaphore_mem>>)
      %dma_wait3A = arith.constant 0 : i32
      %dma_wait3A_76 = arith.constant 0 : i32
      %dma_wait3A_77 = tpu.memref_slice %arg3[%dma_wait3A, %dma_wait3A_76] : memref<4096x128xf32, #tpu.memory_space<hbm>> -> memref<4096x128xf32, #tpu.memory_space<hbm>>
      tpu.wait_indirect_dma semaphore(%run_scoped3A : memref<!tpu.dma_semaphore, #tpu.memory_space<semaphore_mem>>) src(%arg13 : memref<128x128xf32, #tpu.memory_space<vmem>>) dst(%dma_wait3A_77 : memref<4096x128xf32, #tpu.memory_space<hbm>>)
      tpu.yield
    }) : () -> ()
    return
  }
}

module attributes {stable_mosaic.version = 14 : i64} {
  func.func @_cov_body(%arg0: memref<3x4096xf32, #tpu.memory_space<vmem>>, %arg1: memref<3x4096xf32, #tpu.memory_space<vmem>>, %arg2: memref<4x4096xf32, #tpu.memory_space<vmem>>, %arg3: memref<9x4096xf32, #tpu.memory_space<vmem>>) attributes {dimension_semantics = [], scalar_prefetch = 0 : i64, scratch_operands = 0 : i64, tpu.core_type = #tpu.core_type<tc>} {
    %get3A = arith.constant 0 : index
    %get3A_0 = arith.constant 0 : index
    %get3A_1 = vector.load %arg0[%get3A, %get3A_0] : memref<3x4096xf32, #tpu.memory_space<vmem>>, vector<1x4096xf32>
    %sqrt3A = math.sqrt %get3A_1 : vector<1x4096xf32>
    %get3A_2 = arith.constant 1 : index
    %get3A_3 = arith.constant 0 : index
    %get3A_4 = vector.load %arg0[%get3A_2, %get3A_3] : memref<3x4096xf32, #tpu.memory_space<vmem>>, vector<1x4096xf32>
    %sqrt3A_5 = math.sqrt %get3A_4 : vector<1x4096xf32>
    %get3A_6 = arith.constant 2 : index
    %get3A_7 = arith.constant 0 : index
    %get3A_8 = vector.load %arg0[%get3A_6, %get3A_7] : memref<3x4096xf32, #tpu.memory_space<vmem>>, vector<1x4096xf32>
    %sqrt3A_9 = math.sqrt %get3A_8 : vector<1x4096xf32>
    %add3A = arith.addf %sqrt3A, %sqrt3A_5 : vector<1x4096xf32>
    %add3A_10 = arith.addf %add3A, %sqrt3A_9 : vector<1x4096xf32>
    %div3A = arith.constant 3.000000e+00 : f32
    %div3A_11 = vector.broadcast %div3A : f32 to vector<1x4096xf32>
    %div3A_12 = arith.divf %add3A_10, %div3A_11 : vector<1x4096xf32>
    %max3A = arith.constant 9.99999974E-6 : f32
    %max3A_13 = vector.broadcast %max3A : f32 to vector<1x4096xf32>
    %max3A_14 = arith.maximumf %div3A_12, %max3A_13 : vector<1x4096xf32>
    %get3A_15 = arith.constant 0 : index
    %get3A_16 = arith.constant 0 : index
    %get3A_17 = vector.load %arg2[%get3A_15, %get3A_16] : memref<4x4096xf32, #tpu.memory_space<vmem>>, vector<1x4096xf32>
    %get3A_18 = arith.constant 1 : index
    %get3A_19 = arith.constant 0 : index
    %get3A_20 = vector.load %arg2[%get3A_18, %get3A_19] : memref<4x4096xf32, #tpu.memory_space<vmem>>, vector<1x4096xf32>
    %get3A_21 = arith.constant 2 : index
    %get3A_22 = arith.constant 0 : index
    %get3A_23 = vector.load %arg2[%get3A_21, %get3A_22] : memref<4x4096xf32, #tpu.memory_space<vmem>>, vector<1x4096xf32>
    %get3A_24 = arith.constant 3 : index
    %get3A_25 = arith.constant 0 : index
    %get3A_26 = vector.load %arg2[%get3A_24, %get3A_25] : memref<4x4096xf32, #tpu.memory_space<vmem>>, vector<1x4096xf32>
    %mul3A = arith.mulf %get3A_17, %get3A_17 : vector<1x4096xf32>
    %mul3A_27 = arith.mulf %get3A_20, %get3A_20 : vector<1x4096xf32>
    %add3A_28 = arith.addf %mul3A, %mul3A_27 : vector<1x4096xf32>
    %mul3A_29 = arith.mulf %get3A_23, %get3A_23 : vector<1x4096xf32>
    %add3A_30 = arith.addf %add3A_28, %mul3A_29 : vector<1x4096xf32>
    %mul3A_31 = arith.mulf %get3A_26, %get3A_26 : vector<1x4096xf32>
    %add3A_32 = arith.addf %add3A_30, %mul3A_31 : vector<1x4096xf32>
    %sqrt3A_33 = math.sqrt %add3A_32 : vector<1x4096xf32>
    %div3A_34 = arith.constant 1.000000e+00 : f32
    %div3A_35 = vector.broadcast %div3A_34 : f32 to vector<1x4096xf32>
    %div3A_36 = arith.divf %div3A_35, %sqrt3A_33 : vector<1x4096xf32>
    %mul3A_37 = arith.mulf %get3A_17, %div3A_36 : vector<1x4096xf32>
    %mul3A_38 = arith.mulf %get3A_20, %div3A_36 : vector<1x4096xf32>
    %mul3A_39 = arith.mulf %get3A_23, %div3A_36 : vector<1x4096xf32>
    %mul3A_40 = arith.mulf %get3A_26, %div3A_36 : vector<1x4096xf32>
    %mul3A_41 = arith.mulf %mul3A_39, %mul3A_39 : vector<1x4096xf32>
    %mul3A_42 = arith.mulf %mul3A_40, %mul3A_40 : vector<1x4096xf32>
    %add3A_43 = arith.addf %mul3A_41, %mul3A_42 : vector<1x4096xf32>
    %mul3A_44 = arith.constant 2.000000e+00 : f32
    %mul3A_45 = vector.broadcast %mul3A_44 : f32 to vector<1x4096xf32>
    %mul3A_46 = arith.mulf %mul3A_45, %add3A_43 : vector<1x4096xf32>
    %sub3A = arith.constant 1.000000e+00 : f32
    %sub3A_47 = vector.broadcast %sub3A : f32 to vector<1x4096xf32>
    %sub3A_48 = arith.subf %sub3A_47, %mul3A_46 : vector<1x4096xf32>
    %mul3A_49 = arith.mulf %mul3A_38, %mul3A_39 : vector<1x4096xf32>
    %mul3A_50 = arith.mulf %mul3A_37, %mul3A_40 : vector<1x4096xf32>
    %sub3A_51 = arith.subf %mul3A_49, %mul3A_50 : vector<1x4096xf32>
    %mul3A_52 = arith.constant 2.000000e+00 : f32
    %mul3A_53 = vector.broadcast %mul3A_52 : f32 to vector<1x4096xf32>
    %mul3A_54 = arith.mulf %mul3A_53, %sub3A_51 : vector<1x4096xf32>
    %mul3A_55 = arith.mulf %mul3A_38, %mul3A_40 : vector<1x4096xf32>
    %mul3A_56 = arith.mulf %mul3A_37, %mul3A_39 : vector<1x4096xf32>
    %add3A_57 = arith.addf %mul3A_55, %mul3A_56 : vector<1x4096xf32>
    %mul3A_58 = arith.constant 2.000000e+00 : f32
    %mul3A_59 = vector.broadcast %mul3A_58 : f32 to vector<1x4096xf32>
    %mul3A_60 = arith.mulf %mul3A_59, %add3A_57 : vector<1x4096xf32>
    %mul3A_61 = arith.mulf %mul3A_38, %mul3A_39 : vector<1x4096xf32>
    %mul3A_62 = arith.mulf %mul3A_37, %mul3A_40 : vector<1x4096xf32>
    %add3A_63 = arith.addf %mul3A_61, %mul3A_62 : vector<1x4096xf32>
    %mul3A_64 = arith.constant 2.000000e+00 : f32
    %mul3A_65 = vector.broadcast %mul3A_64 : f32 to vector<1x4096xf32>
    %mul3A_66 = arith.mulf %mul3A_65, %add3A_63 : vector<1x4096xf32>
    %mul3A_67 = arith.mulf %mul3A_38, %mul3A_38 : vector<1x4096xf32>
    %mul3A_68 = arith.mulf %mul3A_40, %mul3A_40 : vector<1x4096xf32>
    %add3A_69 = arith.addf %mul3A_67, %mul3A_68 : vector<1x4096xf32>
    %mul3A_70 = arith.constant 2.000000e+00 : f32
    %mul3A_71 = vector.broadcast %mul3A_70 : f32 to vector<1x4096xf32>
    %mul3A_72 = arith.mulf %mul3A_71, %add3A_69 : vector<1x4096xf32>
    %sub3A_73 = arith.constant 1.000000e+00 : f32
    %sub3A_74 = vector.broadcast %sub3A_73 : f32 to vector<1x4096xf32>
    %sub3A_75 = arith.subf %sub3A_74, %mul3A_72 : vector<1x4096xf32>
    %mul3A_76 = arith.mulf %mul3A_39, %mul3A_40 : vector<1x4096xf32>
    %mul3A_77 = arith.mulf %mul3A_37, %mul3A_38 : vector<1x4096xf32>
    %sub3A_78 = arith.subf %mul3A_76, %mul3A_77 : vector<1x4096xf32>
    %mul3A_79 = arith.constant 2.000000e+00 : f32
    %mul3A_80 = vector.broadcast %mul3A_79 : f32 to vector<1x4096xf32>
    %mul3A_81 = arith.mulf %mul3A_80, %sub3A_78 : vector<1x4096xf32>
    %mul3A_82 = arith.mulf %mul3A_38, %mul3A_40 : vector<1x4096xf32>
    %mul3A_83 = arith.mulf %mul3A_37, %mul3A_39 : vector<1x4096xf32>
    %sub3A_84 = arith.subf %mul3A_82, %mul3A_83 : vector<1x4096xf32>
    %mul3A_85 = arith.constant 2.000000e+00 : f32
    %mul3A_86 = vector.broadcast %mul3A_85 : f32 to vector<1x4096xf32>
    %mul3A_87 = arith.mulf %mul3A_86, %sub3A_84 : vector<1x4096xf32>
    %mul3A_88 = arith.mulf %mul3A_39, %mul3A_40 : vector<1x4096xf32>
    %mul3A_89 = arith.mulf %mul3A_37, %mul3A_38 : vector<1x4096xf32>
    %add3A_90 = arith.addf %mul3A_88, %mul3A_89 : vector<1x4096xf32>
    %mul3A_91 = arith.constant 2.000000e+00 : f32
    %mul3A_92 = vector.broadcast %mul3A_91 : f32 to vector<1x4096xf32>
    %mul3A_93 = arith.mulf %mul3A_92, %add3A_90 : vector<1x4096xf32>
    %mul3A_94 = arith.mulf %mul3A_38, %mul3A_38 : vector<1x4096xf32>
    %mul3A_95 = arith.mulf %mul3A_39, %mul3A_39 : vector<1x4096xf32>
    %add3A_96 = arith.addf %mul3A_94, %mul3A_95 : vector<1x4096xf32>
    %mul3A_97 = arith.constant 2.000000e+00 : f32
    %mul3A_98 = vector.broadcast %mul3A_97 : f32 to vector<1x4096xf32>
    %mul3A_99 = arith.mulf %mul3A_98, %add3A_96 : vector<1x4096xf32>
    %sub3A_100 = arith.constant 1.000000e+00 : f32
    %sub3A_101 = vector.broadcast %sub3A_100 : f32 to vector<1x4096xf32>
    %sub3A_102 = arith.subf %sub3A_101, %mul3A_99 : vector<1x4096xf32>
    %get3A_103 = arith.constant 0 : index
    %get3A_104 = arith.constant 0 : index
    %get3A_105 = vector.load %arg1[%get3A_103, %get3A_104] : memref<3x4096xf32, #tpu.memory_space<vmem>>, vector<1x4096xf32>
    %mul3A_106 = arith.mulf %get3A_105, %max3A_14 : vector<1x4096xf32>
    %integer_pow3A = arith.mulf %mul3A_106, %mul3A_106 : vector<1x4096xf32>
    %get3A_107 = arith.constant 1 : index
    %get3A_108 = arith.constant 0 : index
    %get3A_109 = vector.load %arg1[%get3A_107, %get3A_108] : memref<3x4096xf32, #tpu.memory_space<vmem>>, vector<1x4096xf32>
    %mul3A_110 = arith.mulf %get3A_109, %max3A_14 : vector<1x4096xf32>
    %integer_pow3A_111 = arith.mulf %mul3A_110, %mul3A_110 : vector<1x4096xf32>
    %get3A_112 = arith.constant 2 : index
    %get3A_113 = arith.constant 0 : index
    %get3A_114 = vector.load %arg1[%get3A_112, %get3A_113] : memref<3x4096xf32, #tpu.memory_space<vmem>>, vector<1x4096xf32>
    %mul3A_115 = arith.mulf %get3A_114, %max3A_14 : vector<1x4096xf32>
    %integer_pow3A_116 = arith.mulf %mul3A_115, %mul3A_115 : vector<1x4096xf32>
    %mul3A_117 = arith.mulf %integer_pow3A, %sub3A_48 : vector<1x4096xf32>
    %mul3A_118 = arith.mulf %mul3A_117, %sub3A_48 : vector<1x4096xf32>
    %mul3A_119 = arith.mulf %integer_pow3A_111, %mul3A_54 : vector<1x4096xf32>
    %mul3A_120 = arith.mulf %mul3A_119, %mul3A_54 : vector<1x4096xf32>
    %add3A_121 = arith.addf %mul3A_118, %mul3A_120 : vector<1x4096xf32>
    %mul3A_122 = arith.mulf %integer_pow3A_116, %mul3A_60 : vector<1x4096xf32>
    %mul3A_123 = arith.mulf %mul3A_122, %mul3A_60 : vector<1x4096xf32>
    %add3A_124 = arith.addf %add3A_121, %mul3A_123 : vector<1x4096xf32>
    %swap3A = arith.constant 0 : index
    %swap3A_125 = arith.constant 0 : index
    %swap3A_126 = vector.load %arg3[%swap3A, %swap3A_125] : memref<9x4096xf32, #tpu.memory_space<vmem>>, vector<1x4096xf32>
    tpu.vector_store %arg3[%swap3A, %swap3A_125], %add3A_124 {strides = array<i32>} : memref<9x4096xf32, #tpu.memory_space<vmem>>, vector<1x4096xf32>,
    %mul3A_127 = arith.mulf %integer_pow3A, %sub3A_48 : vector<1x4096xf32>
    %mul3A_128 = arith.mulf %mul3A_127, %mul3A_66 : vector<1x4096xf32>
    %mul3A_129 = arith.mulf %integer_pow3A_111, %mul3A_54 : vector<1x4096xf32>
    %mul3A_130 = arith.mulf %mul3A_129, %sub3A_75 : vector<1x4096xf32>
    %add3A_131 = arith.addf %mul3A_128, %mul3A_130 : vector<1x4096xf32>
    %mul3A_132 = arith.mulf %integer_pow3A_116, %mul3A_60 : vector<1x4096xf32>
    %mul3A_133 = arith.mulf %mul3A_132, %mul3A_81 : vector<1x4096xf32>
    %add3A_134 = arith.addf %add3A_131, %mul3A_133 : vector<1x4096xf32>
    %swap3A_135 = arith.constant 1 : index
    %swap3A_136 = arith.constant 0 : index
    %swap3A_137 = vector.load %arg3[%swap3A_135, %swap3A_136] : memref<9x4096xf32, #tpu.memory_space<vmem>>, vector<1x4096xf32>
    tpu.vector_store %arg3[%swap3A_135, %swap3A_136], %add3A_134 {strides = array<i32>} : memref<9x4096xf32, #tpu.memory_space<vmem>>, vector<1x4096xf32>,
    %swap3A_138 = arith.constant 3 : index
    %swap3A_139 = arith.constant 0 : index
    %swap3A_140 = vector.load %arg3[%swap3A_138, %swap3A_139] : memref<9x4096xf32, #tpu.memory_space<vmem>>, vector<1x4096xf32>
    tpu.vector_store %arg3[%swap3A_138, %swap3A_139], %add3A_134 {strides = array<i32>} : memref<9x4096xf32, #tpu.memory_space<vmem>>, vector<1x4096xf32>,
    %mul3A_141 = arith.mulf %integer_pow3A, %sub3A_48 : vector<1x4096xf32>
    %mul3A_142 = arith.mulf %mul3A_141, %mul3A_87 : vector<1x4096xf32>
    %mul3A_143 = arith.mulf %integer_pow3A_111, %mul3A_54 : vector<1x4096xf32>
    %mul3A_144 = arith.mulf %mul3A_143, %mul3A_93 : vector<1x4096xf32>
    %add3A_145 = arith.addf %mul3A_142, %mul3A_144 : vector<1x4096xf32>
    %mul3A_146 = arith.mulf %integer_pow3A_116, %mul3A_60 : vector<1x4096xf32>
    %mul3A_147 = arith.mulf %mul3A_146, %sub3A_102 : vector<1x4096xf32>
    %add3A_148 = arith.addf %add3A_145, %mul3A_147 : vector<1x4096xf32>
    %swap3A_149 = arith.constant 2 : index
    %swap3A_150 = arith.constant 0 : index
    %swap3A_151 = vector.load %arg3[%swap3A_149, %swap3A_150] : memref<9x4096xf32, #tpu.memory_space<vmem>>, vector<1x4096xf32>
    tpu.vector_store %arg3[%swap3A_149, %swap3A_150], %add3A_148 {strides = array<i32>} : memref<9x4096xf32, #tpu.memory_space<vmem>>, vector<1x4096xf32>,
    %swap3A_152 = arith.constant 6 : index
    %swap3A_153 = arith.constant 0 : index
    %swap3A_154 = vector.load %arg3[%swap3A_152, %swap3A_153] : memref<9x4096xf32, #tpu.memory_space<vmem>>, vector<1x4096xf32>
    tpu.vector_store %arg3[%swap3A_152, %swap3A_153], %add3A_148 {strides = array<i32>} : memref<9x4096xf32, #tpu.memory_space<vmem>>, vector<1x4096xf32>,
    %mul3A_155 = arith.mulf %integer_pow3A, %mul3A_66 : vector<1x4096xf32>
    %mul3A_156 = arith.mulf %mul3A_155, %mul3A_66 : vector<1x4096xf32>
    %mul3A_157 = arith.mulf %integer_pow3A_111, %sub3A_75 : vector<1x4096xf32>
    %mul3A_158 = arith.mulf %mul3A_157, %sub3A_75 : vector<1x4096xf32>
    %add3A_159 = arith.addf %mul3A_156, %mul3A_158 : vector<1x4096xf32>
    %mul3A_160 = arith.mulf %integer_pow3A_116, %mul3A_81 : vector<1x4096xf32>
    %mul3A_161 = arith.mulf %mul3A_160, %mul3A_81 : vector<1x4096xf32>
    %add3A_162 = arith.addf %add3A_159, %mul3A_161 : vector<1x4096xf32>
    %swap3A_163 = arith.constant 4 : index
    %swap3A_164 = arith.constant 0 : index
    %swap3A_165 = vector.load %arg3[%swap3A_163, %swap3A_164] : memref<9x4096xf32, #tpu.memory_space<vmem>>, vector<1x4096xf32>
    tpu.vector_store %arg3[%swap3A_163, %swap3A_164], %add3A_162 {strides = array<i32>} : memref<9x4096xf32, #tpu.memory_space<vmem>>, vector<1x4096xf32>,
    %mul3A_166 = arith.mulf %integer_pow3A, %mul3A_66 : vector<1x4096xf32>
    %mul3A_167 = arith.mulf %mul3A_166, %mul3A_87 : vector<1x4096xf32>
    %mul3A_168 = arith.mulf %integer_pow3A_111, %sub3A_75 : vector<1x4096xf32>
    %mul3A_169 = arith.mulf %mul3A_168, %mul3A_93 : vector<1x4096xf32>
    %add3A_170 = arith.addf %mul3A_167, %mul3A_169 : vector<1x4096xf32>
    %mul3A_171 = arith.mulf %integer_pow3A_116, %mul3A_81 : vector<1x4096xf32>
    %mul3A_172 = arith.mulf %mul3A_171, %sub3A_102 : vector<1x4096xf32>
    %add3A_173 = arith.addf %add3A_170, %mul3A_172 : vector<1x4096xf32>
    %swap3A_174 = arith.constant 5 : index
    %swap3A_175 = arith.constant 0 : index
    %swap3A_176 = vector.load %arg3[%swap3A_174, %swap3A_175] : memref<9x4096xf32, #tpu.memory_space<vmem>>, vector<1x4096xf32>
    tpu.vector_store %arg3[%swap3A_174, %swap3A_175], %add3A_173 {strides = array<i32>} : memref<9x4096xf32, #tpu.memory_space<vmem>>, vector<1x4096xf32>,
    %swap3A_177 = arith.constant 7 : index
    %swap3A_178 = arith.constant 0 : index
    %swap3A_179 = vector.load %arg3[%swap3A_177, %swap3A_178] : memref<9x4096xf32, #tpu.memory_space<vmem>>, vector<1x4096xf32>
    tpu.vector_store %arg3[%swap3A_177, %swap3A_178], %add3A_173 {strides = array<i32>} : memref<9x4096xf32, #tpu.memory_space<vmem>>, vector<1x4096xf32>,
    %mul3A_180 = arith.mulf %integer_pow3A, %mul3A_87 : vector<1x4096xf32>
    %mul3A_181 = arith.mulf %mul3A_180, %mul3A_87 : vector<1x4096xf32>
    %mul3A_182 = arith.mulf %integer_pow3A_111, %mul3A_93 : vector<1x4096xf32>
    %mul3A_183 = arith.mulf %mul3A_182, %mul3A_93 : vector<1x4096xf32>
    %add3A_184 = arith.addf %mul3A_181, %mul3A_183 : vector<1x4096xf32>
    %mul3A_185 = arith.mulf %integer_pow3A_116, %sub3A_102 : vector<1x4096xf32>
    %mul3A_186 = arith.mulf %mul3A_185, %sub3A_102 : vector<1x4096xf32>
    %add3A_187 = arith.addf %add3A_184, %mul3A_186 : vector<1x4096xf32>
    %swap3A_188 = arith.constant 8 : index
    %swap3A_189 = arith.constant 0 : index
    %swap3A_190 = vector.load %arg3[%swap3A_188, %swap3A_189] : memref<9x4096xf32, #tpu.memory_space<vmem>>, vector<1x4096xf32>
    tpu.vector_store %arg3[%swap3A_188, %swap3A_189], %add3A_187 {strides = array<i32>} : memref<9x4096xf32, #tpu.memory_space<vmem>>, vector<1x4096xf32>,
    return
  }
}

</mosaic_0001>

<sc_bundles>
// kernel: kernel.4.cloned.1.call-start
scs
__scs_entry_jumppad:
0x0: {  	(pc) =	sbr.rel $0x88, $3  }
0x1: {  	(tag) =	ssettag $0x0;
	lr =	simm.s32 $0x1  }
0x2: {  	[smem:$0x3F9E] =	sst lr;
	_ =	strace $0xD0000000  }
0x3: {  	_ = 	snop  }
0x4: {  	_ = 	snop  }
0x5: {  	_ = 	snop  }
0x6: {  	_ = 	snop  }
0x7: {  	_ = 	snop  }
__scs_overlays_trampoline_lowered:
0x8: {  	[smem:$0x3FAD] =	sst s0  }
0x9: {  	[smem:$0x3FAE] =	sst s1  }
0xa: {  	[smem:$0x3FAF] =	sst s2  }
0xb: {  	[smem:$0x3FB0] =	sst s3  }
0xc: {  	[smem:$0x3FB1] =	sst s4  }
0xd: {  	[smem:$0x3FB2] =	sst s5  }
0xe: {  	[smem:$0x3FB3] =	sst s6  }
0xf: {  	[smem:$0x3FB4] =	sst s7  }
0x10: {  	[smem:$0x3FB5] =	sst s8  }
0x11: {  	[smem:$0x3FB6] =	sst s9;
	s0 =	simm.s32 @!p0 $0x0  }
0x12: {  	s1 =	sld [smem:$0x3F9C];
	s0 =	simm.s32 @p0 $0x1  }
0x13: {  	[smem:$0x3FB7] =	sst s0;
	s0 =	simm.s32 @!p1 $0x0  }
0x14: {  	s2 =	sld [smem:$0x3F9B];
	s0 =	simm.s32 @p1 $0x1  }
0x15: {  	[smem:$0x3FB8] =	sst s0;
	s0 =	simm.s32 @!p2 $0x0  }
0x16: {  	s3 =	sld [smem:$0x3FDB];
	s0 =	simm.s32 @p2 $0x1  }
0x17: {  	s4 =	simm.s32 $0x1BF5;
	[smem:$0x3FBA] =	sst s0  }
0x18: {  	s0 =	sld [smem:$0x3F9D];
	_ =	swait.ge [sflag:s4], $0x0  }
0x19: {  	s7 =	sld [smem:$0x3F9E]  }
0x1a: {  	s8 =	sadd.s32 $0xFFFFE003, lr  }
0x1b: {  	s9 =	sadd.s32 $0xFFFFFEF7, lr;
	s5 =	simm.s32 $0xFFFFFFFF;
	p2 =	slt.u32 s8, $0xFFFFF086  }
0x1c: {  	p1 =	slt.u32 s9, $0xF7A;
	s5 =	simm.s32 @!p2 $0x0  }
0x1d: {  	s5 =	simm.s32 @p1 $0x1;
	p0 =	seq.s32 s7, s2  }
0x1e: {  	s7 =	smul.u32 @!p0 $0xF7A, s2;
	p2 =	seq.s32 @!p0 s5, $0x0  }
0x1f: {  	s9 =	smul.u32 $0xF7A, s1;
	s8 =	simm.s32 @!p0 $0x1BF5;
	p2 =	por !p2, p0  }
0x20: {  	[sflag:s8] =	ssyncset.s32 @!p0 $0xFFFFF086;
	s6 =	sadd.s32 @!p0 s3, s7;
	s7 =	simm.s32 @!p0 $0x108  }
0x21: {  	s3 =	sadd.s32 s3, s9;
	s6 =	sadd.s32 @!p0 $0x88, s6;
	s7 =	simm.s32 @p2 $0x1082  }
0x22: {  	[simem:s7], [sflag:s8] =	dma.local @!p0 [hbm:s6], $0xF7A  }
0x23: {  	s9 =	sor.u32 $0xD0000000, s2;
	s6 =	simm.s32 $0x108;
	_ =	swait.ge @!p0 [sflag:s8], $0x0  }
0x24: {  	s3 =	sadd.s32 $0x88, s3;
	s6 =	simm.s32 @!p1 $0x1082;
	[sflag:s4] =	ssyncset.s32 $0xFFFFF086  }
0x25: {  	[simem:s6], [sflag:s4] =	dma.local [hbm:s3], $0xF7A  }
0x26: {  	[smem:$0x3F9E] =	sst s1;
	(tag) =	ssettag s2;
	_ =	strace s9  }
0x27: {  	s1 =	sld [smem:$0x3FAE]  }
0x28: {  	s2 =	sld [smem:$0x3FAF]  }
0x29: {  	s4 =	sld [smem:$0x3FB1]  }
0x2a: {  	p0 =	seq.s32 s5, $0x0;
	s5 =	sld [smem:$0x3FB2]  }
0x2b: {  	s6 =	sld [smem:$0x3FB3]  }
0x2c: {  	s7 =	sld [smem:$0x3FB4]  }
0x2d: {  	s3 =	simm.s32 $0x108;
	s8 =	sld [smem:$0x3FB5]  }
0x2e: {  	s3 =	simm.s32 @!p0 $0x1082;
	s9 =	sld [smem:$0x3FB6]  }
0x2f: {  	lr =	sadd.s32 s0, s3;
	s0 =	sld [smem:$0x3FAD]  }
0x30: {  	s3 =	sld [smem:$0x3FB0]  }
0x31: {  	[smem:$0x3FB9] =	sst s10  }
0x32: {  	s10 =	sld [smem:$0x3FB7];
	_ =	sdelay $0x3  }
0x33: {  	p0 =	seq.s32 s10, $0x1;
	s10 =	sld [smem:$0x3FB9];
	_ =	sdelay $0x3  }
0x34: {  	[smem:$0x3FB9] =	sst s10  }
0x35: {  	s10 =	sld [smem:$0x3FB8];
	_ =	sdelay $0x3  }
0x36: {  	p1 =	seq.s32 s10, $0x1;
	s10 =	sld [smem:$0x3FB9];
	_ =	sdelay $0x3  }
0x37: {  	[smem:$0x3FB9] =	sst s10  }
0x38: {  	s10 =	sld [smem:$0x3FBA]  }
0x39: {  	_ = 	snop;
	(pc) =	sbr.ind lr, $3  }
0x3a: {  	_ = 	snop  }
0x3b: {  	_ = 	snop  }
0x3c: {  	p2 =	seq.s32 s10, $0x1;
	s10 =	sld [smem:$0x3FB9]  }
0x3d: {  	_ =	shalt  }
0x3e: {  	_ =	shalt  }
0x3f: {  	_ =	shalt  }
0x40: {  	_ =	shalt  }
0x41: {  	_ =	shalt  }
0x42: {  	_ =	shalt  }
0x43: {  	_ =	shalt  }
0x44: {  	_ =	shalt  }
0x45: {  	_ =	shalt  }
0x46: {  	_ =	shalt  }
0x47: {  	_ =	shalt  }
0x48: {  	_ =	shalt  }
0x49: {  	_ =	shalt  }
0x4a: {  	_ =	shalt  }
0x4b: {  	_ =	shalt  }
0x4c: {  	_ =	shalt  }
0x4d: {  	_ =	shalt  }
0x4e: {  	_ =	shalt  }
0x4f: {  	_ =	shalt  }
0x50: {  	_ =	shalt  }
0x51: {  	_ =	shalt  }
0x52: {  	_ =	shalt  }
0x53: {  	_ =	shalt  }
0x54: {  	_ =	shalt  }
0x55: {  	_ =	shalt  }
0x56: {  	_ =	shalt  }
0x57: {  	_ =	shalt  }
0x58: {  	_ =	shalt  }
0x59: {  	_ =	shalt  }
0x5a: {  	_ =	shalt  }
0x5b: {  	_ =	shalt  }
0x5c: {  	_ =	shalt  }
0x5d: {  	_ =	shalt  }
0x5e: {  	_ =	shalt  }
0x5f: {  	_ =	shalt  }
0x60: {  	_ =	shalt  }
0x61: {  	_ =	shalt  }
0x62: {  	_ =	shalt  }
0x63: {  	_ =	shalt  }
0x64: {  	_ =	shalt  }
0x65: {  	_ =	shalt  }
0x66: {  	_ =	shalt  }
0x67: {  	_ =	shalt  }
0x68: {  	_ =	shalt  }
0x69: {  	_ =	shalt  }
0x6a: {  	_ =	shalt  }
0x6b: {  	_ =	shalt  }
0x6c: {  	_ =	shalt  }
0x6d: {  	_ =	shalt  }
0x6e: {  	_ =	shalt  }
0x6f: {  	_ =	shalt  }
0x70: {  	_ =	shalt  }
0x71: {  	_ =	shalt  }
0x72: {  	_ =	shalt  }
0x73: {  	_ =	shalt  }
0x74: {  	_ =	shalt  }
0x75: {  	_ =	shalt  }
0x76: {  	_ =	shalt  }
0x77: {  	_ =	shalt  }
0x78: {  	_ =	shalt  }
0x79: {  	_ =	shalt  }
0x7a: {  	_ =	shalt  }
0x7b: {  	_ =	shalt  }
0x7c: {  	_ =	shalt  }
0x7d: {  	_ =	shalt  }
0x7e: {  	_ =	shalt  }
0x7f: {  	_ =	shalt  }
0x80: {  	_ =	shalt  }
0x81: {  	_ =	shalt  }
0x82: {  	_ =	shalt  }
0x83: {  	_ =	shalt  }
0x84: {  	_ =	shalt  }
0x85: {  	_ =	shalt  }
0x86: {  	_ =	shalt  }
0x87: {  	_ =	shalt  }
.Lfunc_end0:
.L_simem_size_0:
called_computation_lowered:
.L_overlay_start_0:
0x88: {  	s2 =	sld [smem:$0x3FD9]  }
0x89: {  	s3 =	sld [smem:$0x3FFE];
	_ =	sdelay $0x1  }
0x8a: {  	s1 =	srdreg.scid  }
0x8b: {  	s0 =	sand.u32 $0x1, s1  }
0x8c: {  	s17 =	sshll.u32 s0, $0xA;
	s2 =	sadd.s32 s3, s2  }
0x8d: {  	s2 =	sadd.s32 s2, s17  }
0x8e: {  	[smem:$0x3FC5] =	sst s2  }
0x8f: {  	_ = 	snop  }
0x90: {  	s2 =	sld [smem:$0x3FC9];
	(tm) =	ssettm $0x1  }
0x91: {  	s18 =	sld [smem:$0x3FFB];
	_ =	sdelay $0x3  }
0x92: {  	_ =	strace s18  }
0x93: {  	s3 =	sld [smem:$0x3FFC];
	_ =	sdelay $0x3  }
0x94: {  	_ =	strace s3  }
0x95: {  	s3 =	sld [smem:$0x3FFD];
	_ =	sdelay $0x3  }
0x96: {  	_ =	strace s3  }
0x97: {  	_ =	strace $0x8FFFFFFF  }
0x98: {  	s19 =	sld [smem:$0x3FDB];
	_ =	sdelay $0x1  }
0x99: {  	s4 =	simm.s32 $_scs_section_size  }
0x9a: {  	s5 =	simm.s32 $_size__tile_overlayer_lowered;
	s6 =	simm.s32 $_tile_overlayer_lowered  }
0x9b: {  	s22 =	simm.s32 $0x1BFF;
	s21 =	sshll.u32 s6, $0x1;
	s3 =	sadd.s32 s4, s19  }
0x9c: {  	s7 =	simm.s32 $0x0;
	s20 =	sshll.u32 s5, $0x1;
	s5 =	sadd.s32 s21, s3  }
0x9d: {  	[timem:s7], [sflag:s22] =	dma.local [hbm:s5], s20  }
0x9e: {  	_ =	swait.ge [sflag:s22], s20  }
0x9f: {  	s4 =	ssub.s32 $0x0, s20;
	[sflag:s22] =	ssyncset.done $0x0  }
0xa0: {  	[sflag:s22] =	ssyncadd.s32 s4;
	_ =	sdelay $0x1  }
0xa1: {  	s23 =	simm.s32 $0x1B8B  }
0xa2: {  	_ =	swait.ge [sflag:s23], $0x1  }
0xa3: {  	[sflag:s23] =	ssyncset.done $0x0  }
0xa4: {  	s25 =	simm.s32 $0x1B8E;
	s24 =	sld [smem:$0x3FFE];
	[sflag:s23] =	ssyncadd.s32 $0xFFFFFFFF  }
0xa5: {  	s26 =	simm.s32 $execute0_lowered;
	[smem:$0x3FD2] =	sst s25  }
0xa6: {  	s5 =	sshll.u32 s26, $0x1;
	_ =	strace $0x80000046;
	[dreg:$0x1] =	wrdreg $0xFFFFFFFF  }
0xa7: {  	s28 =	simm.s32 $_size_execute0_lowered;
	s3 =	sadd.s32 s3, s5;
	[dreg:$0x0] =	wrdreg $0x0  }
0xa8: {  	s5 =	sshll.u32 s28, $0x1;
	[dreg:$0x2] =	wrdreg s3  }
0xa9: {  	[dreg:$0x3] =	wrdreg s5  }
0xaa: {  	[dreg:$0x4] =	wrdreg $0xC0  }
0xab: {  	_ =	task [dreg:s7], $0x5FFFF  }
0xac: {  	[dreg:$0x1] =	wrdreg $0xFFFFFFFF  }
0xad: {  	[dreg:$0x0] =	wrdreg $0x60  }
0xae: {  	[dreg:$0x2] =	wrdreg s2  }
0xaf: {  	[dreg:$0x3] =	wrdreg s24  }
0xb0: {  	[dreg:$0x4] =	wrdreg $0x9  }
0xb1: {  	_ =	task.clear_ibuf [dreg:s7], $0x5FFFF;
	_ =	strace $0x90000046  }
0xb2: {  	s29 =	simm.s32 $0x9;
	_ =	strace $0x80000048  }
0xb3: {  	_ =	swait.ge [sflag:s29], $0x1  }
0xb4: {  	[sflag:s29] =	ssyncadd.s32 $0xFFFFFFFF  }
0xb5: {  	_ =	strace $0x90000048  }
0xb6: {  	_ =	sfence  }
0xb7: {  	s30 =	sld [smem:$0x0];
	_ =	sdelay $0x2  }
0xb8: {  	s31 =	sshll.u32 s1, $0xD;
	s1 =	sshrl.u32 s1, $0x2  }
0xb9: {  	s3 =	sand.u32 $0x4000, s31;
	s1 =	sadd.s32 s1, s30  }
0xba: {  	s0 =	sor.u32 s3, s0;
	s1 =	sshll.u32 s1, $0x11  }
0xbb: {  	s0 =	sor.u32 s1, s0  }
0xbc: {  	s0 =	sadd.s32 $0x8F2B, s0  }
0xbd: {  	[sflag:s0] =	ssyncadd.remote.s32 $0x1  }
0xbe: {  	_ =	sfence.sel $0xFFFF  }
0xbf: {  	[dreg:$0x0] =	wrdreg $0xFFFFFFFF;
	(pc) =	sbr.abs _section_cstart, $3  }
0xc0: {  	[dreg:$0x1] =	wrdreg $0xFFFFFFFF  }
0xc1: {  	_ =	task.clear_ibuf [dreg:s7], $0x2FFFF;
	_ =	strace $0x9FFFFFFF  }
0xc2: {  	(tm) =	ssettm $0x7FFFFFFF  }
0xc3: {  	_ =	shalt  }
tec
execute0_lowered:
.L_overlay_start_1:
0x0: {  	(tag) =	ssettag $0x1  }
0x1: {  	s1 =	srdreg.scid  }
0x2: {  	s0 =	rddreg [dreg:$0x1];
	_ =	strace $0x80000047;
	v0 =	vimm.f32 $6.400000000e+01;
	s3 =	sand.u32 $0x1, s1  }
0x3: {  	s4 =	stileid.u32;
	(erf) = vrcp.f32 v0;
	s1 =	ssub.s32 $0x2, s3  }
0x4: {  	s11 =	simm.s32 $0x0;
	s12 =	simm.s32 $0x1;
	s2 =	sshrl.u32 s1, $0x1  }
0x5: {  	s13 =	simm.s32 $0xA000;
	s0 =	sadd.s32 $0x800, s0;
	s26 =	ssub.s32 s1, s2  }
0x6: {  	[dreg:$0x3] =	wrdreg s0;
	s28 =	sshll.u32 s3, $0x6;
	s0 =	smax.u32 s26, $0x1  }
0x7: {  	s14 =	simm.s32 $0x4000;
	[dreg:$0x4] =	wrdreg s0;
	s0 =	sshrl.u32 s28, $0x2  }
0x8: {  	s15 =	simm.s32 $0x5000;
	s16 =	simm.s32 $0x6000;
	s17 =	simm.s32 $0x7000;
	v10 =	vmov s0  }
0x9: {  	s18 =	simm.s32 $0x8000;
	s19 =	simm.s32 $0xA400;
	s29 =	sshll.u32 s4, $0x5;
	v0 =	vlaneseq.u32  }
0xa: {  	v2 =	vimm.s32 $0x0;
	s20 =	simm.s32 $0xA480;
	s23 =	simm.s32 $0x0;
	s30 =	sor.u32 $0x4010, s29;
	v1 =	vmul.u32 $0x10, v0  }
0xb: {  	v3 =	vimm.s32 $0x1;
	v8 =	vimm.s32 $0x1000;
	v9 =	vimm.f32 $0.0e+00;
	s5 =	sshll.u32 s4, $0x1;
	s31 =	sor.u32 $0x5010, s29;
	[dreg:$0x5] =	wrdreg s30  }
0xc: {  	s9 =	sor.u32 $0x6010, s29;
	s10 =	sor.u32 $0x7010, s29;
	[dreg:$0x6] =	wrdreg s31;
	v4 =	vor.u32 $0x100, v1;
	v5 =	vor.u32 $0x200, v1;
	v6 =	vor.u32 $0x300, v1;
	v7 =	vpop (erf)  }
.LBB2_1:
0xd: {  	s0 =	rddreg [dreg:$0x0]  }
0xe: {  	[tilespmem:s11], [sflag:$0x1] =	stream.linear.gather [hbm4b:s0+s11], $0x4000, $0x38;
	[tilespmem:$0xE500] =	vst v63  }
0xf: {  	_ =	swait.ge [sflag:s12], $0x4000  }
0x10: {  	s31 =	sand.u32 $0x70, s11;
	s1 =	sand.u32 $0x3E00, s11;
	[sflag:s12] =	ssyncset.done $0x0  }
0x11: {  	s1 =	sor.u32 s31, s1;
	[sflag:s12] =	ssyncadd.s32 $0xFFFFC000  }
0x12: {  	v11 =	vimm.f32 $+Inf;
	v12 =	vimm.f32 $-Inf;
	s0 =	simm.s32 $0x10;
	v13 =	vld [tilespmem:s1+$0x0];
	s1 =	simm.s32 $0x0  }
.LBB2_2:
0x13: {  	p0 =	sne.s32 s0, $0xFF0  }
.Ltmp0:
0x14: {  	_ = 	snop;
	(pc) =	sbr.rel @p0 .LBB2_2-.Ltmp0, $4  }
0x15: {  	s1 =	sadd.s32 $0x40, s1  }
0x16: {  	s2 =	sand.u32 $0x70, s0;
	s4 =	sand.u32 $0x3E00, s1  }
0x17: {  	s2 =	sor.u32 s2, s4  }
0x18: {  	s0 =	sadd.s32 $0x10, s0;
	v11 =	vmin.f32 v11, v13;
	v12 =	vmax.f32 v12, v13;
	v13 =	vld [tilespmem:s2+$0x0]  }
0x19: {  	_ =	sdelay $0x3  }
0x1a: {  	s0 =	simm.s32 $0x40;
	s1 =	simm.s32 $0x0;
	v11 =	vmin.f32 v11, v13;
	v12 =	vmax.f32 v12, v13  }
.LBB2_4:
0x1b: {  	p0 =	sne.s32 s0, $0xFC0;
	[tilespmem:s1+$0xA000] =	vst v2;
	s1 =	smov.u32 s0;
	s0 =	sadd.s32 $0x40, s0  }
.Ltmp1:
0x1c: {  	(pc) =	sbr.rel @p0 .LBB2_4-.Ltmp1, $2  }
0x1d: {  	_ =	sdelay $0x2  }
0x1e: {  	s1 =	sshra.s32 s1, $0x2  }
0x1f: {  	(xrf0) =	vmin.scan.msk.f32 $0xffff, v11  }
0x20: {  	(xrf0) =	vmax.scan.msk.f32 $0xffff, v12;
	_ =	sdelay $0x4  }
0x21: {  	v11, _, _ =	vpop (xrf0)  }
0x22: {  	v12, _, _ =	vpop (xrf0)  }
0x23: {  	v12 =	vsub.f32 v12, v11;
	_ =	sdelay $0x1  }
0x24: {  	v12 =	vmax.f32 v12, $1.000000000e-30  }
0x25: {  	v14 =	vbroadcast v12, $0xF;
	_ =	sdelay $0x1  }
0x26: {  	(erf) = vrcp.f32 v14  }
0x27: {  	s0 =	simm.s32 $0x0  }
0x28: {  	s2 =	sand.u32 $0xF800, s0  }
0x29: {  	s4 =	sand.u32 $0x70, s0;
	s2 =	sshrl.u32 s2, $0x2  }
0x2a: {  	[tilespmem:s1+$0xA000] =	vst v2;
	s31 =	sor.u32 s4, s2  }
0x2b: {  	v15 =	vld [tilespmem:s31+$0x0];
	_ =	sdelay $0x2  }
0x2c: {  	v12 =	vbroadcast v11, $0xF  }
0x2d: {  	v13 =	vpop (erf)  }
0x2e: {  	v15 =	vsub.f32 v15, v12;
	v13 =	vmul.f32 $6.400000000e+01, v13;
	_ =	sdelay $0x1  }
0x2f: {  	v15 =	vmul.f32 v15, v13;
	_ =	sdelay $0x1  }
0x30: {  	v15 =	vtrunc.f32 v15  }
0x31: {  	v15 =	vcvt.f32.s32 v15;
	_ =	sdelay $0x1  }
0x32: {  	vm0 =	vgt.s32 v15, $0x0  }
0x33: {  	v15 =	vnsel vm0, $0x0, v15  }
0x34: {  	v15 =	vmin.u32 v15, $0x3F  }
0x35: {  	s1 =	simm.s32 $0x9000;
	v16 =	vshll.u32 v15, $0x4  }
0x36: {  	[tilespmem:s1+$0x0] =	vst v15;
	v15 =	vor.u32 v0, v16;
	_ =	sdelay $0x1  }
0x37: {  	s2 =	simm.s32 $0x100  }
0x38: {  	s6 =	simm.s32 $0x10;
	s4 =	simm.s32 $0x20;
	s7 =	sand.u32 $0xF800, s2  }
.LBB2_6:
0x39: {  	p0 =	sne.s32 s4, $0xFF0;
	s6 =	sand.u32 $0x70, s6;
	s7 =	sshrl.u32 s7, $0x2  }
0x3a: {  	s7 =	sor.u32 s6, s7;
	[tilespmem:v15+s13+$0x0] =	vst.idx.add.s32.msk $0xffff, v3;
	s6 =	smov.u32 s4  }
0x3b: {  	v15 =	vld [tilespmem:s7+$0x0];
	_ =	sdelay $0x4  }
0x3c: {  	v15 =	vsub.f32 v15, v12;
	_ =	sdelay $0x1  }
0x3d: {  	v15 =	vmul.f32 v15, v13;
	_ =	sdelay $0x1  }
0x3e: {  	v15 =	vtrunc.f32 v15  }
0x3f: {  	v15 =	vcvt.f32.s32 v15;
	_ =	sdelay $0x1  }
0x40: {  	vm0 =	vgt.s32 v15, $0x0  }
0x41: {  	v15 =	vnsel vm0, $0x0, v15  }
0x42: {  	s1 =	sadd.s32 $0x10, s1;
	v15 =	vmin.u32 v15, $0x3F  }
.Ltmp2:
0x43: {  	[tilespmem:s1+$0x0] =	vst v15;
	v15 =	vshll.u32 v15, $0x4;
	(pc) =	sbr.rel @p0 .LBB2_6-.Ltmp2, $3  }
0x44: {  	v15 =	vor.u32 v0, v15;
	_ =	sdelay $0x1  }
0x45: {  	s2 =	sadd.s32 $0x100, s2  }
0x46: {  	s4 =	sadd.s32 $0x10, s4;
	s7 =	sand.u32 $0xF800, s2  }
0x47: {  	_ =	sdelay $0x2  }
0x48: {  	s2 =	sand.u32 $0x70, s6;
	s4 =	sshrl.u32 s7, $0x2  }
0x49: {  	[tilespmem:v15+s13+$0x0] =	vst.idx.add.s32.msk $0xffff, v3;
	s2 =	sor.u32 s2, s4  }
0x4a: {  	v15 =	vld [tilespmem:s2+$0x0];
	_ =	sdelay $0x4  }
0x4b: {  	v15 =	vsub.f32 v15, v12;
	_ =	sdelay $0x1  }
0x4c: {  	v15 =	vmul.f32 v15, v13;
	_ =	sdelay $0x1  }
0x4d: {  	v15 =	vtrunc.f32 v15  }
0x4e: {  	v15 =	vcvt.f32.s32 v15;
	_ =	sdelay $0x1  }
0x4f: {  	vm0 =	vgt.s32 v15, $0x0  }
0x50: {  	v15 =	vnsel vm0, $0x0, v15  }
0x51: {  	v15 =	vmin.u32 v15, $0x3F  }
0x52: {  	v16 =	vshll.u32 v15, $0x4  }
0x53: {  	v16 =	vor.u32 v0, v16;
	_ =	sdelay $0x2  }
0x54: {  	s1 =	sadd.s32 $0x10, s1  }
0x55: {  	[tilespmem:s1+$0x0] =	vst v15  }
0x56: {  	s31 =	simm.s32 $0x0;
	[tilespmem:v16+s13+$0x0] =	vst.idx.add.s32.msk $0xffff, v3  }
0x57: {  	v15 =	vld [tilespmem:s31+$0xA000];
	_ =	sdelay $0x4  }
0x58: {  	(xrf0) =	vadd.scan.msk.s32 $0xffff, v15;
	_ =	sdelay $0x5  }
0x59: {  	v63, _, _ =	vpop (xrf0)  }
0x5a: {  	(v2sf) =	vpush v63, $0xF  }
0x5b: {  	v15 =	vsub.s32 s0, v15  }
0x5c: {  	v15 =	vadd.s32 v63, v15  }
0x5d: {  	s2 =	simm.s32 $0x80;
	s1 =	simm.s32 $0x10;
	[tilespmem:s31+$0xA000] =	vst v15  }
.LBB2_8:
0x5e: {  	p0 =	sne.s32 s2, $0xFC0;
	v15 =	vld [tilespmem:s1+$0xA000];
	_ =	sdelay $0x4  }
0x5f: {  	(xrf0) =	vadd.scan.msk.s32 $0xffff, v15;
	_ =	sdelay $0x5  }
.Ltmp3:
0x60: {  	v16, _, _ =	vpop (xrf0);
	s4 =	spop (v2sf);
	(pc) =	sbr.rel @p0 .LBB2_8-.Ltmp3, $4  }
0x61: {  	(v2sf) =	vpush v16, $0xF;
	s0 =	sadd.s32 s0, s4  }
0x62: {  	v15 =	vsub.s32 s0, v15  }
0x63: {  	v15 =	vadd.s32 v16, v15  }
0x64: {  	[tilespmem:s1+$0xA000] =	vst v15;
	s1 =	sshra.s32 s2, $0x2;
	s2 =	sadd.s32 $0x40, s2  }
0x65: {  	_ =	sdelay $0x1  }
0x66: {  	v15 =	vld [tilespmem:s1+$0xA000];
	_ =	sdelay $0x4  }
0x67: {  	(xrf0) =	vadd.scan.msk.s32 $0xffff, v15;
	_ =	sdelay $0x3  }
0x68: {  	s2 =	spop (v2sf)  }
0x69: {  	s0 =	sadd.s32 s0, s2  }
0x6a: {  	v16, _, _ =	vpop (xrf0);
	v15 =	vsub.s32 s0, v15  }
0x6b: {  	v15 =	vadd.s32 v16, v15  }
0x6c: {  	[tilespmem:s1+$0xA000] =	vst v15  }
0x6d: {  	v15 =	vld.idx.msk [tilespmem:v1+s13+$0x0], $0xffff;
	_ =	sdelay $0x4  }
0x6e: {  	[tilespmem:$0xA400] =	vst v15  }
0x6f: {  	v15 =	vld.idx.msk [tilespmem:v4+s13+$0x0], $0xffff;
	_ =	sdelay $0x4  }
0x70: {  	[tilespmem:$0xA410] =	vst v15  }
0x71: {  	v15 =	vld.idx.msk [tilespmem:v5+s13+$0x0], $0xffff;
	_ =	sdelay $0x4  }
0x72: {  	[tilespmem:$0xA420] =	vst v15  }
0x73: {  	v15 =	vld.idx.msk [tilespmem:v6+s13+$0x0], $0xffff;
	_ =	sdelay $0x3  }
0x74: {  	[tilespmem:$0xA440] =	vst v8  }
0x75: {  	s26 =	simm.s32 $0x0;
	[tilespmem:$0xA430] =	vst v15  }
0x76: {  	v15 =	vld [tilespmem:s26+$0x9000];
	_ =	sdelay $0x4  }
0x77: {  	v15 =	vshll.u32 v15, $0x4  }
0x78: {  	s28 =	simm.s32 $0x0;
	v15 =	vor.u32 v0, v15  }
0x79: {  	s29 =	sand.u32 $0x70, s28;
	s30 =	sand.u32 $0x3E00, s28;
	(v2sf) =	vpush v16, $0xF  }
0x7a: {  	s0 =	sor.u32 s29, s30  }
0x7b: {  	v17 =	vld [tilespmem:s0+$0x80]  }
0x7c: {  	v18 =	vld [tilespmem:s0+$0x0]  }
0x7d: {  	v16 =	vld.idx.msk [tilespmem:v15+s13+$0x0], $0xffff;
	_ =	sdelay $0x1  }
0x7e: {  	v19 =	vld [tilespmem:s0+$0x100];
	_ =	sdelay $0x2  }
0x7f: {  	v20 =	vmul.f32 v17, v17;
	v21 =	vmul.f32 v18, v18;
	_ =	sdelay $0x1  }
0x80: {  	v63 =	vmul.f32 v19, v19;
	v20 =	vadd.f32 v20, v21  }
0x81: {  	[tilespmem:v16+s14+$0x0] =	vst.idx.msk $0xffff, v18  }
0x82: {  	v18 =	vadd.f32 v63, v20;
	[tilespmem:v16+s15+$0x0] =	vst.idx.msk $0xffff, v17  }
0x83: {  	s2 =	simm.s32 $0x20;
	[tilespmem:v16+s16+$0x0] =	vst.idx.msk $0xffff, v19  }
0x84: {  	s1 =	simm.s32 $0x40;
	s31 =	spop (v2sf);
	s0 =	simm.s32 $0x10;
	v17 =	vor.u32 s28, v0;
	[tilespmem:v16+s17+$0x0] =	vst.idx.msk $0xffff, v18;
	v18 =	vadd.s32 $0x1, v16  }
.LBB2_10:
0x85: {  	p0 =	sne.s32 s2, $0xFF0  }
0x86: {  	s4 =	sshra.s32 s1, $0x2;
	[tilespmem:v16+s18+$0x0] =	vst.idx.msk $0xffff, v17;
	s6 =	smov.u32 s2;
	s2 =	sadd.s32 $0x10, s2  }
0x87: {  	[tilespmem:v15+s13+$0x0] =	vst.idx.msk $0xffff, v18  }
0x88: {  	v15 =	vld [tilespmem:s4+$0x9000];
	_ =	sdelay $0x4  }
0x89: {  	v15 =	vshll.u32 v15, $0x4  }
0x8a: {  	v15 =	vor.u32 v0, v15  }
0x8b: {  	s7 =	sand.u32 $0x3E00, s1;
	s4 =	sand.u32 $0x70, s0  }
0x8c: {  	s4 =	sor.u32 s4, s7  }
0x8d: {  	v17 =	vld [tilespmem:s4+$0x80]  }
0x8e: {  	v18 =	vld [tilespmem:s4+$0x0]  }
0x8f: {  	v16 =	vld.idx.msk [tilespmem:v15+s13+$0x0], $0xffff  }
0x90: {  	v19 =	vld [tilespmem:s4+$0x100];
	_ =	sdelay $0x1  }
0x91: {  	v20 =	vmul.f32 v17, v17  }
0x92: {  	v21 =	vmul.f32 v18, v18;
	_ =	sdelay $0x1  }
0x93: {  	v20 =	vadd.f32 v20, v21;
	v21 =	vmul.f32 v19, v19  }
.Ltmp4:
0x94: {  	(pc) =	sbr.rel @p0 .LBB2_10-.Ltmp4, $4  }
0x95: {  	[tilespmem:v16+s14+$0x0] =	vst.idx.msk $0xffff, v18  }
0x96: {  	v18 =	vadd.f32 v21, v20;
	[tilespmem:v16+s15+$0x0] =	vst.idx.msk $0xffff, v17  }
0x97: {  	v17 =	vor.u32 s0, v0;
	s0 =	smov.u32 s6;
	[tilespmem:v16+s16+$0x0] =	vst.idx.msk $0xffff, v19  }
0x98: {  	s1 =	sadd.s32 $0x40, s1;
	[tilespmem:v16+s17+$0x0] =	vst.idx.msk $0xffff, v18;
	v18 =	vadd.s32 $0x1, v16  }
0x99: {  	_ =	sdelay $0x3  }
0x9a: {  	[tilespmem:v16+s18+$0x0] =	vst.idx.msk $0xffff, v17  }
0x9b: {  	s2 =	sshra.s32 s1, $0x2;
	[tilespmem:v15+s13+$0x0] =	vst.idx.msk $0xffff, v18  }
0x9c: {  	v15 =	vld [tilespmem:s2+$0x9000];
	_ =	sdelay $0x4  }
0x9d: {  	v15 =	vshll.u32 v15, $0x4  }
0x9e: {  	v15 =	vor.u32 v0, v15  }
0x9f: {  	s30 =	sand.u32 $0x70, s0;
	s31 =	sand.u32 $0x3E00, s1  }
0xa0: {  	s1 =	sor.u32 s30, s31  }
0xa1: {  	v16 =	vld [tilespmem:s1+$0x80]  }
0xa2: {  	v17 =	vld [tilespmem:s1+$0x0]  }
0xa3: {  	v18 =	vld.idx.msk [tilespmem:v15+s13+$0x0], $0xffff;
	_ =	sdelay $0x1  }
0xa4: {  	v19 =	vld [tilespmem:s1+$0x100];
	_ =	sdelay $0x2  }
0xa5: {  	v20 =	vmul.f32 v16, v16;
	v21 =	vmul.f32 v17, v17;
	_ =	sdelay $0x1  }
0xa6: {  	v63 =	vmul.f32 v19, v19;
	v20 =	vadd.f32 v20, v21  }
0xa7: {  	[tilespmem:v18+s14+$0x0] =	vst.idx.msk $0xffff, v17  }
0xa8: {  	[tilespmem:v18+s15+$0x0] =	vst.idx.msk $0xffff, v16;
	v16 =	vadd.f32 v63, v20  }
0xa9: {  	[tilespmem:v18+s16+$0x0] =	vst.idx.msk $0xffff, v19  }
0xaa: {  	v14 =	vmul.f32 v14, v7;
	v17 =	vor.u32 s0, v0;
	[tilespmem:v18+s17+$0x0] =	vst.idx.msk $0xffff, v16  }
0xab: {  	s24 =	simm.s32 $0x0;
	s28 =	rddreg [dreg:$0x6];
	v16 =	vadd.s32 $0x1, v18;
	[tilespmem:v18+s18+$0x0] =	vst.idx.msk $0xffff, v17  }
0xac: {  	s25 =	smov.u32 s10;
	s26 =	smov.u32 s9;
	s29 =	rddreg [dreg:$0x5];
	[tilespmem:v15+s13+$0x0] =	vst.idx.msk $0xffff, v16;
	v15 =	vmul.f32 $1.000000050e-03, v14  }
.LBB2_12:
0xad: {  	s0 =	sshll.u32 s24, $0x5  }
0xae: {  	s0 =	sor.u32 s0, s5  }
0xaf: {  	s1 =	sor.u32 s3, s0  }
0xb0: {  	s30 =	sshll.u32 s1, $0x4  }
0xb1: {  	v16 =	vld [tilespmem:s30+$0x4000];
	_ =	sdelay $0x4  }
0xb2: {  	(xrf0) =	vmin.scan.msk.f32 $0xffff, v16;
	_ =	sdelay $0x5  }
0xb3: {  	v17, _, _ =	vpop (xrf0)  }
0xb4: {  	v17 =	vsub.f32 v17, v11;
	_ =	sdelay $0x1  }
0xb5: {  	v17 =	vbroadcast v17, $0xF;
	_ =	sdelay $0x1  }
0xb6: {  	(xrf0) =	vmax.scan.msk.f32 $0xffff, v16;
	v17 =	vmul.f32 v17, v13;
	_ =	sdelay $0x1  }
0xb7: {  	(v2sf) =	vpush v17, $0x0;
	_ =	sdelay $0x3  }
0xb8: {  	v18, _, _ =	vpop (xrf0)  }
0xb9: {  	v17 =	vsub.f32 v18, v11;
	_ =	sdelay $0x1  }
0xba: {  	v17 =	vbroadcast v17, $0xF;
	_ =	sdelay $0x1  }
0xbb: {  	v17 =	vmul.f32 v17, v13;
	_ =	sdelay $0x1  }
0xbc: {  	(v2sf) =	vpush v17, $0x0;
	_ =	sdelay $0x3  }
0xbd: {  	s21 =	spop (v2sf)  }
0xbe: {  	s0 =	scvt.f32.s32 s21;
	_ =	sdelay $0x1  }
0xbf: {  	p0 =	slt.s32 s0, $0x3F  }
0xc0: {  	s0 =	simm.s32 @!p0 $0x3F  }
0xc1: {  	s31 =	sadd.s32 $0xFFFFFFFF, s0  }
0xc2: {  	p0 =	sgt.s32 s31, $0x0  }
0xc3: {  	s31 =	simm.s32 @!p0 $0x0  }
0xc4: {  	v17 =	vmov s31  }
0xc5: {  	v17 =	vbroadcast v17, $0x0;
	_ =	sdelay $0x1  }
0xc6: {  	s22 =	spop (v2sf)  }
0xc7: {  	s0 =	scvt.f32.s32 s22;
	_ =	sdelay $0x1  }
0xc8: {  	p0 =	slt.s32 s0, $0x3E  }
0xc9: {  	s0 =	simm.s32 @!p0 $0x3E;
	v17 =	vld.idx.msk [tilespmem:v17+s19+$0x0], $0xffff  }
0xca: {  	s0 =	sadd.s32 $0x2, s0  }
0xcb: {  	v18 =	vmov s0;
	_ =	sdelay $0x2  }
0xcc: {  	(v2sf) =	vpush v17, $0x0;
	_ =	sdelay $0x1  }
0xcd: {  	v18 =	vld.idx.msk [tilespmem:v18+s19+$0x0], $0xffff;
	_ =	sdelay $0x4  }
0xce: {  	(v2sf) =	vpush v18, $0x0;
	_ =	sdelay $0x7  }
0xcf: {  	s2 =	spop (v2sf)  }
0xd0: {  	v21 =	vld [tilespmem:s30+$0x6000];
	s2 =	sshrl.u32 s2, $0x4  }
0xd1: {  	v22 =	vld [tilespmem:s30+$0x5000];
	p0 =	sge.u32 s2, s1  }
.Ltmp5:
0xd2: {  	_ = 	snop;
	(pc) =	sbr.rel @p0 .LBB2_15-.Ltmp5, $3  }
0xd3: {  	_ =	sdelay $0x1  }
0xd4: {  	v28 =	vimm.f32 $+Inf;
	v27 =	vimm.f32 $+Inf;
	v19 =	vmul.f32 $-2.000000000e+00, v21  }
0xd5: {  	v26 =	vimm.f32 $+Inf;
	v17 =	vmul.f32 $-2.000000000e+00, v16;
	v18 =	vmul.f32 $-2.000000000e+00, v22;
	s21 =	spop (v2sf)  }
0xd6: {  	s4 =	sshll.u32 s2, $0x6  }
0xd7: {  	s7 =	sshra.s32 s4, $0x2  }
0xd8: {  	s8 =	smov.u32 s2;
	s22 =	sadd.s32 $0x4000, s7  }
0xd9: {  	v26 =	vimm.f32 $+Inf;
	v27 =	vimm.f32 $+Inf;
	v28 =	vimm.f32 $+Inf;
	s4 =	sadd.s32 $0x5000, s7;
	s6 =	sadd.s32 $0x6000, s7;
	s7 =	sadd.s32 $0x7000, s7  }
.LBB2_14:
0xda: {  	v25 =	vld [tilespmem:s22+$0x0]  }
0xdb: {  	v24 =	vld [tilespmem:s4+$0x0]  }
0xdc: {  	v23 =	vld [tilespmem:s6+$0x0];
	_ =	sdelay $0x3  }
0xdd: {  	v20 =	vld [tilespmem:s7+$0x0];
	v29 =	vbroadcast v25, $0x0;
	v30 =	vbroadcast v24, $0x0  }
0xde: {  	v31 =	vbroadcast v23, $0x0;
	v32 =	vbroadcast v24, $0x1  }
0xdf: {  	v33 =	vbroadcast v23, $0x1;
	v41 =	vbroadcast v25, $0x2  }
0xe0: {  	v42 =	vbroadcast v24, $0x2;
	v35 =	vbroadcast v23, $0x2  }
0xe1: {  	v36 =	vbroadcast v25, $0x3;
	v47 =	vbroadcast v23, $0x3  }
0xe2: {  	v49 =	vbroadcast v20, $0x2;
	v51 =	vbroadcast v25, $0x4  }
0xe3: {  	v29 =	vmul.f32 v29, v17;
	v30 =	vmul.f32 v30, v18  }
0xe4: {  	v53 =	vbroadcast v24, $0x4;
	v55 =	vbroadcast v23, $0x4  }
0xe5: {  	v57 =	vbroadcast v25, $0x5;
	v29 =	vadd.f32 v30, v29;
	v30 =	vmul.f32 v31, v19  }
0xe6: {  	v58 =	vbroadcast v24, $0x5;
	v31 =	vbroadcast v25, $0x1  }
0xe7: {  	v59 =	vbroadcast v23, $0x5;
	v29 =	vadd.f32 v30, v29;
	v30 =	vbroadcast v20, $0x0  }
0xe8: {  	v32 =	vmul.f32 v32, v18;
	v31 =	vmul.f32 v31, v17  }
0xe9: {  	v61 =	vbroadcast v25, $0x6;
	v62 =	vbroadcast v24, $0x6;
	v29 =	vadd.f32 v29, v30  }
0xea: {  	v43 =	vmul.f32 v42, v18;
	v30 =	vmul.f32 v33, v19;
	v31 =	vadd.f32 v32, v31  }
0xeb: {  	v45 =	vmul.f32 v35, v19;
	v46 =	vmul.f32 v36, v17;
	v34 =	vmax.f32 v28, v29  }
0xec: {  	v28 =	vmin.f32 v28, v29;
	v29 =	vbroadcast v20, $0x1;
	v30 =	vadd.f32 v30, v31  }
0xed: {  	v54 =	vmul.f32 v53, v18;
	v31 =	vmul.f32 v41, v17  }
0xee: {  	v60 =	vmul.f32 v58, v18;
	v29 =	vadd.f32 v30, v29;
	v30 =	vbroadcast v24, $0x3  }
0xef: {  	v40 =	vmul.f32 v62, v18;
	v42 =	vbroadcast v23, $0x6;
	v31 =	vadd.f32 v43, v31  }
0xf0: {  	v58 =	vbroadcast v23, $0x9;
	v30 =	vmul.f32 v30, v18  }
0xf1: {  	v44 =	vmax.f32 v27, v34;
	v48 =	vmax.f32 v28, v29;
	v31 =	vadd.f32 v45, v31  }
0xf2: {  	v28 =	vmin.f32 v28, v29;
	v29 =	vadd.f32 v30, v46;
	v30 =	vmul.f32 v47, v19  }
0xf3: {  	v27 =	vmin.f32 v27, v34;
	v26 =	vmin.f32 v26, v44;
	v43 =	vbroadcast v25, $0x7  }
0xf4: {  	v31 =	vadd.f32 v31, v49;
	v29 =	vadd.f32 v30, v29;
	v30 =	vbroadcast v20, $0x3  }
0xf5: {  	v44 =	vmul.f32 v42, v19;
	v50 =	vmax.f32 v27, v48;
	v27 =	vmin.f32 v27, v48  }
0xf6: {  	v26 =	vmin.f32 v26, v50;
	v52 =	vmax.f32 v28, v31;
	v29 =	vadd.f32 v29, v30  }
0xf7: {  	v28 =	vmin.f32 v28, v31;
	v31 =	vmax.f32 v27, v52;
	v30 =	vmul.f32 v51, v17  }
0xf8: {  	v42 =	vbroadcast v25, $0xB;
	v26 =	vmin.f32 v26, v31;
	v31 =	vmax.f32 v28, v29  }
0xf9: {  	v28 =	vmin.f32 v28, v29;
	v29 =	vadd.f32 v54, v30;
	v30 =	vmul.f32 v55, v19  }
0xfa: {  	v45 =	vmul.f32 v43, v17;
	v48 =	vbroadcast v20, $0x6;
	v27 =	vmin.f32 v27, v52  }
0xfb: {  	v52 =	vbroadcast v24, $0x8;
	v29 =	vadd.f32 v30, v29;
	v30 =	vbroadcast v20, $0x4  }
0xfc: {  	v56 =	vmax.f32 v27, v31;
	v27 =	vmin.f32 v27, v31;
	v31 =	vmul.f32 v57, v17  }
0xfd: {  	v46 =	vbroadcast v23, $0x7;
	v50 =	vbroadcast v25, $0x8;
	v29 =	vadd.f32 v29, v30  }
0xfe: {  	v53 =	vmul.f32 v52, v18;
	v31 =	vadd.f32 v60, v31;
	v30 =	vmul.f32 v59, v19  }
0xff: {  	v54 =	vbroadcast v23, $0x8;
	v57 =	vbroadcast v24, $0x9;
	v63 =	vmax.f32 v28, v29  }
0x100: {  	v28 =	vmin.f32 v28, v29;
	v29 =	vbroadcast v20, $0x5;
	v30 =	vadd.f32 v30, v31  }
0x101: {  	v26 =	vmin.f32 v26, v56;
	v56 =	vbroadcast v25, $0x9;
	v31 =	vmul.f32 v61, v17  }
0x102: {  	v60 =	vbroadcast v25, $0xA;
	v29 =	vadd.f32 v30, v29;
	v30 =	vbroadcast v24, $0x7  }
0x103: {  	v59 =	vmul.f32 v57, v18;
	v57 =	vbroadcast v20, $0xC;
	v31 =	vadd.f32 v40, v31  }
0x104: {  	v61 =	vbroadcast v24, $0xA;
	v30 =	vmul.f32 v30, v18  }
0x105: {  	v41 =	vmax.f32 v27, v63;
	v47 =	vmax.f32 v28, v29;
	v31 =	vadd.f32 v44, v31  }
0x106: {  	v28 =	vmin.f32 v28, v29;
	v29 =	vadd.f32 v30, v45;
	v30 =	vmul.f32 v46, v19  }
0x107: {  	v27 =	vmin.f32 v27, v63;
	v26 =	vmin.f32 v26, v41;
	v63 =	vmul.f32 v61, v18  }
0x108: {  	v31 =	vadd.f32 v31, v48;
	v29 =	vadd.f32 v30, v29;
	v30 =	vbroadcast v20, $0x7  }
0x109: {  	v41 =	vbroadcast v23, $0xA;
	v49 =	vmax.f32 v27, v47;
	v27 =	vmin.f32 v27, v47  }
0x10a: {  	v26 =	vmin.f32 v26, v49;
	v51 =	vmax.f32 v28, v31;
	v29 =	vadd.f32 v29, v30  }
0x10b: {  	v28 =	vmin.f32 v28, v31;
	v31 =	vmax.f32 v27, v51;
	v30 =	vmul.f32 v50, v17  }
0x10c: {  	v43 =	vmul.f32 v41, v19;
	v26 =	vmin.f32 v26, v31;
	v31 =	vmax.f32 v28, v29  }
0x10d: {  	v28 =	vmin.f32 v28, v29;
	v29 =	vadd.f32 v53, v30;
	v30 =	vmul.f32 v54, v19  }
0x10e: {  	v44 =	vmul.f32 v42, v17;
	v47 =	vbroadcast v20, $0xA;
	v27 =	vmin.f32 v27, v51  }
0x10f: {  	v51 =	vbroadcast v24, $0xC;
	v29 =	vadd.f32 v30, v29;
	v30 =	vbroadcast v20, $0x8  }
0x110: {  	v55 =	vmax.f32 v27, v31;
	v27 =	vmin.f32 v27, v31;
	v31 =	vmul.f32 v56, v17  }
0x111: {  	v45 =	vbroadcast v23, $0xB;
	v49 =	vbroadcast v25, $0xC;
	v29 =	vadd.f32 v29, v30  }
0x112: {  	v52 =	vmul.f32 v51, v18;
	v31 =	vadd.f32 v59, v31;
	v30 =	vmul.f32 v58, v19  }
0x113: {  	v53 =	vbroadcast v23, $0xC;
	v56 =	vbroadcast v24, $0xD;
	v62 =	vmax.f32 v28, v29  }
0x114: {  	v28 =	vmin.f32 v28, v29;
	v29 =	vbroadcast v20, $0x9;
	v30 =	vadd.f32 v30, v31  }
0x115: {  	v26 =	vmin.f32 v26, v55;
	v54 =	vmul.f32 v53, v19;
	v55 =	vbroadcast v25, $0xD  }
0x116: {  	v58 =	vbroadcast v23, $0xD;
	v29 =	vadd.f32 v30, v29;
	v30 =	vbroadcast v24, $0xB  }
0x117: {  	v33 =	vmul.f32 v55, v17;
	v31 =	vmul.f32 v60, v17  }
0x118: {  	v59 =	vmul.f32 v58, v19;
	v30 =	vmul.f32 v30, v18  }
0x119: {  	v60 =	vbroadcast v24, $0xE;
	v31 =	vadd.f32 v63, v31;
	v46 =	vmax.f32 v28, v29  }
0x11a: {  	v28 =	vmin.f32 v28, v29;
	v29 =	vadd.f32 v30, v44;
	v30 =	vmul.f32 v45, v19  }
0x11b: {  	v40 =	vmax.f32 v27, v62;
	v27 =	vmin.f32 v27, v62;
	v62 =	vbroadcast v23, $0xE  }
0x11c: {  	v31 =	vadd.f32 v43, v31;
	v29 =	vadd.f32 v30, v29;
	v30 =	vbroadcast v20, $0xB  }
0x11d: {  	v23 =	vbroadcast v23, $0xF;
	v26 =	vmin.f32 v26, v40;
	v24 =	vbroadcast v24, $0xF  }
0x11e: {  	v31 =	vadd.f32 v31, v47;
	v29 =	vadd.f32 v29, v30;
	v30 =	vmul.f32 v49, v17  }
0x11f: {  	v32 =	vmul.f32 v62, v19;
	v48 =	vmax.f32 v27, v46;
	v27 =	vmin.f32 v27, v46  }
0x120: {  	v26 =	vmin.f32 v26, v48;
	v50 =	vmax.f32 v28, v31;
	v30 =	vadd.f32 v52, v30  }
0x121: {  	v28 =	vmin.f32 v28, v31;
	v31 =	vmax.f32 v27, v50;
	v27 =	vmin.f32 v27, v50  }
0x122: {  	v26 =	vmin.f32 v26, v31;
	v31 =	vmax.f32 v28, v29;
	v30 =	vadd.f32 v54, v30  }
0x123: {  	v28 =	vmin.f32 v28, v29;
	v29 =	vmax.f32 v27, v31;
	v27 =	vmin.f32 v27, v31  }
0x124: {  	v31 =	vmul.f32 v56, v18;
	v26 =	vmin.f32 v26, v29;
	v29 =	vadd.f32 v30, v57  }
0x125: {  	v23 =	vmul.f32 v23, v19;
	v30 =	vbroadcast v25, $0xE  }
0x126: {  	v31 =	vadd.f32 v31, v33;
	v25 =	vbroadcast v25, $0xF;
	v61 =	vmax.f32 v28, v29  }
0x127: {  	v30 =	vmul.f32 v30, v17;
	v28 =	vmin.f32 v28, v29;
	v29 =	vmul.f32 v60, v18  }
0x128: {  	v24 =	vmul.f32 v24, v18;
	v25 =	vmul.f32 v25, v17  }
0x129: {  	v31 =	vadd.f32 v59, v31;
	v29 =	vadd.f32 v29, v30;
	v30 =	vbroadcast v20, $0xD  }
0x12a: {  	v63 =	vmax.f32 v27, v61;
	v27 =	vmin.f32 v27, v61;
	v24 =	vadd.f32 v24, v25  }
0x12b: {  	v25 =	vadd.f32 v31, v30;
	v29 =	vadd.f32 v32, v29;
	v30 =	vbroadcast v20, $0xE  }
0x12c: {  	s8 =	sadd.s32 $0x1, s8;
	v26 =	vmin.f32 v26, v63;
	v23 =	vadd.f32 v23, v24;
	v20 =	vbroadcast v20, $0xF  }
0x12d: {  	p0 =	slt.u32 s8, s1;
	v24 =	vmax.f32 v28, v25;
	v25 =	vmin.f32 v28, v25;
	v28 =	vadd.f32 v29, v30  }
.Ltmp6:
0x12e: {  	v20 =	vadd.f32 v23, v20;
	v29 =	vmax.f32 v27, v24;
	v24 =	vmin.f32 v27, v24;
	(pc) =	sbr.rel @p0 .LBB2_14-.Ltmp6, $4  }
0x12f: {  	v23 =	vmin.f32 v26, v29;
	v26 =	vmax.f32 v25, v28;
	v25 =	vmin.f32 v25, v28  }
0x130: {  	v27 =	vmax.f32 v24, v26;
	v24 =	vmin.f32 v24, v26;
	v26 =	vmax.f32 v25, v20  }
0x131: {  	s22 =	sadd.s32 $0x10, s22;
	v23 =	vmin.f32 v23, v27;
	v29 =	vmax.f32 v24, v26  }
0x132: {  	s4 =	sadd.s32 $0x10, s4;
	s6 =	sadd.s32 $0x10, s6;
	s7 =	sadd.s32 $0x10, s7;
	v28 =	vmin.f32 v25, v20;
	v27 =	vmin.f32 v24, v26;
	v26 =	vmin.f32 v23, v29  }
.LBB2_15:
0x133: {  	v20 =	vmul.f32 v16, v16  }
0x134: {  	v23 =	vbroadcast v16, $0x0;
	v24 =	vmul.f32 v22, v22  }
0x135: {  	v25 =	vbroadcast v22, $0x0;
	v29 =	vmul.f32 v21, v21  }
0x136: {  	v30 =	vbroadcast v16, $0x2;
	v42 =	vbroadcast v16, $0x3  }
0x137: {  	v43 =	vbroadcast v22, $0x3;
	v44 =	vbroadcast v21, $0x3  }
0x138: {  	v45 =	vbroadcast v16, $0x4;
	v46 =	vbroadcast v22, $0x4  }
0x139: {  	vm0 =	veq.s32 v0, $0x0;
	v48 =	vbroadcast v21, $0x4;
	v51 =	vbroadcast v16, $0x5  }
0x13a: {  	vm13 =	veq.s32 v0, $0x1;
	v53 =	vbroadcast v21, $0x5;
	v55 =	vbroadcast v16, $0x6  }
0x13b: {  	vm14 =	veq.s32 v0, $0x2;
	v56 =	vbroadcast v22, $0x6;
	v23 =	vmul.f32 v23, v17  }
0x13c: {  	v20 =	vadd.f32 v24, v20;
	v24 =	vmul.f32 v25, v18;
	v25 =	vbroadcast v21, $0x0  }
0x13d: {  	vm15 =	veq.s32 v0, $0x3;
	v58 =	vbroadcast v21, $0x6;
	v60 =	vbroadcast v22, $0x7  }
0x13e: {  	v20 =	vadd.f32 v29, v20;
	v23 =	vadd.f32 v24, v23;
	v24 =	vmul.f32 v25, v19  }
0x13f: {  	vm4 =	veq.s32 v0, $0x4;
	v34 =	vbroadcast v21, $0x7;
	v36 =	vbroadcast v16, $0x8  }
0x140: {  	v25 =	vbroadcast v16, $0x1;
	v23 =	vadd.f32 v24, v23;
	v24 =	vbroadcast v20, $0x0  }
0x141: {  	vm5 =	veq.s32 v0, $0x5;
	v37 =	vbroadcast v22, $0x8;
	v29 =	vbroadcast v22, $0x1  }
0x142: {  	v38 =	vbroadcast v21, $0x8;
	v23 =	vadd.f32 v24, v23;
	v24 =	vmul.f32 v25, v17  }
0x143: {  	vm6 =	veq.s32 v0, $0x6;
	v25 =	vmul.f32 v29, v18;
	v29 =	vbroadcast v21, $0x1  }
0x144: {  	vm7 =	veq.s32 v0, $0x7;
	v39 =	vbroadcast v16, $0x9;
	v40 =	vbroadcast v22, $0x9  }
0x145: {  	v24 =	vadd.f32 v25, v24;
	v25 =	vmul.f32 v29, v19;
	v29 =	vbroadcast v22, $0x2  }
0x146: {  	vm8 =	veq.s32 v0, $0x8;
	v30 =	vmul.f32 v30, v17;
	v32 =	vbroadcast v20, $0x1  }
0x147: {  	v24 =	vadd.f32 v25, v24;
	v25 =	vmul.f32 v29, v18;
	v29 =	vbroadcast v21, $0x2  }
0x148: {  	vm9 =	veq.s32 v0, $0x9;
	vm10 =	veq.s32 v0, $0xA;
	v23 =	vsel vm0, $0x5D5E0B6B, v23  }
0x149: {  	v24 =	vadd.f32 v32, v24;
	v25 =	vadd.f32 v25, v30;
	v29 =	vmul.f32 v29, v19  }
0x14a: {  	v31 =	vmax.f32 v28, v23;
	v23 =	vmin.f32 v28, v23;
	v28 =	vbroadcast v20, $0x2  }
0x14b: {  	v33 =	vmax.f32 v27, v31;
	v24 =	vsel vm13, $0x5D5E0B6B, v24;
	v25 =	vadd.f32 v29, v25  }
0x14c: {  	v27 =	vmin.f32 v27, v31;
	v26 =	vmin.f32 v26, v33;
	v29 =	vmax.f32 v23, v24  }
0x14d: {  	v23 =	vmin.f32 v23, v24;
	v24 =	vmax.f32 v27, v29;
	v25 =	vadd.f32 v28, v25  }
0x14e: {  	v27 =	vmin.f32 v27, v29;
	v28 =	vmul.f32 v42, v17;
	v29 =	vmul.f32 v43, v18  }
0x14f: {  	vm11 =	veq.s32 v0, $0xB;
	v47 =	vmul.f32 v45, v17;
	v24 =	vmin.f32 v26, v24  }
0x150: {  	v25 =	vsel vm14, $0x5D5E0B6B, v25;
	v28 =	vadd.f32 v29, v28;
	v29 =	vmul.f32 v44, v19  }
0x151: {  	v26 =	vmax.f32 v23, v25;
	v23 =	vmin.f32 v23, v25;
	v25 =	vmul.f32 v46, v18  }
0x152: {  	v50 =	vmul.f32 v48, v19;
	v28 =	vadd.f32 v29, v28;
	v29 =	vbroadcast v20, $0x3  }
0x153: {  	v52 =	vmul.f32 v51, v17;
	v49 =	vmax.f32 v27, v26;
	v25 =	vadd.f32 v25, v47  }
0x154: {  	v26 =	vmin.f32 v27, v26;
	v27 =	vadd.f32 v29, v28;
	v28 =	vbroadcast v22, $0x5  }
0x155: {  	v57 =	vmul.f32 v56, v18;
	v29 =	vbroadcast v20, $0x4;
	v25 =	vadd.f32 v50, v25  }
0x156: {  	v59 =	vmul.f32 v58, v19;
	v27 =	vsel vm15, $0x5D5E0B6B, v27;
	v28 =	vmul.f32 v28, v18  }
0x157: {  	v63 =	vmul.f32 v60, v18;
	v54 =	vmax.f32 v23, v27;
	v25 =	vadd.f32 v29, v25  }
0x158: {  	v23 =	vmin.f32 v23, v27;
	v27 =	vadd.f32 v28, v52;
	v28 =	vmul.f32 v53, v19  }
0x159: {  	v35 =	vmul.f32 v34, v19;
	v24 =	vmin.f32 v24, v49;
	v29 =	vmax.f32 v26, v54  }
0x15a: {  	v25 =	vsel vm4, $0x5D5E0B6B, v25;
	v27 =	vadd.f32 v28, v27;
	v28 =	vbroadcast v20, $0x5  }
0x15b: {  	v26 =	vmin.f32 v26, v54;
	v24 =	vmin.f32 v24, v29;
	v29 =	vmax.f32 v23, v25  }
0x15c: {  	v23 =	vmin.f32 v23, v25;
	v25 =	vadd.f32 v28, v27;
	v27 =	vmul.f32 v55, v17  }
0x15d: {  	v41 =	vmul.f32 v39, v17;
	v45 =	vbroadcast v16, $0xA;
	v28 =	vmax.f32 v26, v29  }
0x15e: {  	v26 =	vmin.f32 v26, v29;
	v29 =	vbroadcast v16, $0x7;
	v27 =	vadd.f32 v57, v27  }
0x15f: {  	vm12 =	veq.s32 v0, $0xC;
	v56 =	vbroadcast v21, $0xC;
	v62 =	vbroadcast v20, $0x6  }
0x160: {  	v25 =	vsel vm5, $0x5D5E0B6B, v25;
	v29 =	vmul.f32 v29, v17;
	v27 =	vadd.f32 v59, v27  }
0x161: {  	v60 =	vbroadcast v20, $0xD;
	v24 =	vmin.f32 v24, v28;
	v61 =	vmax.f32 v23, v25  }
0x162: {  	v28 =	vmax.f32 v26, v61;
	v29 =	vadd.f32 v63, v29;
	v27 =	vadd.f32 v62, v27  }
0x163: {  	v23 =	vmin.f32 v23, v25;
	v25 =	vmin.f32 v26, v61;
	v24 =	vmin.f32 v24, v28  }
0x164: {  	v28 =	vbroadcast v20, $0x7;
	v26 =	vsel vm6, $0x5D5E0B6B, v27;
	v27 =	vadd.f32 v35, v29  }
0x165: {  	vm13 =	veq.s32 v0, $0xD;
	v42 =	vbroadcast v21, $0x9;
	v29 =	vmax.f32 v23, v26  }
0x166: {  	v23 =	vmin.f32 v23, v26;
	v26 =	vmax.f32 v25, v29;
	v27 =	vadd.f32 v28, v27  }
0x167: {  	v25 =	vmin.f32 v25, v29;
	v28 =	vmul.f32 v36, v17;
	v29 =	vmul.f32 v37, v18  }
0x168: {  	v44 =	vmul.f32 v42, v19;
	vm14 =	veq.s32 v0, $0xE;
	v46 =	vmul.f32 v45, v17  }
0x169: {  	v47 =	vbroadcast v21, $0xA;
	v28 =	vadd.f32 v29, v28;
	v29 =	vmul.f32 v38, v19  }
0x16a: {  	v49 =	vbroadcast v16, $0xB;
	v24 =	vmin.f32 v24, v26;
	v27 =	vsel vm7, $0x5D5E0B6B, v27  }
0x16b: {  	v26 =	vmax.f32 v23, v27;
	v28 =	vadd.f32 v29, v28;
	v29 =	vbroadcast v20, $0x8  }
0x16c: {  	v50 =	vbroadcast v22, $0xB;
	v30 =	vmul.f32 v49, v17;
	v43 =	vmax.f32 v25, v26  }
0x16d: {  	v25 =	vmin.f32 v25, v26;
	v26 =	vadd.f32 v29, v28;
	v28 =	vbroadcast v22, $0xA  }
0x16e: {  	v54 =	vbroadcast v16, $0xC;
	v23 =	vmin.f32 v23, v27;
	v27 =	vmul.f32 v40, v18  }
0x16f: {  	v52 =	vbroadcast v21, $0xB;
	v26 =	vsel vm8, $0x5D5E0B6B, v26;
	v28 =	vmul.f32 v28, v18  }
0x170: {  	v31 =	vmul.f32 v54, v17;
	v27 =	vadd.f32 v27, v41;
	v48 =	vmax.f32 v23, v26  }
0x171: {  	v23 =	vmin.f32 v23, v26;
	v26 =	vadd.f32 v28, v46;
	v28 =	vmul.f32 v47, v19  }
0x172: {  	v55 =	vbroadcast v22, $0xC;
	v29 =	vbroadcast v20, $0x9;
	v27 =	vadd.f32 v44, v27  }
0x173: {  	v57 =	vbroadcast v22, $0xD;
	v26 =	vadd.f32 v28, v26;
	v28 =	vbroadcast v20, $0xA  }
0x174: {  	v61 =	vbroadcast v22, $0xE;
	v24 =	vmin.f32 v24, v43;
	v27 =	vadd.f32 v29, v27  }
0x175: {  	v29 =	vmax.f32 v25, v48;
	v26 =	vadd.f32 v28, v26;
	v28 =	vmul.f32 v50, v18  }
0x176: {  	v25 =	vmin.f32 v25, v48;
	v27 =	vsel vm9, $0x5D5E0B6B, v27;
	v24 =	vmin.f32 v24, v29  }
0x177: {  	v29 =	vmul.f32 v52, v19;
	v51 =	vmax.f32 v23, v27;
	v28 =	vadd.f32 v28, v30  }
0x178: {  	v62 =	vbroadcast v16, $0xF;
	v23 =	vmin.f32 v23, v27;
	v27 =	vmax.f32 v25, v51  }
0x179: {  	v26 =	vsel vm10, $0x5D5E0B6B, v26;
	v28 =	vadd.f32 v29, v28;
	v29 =	vbroadcast v20, $0xB  }
0x17a: {  	v25 =	vmin.f32 v25, v51;
	v24 =	vmin.f32 v24, v27;
	v53 =	vmax.f32 v23, v26  }
0x17b: {  	v27 =	vmax.f32 v25, v53;
	v28 =	vadd.f32 v29, v28;
	v29 =	vmul.f32 v55, v18  }
0x17c: {  	v22 =	vbroadcast v22, $0xF;
	v23 =	vmin.f32 v23, v26;
	v24 =	vmin.f32 v24, v27  }
0x17d: {  	v26 =	vsel vm11, $0x5D5E0B6B, v28;
	v27 =	vadd.f32 v29, v31;
	v28 =	vmul.f32 v56, v19  }
0x17e: {  	v25 =	vmin.f32 v25, v53;
	v29 =	vmax.f32 v23, v26;
	v23 =	vmin.f32 v23, v26  }
0x17f: {  	v26 =	vbroadcast v20, $0xC;
	v27 =	vadd.f32 v28, v27;
	v28 =	vbroadcast v16, $0xD  }
0x180: {  	v58 =	vmax.f32 v25, v29;
	v25 =	vmin.f32 v25, v29;
	v29 =	vbroadcast v21, $0xD  }
0x181: {  	v26 =	vadd.f32 v26, v27;
	v27 =	vmul.f32 v28, v17;
	v28 =	vmul.f32 v57, v18  }
0x182: {  	vm15 =	veq.s32 v0, $0xF;
	v22 =	vmul.f32 v22, v18;
	v30 =	vmul.f32 v62, v17  }
0x183: {  	v59 =	vbroadcast v16, $0xE;
	v29 =	vmul.f32 v29, v19;
	v27 =	vadd.f32 v28, v27  }
0x184: {  	v32 =	vmul.f32 v61, v18;
	v22 =	vadd.f32 v22, v30;
	v26 =	vsel vm12, $0x5D5E0B6B, v26  }
0x185: {  	v28 =	vmul.f32 v59, v17;
	v27 =	vadd.f32 v29, v27;
	v29 =	vbroadcast v21, $0xE  }
0x186: {  	v63 =	vmax.f32 v23, v26;
	v23 =	vmin.f32 v23, v26;
	v21 =	vbroadcast v21, $0xF  }
0x187: {  	v26 =	vadd.f32 v60, v27;
	v27 =	vadd.f32 v32, v28;
	v28 =	vmul.f32 v29, v19  }
0x188: {  	v24 =	vmin.f32 v24, v58;
	v29 =	vmax.f32 v25, v63;
	v21 =	vmul.f32 v21, v19  }
0x189: {  	s4 =	sadd.s32 $0xF, s21;
	v25 =	vmin.f32 v25, v63;
	v27 =	vadd.f32 v28, v27;
	v28 =	vbroadcast v20, $0xE  }
0x18a: {  	s4 =	sshrl.u32 s4, $0x4;
	v26 =	vsel vm13, $0x5D5E0B6B, v26;
	v21 =	vadd.f32 v21, v22;
	v22 =	vbroadcast v20, $0xF  }
0x18b: {  	s1 =	sadd.s32 $0x1, s1;
	s22 =	smin.u32 s4, $0x100;
	v24 =	vmin.f32 v24, v29;
	v27 =	vadd.f32 v28, v27;
	v28 =	vmax.f32 v23, v26  }
0x18c: {  	p0 =	sge.u32 s1, s22;
	v23 =	vmin.f32 v23, v26;
	v21 =	vadd.f32 v22, v21;
	v22 =	vmax.f32 v25, v28  }
.Ltmp7:
0x18d: {  	v25 =	vmin.f32 v25, v28;
	v22 =	vmin.f32 v24, v22;
	v24 =	vsel vm14, $0x5D5E0B6B, v27;
	(pc) =	sbr.rel @p0 .LBB2_17-.Ltmp7, $4  }
0x18e: {  	v21 =	vsel vm15, $0x5D5E0B6B, v21;
	v26 =	vmax.f32 v23, v24;
	v23 =	vmin.f32 v23, v24  }
0x18f: {  	v24 =	vmax.f32 v25, v26;
	v25 =	vmin.f32 v25, v26;
	v26 =	vmax.f32 v23, v21  }
0x190: {  	s6 =	smov.u32 s26;
	v22 =	vmin.f32 v22, v24;
	v24 =	vmax.f32 v25, v26  }
0x191: {  	s7 =	smov.u32 s28;
	s21 =	smov.u32 s29;
	s4 =	smov.u32 s25;
	v27 =	vmin.f32 v23, v21;
	v23 =	vmin.f32 v25, v26;
	v21 =	vmin.f32 v22, v24  }
.LBB2_16:
0x192: {  	v26 =	vld.idx.msk [tilespmem:v10+s21+$0x0 ss:$0x1], $0xffff  }
0x193: {  	v25 =	vld.idx.msk [tilespmem:v10+s7+$0x0 ss:$0x1], $0xffff  }
0x194: {  	v24 =	vld.idx.msk [tilespmem:v10+s6+$0x0 ss:$0x1], $0xffff;
	_ =	sdelay $0x3  }
0x195: {  	v28 =	vbroadcast v26, $0x0;
	v29 =	vbroadcast v25, $0x0  }
0x196: {  	v22 =	vld.idx.msk [tilespmem:v10+s4+$0x0 ss:$0x1], $0xffff;
	v30 =	vbroadcast v24, $0x0;
	v36 =	vbroadcast v26, $0x1  }
0x197: {  	v31 =	vbroadcast v25, $0x1;
	v32 =	vbroadcast v24, $0x1  }
0x198: {  	v37 =	vbroadcast v26, $0x2;
	v38 =	vbroadcast v25, $0x2  }
0x199: {  	v34 =	vbroadcast v24, $0x2;
	v35 =	vbroadcast v26, $0x3  }
0x19a: {  	v28 =	vmul.f32 v28, v17;
	v29 =	vmul.f32 v29, v18  }
0x19b: {  	v44 =	vbroadcast v24, $0x3;
	v46 =	vbroadcast v22, $0x2  }
0x19c: {  	v48 =	vbroadcast v26, $0x4;
	v28 =	vadd.f32 v29, v28;
	v29 =	vmul.f32 v30, v19  }
0x19d: {  	v50 =	vbroadcast v25, $0x4;
	v53 =	vbroadcast v24, $0x4  }
0x19e: {  	v56 =	vbroadcast v26, $0x5;
	v28 =	vadd.f32 v29, v28;
	v29 =	vbroadcast v22, $0x0  }
0x19f: {  	v31 =	vmul.f32 v31, v18;
	v30 =	vmul.f32 v36, v17  }
0x1a0: {  	v57 =	vbroadcast v25, $0x5;
	v58 =	vbroadcast v24, $0x5;
	v28 =	vadd.f32 v28, v29  }
0x1a1: {  	v61 =	vbroadcast v26, $0x6;
	v30 =	vadd.f32 v31, v30;
	v29 =	vmul.f32 v32, v19  }
0x1a2: {  	v62 =	vbroadcast v25, $0x6;
	v39 =	vmul.f32 v37, v17;
	v33 =	vmax.f32 v27, v28  }
0x1a3: {  	v27 =	vmin.f32 v27, v28;
	v28 =	vbroadcast v22, $0x1;
	v29 =	vadd.f32 v29, v30  }
0x1a4: {  	v40 =	vmul.f32 v38, v18;
	v42 =	vmul.f32 v34, v19  }
0x1a5: {  	v43 =	vmul.f32 v35, v17;
	v28 =	vadd.f32 v29, v28;
	v29 =	vbroadcast v25, $0x3  }
0x1a6: {  	v52 =	vmul.f32 v50, v18;
	v59 =	vmul.f32 v56, v17  }
0x1a7: {  	v60 =	vmul.f32 v57, v18;
	v29 =	vmul.f32 v29, v18  }
0x1a8: {  	v37 =	vmul.f32 v62, v18;
	v30 =	vadd.f32 v40, v39;
	v45 =	vmax.f32 v27, v28  }
0x1a9: {  	v27 =	vmin.f32 v27, v28;
	v28 =	vadd.f32 v29, v43;
	v29 =	vmul.f32 v44, v19  }
0x1aa: {  	v56 =	vbroadcast v25, $0x9;
	v57 =	vbroadcast v24, $0x9;
	v30 =	vadd.f32 v42, v30  }
0x1ab: {  	v36 =	vmul.f32 v61, v17;
	v28 =	vadd.f32 v29, v28;
	v29 =	vbroadcast v22, $0x3  }
0x1ac: {  	v61 =	vbroadcast v25, $0xA;
	v39 =	vbroadcast v24, $0x6;
	v30 =	vadd.f32 v30, v46  }
0x1ad: {  	v40 =	vbroadcast v26, $0x7;
	v41 =	vmax.f32 v23, v33;
	v28 =	vadd.f32 v28, v29  }
0x1ae: {  	v49 =	vmax.f32 v27, v30;
	v27 =	vmin.f32 v27, v30;
	v29 =	vmul.f32 v48, v17  }
0x1af: {  	v21 =	vmin.f32 v21, v41;
	v41 =	vmul.f32 v39, v19;
	v54 =	vmax.f32 v27, v28  }
0x1b0: {  	v27 =	vmin.f32 v27, v28;
	v28 =	vadd.f32 v52, v29;
	v29 =	vmul.f32 v53, v19  }
0x1b1: {  	v23 =	vmin.f32 v23, v33;
	v42 =	vmul.f32 v40, v17;
	v39 =	vbroadcast v26, $0xB  }
0x1b2: {  	v47 =	vmax.f32 v23, v45;
	v28 =	vadd.f32 v29, v28;
	v29 =	vbroadcast v22, $0x4  }
0x1b3: {  	v23 =	vmin.f32 v23, v45;
	v45 =	vbroadcast v22, $0x6;
	v21 =	vmin.f32 v21, v47  }
0x1b4: {  	v43 =	vbroadcast v24, $0x7;
	v47 =	vbroadcast v26, $0x8;
	v28 =	vadd.f32 v28, v29  }
0x1b5: {  	v30 =	vadd.f32 v60, v59;
	v59 =	vmul.f32 v56, v18;
	v29 =	vmul.f32 v58, v19  }
0x1b6: {  	v60 =	vbroadcast v26, $0xA;
	v56 =	vbroadcast v22, $0xC;
	v63 =	vmax.f32 v27, v28  }
0x1b7: {  	v27 =	vmin.f32 v27, v28;
	v28 =	vbroadcast v22, $0x5;
	v29 =	vadd.f32 v29, v30  }
0x1b8: {  	v51 =	vmax.f32 v23, v49;
	v23 =	vmin.f32 v23, v49;
	v49 =	vbroadcast v25, $0x8  }
0x1b9: {  	v21 =	vmin.f32 v21, v51;
	v28 =	vadd.f32 v29, v28;
	v29 =	vbroadcast v25, $0x7  }
0x1ba: {  	v51 =	vmul.f32 v49, v18;
	v52 =	vbroadcast v24, $0x8;
	v55 =	vmax.f32 v23, v54  }
0x1bb: {  	v23 =	vmin.f32 v23, v54;
	v21 =	vmin.f32 v21, v55;
	v29 =	vmul.f32 v29, v18  }
0x1bc: {  	v55 =	vbroadcast v26, $0x9;
	v30 =	vadd.f32 v37, v36;
	v44 =	vmax.f32 v27, v28  }
0x1bd: {  	v27 =	vmin.f32 v27, v28;
	v28 =	vadd.f32 v29, v42;
	v29 =	vmul.f32 v43, v19  }
0x1be: {  	v58 =	vmul.f32 v55, v17;
	v55 =	vbroadcast v25, $0xD;
	v30 =	vadd.f32 v41, v30  }
0x1bf: {  	v36 =	vmul.f32 v61, v18;
	v28 =	vadd.f32 v29, v28;
	v29 =	vbroadcast v22, $0x7  }
0x1c0: {  	v38 =	vmax.f32 v23, v63;
	v23 =	vmin.f32 v23, v63;
	v30 =	vadd.f32 v30, v45  }
0x1c1: {  	v63 =	vmul.f32 v60, v17;
	v60 =	vbroadcast v25, $0xE;
	v28 =	vadd.f32 v28, v29  }
0x1c2: {  	v48 =	vmax.f32 v27, v30;
	v27 =	vmin.f32 v27, v30;
	v29 =	vmul.f32 v47, v17  }
0x1c3: {  	v21 =	vmin.f32 v21, v38;
	v38 =	vbroadcast v24, $0xA;
	v53 =	vmax.f32 v27, v28  }
0x1c4: {  	v27 =	vmin.f32 v27, v28;
	v28 =	vadd.f32 v51, v29;
	v29 =	vmul.f32 v52, v19  }
0x1c5: {  	v41 =	vmul.f32 v39, v17;
	v40 =	vmul.f32 v38, v19  }
0x1c6: {  	v46 =	vmax.f32 v23, v44;
	v28 =	vadd.f32 v29, v28;
	v29 =	vbroadcast v22, $0x8  }
0x1c7: {  	v23 =	vmin.f32 v23, v44;
	v44 =	vbroadcast v22, $0xA;
	v21 =	vmin.f32 v21, v46  }
0x1c8: {  	v42 =	vbroadcast v24, $0xB;
	v46 =	vbroadcast v26, $0xC;
	v28 =	vadd.f32 v28, v29  }
0x1c9: {  	v30 =	vadd.f32 v59, v58;
	v58 =	vbroadcast v24, $0xD;
	v29 =	vmul.f32 v57, v19  }
0x1ca: {  	v50 =	vmax.f32 v23, v48;
	v23 =	vmin.f32 v23, v48;
	v62 =	vmax.f32 v27, v28  }
0x1cb: {  	v27 =	vmin.f32 v27, v28;
	v28 =	vbroadcast v22, $0x9;
	v29 =	vadd.f32 v29, v30  }
0x1cc: {  	v48 =	vbroadcast v25, $0xC;
	v21 =	vmin.f32 v21, v50;
	v59 =	vmul.f32 v58, v19  }
0x1cd: {  	v51 =	vbroadcast v24, $0xC;
	v28 =	vadd.f32 v29, v28;
	v29 =	vbroadcast v25, $0xB  }
0x1ce: {  	v50 =	vmul.f32 v48, v18;
	v54 =	vmax.f32 v23, v53;
	v23 =	vmin.f32 v23, v53  }
0x1cf: {  	v21 =	vmin.f32 v21, v54;
	v53 =	vmul.f32 v51, v19;
	v29 =	vmul.f32 v29, v18  }
0x1d0: {  	v54 =	vbroadcast v26, $0xD;
	v30 =	vadd.f32 v36, v63;
	v43 =	vmax.f32 v27, v28  }
0x1d1: {  	v27 =	vmin.f32 v27, v28;
	v28 =	vadd.f32 v29, v41;
	v29 =	vmul.f32 v42, v19  }
0x1d2: {  	v32 =	vmul.f32 v54, v17;
	v57 =	vmul.f32 v55, v18;
	v37 =	vmax.f32 v23, v62  }
0x1d3: {  	v30 =	vadd.f32 v40, v30;
	v28 =	vadd.f32 v29, v28;
	v29 =	vbroadcast v22, $0xB  }
0x1d4: {  	v23 =	vmin.f32 v23, v62;
	v62 =	vbroadcast v24, $0xE;
	v24 =	vbroadcast v24, $0xF  }
0x1d5: {  	v30 =	vadd.f32 v30, v44;
	v28 =	vadd.f32 v28, v29;
	v29 =	vmul.f32 v46, v17  }
0x1d6: {  	v21 =	vmin.f32 v21, v37;
	v25 =	vbroadcast v25, $0xF;
	v45 =	vmax.f32 v23, v43  }
0x1d7: {  	v23 =	vmin.f32 v23, v43;
	v47 =	vmax.f32 v27, v30;
	v29 =	vadd.f32 v50, v29  }
0x1d8: {  	v21 =	vmin.f32 v21, v45;
	v27 =	vmin.f32 v27, v30;
	v49 =	vmax.f32 v23, v47  }
0x1d9: {  	v23 =	vmin.f32 v23, v47;
	v52 =	vmax.f32 v27, v28;
	v29 =	vadd.f32 v53, v29  }
0x1da: {  	v21 =	vmin.f32 v21, v49;
	v27 =	vmin.f32 v27, v28;
	v28 =	vmax.f32 v23, v52  }
0x1db: {  	v31 =	vmul.f32 v62, v19;
	v21 =	vmin.f32 v21, v28;
	v28 =	vadd.f32 v29, v56  }
0x1dc: {  	v24 =	vmul.f32 v24, v19;
	v29 =	vbroadcast v26, $0xE  }
0x1dd: {  	v30 =	vadd.f32 v57, v32;
	v26 =	vbroadcast v26, $0xF;
	v61 =	vmax.f32 v27, v28  }
0x1de: {  	v29 =	vmul.f32 v29, v17;
	v27 =	vmin.f32 v27, v28;
	v28 =	vmul.f32 v60, v18  }
0x1df: {  	v25 =	vmul.f32 v25, v18;
	v30 =	vadd.f32 v59, v30;
	v26 =	vmul.f32 v26, v17  }
0x1e0: {  	v23 =	vmin.f32 v23, v52;
	v28 =	vadd.f32 v28, v29;
	v29 =	vbroadcast v22, $0xD  }
0x1e1: {  	v63 =	vmax.f32 v23, v61;
	v23 =	vmin.f32 v23, v61;
	v25 =	vadd.f32 v25, v26  }
0x1e2: {  	v26 =	vadd.f32 v30, v29;
	v28 =	vadd.f32 v31, v28;
	v29 =	vbroadcast v22, $0xE  }
0x1e3: {  	s1 =	sadd.s32 $0x1, s1;
	v21 =	vmin.f32 v21, v63;
	v24 =	vadd.f32 v24, v25;
	v22 =	vbroadcast v22, $0xF  }
0x1e4: {  	p0 =	slt.u32 s1, s22;
	v25 =	vmax.f32 v27, v26;
	v26 =	vmin.f32 v27, v26;
	v27 =	vadd.f32 v28, v29  }
.Ltmp8:
0x1e5: {  	v22 =	vadd.f32 v24, v22;
	v28 =	vmax.f32 v23, v25;
	v23 =	vmin.f32 v23, v25;
	(pc) =	sbr.rel @p0 .LBB2_16-.Ltmp8, $4  }
0x1e6: {  	v21 =	vmin.f32 v21, v28;
	v24 =	vmax.f32 v26, v27;
	v25 =	vmin.f32 v26, v27  }
0x1e7: {  	v26 =	vmax.f32 v23, v24;
	v23 =	vmin.f32 v23, v24;
	v24 =	vmax.f32 v25, v22  }
0x1e8: {  	s21 =	sadd.s32 $0x10, s21;
	v21 =	vmin.f32 v21, v26;
	v26 =	vmax.f32 v23, v24  }
0x1e9: {  	s7 =	sadd.s32 $0x10, s7;
	s6 =	sadd.s32 $0x10, s6;
	s4 =	sadd.s32 $0x10, s4;
	v27 =	vmin.f32 v25, v22;
	v23 =	vmin.f32 v23, v24;
	v21 =	vmin.f32 v21, v26  }
.Ltmp9:
0x1ea: {  	_ = 	snop;
	(pc) =	sbr.rel .LBB2_17-.Ltmp9, $1  }
0x1eb: {  	_ =	sdelay $0x3  }
.LBB2_18:
0x1ec: {  	p0 =	sgt.s32 s31, $0x1  }
0x1ed: {  	s31 =	simm.s32 @!p0 $0x1  }
0x1ee: {  	s31 =	sadd.s32 $0xFFFFFFFF, s31  }
0x1ef: {  	v22 =	vmov s31;
	_ =	sdelay $0x3  }
0x1f0: {  	p0 =	slt.s32 s0, $0x3F  }
0x1f1: {  	s0 =	simm.s32 @!p0 $0x3F;
	v22 =	vld.idx.msk [tilespmem:v22+s19+$0x0], $0xffff  }
0x1f2: {  	s0 =	sadd.s32 $0x1, s0  }
0x1f3: {  	v24 =	vmov s0;
	_ =	sdelay $0x2  }
0x1f4: {  	(v2sf) =	vpush v22, $0x0;
	_ =	sdelay $0x1  }
0x1f5: {  	v24 =	vld.idx.msk [tilespmem:v24+s19+$0x0], $0xffff;
	_ =	sdelay $0x4  }
0x1f6: {  	(v2sf) =	vpush v24, $0x0;
	_ =	sdelay $0x7  }
0x1f7: {  	s1 =	spop (v2sf)  }
0x1f8: {  	s1 =	sshrl.u32 s1, $0x4  }
0x1f9: {  	p0 =	sle.u32 s2, s1  }
.Ltmp10:
0x1fa: {  	_ = 	snop;
	(pc) =	sbr.rel @p0 .LBB2_21-.Ltmp10, $2  }
0x1fb: {  	_ =	sdelay $0x2  }
0x1fc: {  	s21 =	smov.u32 s22;
	s22 =	spop (v2sf)  }
0x1fd: {  	s4 =	sshll.u32 s1, $0x6  }
0x1fe: {  	s8 =	sshra.s32 s4, $0x2  }
0x1ff: {  	s2 =	ssub.s32 s2, s1;
	s4 =	sadd.s32 $0x4000, s8  }
0x200: {  	s6 =	sadd.s32 $0x5000, s8;
	s7 =	sadd.s32 $0x6000, s8;
	s8 =	sadd.s32 $0x7000, s8  }
.LBB2_20:
0x201: {  	v26 =	vld [tilespmem:s4+$0x0]  }
0x202: {  	v25 =	vld [tilespmem:s6+$0x0]  }
0x203: {  	v24 =	vld [tilespmem:s7+$0x0];
	_ =	sdelay $0x3  }
0x204: {  	v28 =	vbroadcast v26, $0x0;
	v29 =	vbroadcast v25, $0x0  }
0x205: {  	v22 =	vld [tilespmem:s8+$0x0];
	v30 =	vbroadcast v24, $0x0;
	v36 =	vbroadcast v26, $0x1  }
0x206: {  	v31 =	vbroadcast v25, $0x1;
	v32 =	vbroadcast v24, $0x1  }
0x207: {  	v37 =	vbroadcast v26, $0x2;
	v38 =	vbroadcast v25, $0x2  }
0x208: {  	v34 =	vbroadcast v24, $0x2;
	v35 =	vbroadcast v26, $0x3  }
0x209: {  	v28 =	vmul.f32 v28, v17;
	v29 =	vmul.f32 v29, v18  }
0x20a: {  	v44 =	vbroadcast v24, $0x3;
	v46 =	vbroadcast v22, $0x2  }
0x20b: {  	v48 =	vbroadcast v26, $0x4;
	v28 =	vadd.f32 v29, v28;
	v29 =	vmul.f32 v30, v19  }
0x20c: {  	v50 =	vbroadcast v25, $0x4;
	v53 =	vbroadcast v24, $0x4  }
0x20d: {  	v56 =	vbroadcast v26, $0x5;
	v28 =	vadd.f32 v29, v28;
	v29 =	vbroadcast v22, $0x0  }
0x20e: {  	v31 =	vmul.f32 v31, v18;
	v30 =	vmul.f32 v36, v17  }
0x20f: {  	v57 =	vbroadcast v25, $0x5;
	v58 =	vbroadcast v24, $0x5;
	v28 =	vadd.f32 v28, v29  }
0x210: {  	v61 =	vbroadcast v26, $0x6;
	v30 =	vadd.f32 v31, v30;
	v29 =	vmul.f32 v32, v19  }
0x211: {  	v62 =	vbroadcast v25, $0x6;
	v39 =	vmul.f32 v37, v17;
	v33 =	vmax.f32 v27, v28  }
0x212: {  	v27 =	vmin.f32 v27, v28;
	v28 =	vbroadcast v22, $0x1;
	v29 =	vadd.f32 v29, v30  }
0x213: {  	v40 =	vmul.f32 v38, v18;
	v42 =	vmul.f32 v34, v19  }
0x214: {  	v43 =	vmul.f32 v35, v17;
	v28 =	vadd.f32 v29, v28;
	v29 =	vbroadcast v25, $0x3  }
0x215: {  	v52 =	vmul.f32 v50, v18;
	v59 =	vmul.f32 v56, v17  }
0x216: {  	v60 =	vmul.f32 v57, v18;
	v29 =	vmul.f32 v29, v18  }
0x217: {  	v37 =	vmul.f32 v62, v18;
	v30 =	vadd.f32 v40, v39;
	v45 =	vmax.f32 v27, v28  }
0x218: {  	v27 =	vmin.f32 v27, v28;
	v28 =	vadd.f32 v29, v43;
	v29 =	vmul.f32 v44, v19  }
0x219: {  	v56 =	vbroadcast v25, $0x9;
	v57 =	vbroadcast v24, $0x9;
	v30 =	vadd.f32 v42, v30  }
0x21a: {  	v36 =	vmul.f32 v61, v17;
	v28 =	vadd.f32 v29, v28;
	v29 =	vbroadcast v22, $0x3  }
0x21b: {  	v61 =	vbroadcast v25, $0xA;
	v39 =	vbroadcast v24, $0x6;
	v30 =	vadd.f32 v30, v46  }
0x21c: {  	v40 =	vbroadcast v26, $0x7;
	v41 =	vmax.f32 v23, v33;
	v28 =	vadd.f32 v28, v29  }
0x21d: {  	v49 =	vmax.f32 v27, v30;
	v27 =	vmin.f32 v27, v30;
	v29 =	vmul.f32 v48, v17  }
0x21e: {  	v21 =	vmin.f32 v21, v41;
	v41 =	vmul.f32 v39, v19;
	v54 =	vmax.f32 v27, v28  }
0x21f: {  	v27 =	vmin.f32 v27, v28;
	v28 =	vadd.f32 v52, v29;
	v29 =	vmul.f32 v53, v19  }
0x220: {  	v23 =	vmin.f32 v23, v33;
	v42 =	vmul.f32 v40, v17;
	v39 =	vbroadcast v26, $0xB  }
0x221: {  	v47 =	vmax.f32 v23, v45;
	v28 =	vadd.f32 v29, v28;
	v29 =	vbroadcast v22, $0x4  }
0x222: {  	v23 =	vmin.f32 v23, v45;
	v45 =	vbroadcast v22, $0x6;
	v21 =	vmin.f32 v21, v47  }
0x223: {  	v43 =	vbroadcast v24, $0x7;
	v47 =	vbroadcast v26, $0x8;
	v28 =	vadd.f32 v28, v29  }
0x224: {  	v30 =	vadd.f32 v60, v59;
	v59 =	vmul.f32 v56, v18;
	v29 =	vmul.f32 v58, v19  }
0x225: {  	v60 =	vbroadcast v26, $0xA;
	v56 =	vbroadcast v22, $0xC;
	v63 =	vmax.f32 v27, v28  }
0x226: {  	v27 =	vmin.f32 v27, v28;
	v28 =	vbroadcast v22, $0x5;
	v29 =	vadd.f32 v29, v30  }
0x227: {  	v51 =	vmax.f32 v23, v49;
	v23 =	vmin.f32 v23, v49;
	v49 =	vbroadcast v25, $0x8  }
0x228: {  	v21 =	vmin.f32 v21, v51;
	v28 =	vadd.f32 v29, v28;
	v29 =	vbroadcast v25, $0x7  }
0x229: {  	v51 =	vmul.f32 v49, v18;
	v52 =	vbroadcast v24, $0x8;
	v55 =	vmax.f32 v23, v54  }
0x22a: {  	v23 =	vmin.f32 v23, v54;
	v21 =	vmin.f32 v21, v55;
	v29 =	vmul.f32 v29, v18  }
0x22b: {  	v55 =	vbroadcast v26, $0x9;
	v30 =	vadd.f32 v37, v36;
	v44 =	vmax.f32 v27, v28  }
0x22c: {  	v27 =	vmin.f32 v27, v28;
	v28 =	vadd.f32 v29, v42;
	v29 =	vmul.f32 v43, v19  }
0x22d: {  	v58 =	vmul.f32 v55, v17;
	v55 =	vbroadcast v25, $0xD;
	v30 =	vadd.f32 v41, v30  }
0x22e: {  	v36 =	vmul.f32 v61, v18;
	v28 =	vadd.f32 v29, v28;
	v29 =	vbroadcast v22, $0x7  }
0x22f: {  	v38 =	vmax.f32 v23, v63;
	v23 =	vmin.f32 v23, v63;
	v30 =	vadd.f32 v30, v45  }
0x230: {  	v63 =	vmul.f32 v60, v17;
	v60 =	vbroadcast v25, $0xE;
	v28 =	vadd.f32 v28, v29  }
0x231: {  	v48 =	vmax.f32 v27, v30;
	v27 =	vmin.f32 v27, v30;
	v29 =	vmul.f32 v47, v17  }
0x232: {  	v21 =	vmin.f32 v21, v38;
	v38 =	vbroadcast v24, $0xA;
	v53 =	vmax.f32 v27, v28  }
0x233: {  	v27 =	vmin.f32 v27, v28;
	v28 =	vadd.f32 v51, v29;
	v29 =	vmul.f32 v52, v19  }
0x234: {  	v41 =	vmul.f32 v39, v17;
	v40 =	vmul.f32 v38, v19  }
0x235: {  	v46 =	vmax.f32 v23, v44;
	v28 =	vadd.f32 v29, v28;
	v29 =	vbroadcast v22, $0x8  }
0x236: {  	v23 =	vmin.f32 v23, v44;
	v44 =	vbroadcast v22, $0xA;
	v21 =	vmin.f32 v21, v46  }
0x237: {  	v42 =	vbroadcast v24, $0xB;
	v46 =	vbroadcast v26, $0xC;
	v28 =	vadd.f32 v28, v29  }
0x238: {  	v30 =	vadd.f32 v59, v58;
	v58 =	vbroadcast v24, $0xD;
	v29 =	vmul.f32 v57, v19  }
0x239: {  	v50 =	vmax.f32 v23, v48;
	v23 =	vmin.f32 v23, v48;
	v62 =	vmax.f32 v27, v28  }
0x23a: {  	v27 =	vmin.f32 v27, v28;
	v28 =	vbroadcast v22, $0x9;
	v29 =	vadd.f32 v29, v30  }
0x23b: {  	v48 =	vbroadcast v25, $0xC;
	v21 =	vmin.f32 v21, v50;
	v59 =	vmul.f32 v58, v19  }
0x23c: {  	v51 =	vbroadcast v24, $0xC;
	v28 =	vadd.f32 v29, v28;
	v29 =	vbroadcast v25, $0xB  }
0x23d: {  	v50 =	vmul.f32 v48, v18;
	v54 =	vmax.f32 v23, v53;
	v23 =	vmin.f32 v23, v53  }
0x23e: {  	v21 =	vmin.f32 v21, v54;
	v53 =	vmul.f32 v51, v19;
	v29 =	vmul.f32 v29, v18  }
0x23f: {  	v54 =	vbroadcast v26, $0xD;
	v30 =	vadd.f32 v36, v63;
	v43 =	vmax.f32 v27, v28  }
0x240: {  	v27 =	vmin.f32 v27, v28;
	v28 =	vadd.f32 v29, v41;
	v29 =	vmul.f32 v42, v19  }
0x241: {  	v32 =	vmul.f32 v54, v17;
	v57 =	vmul.f32 v55, v18;
	v37 =	vmax.f32 v23, v62  }
0x242: {  	v30 =	vadd.f32 v40, v30;
	v28 =	vadd.f32 v29, v28;
	v29 =	vbroadcast v22, $0xB  }
0x243: {  	v23 =	vmin.f32 v23, v62;
	v62 =	vbroadcast v24, $0xE;
	v24 =	vbroadcast v24, $0xF  }
0x244: {  	v30 =	vadd.f32 v30, v44;
	v28 =	vadd.f32 v28, v29;
	v29 =	vmul.f32 v46, v17  }
0x245: {  	v21 =	vmin.f32 v21, v37;
	v25 =	vbroadcast v25, $0xF;
	v45 =	vmax.f32 v23, v43  }
0x246: {  	v23 =	vmin.f32 v23, v43;
	v47 =	vmax.f32 v27, v30;
	v29 =	vadd.f32 v50, v29  }
0x247: {  	v21 =	vmin.f32 v21, v45;
	v27 =	vmin.f32 v27, v30;
	v49 =	vmax.f32 v23, v47  }
0x248: {  	v23 =	vmin.f32 v23, v47;
	v52 =	vmax.f32 v27, v28;
	v29 =	vadd.f32 v53, v29  }
0x249: {  	v21 =	vmin.f32 v21, v49;
	v27 =	vmin.f32 v27, v28;
	v28 =	vmax.f32 v23, v52  }
0x24a: {  	v31 =	vmul.f32 v62, v19;
	v21 =	vmin.f32 v21, v28;
	v28 =	vadd.f32 v29, v56  }
0x24b: {  	v24 =	vmul.f32 v24, v19;
	v29 =	vbroadcast v26, $0xE  }
0x24c: {  	v30 =	vadd.f32 v57, v32;
	v26 =	vbroadcast v26, $0xF;
	v61 =	vmax.f32 v27, v28  }
0x24d: {  	v29 =	vmul.f32 v29, v17;
	v27 =	vmin.f32 v27, v28;
	v28 =	vmul.f32 v60, v18  }
0x24e: {  	v25 =	vmul.f32 v25, v18;
	v30 =	vadd.f32 v59, v30;
	v26 =	vmul.f32 v26, v17  }
0x24f: {  	v23 =	vmin.f32 v23, v52;
	v28 =	vadd.f32 v28, v29;
	v29 =	vbroadcast v22, $0xD  }
0x250: {  	v63 =	vmax.f32 v23, v61;
	v23 =	vmin.f32 v23, v61;
	v25 =	vadd.f32 v25, v26  }
0x251: {  	v26 =	vadd.f32 v30, v29;
	v28 =	vadd.f32 v31, v28;
	v29 =	vbroadcast v22, $0xE  }
0x252: {  	v21 =	vmin.f32 v21, v63;
	v24 =	vadd.f32 v24, v25;
	v22 =	vbroadcast v22, $0xF  }
0x253: {  	p0 =	seq.s32 s2, $0x1;
	v25 =	vmax.f32 v27, v26;
	v26 =	vmin.f32 v27, v26;
	v27 =	vadd.f32 v28, v29  }
.Ltmp11:
0x254: {  	v22 =	vadd.f32 v24, v22;
	v28 =	vmax.f32 v23, v25;
	v23 =	vmin.f32 v23, v25;
	(pc) =	sbr.rel @!p0 .LBB2_20-.Ltmp11, $4  }
0x255: {  	v21 =	vmin.f32 v21, v28;
	v24 =	vmax.f32 v26, v27;
	v25 =	vmin.f32 v26, v27  }
0x256: {  	v26 =	vmax.f32 v23, v24;
	v23 =	vmin.f32 v23, v24;
	v24 =	vmax.f32 v25, v22  }
0x257: {  	s4 =	sadd.s32 $0x10, s4;
	s6 =	sadd.s32 $0x10, s6;
	v21 =	vmin.f32 v21, v26;
	v26 =	vmax.f32 v23, v24  }
0x258: {  	s7 =	sadd.s32 $0x10, s7;
	s8 =	sadd.s32 $0x10, s8;
	s2 =	sadd.s32 $0xFFFFFFFF, s2;
	v27 =	vmin.f32 v25, v22;
	v23 =	vmin.f32 v23, v24;
	v21 =	vmin.f32 v21, v26  }
.LBB2_21:
0x259: {  	s2 =	sadd.s32 $0xF, s22  }
0x25a: {  	s2 =	sshrl.u32 s2, $0x4  }
0x25b: {  	s22 =	smin.u32 s2, $0x100  }
0x25c: {  	p0 =	sle.u32 s22, s21  }
.Ltmp12:
0x25d: {  	_ = 	snop;
	(pc) =	sbr.rel @p0 .LBB2_17-.Ltmp12, $2  }
0x25e: {  	_ =	sdelay $0x2  }
0x25f: {  	s2 =	smov.u32 s1  }
0x260: {  	s2 =	sshll.u32 s21, $0x4  }
0x261: {  	s8 =	sand.u32 $0x3FFFFFF0, s2  }
0x262: {  	s2 =	ssub.s32 s22, s21;
	s4 =	sadd.s32 $0x4000, s8  }
0x263: {  	s6 =	sadd.s32 $0x5000, s8;
	s7 =	sadd.s32 $0x6000, s8;
	s8 =	sadd.s32 $0x7000, s8  }
.LBB2_23:
0x264: {  	v26 =	vld [tilespmem:s4+$0x0]  }
0x265: {  	v25 =	vld [tilespmem:s6+$0x0]  }
0x266: {  	v24 =	vld [tilespmem:s7+$0x0];
	_ =	sdelay $0x3  }
0x267: {  	v28 =	vbroadcast v26, $0x0;
	v29 =	vbroadcast v25, $0x0  }
0x268: {  	v22 =	vld [tilespmem:s8+$0x0];
	v30 =	vbroadcast v24, $0x0;
	v36 =	vbroadcast v26, $0x1  }
0x269: {  	v31 =	vbroadcast v25, $0x1;
	v32 =	vbroadcast v24, $0x1  }
0x26a: {  	v37 =	vbroadcast v26, $0x2;
	v38 =	vbroadcast v25, $0x2  }
0x26b: {  	v34 =	vbroadcast v24, $0x2;
	v35 =	vbroadcast v26, $0x3  }
0x26c: {  	v28 =	vmul.f32 v28, v17;
	v29 =	vmul.f32 v29, v18  }
0x26d: {  	v44 =	vbroadcast v24, $0x3;
	v46 =	vbroadcast v22, $0x2  }
0x26e: {  	v48 =	vbroadcast v26, $0x4;
	v28 =	vadd.f32 v29, v28;
	v29 =	vmul.f32 v30, v19  }
0x26f: {  	v50 =	vbroadcast v25, $0x4;
	v53 =	vbroadcast v24, $0x4  }
0x270: {  	v56 =	vbroadcast v26, $0x5;
	v28 =	vadd.f32 v29, v28;
	v29 =	vbroadcast v22, $0x0  }
0x271: {  	v31 =	vmul.f32 v31, v18;
	v30 =	vmul.f32 v36, v17  }
0x272: {  	v57 =	vbroadcast v25, $0x5;
	v58 =	vbroadcast v24, $0x5;
	v28 =	vadd.f32 v28, v29  }
0x273: {  	v61 =	vbroadcast v26, $0x6;
	v30 =	vadd.f32 v31, v30;
	v29 =	vmul.f32 v32, v19  }
0x274: {  	v62 =	vbroadcast v25, $0x6;
	v39 =	vmul.f32 v37, v17;
	v33 =	vmax.f32 v27, v28  }
0x275: {  	v27 =	vmin.f32 v27, v28;
	v28 =	vbroadcast v22, $0x1;
	v29 =	vadd.f32 v29, v30  }
0x276: {  	v40 =	vmul.f32 v38, v18;
	v42 =	vmul.f32 v34, v19  }
0x277: {  	v43 =	vmul.f32 v35, v17;
	v28 =	vadd.f32 v29, v28;
	v29 =	vbroadcast v25, $0x3  }
0x278: {  	v52 =	vmul.f32 v50, v18;
	v59 =	vmul.f32 v56, v17  }
0x279: {  	v60 =	vmul.f32 v57, v18;
	v29 =	vmul.f32 v29, v18  }
0x27a: {  	v37 =	vmul.f32 v62, v18;
	v30 =	vadd.f32 v40, v39;
	v45 =	vmax.f32 v27, v28  }
0x27b: {  	v27 =	vmin.f32 v27, v28;
	v28 =	vadd.f32 v29, v43;
	v29 =	vmul.f32 v44, v19  }
0x27c: {  	v56 =	vbroadcast v25, $0x9;
	v57 =	vbroadcast v24, $0x9;
	v30 =	vadd.f32 v42, v30  }
0x27d: {  	v36 =	vmul.f32 v61, v17;
	v28 =	vadd.f32 v29, v28;
	v29 =	vbroadcast v22, $0x3  }
0x27e: {  	v61 =	vbroadcast v25, $0xA;
	v39 =	vbroadcast v24, $0x6;
	v30 =	vadd.f32 v30, v46  }
0x27f: {  	v40 =	vbroadcast v26, $0x7;
	v41 =	vmax.f32 v23, v33;
	v28 =	vadd.f32 v28, v29  }
0x280: {  	v49 =	vmax.f32 v27, v30;
	v27 =	vmin.f32 v27, v30;
	v29 =	vmul.f32 v48, v17  }
0x281: {  	v21 =	vmin.f32 v21, v41;
	v41 =	vmul.f32 v39, v19;
	v54 =	vmax.f32 v27, v28  }
0x282: {  	v27 =	vmin.f32 v27, v28;
	v28 =	vadd.f32 v52, v29;
	v29 =	vmul.f32 v53, v19  }
0x283: {  	v23 =	vmin.f32 v23, v33;
	v42 =	vmul.f32 v40, v17;
	v39 =	vbroadcast v26, $0xB  }
0x284: {  	v47 =	vmax.f32 v23, v45;
	v28 =	vadd.f32 v29, v28;
	v29 =	vbroadcast v22, $0x4  }
0x285: {  	v23 =	vmin.f32 v23, v45;
	v45 =	vbroadcast v22, $0x6;
	v21 =	vmin.f32 v21, v47  }
0x286: {  	v43 =	vbroadcast v24, $0x7;
	v47 =	vbroadcast v26, $0x8;
	v28 =	vadd.f32 v28, v29  }
0x287: {  	v30 =	vadd.f32 v60, v59;
	v59 =	vmul.f32 v56, v18;
	v29 =	vmul.f32 v58, v19  }
0x288: {  	v60 =	vbroadcast v26, $0xA;
	v56 =	vbroadcast v22, $0xC;
	v63 =	vmax.f32 v27, v28  }
0x289: {  	v27 =	vmin.f32 v27, v28;
	v28 =	vbroadcast v22, $0x5;
	v29 =	vadd.f32 v29, v30  }
0x28a: {  	v51 =	vmax.f32 v23, v49;
	v23 =	vmin.f32 v23, v49;
	v49 =	vbroadcast v25, $0x8  }
0x28b: {  	v21 =	vmin.f32 v21, v51;
	v28 =	vadd.f32 v29, v28;
	v29 =	vbroadcast v25, $0x7  }
0x28c: {  	v51 =	vmul.f32 v49, v18;
	v52 =	vbroadcast v24, $0x8;
	v55 =	vmax.f32 v23, v54  }
0x28d: {  	v23 =	vmin.f32 v23, v54;
	v21 =	vmin.f32 v21, v55;
	v29 =	vmul.f32 v29, v18  }
0x28e: {  	v55 =	vbroadcast v26, $0x9;
	v30 =	vadd.f32 v37, v36;
	v44 =	vmax.f32 v27, v28  }
0x28f: {  	v27 =	vmin.f32 v27, v28;
	v28 =	vadd.f32 v29, v42;
	v29 =	vmul.f32 v43, v19  }
0x290: {  	v58 =	vmul.f32 v55, v17;
	v55 =	vbroadcast v25, $0xD;
	v30 =	vadd.f32 v41, v30  }
0x291: {  	v36 =	vmul.f32 v61, v18;
	v28 =	vadd.f32 v29, v28;
	v29 =	vbroadcast v22, $0x7  }
0x292: {  	v38 =	vmax.f32 v23, v63;
	v23 =	vmin.f32 v23, v63;
	v30 =	vadd.f32 v30, v45  }
0x293: {  	v63 =	vmul.f32 v60, v17;
	v60 =	vbroadcast v25, $0xE;
	v28 =	vadd.f32 v28, v29  }
0x294: {  	v48 =	vmax.f32 v27, v30;
	v27 =	vmin.f32 v27, v30;
	v29 =	vmul.f32 v47, v17  }
0x295: {  	v21 =	vmin.f32 v21, v38;
	v38 =	vbroadcast v24, $0xA;
	v53 =	vmax.f32 v27, v28  }
0x296: {  	v27 =	vmin.f32 v27, v28;
	v28 =	vadd.f32 v51, v29;
	v29 =	vmul.f32 v52, v19  }
0x297: {  	v41 =	vmul.f32 v39, v17;
	v40 =	vmul.f32 v38, v19  }
0x298: {  	v46 =	vmax.f32 v23, v44;
	v28 =	vadd.f32 v29, v28;
	v29 =	vbroadcast v22, $0x8  }
0x299: {  	v23 =	vmin.f32 v23, v44;
	v44 =	vbroadcast v22, $0xA;
	v21 =	vmin.f32 v21, v46  }
0x29a: {  	v42 =	vbroadcast v24, $0xB;
	v46 =	vbroadcast v26, $0xC;
	v28 =	vadd.f32 v28, v29  }
0x29b: {  	v30 =	vadd.f32 v59, v58;
	v58 =	vbroadcast v24, $0xD;
	v29 =	vmul.f32 v57, v19  }
0x29c: {  	v50 =	vmax.f32 v23, v48;
	v23 =	vmin.f32 v23, v48;
	v62 =	vmax.f32 v27, v28  }
0x29d: {  	v27 =	vmin.f32 v27, v28;
	v28 =	vbroadcast v22, $0x9;
	v29 =	vadd.f32 v29, v30  }
0x29e: {  	v48 =	vbroadcast v25, $0xC;
	v21 =	vmin.f32 v21, v50;
	v59 =	vmul.f32 v58, v19  }
0x29f: {  	v51 =	vbroadcast v24, $0xC;
	v28 =	vadd.f32 v29, v28;
	v29 =	vbroadcast v25, $0xB  }
0x2a0: {  	v50 =	vmul.f32 v48, v18;
	v54 =	vmax.f32 v23, v53;
	v23 =	vmin.f32 v23, v53  }
0x2a1: {  	v21 =	vmin.f32 v21, v54;
	v53 =	vmul.f32 v51, v19;
	v29 =	vmul.f32 v29, v18  }
0x2a2: {  	v54 =	vbroadcast v26, $0xD;
	v30 =	vadd.f32 v36, v63;
	v43 =	vmax.f32 v27, v28  }
0x2a3: {  	v27 =	vmin.f32 v27, v28;
	v28 =	vadd.f32 v29, v41;
	v29 =	vmul.f32 v42, v19  }
0x2a4: {  	v32 =	vmul.f32 v54, v17;
	v57 =	vmul.f32 v55, v18;
	v37 =	vmax.f32 v23, v62  }
0x2a5: {  	v30 =	vadd.f32 v40, v30;
	v28 =	vadd.f32 v29, v28;
	v29 =	vbroadcast v22, $0xB  }
0x2a6: {  	v23 =	vmin.f32 v23, v62;
	v62 =	vbroadcast v24, $0xE;
	v24 =	vbroadcast v24, $0xF  }
0x2a7: {  	v30 =	vadd.f32 v30, v44;
	v28 =	vadd.f32 v28, v29;
	v29 =	vmul.f32 v46, v17  }
0x2a8: {  	v21 =	vmin.f32 v21, v37;
	v25 =	vbroadcast v25, $0xF;
	v45 =	vmax.f32 v23, v43  }
0x2a9: {  	v23 =	vmin.f32 v23, v43;
	v47 =	vmax.f32 v27, v30;
	v29 =	vadd.f32 v50, v29  }
0x2aa: {  	v21 =	vmin.f32 v21, v45;
	v27 =	vmin.f32 v27, v30;
	v49 =	vmax.f32 v23, v47  }
0x2ab: {  	v23 =	vmin.f32 v23, v47;
	v52 =	vmax.f32 v27, v28;
	v29 =	vadd.f32 v53, v29  }
0x2ac: {  	v21 =	vmin.f32 v21, v49;
	v27 =	vmin.f32 v27, v28;
	v28 =	vmax.f32 v23, v52  }
0x2ad: {  	v31 =	vmul.f32 v62, v19;
	v21 =	vmin.f32 v21, v28;
	v28 =	vadd.f32 v29, v56  }
0x2ae: {  	v24 =	vmul.f32 v24, v19;
	v29 =	vbroadcast v26, $0xE  }
0x2af: {  	v30 =	vadd.f32 v57, v32;
	v26 =	vbroadcast v26, $0xF;
	v61 =	vmax.f32 v27, v28  }
0x2b0: {  	v29 =	vmul.f32 v29, v17;
	v27 =	vmin.f32 v27, v28;
	v28 =	vmul.f32 v60, v18  }
0x2b1: {  	v25 =	vmul.f32 v25, v18;
	v30 =	vadd.f32 v59, v30;
	v26 =	vmul.f32 v26, v17  }
0x2b2: {  	v23 =	vmin.f32 v23, v52;
	v28 =	vadd.f32 v28, v29;
	v29 =	vbroadcast v22, $0xD  }
0x2b3: {  	v63 =	vmax.f32 v23, v61;
	v23 =	vmin.f32 v23, v61;
	v25 =	vadd.f32 v25, v26  }
0x2b4: {  	v26 =	vadd.f32 v30, v29;
	v28 =	vadd.f32 v31, v28;
	v29 =	vbroadcast v22, $0xE  }
0x2b5: {  	v21 =	vmin.f32 v21, v63;
	v24 =	vadd.f32 v24, v25;
	v22 =	vbroadcast v22, $0xF  }
0x2b6: {  	p0 =	seq.s32 s2, $0x1;
	v25 =	vmax.f32 v27, v26;
	v26 =	vmin.f32 v27, v26;
	v27 =	vadd.f32 v28, v29  }
.Ltmp13:
0x2b7: {  	v22 =	vadd.f32 v24, v22;
	v28 =	vmax.f32 v23, v25;
	v23 =	vmin.f32 v23, v25;
	(pc) =	sbr.rel @!p0 .LBB2_23-.Ltmp13, $4  }
0x2b8: {  	v21 =	vmin.f32 v21, v28;
	v24 =	vmax.f32 v26, v27;
	v25 =	vmin.f32 v26, v27  }
0x2b9: {  	v26 =	vmax.f32 v23, v24;
	v23 =	vmin.f32 v23, v24;
	v24 =	vmax.f32 v25, v22  }
0x2ba: {  	s4 =	sadd.s32 $0x10, s4;
	s6 =	sadd.s32 $0x10, s6;
	v21 =	vmin.f32 v21, v26;
	v26 =	vmax.f32 v23, v24  }
0x2bb: {  	s7 =	sadd.s32 $0x10, s7;
	s8 =	sadd.s32 $0x10, s8;
	s2 =	sadd.s32 $0xFFFFFFFF, s2;
	v27 =	vmin.f32 v25, v22;
	v23 =	vmin.f32 v23, v24;
	v21 =	vmin.f32 v21, v26  }
0x2bc: {  	s2 =	smov.u32 s1  }
.LBB2_17:
0x2bd: {  	v22 =	vmov s31;
	v24 =	vmov s0  }
0x2be: {  	v25 =	vcvt.s32.f32 v22;
	v26 =	vcvt.s32.f32 v24;
	_ =	sdelay $0x1  }
0x2bf: {  	v25 =	vmul.f32 v25, v14;
	v26 =	vmul.f32 v26, v14;
	_ =	sdelay $0x1  }
0x2c0: {  	v25 =	vadd.f32 v25, v12;
	v26 =	vadd.f32 v26, v12;
	_ =	sdelay $0x1  }
0x2c1: {  	v25 =	vsub.f32 v16, v25;
	v26 =	vsub.f32 v26, v16;
	_ =	sdelay $0x1  }
0x2c2: {  	v25 =	vsub.f32 v25, v15;
	v26 =	vsub.f32 v26, v15  }
0x2c3: {  	vm0 =	veq.s32 v22, $0x0;
	vm1 =	veq.s32 v24, $0x40  }
0x2c4: {  	v22 =	vsel vm0, $0x5D5E0B6B, v25;
	v24 =	vsel vm1, $0x5D5E0B6B, v26  }
0x2c5: {  	v22 =	vclamp.gez.f32 v22, v24  }
0x2c6: {  	v22 =	vmul.f32 v22, v22;
	_ =	sdelay $0x1  }
0x2c7: {  	v22 =	vsub.f32 v22, v20;
	_ =	sdelay $0x1  }
0x2c8: {  	vm15 =	vgt.f32 v21, v22  }
0x2c9: {  	v22 =	vsel vm15, $0x3F800000, v9  }
0x2ca: {  	(xrf0) =	vmax.scan.msk.f32 $0xffff, v22;
	_ =	sdelay $0x5  }
0x2cb: {  	v22, _, _ =	vpop (xrf0)  }
0x2cc: {  	(v2sf) =	vpush v22, $0xF;
	_ =	sdelay $0xe  }
0x2cd: {  	s1 =	spop (v2sf)  }
0x2ce: {  	p0 =	sgt.f32 s1, $0.0e+00  }
.Ltmp14:
0x2cf: {  	_ = 	snop;
	(pc) =	sbr.rel @p0 .LBB2_18-.Ltmp14, $1  }
0x2d0: {  	_ =	sdelay $0x3  }
0x2d1: {  	s0 =	sshll.u32 s24, $0x4  }
0x2d2: {  	v17 =	vmul.u32 $0x80, v0;
	v16 =	vmov s0  }
0x2d3: {  	v16 =	vshll.u32 v16, $0x7  }
0x2d4: {  	v16 =	vor.u32 v17, v16  }
0x2d5: {  	v17 =	vor.u32 $0x1, v16  }
0x2d6: {  	v18 =	vor.u32 $0x2, v16  }
0x2d7: {  	v19 =	vadd.f32 v27, v20  }
0x2d8: {  	v22 =	vadd.f32 v23, v20  }
0x2d9: {  	[tilespmem:v16+s20+$0x0] =	vst.idx.msk $0xffff, v19;
	v16 =	vadd.f32 v21, v20  }
0x2da: {  	[tilespmem:v17+s20+$0x0] =	vst.idx.msk $0xffff, v22  }
0x2db: {  	s24 =	sadd.s32 $0x1, s24;
	[tilespmem:v18+s20+$0x0] =	vst.idx.msk $0xffff, v16  }
0x2dc: {  	p0 =	sne.s32 s24, $0x8;
	v16 =	vld [tilespmem:s30+$0x8000]  }
.Ltmp15:
0x2dd: {  	_ = 	snop;
	(pc) =	sbr.rel @p0 .LBB2_12-.Ltmp15, $3  }
0x2de: {  	_ =	sdelay $0x1  }
0x2df: {  	s29 =	sadd.s32 $0x200, s29  }
0x2e0: {  	s28 =	sadd.s32 $0x200, s28;
	s26 =	sadd.s32 $0x200, s26;
	s25 =	sadd.s32 $0x200, s25;
	[tilespmem:s0+$0xE480] =	vst v16  }
0x2e1: {  	s0 =	rddreg [dreg:$0x3];
	s1 =	simm.s32 $0x80;
	s2 =	simm.s32 $0xE480  }
0x2e2: {  	[hbm4b:s0+s1] =	stream.indirect.scatter [tilespmem:s20], [sflag:$0x1], $0x80, s2, s1, $0xb8;
	[tilespmem:$0xE500] =	vst v63  }
0x2e3: {  	_ =	swait.ge [sflag:s12], $0x4000  }
0x2e4: {  	s23 =	sadd.s32 $0x1, s23;
	s31 =	rddreg [dreg:$0x4]  }
0x2e5: {  	p0 =	sne.s32 s23, s31  }
.Ltmp16:
0x2e6: {  	_ = 	snop;
	(pc) =	sbr.rel @p0 .LBB2_1-.Ltmp16, $3  }
0x2e7: {  	_ =	sdelay $0x1  }
0x2e8: {  	[sflag:s12] =	ssyncset.done $0x0  }
0x2e9: {  	[sflag:s12] =	ssyncadd.s32 $0xFFFFC000  }
0x2ea: {  	_ =	sfence.sel $0x180000  }
0x2eb: {  	[bflag:$0x0] =	sbarrier.arrive $0xFFFF  }
0x2ec: {  	_ =	strace $0x90000047  }
0x2ed: {  	s0 =	stileid.u32;
	[bflag:$0x2] =	sbarrier.arrive $0xFFFF  }
0x2ee: {  	p0 =	sne.s32 s0, $0x0;
	s0 =	rddreg [dreg:$0x2]  }
0x2ef: {  	s0 =	sadd.s32 @!p0 $0x100000, s0  }
0x2f0: {  	[sflag:s0] =	ssyncadd.tile.s32 @!p0 $0x1;
	_ =	shalt  }
.Lfunc_end2:
_tile_overlayer_lowered:
.L_overlay_start_2:
0x2f1: {  	(tag) =	ssettag $0x2  }
0x2f2: {  	s0 =	rddreg [dreg:$0x0];
	s2 =	stileid.u32  }
0x2f3: {  	s1 =	rddreg [dreg:$0x1];
	p0 =	sne.s32 s2, $0x0  }
0x2f4: {  	s3 =	rddreg [dreg:$0x2];
	[bflag:$0x3] =	sbarrier.arrive $0xFFFF;
	s2 =	simm.s32 @!p0 $0x1C01  }
0x2f5: {  	[timem:s3], [sflag:s2] =	dma.local @!p0 [hbm:s0], s1  }
0x2f6: {  	s0 =	simm.s32 @!p0 $0x1  }
0x2f7: {  	_ =	swait.ge @!p0 [sflag:s0], s1  }
0x2f8: {  	s1 =	ssub.s32 @!p0 $0x0, s1;
	[sflag:s0] =	ssyncset.done @!p0 $0x0  }
0x2f9: {  	[sflag:s0] =	ssyncadd.s32 @!p0 s1  }
0x2fa: {  	[bflag:$0x3] =	sbarrier.arrive $0xFFFF  }
0x2fb: {  	_ =	shalt  }

</sc_bundles>
